<compile_context>
chip_gen: v7x
topology: tpu7x:2x2x1
jax: 0.10.2.dev20260603
libtpu: 0.0.44.dev20260713+nightly
codegen_flags: <defaults>
</compile_context>

<pallas_src>
import functools

import jax
import jax.numpy as jnp
from jax import lax
from jax.experimental import pallas as pl
from jax.experimental.pallas import tpu as pltpu
from jax.experimental.pallas import tpu_sc as plsc

_NUM_TYPES = 100
_NUM_REPS = 3
_EMBED = 64
_NROWS = _NUM_TYPES + _NUM_REPS
_FLAT = _NROWS * _EMBED

_NC = 2
_NS = 16
_NW = _NC * _NS

_RPT = 208
_LAST = _FLAT - _RPT * (_NW - 1)
_CW = 512
_LANES = 16


def _bcast_sc(table, batch):
    n_cchunks = batch // _CW
    mesh = plsc.VectorSubcoreMesh(core_axis_name="c", subcore_axis_name="s")

    @functools.partial(
        pl.kernel,
        mesh=mesh,
        out_type=jax.ShapeDtypeStruct((_FLAT, batch), jnp.float32),
        scratch_types=[
            pltpu.VMEM((_RPT * _NW + _LANES,), jnp.float32),
            pltpu.VMEM((_RPT, _CW), jnp.float32),
            pltpu.SemaphoreType.DMA,
            pltpu.SemaphoreType.DMA,
        ],
    )
    def body(table_hbm, out_hbm, tbl_v, buf, local_sem, store_sem):
        wid = lax.axis_index("s") * _NC + lax.axis_index("c")
        row0 = wid * _RPT
        pltpu.async_copy(table_hbm, tbl_v.at[pl.ds(0, _FLAT)], local_sem).wait()

        def build_rows(lo, n):
            def build_row(i, _):
                v = tbl_v[pl.ds(row0 + i, _LANES)]
                splat = jnp.full((_LANES,), v[0], dtype=jnp.float32)
                for k in range(_CW // _LANES):
                    buf[i, pl.ds(k * _LANES, _LANES)] = splat
                return 0

            lax.fori_loop(lo, lo + n, build_row, 0)

        def fire(lo, n):
            return [
                pltpu.async_copy(
                    buf.at[pl.ds(lo, n)],
                    out_hbm.at[pl.ds(row0 + lo, n), pl.ds(cc * _CW, _CW)],
                    store_sem,
                )
                for cc in range(n_cchunks)
            ]

        _H = _RPT // 2
        build_rows(0, _H)

        @pl.when(wid < _NW - 1)
        def _():
            s1 = fire(0, _H)
            build_rows(_H, _H)
            s2 = fire(_H, _H)
            for s in s1 + s2:
                s.wait()

        @pl.when(wid == _NW - 1)
        def _():
            s1 = fire(0, _H)
            build_rows(_H, _LAST - _H)
            s2 = fire(_H, _LAST - _H)
            for s in s1 + s2:
                s.wait()

    return body(table)


def kernel(features, type_table, rep_table):
    batch = features.shape[0]
    table = jnp.concatenate(
        [type_table.reshape(-1), rep_table.reshape(-1)]
    )
    out = _bcast_sc(table, batch)
    return jnp.transpose(
        out.reshape(_NROWS, _EMBED, batch), (2, 0, 1)
    )

# --- scband reference (transcript-rebuilt; emitter-appended) ---
"""Pipeline reference for scband-feature-embedding-20796231647400 (READ-ONLY COPY).

The authoritative reference and input builder live on the scoring server;
editing this copy changes nothing except your own understanding.
"""

import jax, jax.numpy as jnp
import numpy as np

NUM_TYPES = 100
NUM_REPLICATIONS = 3
EMBED_DIM = 64
BATCH = 16384

def setup_inputs(seed: int = 0) -> dict:
    key = jax.random.key(seed)
    k1, k2, k3 = jax.random.split(key, 3)
    features = jax.random.normal(k1, (BATCH, EMBED_DIM), dtype=jnp.float32)
    type_table = jax.random.normal(k2, (NUM_TYPES, EMBED_DIM), dtype=jnp.float32)
    rep_table = jax.random.normal(k3, (NUM_REPLICATIONS, EMBED_DIM), dtype=jnp.float32)
    return {"features": features, "type_table": type_table, "rep_table": rep_table}

def reference(features, type_table, rep_table):
    B = features.shape[0]
    type_indices = jnp.arange(NUM_TYPES)
    type_indices = jnp.broadcast_to(type_indices[None, :], (B, NUM_TYPES))
    type_emb = jnp.take(type_table, type_indices, axis=0)
    rep_indices = jnp.arange(NUM_REPLICATIONS)
    rep_indices = jnp.broadcast_to(rep_indices[None, :], (B, NUM_REPLICATIONS))
    rep_emb = jnp.take(rep_table, rep_indices, axis=0)
    combined = jnp.concatenate([type_emb, rep_emb], axis=1)
    return combined

if __name__ == "__main__":
    import jax
    _d = setup_inputs()
    print(jax.jit(kernel)(*tuple(_d.values())))

</pallas_src>

<mosaic_0001>
#map = affine_map<(d0, d1) -> (0)>
#map1 = affine_map<(d0, d1) -> (0, 0)>
module attributes {stable_mosaic.version = 14 : i64} {
  func.func @body(%arg0: i32, %arg1: i32, %arg2: memref<6592xf32, #tpu.memory_space<hbm>>, %arg3: memref<6592x16384xf32, #tpu.memory_space<hbm>>, %arg4: memref<6672xf32, #tpu.memory_space<vmem>>, %arg5: memref<208x512xf32, #tpu.memory_space<vmem>>, %arg6: memref<!tpu.dma_semaphore, #tpu.memory_space<semaphore_mem>>, %arg7: memref<!tpu.dma_semaphore, #tpu.memory_space<semaphore_mem>>) attributes {dimension_semantics = [#tpu.dimension_semantics<core_parallel>, #tpu.dimension_semantics<subcore_parallel>], iteration_bounds = array<i64: 2, 16>, scalar_prefetch = 0 : i64, scratch_operands = 4 : i64, tpu.core_type = #tpu.core_type<sc_vector_subcore>, window_params = [{transform_indices = #map}, {transform_indices = #map1}]} {
    %mul3A = arith.constant 2 : i32
    %mul3A_0 = arith.muli %arg1, %mul3A : i32
    %add3A = arith.addi %mul3A_0, %arg0 : i32
    %mul3A_1 = arith.constant 208 : i32
    %mul3A_2 = arith.muli %add3A, %mul3A_1 : i32
    %dma_start3A = arith.constant 0 : i32
    %dma_start3A_3 = tpu.memref_slice %arg4[%dma_start3A] : memref<6672xf32, #tpu.memory_space<vmem>> -> memref<6592xf32, #tpu.memory_space<vmem>>
    %dma_start3A_4 = arith.constant 0 : i32
    %dma_start3A_5 = tpu.memref_slice %arg4[%dma_start3A_4] : memref<6672xf32, #tpu.memory_space<vmem>> -> memref<6592xf32, #tpu.memory_space<vmem>>
    tpu.enqueue_dma source(%arg2 : memref<6592xf32, #tpu.memory_space<hbm>>) target(%dma_start3A_5 : memref<6592xf32, #tpu.memory_space<vmem>>) target_semaphore(%arg6 : memref<!tpu.dma_semaphore, #tpu.memory_space<semaphore_mem>>)
    %dma_wait3A = arith.constant 0 : i32
    %dma_wait3A_6 = tpu.memref_slice %arg4[%dma_wait3A] : memref<6672xf32, #tpu.memory_space<vmem>> -> memref<6592xf32, #tpu.memory_space<vmem>>
    %dma_wait3A_7 = arith.constant 0 : i32
    %dma_wait3A_8 = tpu.memref_slice %arg4[%dma_wait3A_7] : memref<6672xf32, #tpu.memory_space<vmem>> -> memref<6592xf32, #tpu.memory_space<vmem>>
    tpu.wait_dma2 semaphore(%arg6 : memref<!tpu.dma_semaphore, #tpu.memory_space<semaphore_mem>>) src(%arg2 : memref<6592xf32, #tpu.memory_space<hbm>>) dst(%dma_wait3A_8 : memref<6592xf32, #tpu.memory_space<vmem>>)
    %scan3A = arith.constant 0 : i32
    %scan3A_9 = arith.constant 0 : i32
    %scan3A_10 = arith.constant 104 : i32
    %scan3A_11 = arith.addi %scan3A_9, %scan3A_10 : i32
    %scan3A_12 = arith.constant 1 : i32
    %scan3A_13 = scf.for %scan3A_21 = %scan3A_9 to %scan3A_11 step %scan3A_12 iter_args(%scan3A_22 = %scan3A) -> (i32)  : i32 {
      %add3A_23 = arith.addi %mul3A_2, %scan3A_21 : i32
      %get3A = arith.index_cast %add3A_23 : i32 to index
      %get3A_24 = tpu.vector_load %arg4[%get3A] {strides = array<i32>} : memref<6672xf32, #tpu.memory_space<vmem>>, vector<16xf32>,
      %get3A_25 = vector.shape_cast %get3A_24 : vector<16xf32> to vector<16xf32>
      %slice3A = vector.extract_strided_slice %get3A_25 {offsets = [0], sizes = [1], strides = [1]} : vector<16xf32> to vector<1xf32>
      %squeeze3A = vector.extract %slice3A[0] : f32 from vector<1xf32>
      %broadcast_in_dim3A = vector.broadcast %squeeze3A : f32 to vector<16xf32>
      %swap3A = arith.index_cast %scan3A_21 : i32 to index
      %swap3A_26 = arith.constant 0 : index
      %swap3A_27 = tpu.vector_load %arg5[%swap3A, %swap3A_26] {strides = array<i32>} : memref<208x512xf32, #tpu.memory_space<vmem>>, vector<1x16xf32>,
      %swap3A_28 = vector.shape_cast %swap3A_27 : vector<1x16xf32> to vector<16xf32>
      %swap3A_29 = vector.shape_cast %broadcast_in_dim3A : vector<16xf32> to vector<1x16xf32>
      tpu.vector_store %arg5[%swap3A, %swap3A_26], %swap3A_29 {strides = array<i32>} : memref<208x512xf32, #tpu.memory_space<vmem>>, vector<1x16xf32>,
      %swap3A_30 = arith.index_cast %scan3A_21 : i32 to index
      %swap3A_31 = arith.constant 16 : index
      %swap3A_32 = tpu.vector_load %arg5[%swap3A_30, %swap3A_31] {strides = array<i32>} : memref<208x512xf32, #tpu.memory_space<vmem>>, vector<1x16xf32>,
      %swap3A_33 = vector.shape_cast %swap3A_32 : vector<1x16xf32> to vector<16xf32>
      %swap3A_34 = vector.shape_cast %broadcast_in_dim3A : vector<16xf32> to vector<1x16xf32>
      tpu.vector_store %arg5[%swap3A_30, %swap3A_31], %swap3A_34 {strides = array<i32>} : memref<208x512xf32, #tpu.memory_space<vmem>>, vector<1x16xf32>,
      %swap3A_35 = arith.index_cast %scan3A_21 : i32 to index
      %swap3A_36 = arith.constant 32 : index
      %swap3A_37 = tpu.vector_load %arg5[%swap3A_35, %swap3A_36] {strides = array<i32>} : memref<208x512xf32, #tpu.memory_space<vmem>>, vector<1x16xf32>,
      %swap3A_38 = vector.shape_cast %swap3A_37 : vector<1x16xf32> to vector<16xf32>
      %swap3A_39 = vector.shape_cast %broadcast_in_dim3A : vector<16xf32> to vector<1x16xf32>
      tpu.vector_store %arg5[%swap3A_35, %swap3A_36], %swap3A_39 {strides = array<i32>} : memref<208x512xf32, #tpu.memory_space<vmem>>, vector<1x16xf32>,
      %swap3A_40 = arith.index_cast %scan3A_21 : i32 to index
      %swap3A_41 = arith.constant 48 : index
      %swap3A_42 = tpu.vector_load %arg5[%swap3A_40, %swap3A_41] {strides = array<i32>} : memref<208x512xf32, #tpu.memory_space<vmem>>, vector<1x16xf32>,
      %swap3A_43 = vector.shape_cast %swap3A_42 : vector<1x16xf32> to vector<16xf32>
      %swap3A_44 = vector.shape_cast %broadcast_in_dim3A : vector<16xf32> to vector<1x16xf32>
      tpu.vector_store %arg5[%swap3A_40, %swap3A_41], %swap3A_44 {strides = array<i32>} : memref<208x512xf32, #tpu.memory_space<vmem>>, vector<1x16xf32>,
      %swap3A_45 = arith.index_cast %scan3A_21 : i32 to index
      %swap3A_46 = arith.constant 64 : index
      %swap3A_47 = tpu.vector_load %arg5[%swap3A_45, %swap3A_46] {strides = array<i32>} : memref<208x512xf32, #tpu.memory_space<vmem>>, vector<1x16xf32>,
      %swap3A_48 = vector.shape_cast %swap3A_47 : vector<1x16xf32> to vector<16xf32>
      %swap3A_49 = vector.shape_cast %broadcast_in_dim3A : vector<16xf32> to vector<1x16xf32>
      tpu.vector_store %arg5[%swap3A_45, %swap3A_46], %swap3A_49 {strides = array<i32>} : memref<208x512xf32, #tpu.memory_space<vmem>>, vector<1x16xf32>,
      %swap3A_50 = arith.index_cast %scan3A_21 : i32 to index
      %swap3A_51 = arith.constant 80 : index
      %swap3A_52 = tpu.vector_load %arg5[%swap3A_50, %swap3A_51] {strides = array<i32>} : memref<208x512xf32, #tpu.memory_space<vmem>>, vector<1x16xf32>,
      %swap3A_53 = vector.shape_cast %swap3A_52 : vector<1x16xf32> to vector<16xf32>
      %swap3A_54 = vector.shape_cast %broadcast_in_dim3A : vector<16xf32> to vector<1x16xf32>
      tpu.vector_store %arg5[%swap3A_50, %swap3A_51], %swap3A_54 {strides = array<i32>} : memref<208x512xf32, #tpu.memory_space<vmem>>, vector<1x16xf32>,
      %swap3A_55 = arith.index_cast %scan3A_21 : i32 to index
      %swap3A_56 = arith.constant 96 : index
      %swap3A_57 = tpu.vector_load %arg5[%swap3A_55, %swap3A_56] {strides = array<i32>} : memref<208x512xf32, #tpu.memory_space<vmem>>, vector<1x16xf32>,
      %swap3A_58 = vector.shape_cast %swap3A_57 : vector<1x16xf32> to vector<16xf32>
      %swap3A_59 = vector.shape_cast %broadcast_in_dim3A : vector<16xf32> to vector<1x16xf32>
      tpu.vector_store %arg5[%swap3A_55, %swap3A_56], %swap3A_59 {strides = array<i32>} : memref<208x512xf32, #tpu.memory_space<vmem>>, vector<1x16xf32>,
      %swap3A_60 = arith.index_cast %scan3A_21 : i32 to index
      %swap3A_61 = arith.constant 112 : index
      %swap3A_62 = tpu.vector_load %arg5[%swap3A_60, %swap3A_61] {strides = array<i32>} : memref<208x512xf32, #tpu.memory_space<vmem>>, vector<1x16xf32>,
      %swap3A_63 = vector.shape_cast %swap3A_62 : vector<1x16xf32> to vector<16xf32>
      %swap3A_64 = vector.shape_cast %broadcast_in_dim3A : vector<16xf32> to vector<1x16xf32>
      tpu.vector_store %arg5[%swap3A_60, %swap3A_61], %swap3A_64 {strides = array<i32>} : memref<208x512xf32, #tpu.memory_space<vmem>>, vector<1x16xf32>,
      %swap3A_65 = arith.index_cast %scan3A_21 : i32 to index
      %swap3A_66 = arith.constant 128 : index
      %swap3A_67 = tpu.vector_load %arg5[%swap3A_65, %swap3A_66] {strides = array<i32>} : memref<208x512xf32, #tpu.memory_space<vmem>>, vector<1x16xf32>,
      %swap3A_68 = vector.shape_cast %swap3A_67 : vector<1x16xf32> to vector<16xf32>
      %swap3A_69 = vector.shape_cast %broadcast_in_dim3A : vector<16xf32> to vector<1x16xf32>
      tpu.vector_store %arg5[%swap3A_65, %swap3A_66], %swap3A_69 {strides = array<i32>} : memref<208x512xf32, #tpu.memory_space<vmem>>, vector<1x16xf32>,
      %swap3A_70 = arith.index_cast %scan3A_21 : i32 to index
      %swap3A_71 = arith.constant 144 : index
      %swap3A_72 = tpu.vector_load %arg5[%swap3A_70, %swap3A_71] {strides = array<i32>} : memref<208x512xf32, #tpu.memory_space<vmem>>, vector<1x16xf32>,
      %swap3A_73 = vector.shape_cast %swap3A_72 : vector<1x16xf32> to vector<16xf32>
      %swap3A_74 = vector.shape_cast %broadcast_in_dim3A : vector<16xf32> to vector<1x16xf32>
      tpu.vector_store %arg5[%swap3A_70, %swap3A_71], %swap3A_74 {strides = array<i32>} : memref<208x512xf32, #tpu.memory_space<vmem>>, vector<1x16xf32>,
      %swap3A_75 = arith.index_cast %scan3A_21 : i32 to index
      %swap3A_76 = arith.constant 160 : index
      %swap3A_77 = tpu.vector_load %arg5[%swap3A_75, %swap3A_76] {strides = array<i32>} : memref<208x512xf32, #tpu.memory_space<vmem>>, vector<1x16xf32>,
      %swap3A_78 = vector.shape_cast %swap3A_77 : vector<1x16xf32> to vector<16xf32>
      %swap3A_79 = vector.shape_cast %broadcast_in_dim3A : vector<16xf32> to vector<1x16xf32>
      tpu.vector_store %arg5[%swap3A_75, %swap3A_76], %swap3A_79 {strides = array<i32>} : memref<208x512xf32, #tpu.memory_space<vmem>>, vector<1x16xf32>,
      %swap3A_80 = arith.index_cast %scan3A_21 : i32 to index
      %swap3A_81 = arith.constant 176 : index
      %swap3A_82 = tpu.vector_load %arg5[%swap3A_80, %swap3A_81] {strides = array<i32>} : memref<208x512xf32, #tpu.memory_space<vmem>>, vector<1x16xf32>,
      %swap3A_83 = vector.shape_cast %swap3A_82 : vector<1x16xf32> to vector<16xf32>
      %swap3A_84 = vector.shape_cast %broadcast_in_dim3A : vector<16xf32> to vector<1x16xf32>
      tpu.vector_store %arg5[%swap3A_80, %swap3A_81], %swap3A_84 {strides = array<i32>} : memref<208x512xf32, #tpu.memory_space<vmem>>, vector<1x16xf32>,
      %swap3A_85 = arith.index_cast %scan3A_21 : i32 to index
      %swap3A_86 = arith.constant 192 : index
      %swap3A_87 = tpu.vector_load %arg5[%swap3A_85, %swap3A_86] {strides = array<i32>} : memref<208x512xf32, #tpu.memory_space<vmem>>, vector<1x16xf32>,
      %swap3A_88 = vector.shape_cast %swap3A_87 : vector<1x16xf32> to vector<16xf32>
      %swap3A_89 = vector.shape_cast %broadcast_in_dim3A : vector<16xf32> to vector<1x16xf32>
      tpu.vector_store %arg5[%swap3A_85, %swap3A_86], %swap3A_89 {strides = array<i32>} : memref<208x512xf32, #tpu.memory_space<vmem>>, vector<1x16xf32>,
      %swap3A_90 = arith.index_cast %scan3A_21 : i32 to index
      %swap3A_91 = arith.constant 208 : index
      %swap3A_92 = tpu.vector_load %arg5[%swap3A_90, %swap3A_91] {strides = array<i32>} : memref<208x512xf32, #tpu.memory_space<vmem>>, vector<1x16xf32>,
      %swap3A_93 = vector.shape_cast %swap3A_92 : vector<1x16xf32> to vector<16xf32>
      %swap3A_94 = vector.shape_cast %broadcast_in_dim3A : vector<16xf32> to vector<1x16xf32>
      tpu.vector_store %arg5[%swap3A_90, %swap3A_91], %swap3A_94 {strides = array<i32>} : memref<208x512xf32, #tpu.memory_space<vmem>>, vector<1x16xf32>,
      %swap3A_95 = arith.index_cast %scan3A_21 : i32 to index
      %swap3A_96 = arith.constant 224 : index
      %swap3A_97 = tpu.vector_load %arg5[%swap3A_95, %swap3A_96] {strides = array<i32>} : memref<208x512xf32, #tpu.memory_space<vmem>>, vector<1x16xf32>,
      %swap3A_98 = vector.shape_cast %swap3A_97 : vector<1x16xf32> to vector<16xf32>
      %swap3A_99 = vector.shape_cast %broadcast_in_dim3A : vector<16xf32> to vector<1x16xf32>
      tpu.vector_store %arg5[%swap3A_95, %swap3A_96], %swap3A_99 {strides = array<i32>} : memref<208x512xf32, #tpu.memory_space<vmem>>, vector<1x16xf32>,
      %swap3A_100 = arith.index_cast %scan3A_21 : i32 to index
      %swap3A_101 = arith.constant 240 : index
      %swap3A_102 = tpu.vector_load %arg5[%swap3A_100, %swap3A_101] {strides = array<i32>} : memref<208x512xf32, #tpu.memory_space<vmem>>, vector<1x16xf32>,
      %swap3A_103 = vector.shape_cast %swap3A_102 : vector<1x16xf32> to vector<16xf32>
      %swap3A_104 = vector.shape_cast %broadcast_in_dim3A : vector<16xf32> to vector<1x16xf32>
      tpu.vector_store %arg5[%swap3A_100, %swap3A_101], %swap3A_104 {strides = array<i32>} : memref<208x512xf32, #tpu.memory_space<vmem>>, vector<1x16xf32>,
      %swap3A_105 = arith.index_cast %scan3A_21 : i32 to index
      %swap3A_106 = arith.constant 256 : index
      %swap3A_107 = tpu.vector_load %arg5[%swap3A_105, %swap3A_106] {strides = array<i32>} : memref<208x512xf32, #tpu.memory_space<vmem>>, vector<1x16xf32>,
      %swap3A_108 = vector.shape_cast %swap3A_107 : vector<1x16xf32> to vector<16xf32>
      %swap3A_109 = vector.shape_cast %broadcast_in_dim3A : vector<16xf32> to vector<1x16xf32>
      tpu.vector_store %arg5[%swap3A_105, %swap3A_106], %swap3A_109 {strides = array<i32>} : memref<208x512xf32, #tpu.memory_space<vmem>>, vector<1x16xf32>,
      %swap3A_110 = arith.index_cast %scan3A_21 : i32 to index
      %swap3A_111 = arith.constant 272 : index
      %swap3A_112 = tpu.vector_load %arg5[%swap3A_110, %swap3A_111] {strides = array<i32>} : memref<208x512xf32, #tpu.memory_space<vmem>>, vector<1x16xf32>,
      %swap3A_113 = vector.shape_cast %swap3A_112 : vector<1x16xf32> to vector<16xf32>
      %swap3A_114 = vector.shape_cast %broadcast_in_dim3A : vector<16xf32> to vector<1x16xf32>
      tpu.vector_store %arg5[%swap3A_110, %swap3A_111], %swap3A_114 {strides = array<i32>} : memref<208x512xf32, #tpu.memory_space<vmem>>, vector<1x16xf32>,
      %swap3A_115 = arith.index_cast %scan3A_21 : i32 to index
      %swap3A_116 = arith.constant 288 : index
      %swap3A_117 = tpu.vector_load %arg5[%swap3A_115, %swap3A_116] {strides = array<i32>} : memref<208x512xf32, #tpu.memory_space<vmem>>, vector<1x16xf32>,
      %swap3A_118 = vector.shape_cast %swap3A_117 : vector<1x16xf32> to vector<16xf32>
      %swap3A_119 = vector.shape_cast %broadcast_in_dim3A : vector<16xf32> to vector<1x16xf32>
      tpu.vector_store %arg5[%swap3A_115, %swap3A_116], %swap3A_119 {strides = array<i32>} : memref<208x512xf32, #tpu.memory_space<vmem>>, vector<1x16xf32>,
      %swap3A_120 = arith.index_cast %scan3A_21 : i32 to index
      %swap3A_121 = arith.constant 304 : index
      %swap3A_122 = tpu.vector_load %arg5[%swap3A_120, %swap3A_121] {strides = array<i32>} : memref<208x512xf32, #tpu.memory_space<vmem>>, vector<1x16xf32>,
      %swap3A_123 = vector.shape_cast %swap3A_122 : vector<1x16xf32> to vector<16xf32>
      %swap3A_124 = vector.shape_cast %broadcast_in_dim3A : vector<16xf32> to vector<1x16xf32>
      tpu.vector_store %arg5[%swap3A_120, %swap3A_121], %swap3A_124 {strides = array<i32>} : memref<208x512xf32, #tpu.memory_space<vmem>>, vector<1x16xf32>,
      %swap3A_125 = arith.index_cast %scan3A_21 : i32 to index
      %swap3A_126 = arith.constant 320 : index
      %swap3A_127 = tpu.vector_load %arg5[%swap3A_125, %swap3A_126] {strides = array<i32>} : memref<208x512xf32, #tpu.memory_space<vmem>>, vector<1x16xf32>,
      %swap3A_128 = vector.shape_cast %swap3A_127 : vector<1x16xf32> to vector<16xf32>
      %swap3A_129 = vector.shape_cast %broadcast_in_dim3A : vector<16xf32> to vector<1x16xf32>
      tpu.vector_store %arg5[%swap3A_125, %swap3A_126], %swap3A_129 {strides = array<i32>} : memref<208x512xf32, #tpu.memory_space<vmem>>, vector<1x16xf32>,
      %swap3A_130 = arith.index_cast %scan3A_21 : i32 to index
      %swap3A_131 = arith.constant 336 : index
      %swap3A_132 = tpu.vector_load %arg5[%swap3A_130, %swap3A_131] {strides = array<i32>} : memref<208x512xf32, #tpu.memory_space<vmem>>, vector<1x16xf32>,
      %swap3A_133 = vector.shape_cast %swap3A_132 : vector<1x16xf32> to vector<16xf32>
      %swap3A_134 = vector.shape_cast %broadcast_in_dim3A : vector<16xf32> to vector<1x16xf32>
      tpu.vector_store %arg5[%swap3A_130, %swap3A_131], %swap3A_134 {strides = array<i32>} : memref<208x512xf32, #tpu.memory_space<vmem>>, vector<1x16xf32>,
      %swap3A_135 = arith.index_cast %scan3A_21 : i32 to index
      %swap3A_136 = arith.constant 352 : index
      %swap3A_137 = tpu.vector_load %arg5[%swap3A_135, %swap3A_136] {strides = array<i32>} : memref<208x512xf32, #tpu.memory_space<vmem>>, vector<1x16xf32>,
      %swap3A_138 = vector.shape_cast %swap3A_137 : vector<1x16xf32> to vector<16xf32>
      %swap3A_139 = vector.shape_cast %broadcast_in_dim3A : vector<16xf32> to vector<1x16xf32>
      tpu.vector_store %arg5[%swap3A_135, %swap3A_136], %swap3A_139 {strides = array<i32>} : memref<208x512xf32, #tpu.memory_space<vmem>>, vector<1x16xf32>,
      %swap3A_140 = arith.index_cast %scan3A_21 : i32 to index
      %swap3A_141 = arith.constant 368 : index
      %swap3A_142 = tpu.vector_load %arg5[%swap3A_140, %swap3A_141] {strides = array<i32>} : memref<208x512xf32, #tpu.memory_space<vmem>>, vector<1x16xf32>,
      %swap3A_143 = vector.shape_cast %swap3A_142 : vector<1x16xf32> to vector<16xf32>
      %swap3A_144 = vector.shape_cast %broadcast_in_dim3A : vector<16xf32> to vector<1x16xf32>
      tpu.vector_store %arg5[%swap3A_140, %swap3A_141], %swap3A_144 {strides = array<i32>} : memref<208x512xf32, #tpu.memory_space<vmem>>, vector<1x16xf32>,
      %swap3A_145 = arith.index_cast %scan3A_21 : i32 to index
      %swap3A_146 = arith.constant 384 : index
      %swap3A_147 = tpu.vector_load %arg5[%swap3A_145, %swap3A_146] {strides = array<i32>} : memref<208x512xf32, #tpu.memory_space<vmem>>, vector<1x16xf32>,
      %swap3A_148 = vector.shape_cast %swap3A_147 : vector<1x16xf32> to vector<16xf32>
      %swap3A_149 = vector.shape_cast %broadcast_in_dim3A : vector<16xf32> to vector<1x16xf32>
      tpu.vector_store %arg5[%swap3A_145, %swap3A_146], %swap3A_149 {strides = array<i32>} : memref<208x512xf32, #tpu.memory_space<vmem>>, vector<1x16xf32>,
      %swap3A_150 = arith.index_cast %scan3A_21 : i32 to index
      %swap3A_151 = arith.constant 400 : index
      %swap3A_152 = tpu.vector_load %arg5[%swap3A_150, %swap3A_151] {strides = array<i32>} : memref<208x512xf32, #tpu.memory_space<vmem>>, vector<1x16xf32>,
      %swap3A_153 = vector.shape_cast %swap3A_152 : vector<1x16xf32> to vector<16xf32>
      %swap3A_154 = vector.shape_cast %broadcast_in_dim3A : vector<16xf32> to vector<1x16xf32>
      tpu.vector_store %arg5[%swap3A_150, %swap3A_151], %swap3A_154 {strides = array<i32>} : memref<208x512xf32, #tpu.memory_space<vmem>>, vector<1x16xf32>,
      %swap3A_155 = arith.index_cast %scan3A_21 : i32 to index
      %swap3A_156 = arith.constant 416 : index
      %swap3A_157 = tpu.vector_load %arg5[%swap3A_155, %swap3A_156] {strides = array<i32>} : memref<208x512xf32, #tpu.memory_space<vmem>>, vector<1x16xf32>,
      %swap3A_158 = vector.shape_cast %swap3A_157 : vector<1x16xf32> to vector<16xf32>
      %swap3A_159 = vector.shape_cast %broadcast_in_dim3A : vector<16xf32> to vector<1x16xf32>
      tpu.vector_store %arg5[%swap3A_155, %swap3A_156], %swap3A_159 {strides = array<i32>} : memref<208x512xf32, #tpu.memory_space<vmem>>, vector<1x16xf32>,
      %swap3A_160 = arith.index_cast %scan3A_21 : i32 to index
      %swap3A_161 = arith.constant 432 : index
      %swap3A_162 = tpu.vector_load %arg5[%swap3A_160, %swap3A_161] {strides = array<i32>} : memref<208x512xf32, #tpu.memory_space<vmem>>, vector<1x16xf32>,
      %swap3A_163 = vector.shape_cast %swap3A_162 : vector<1x16xf32> to vector<16xf32>
      %swap3A_164 = vector.shape_cast %broadcast_in_dim3A : vector<16xf32> to vector<1x16xf32>
      tpu.vector_store %arg5[%swap3A_160, %swap3A_161], %swap3A_164 {strides = array<i32>} : memref<208x512xf32, #tpu.memory_space<vmem>>, vector<1x16xf32>,
      %swap3A_165 = arith.index_cast %scan3A_21 : i32 to index
      %swap3A_166 = arith.constant 448 : index
      %swap3A_167 = tpu.vector_load %arg5[%swap3A_165, %swap3A_166] {strides = array<i32>} : memref<208x512xf32, #tpu.memory_space<vmem>>, vector<1x16xf32>,
      %swap3A_168 = vector.shape_cast %swap3A_167 : vector<1x16xf32> to vector<16xf32>
      %swap3A_169 = vector.shape_cast %broadcast_in_dim3A : vector<16xf32> to vector<1x16xf32>
      tpu.vector_store %arg5[%swap3A_165, %swap3A_166], %swap3A_169 {strides = array<i32>} : memref<208x512xf32, #tpu.memory_space<vmem>>, vector<1x16xf32>,
      %swap3A_170 = arith.index_cast %scan3A_21 : i32 to index
      %swap3A_171 = arith.constant 464 : index
      %swap3A_172 = tpu.vector_load %arg5[%swap3A_170, %swap3A_171] {strides = array<i32>} : memref<208x512xf32, #tpu.memory_space<vmem>>, vector<1x16xf32>,
      %swap3A_173 = vector.shape_cast %swap3A_172 : vector<1x16xf32> to vector<16xf32>
      %swap3A_174 = vector.shape_cast %broadcast_in_dim3A : vector<16xf32> to vector<1x16xf32>
      tpu.vector_store %arg5[%swap3A_170, %swap3A_171], %swap3A_174 {strides = array<i32>} : memref<208x512xf32, #tpu.memory_space<vmem>>, vector<1x16xf32>,
      %swap3A_175 = arith.index_cast %scan3A_21 : i32 to index
      %swap3A_176 = arith.constant 480 : index
      %swap3A_177 = tpu.vector_load %arg5[%swap3A_175, %swap3A_176] {strides = array<i32>} : memref<208x512xf32, #tpu.memory_space<vmem>>, vector<1x16xf32>,
      %swap3A_178 = vector.shape_cast %swap3A_177 : vector<1x16xf32> to vector<16xf32>
      %swap3A_179 = vector.shape_cast %broadcast_in_dim3A : vector<16xf32> to vector<1x16xf32>
      tpu.vector_store %arg5[%swap3A_175, %swap3A_176], %swap3A_179 {strides = array<i32>} : memref<208x512xf32, #tpu.memory_space<vmem>>, vector<1x16xf32>,
      %swap3A_180 = arith.index_cast %scan3A_21 : i32 to index
      %swap3A_181 = arith.constant 496 : index
      %swap3A_182 = tpu.vector_load %arg5[%swap3A_180, %swap3A_181] {strides = array<i32>} : memref<208x512xf32, #tpu.memory_space<vmem>>, vector<1x16xf32>,
      %swap3A_183 = vector.shape_cast %swap3A_182 : vector<1x16xf32> to vector<16xf32>
      %swap3A_184 = vector.shape_cast %broadcast_in_dim3A : vector<16xf32> to vector<1x16xf32>
      tpu.vector_store %arg5[%swap3A_180, %swap3A_181], %swap3A_184 {strides = array<i32>} : memref<208x512xf32, #tpu.memory_space<vmem>>, vector<1x16xf32>,
      %scan3A_185 = arith.constant 0 : i32
      scf.yield %scan3A_185 : i32
    }
    %scan3A_14 = arith.constant 104 : i32
    %lt3A = arith.constant 31 : i32
    %lt3A_15 = arith.cmpi slt, %add3A, %lt3A : i32
    %convert_element_type3A = arith.extui %lt3A_15 : i1 to i32
    %cond3A = arith.constant 0 : i32
    %cond3A_16 = arith.cmpi ne, %convert_element_type3A, %cond3A : i32
    scf.if %cond3A_16 {
      %add3A_21 = arith.constant 0 : i32
      %add3A_22 = arith.addi %mul3A_2, %add3A_21 : i32
      %dma_start3A_23 = arith.constant 0 : i32
      %dma_start3A_24 = arith.constant 0 : i32
      %dma_start3A_25 = tpu.memref_slice %arg5[%dma_start3A_23, %dma_start3A_24] : memref<208x512xf32, #tpu.memory_space<vmem>> -> memref<104x512xf32, #tpu.memory_space<vmem>>
      %dma_start3A_26 = arith.constant 0 : i32
      %dma_start3A_27 = tpu.memref_slice %arg3[%add3A_22, %dma_start3A_26] : memref<6592x16384xf32, #tpu.memory_space<hbm>> -> memref<104x512xf32, #tpu.memory_space<hbm>>
      %dma_start3A_28 = arith.constant 0 : i32
      %dma_start3A_29 = tpu.memref_slice %arg3[%add3A_22, %dma_start3A_28] : memref<6592x16384xf32, #tpu.memory_space<hbm>> -> memref<104x512xf32, #tpu.memory_space<hbm>>
      %dma_start3A_30 = arith.constant 0 : i32
      %dma_start3A_31 = arith.constant 0 : i32
      %dma_start3A_32 = tpu.memref_slice %arg5[%dma_start3A_30, %dma_start3A_31] : memref<208x512xf32, #tpu.memory_space<vmem>> -> memref<104x512xf32, #tpu.memory_space<vmem>>
      tpu.enqueue_dma source(%dma_start3A_32 : memref<104x512xf32, #tpu.memory_space<vmem>>) target(%dma_start3A_29 : memref<104x512xf32, #tpu.memory_space<hbm>>) target_semaphore(%arg7 : memref<!tpu.dma_semaphore, #tpu.memory_space<semaphore_mem>>)
      %add3A_33 = arith.constant 0 : i32
      %add3A_34 = arith.addi %mul3A_2, %add3A_33 : i32
      %dma_start3A_35 = arith.constant 0 : i32
      %dma_start3A_36 = arith.constant 0 : i32
      %dma_start3A_37 = tpu.memref_slice %arg5[%dma_start3A_35, %dma_start3A_36] : memref<208x512xf32, #tpu.memory_space<vmem>> -> memref<104x512xf32, #tpu.memory_space<vmem>>
      %dma_start3A_38 = arith.constant 512 : i32
      %dma_start3A_39 = tpu.memref_slice %arg3[%add3A_34, %dma_start3A_38] : memref<6592x16384xf32, #tpu.memory_space<hbm>> -> memref<104x512xf32, #tpu.memory_space<hbm>>
      %dma_start3A_40 = arith.constant 512 : i32
      %dma_start3A_41 = tpu.memref_slice %arg3[%add3A_34, %dma_start3A_40] : memref<6592x16384xf32, #tpu.memory_space<hbm>> -> memref<104x512xf32, #tpu.memory_space<hbm>>
      %dma_start3A_42 = arith.constant 0 : i32
      %dma_start3A_43 = arith.constant 0 : i32
      %dma_start3A_44 = tpu.memref_slice %arg5[%dma_start3A_42, %dma_start3A_43] : memref<208x512xf32, #tpu.memory_space<vmem>> -> memref<104x512xf32, #tpu.memory_space<vmem>>
      tpu.enqueue_dma source(%dma_start3A_44 : memref<104x512xf32, #tpu.memory_space<vmem>>) target(%dma_start3A_41 : memref<104x512xf32, #tpu.memory_space<hbm>>) target_semaphore(%arg7 : memref<!tpu.dma_semaphore, #tpu.memory_space<semaphore_mem>>)
      %add3A_45 = arith.constant 0 : i32
      %add3A_46 = arith.addi %mul3A_2, %add3A_45 : i32
      %dma_start3A_47 = arith.constant 0 : i32
      %dma_start3A_48 = arith.constant 0 : i32
      %dma_start3A_49 = tpu.memref_slice %arg5[%dma_start3A_47, %dma_start3A_48] : memref<208x512xf32, #tpu.memory_space<vmem>> -> memref<104x512xf32, #tpu.memory_space<vmem>>
      %dma_start3A_50 = arith.constant 1024 : i32
      %dma_start3A_51 = tpu.memref_slice %arg3[%add3A_46, %dma_start3A_50] : memref<6592x16384xf32, #tpu.memory_space<hbm>> -> memref<104x512xf32, #tpu.memory_space<hbm>>
      %dma_start3A_52 = arith.constant 1024 : i32
      %dma_start3A_53 = tpu.memref_slice %arg3[%add3A_46, %dma_start3A_52] : memref<6592x16384xf32, #tpu.memory_space<hbm>> -> memref<104x512xf32, #tpu.memory_space<hbm>>
      %dma_start3A_54 = arith.constant 0 : i32
      %dma_start3A_55 = arith.constant 0 : i32
      %dma_start3A_56 = tpu.memref_slice %arg5[%dma_start3A_54, %dma_start3A_55] : memref<208x512xf32, #tpu.memory_space<vmem>> -> memref<104x512xf32, #tpu.memory_space<vmem>>
      tpu.enqueue_dma source(%dma_start3A_56 : memref<104x512xf32, #tpu.memory_space<vmem>>) target(%dma_start3A_53 : memref<104x512xf32, #tpu.memory_space<hbm>>) target_semaphore(%arg7 : memref<!tpu.dma_semaphore, #tpu.memory_space<semaphore_mem>>)
      %add3A_57 = arith.constant 0 : i32
      %add3A_58 = arith.addi %mul3A_2, %add3A_57 : i32
      %dma_start3A_59 = arith.constant 0 : i32
      %dma_start3A_60 = arith.constant 0 : i32
      %dma_start3A_61 = tpu.memref_slice %arg5[%dma_start3A_59, %dma_start3A_60] : memref<208x512xf32, #tpu.memory_space<vmem>> -> memref<104x512xf32, #tpu.memory_space<vmem>>
      %dma_start3A_62 = arith.constant 1536 : i32
      %dma_start3A_63 = tpu.memref_slice %arg3[%add3A_58, %dma_start3A_62] : memref<6592x16384xf32, #tpu.memory_space<hbm>> -> memref<104x512xf32, #tpu.memory_space<hbm>>
      %dma_start3A_64 = arith.constant 1536 : i32
      %dma_start3A_65 = tpu.memref_slice %arg3[%add3A_58, %dma_start3A_64] : memref<6592x16384xf32, #tpu.memory_space<hbm>> -> memref<104x512xf32, #tpu.memory_space<hbm>>
      %dma_start3A_66 = arith.constant 0 : i32
      %dma_start3A_67 = arith.constant 0 : i32
      %dma_start3A_68 = tpu.memref_slice %arg5[%dma_start3A_66, %dma_start3A_67] : memref<208x512xf32, #tpu.memory_space<vmem>> -> memref<104x512xf32, #tpu.memory_space<vmem>>
      tpu.enqueue_dma source(%dma_start3A_68 : memref<104x512xf32, #tpu.memory_space<vmem>>) target(%dma_start3A_65 : memref<104x512xf32, #tpu.memory_space<hbm>>) target_semaphore(%arg7 : memref<!tpu.dma_semaphore, #tpu.memory_space<semaphore_mem>>)
      %add3A_69 = arith.constant 0 : i32
      %add3A_70 = arith.addi %mul3A_2, %add3A_69 : i32
      %dma_start3A_71 = arith.constant 0 : i32
      %dma_start3A_72 = arith.constant 0 : i32
      %dma_start3A_73 = tpu.memref_slice %arg5[%dma_start3A_71, %dma_start3A_72] : memref<208x512xf32, #tpu.memory_space<vmem>> -> memref<104x512xf32, #tpu.memory_space<vmem>>
      %dma_start3A_74 = arith.constant 2048 : i32
      %dma_start3A_75 = tpu.memref_slice %arg3[%add3A_70, %dma_start3A_74] : memref<6592x16384xf32, #tpu.memory_space<hbm>> -> memref<104x512xf32, #tpu.memory_space<hbm>>
      %dma_start3A_76 = arith.constant 2048 : i32
      %dma_start3A_77 = tpu.memref_slice %arg3[%add3A_70, %dma_start3A_76] : memref<6592x16384xf32, #tpu.memory_space<hbm>> -> memref<104x512xf32, #tpu.memory_space<hbm>>
      %dma_start3A_78 = arith.constant 0 : i32
      %dma_start3A_79 = arith.constant 0 : i32
      %dma_start3A_80 = tpu.memref_slice %arg5[%dma_start3A_78, %dma_start3A_79] : memref<208x512xf32, #tpu.memory_space<vmem>> -> memref<104x512xf32, #tpu.memory_space<vmem>>
      tpu.enqueue_dma source(%dma_start3A_80 : memref<104x512xf32, #tpu.memory_space<vmem>>) target(%dma_start3A_77 : memref<104x512xf32, #tpu.memory_space<hbm>>) target_semaphore(%arg7 : memref<!tpu.dma_semaphore, #tpu.memory_space<semaphore_mem>>)
      %add3A_81 = arith.constant 0 : i32
      %add3A_82 = arith.addi %mul3A_2, %add3A_81 : i32
      %dma_start3A_83 = arith.constant 0 : i32
      %dma_start3A_84 = arith.constant 0 : i32
      %dma_start3A_85 = tpu.memref_slice %arg5[%dma_start3A_83, %dma_start3A_84] : memref<208x512xf32, #tpu.memory_space<vmem>> -> memref<104x512xf32, #tpu.memory_space<vmem>>
      %dma_start3A_86 = arith.constant 2560 : i32
      %dma_start3A_87 = tpu.memref_slice %arg3[%add3A_82, %dma_start3A_86] : memref<6592x16384xf32, #tpu.memory_space<hbm>> -> memref<104x512xf32, #tpu.memory_space<hbm>>
      %dma_start3A_88 = arith.constant 2560 : i32
      %dma_start3A_89 = tpu.memref_slice %arg3[%add3A_82, %dma_start3A_88] : memref<6592x16384xf32, #tpu.memory_space<hbm>> -> memref<104x512xf32, #tpu.memory_space<hbm>>
      %dma_start3A_90 = arith.constant 0 : i32
      %dma_start3A_91 = arith.constant 0 : i32
      %dma_start3A_92 = tpu.memref_slice %arg5[%dma_start3A_90, %dma_start3A_91] : memref<208x512xf32, #tpu.memory_space<vmem>> -> memref<104x512xf32, #tpu.memory_space<vmem>>
      tpu.enqueue_dma source(%dma_start3A_92 : memref<104x512xf32, #tpu.memory_space<vmem>>) target(%dma_start3A_89 : memref<104x512xf32, #tpu.memory_space<hbm>>) target_semaphore(%arg7 : memref<!tpu.dma_semaphore, #tpu.memory_space<semaphore_mem>>)
      %add3A_93 = arith.constant 0 : i32
      %add3A_94 = arith.addi %mul3A_2, %add3A_93 : i32
      %dma_start3A_95 = arith.constant 0 : i32
      %dma_start3A_96 = arith.constant 0 : i32
      %dma_start3A_97 = tpu.memref_slice %arg5[%dma_start3A_95, %dma_start3A_96] : memref<208x512xf32, #tpu.memory_space<vmem>> -> memref<104x512xf32, #tpu.memory_space<vmem>>
      %dma_start3A_98 = arith.constant 3072 : i32
      %dma_start3A_99 = tpu.memref_slice %arg3[%add3A_94, %dma_start3A_98] : memref<6592x16384xf32, #tpu.memory_space<hbm>> -> memref<104x512xf32, #tpu.memory_space<hbm>>
      %dma_start3A_100 = arith.constant 3072 : i32
      %dma_start3A_101 = tpu.memref_slice %arg3[%add3A_94, %dma_start3A_100] : memref<6592x16384xf32, #tpu.memory_space<hbm>> -> memref<104x512xf32, #tpu.memory_space<hbm>>
      %dma_start3A_102 = arith.constant 0 : i32
      %dma_start3A_103 = arith.constant 0 : i32
      %dma_start3A_104 = tpu.memref_slice %arg5[%dma_start3A_102, %dma_start3A_103] : memref<208x512xf32, #tpu.memory_space<vmem>> -> memref<104x512xf32, #tpu.memory_space<vmem>>
      tpu.enqueue_dma source(%dma_start3A_104 : memref<104x512xf32, #tpu.memory_space<vmem>>) target(%dma_start3A_101 : memref<104x512xf32, #tpu.memory_space<hbm>>) target_semaphore(%arg7 : memref<!tpu.dma_semaphore, #tpu.memory_space<semaphore_mem>>)
      %add3A_105 = arith.constant 0 : i32
      %add3A_106 = arith.addi %mul3A_2, %add3A_105 : i32
      %dma_start3A_107 = arith.constant 0 : i32
      %dma_start3A_108 = arith.constant 0 : i32
      %dma_start3A_109 = tpu.memref_slice %arg5[%dma_start3A_107, %dma_start3A_108] : memref<208x512xf32, #tpu.memory_space<vmem>> -> memref<104x512xf32, #tpu.memory_space<vmem>>
      %dma_start3A_110 = arith.constant 3584 : i32
      %dma_start3A_111 = tpu.memref_slice %arg3[%add3A_106, %dma_start3A_110] : memref<6592x16384xf32, #tpu.memory_space<hbm>> -> memref<104x512xf32, #tpu.memory_space<hbm>>
      %dma_start3A_112 = arith.constant 3584 : i32
      %dma_start3A_113 = tpu.memref_slice %arg3[%add3A_106, %dma_start3A_112] : memref<6592x16384xf32, #tpu.memory_space<hbm>> -> memref<104x512xf32, #tpu.memory_space<hbm>>
      %dma_start3A_114 = arith.constant 0 : i32
      %dma_start3A_115 = arith.constant 0 : i32
      %dma_start3A_116 = tpu.memref_slice %arg5[%dma_start3A_114, %dma_start3A_115] : memref<208x512xf32, #tpu.memory_space<vmem>> -> memref<104x512xf32, #tpu.memory_space<vmem>>
      tpu.enqueue_dma source(%dma_start3A_116 : memref<104x512xf32, #tpu.memory_space<vmem>>) target(%dma_start3A_113 : memref<104x512xf32, #tpu.memory_space<hbm>>) target_semaphore(%arg7 : memref<!tpu.dma_semaphore, #tpu.memory_space<semaphore_mem>>)
      %add3A_117 = arith.constant 0 : i32
      %add3A_118 = arith.addi %mul3A_2, %add3A_117 : i32
      %dma_start3A_119 = arith.constant 0 : i32
      %dma_start3A_120 = arith.constant 0 : i32
      %dma_start3A_121 = tpu.memref_slice %arg5[%dma_start3A_119, %dma_start3A_120] : memref<208x512xf32, #tpu.memory_space<vmem>> -> memref<104x512xf32, #tpu.memory_space<vmem>>
      %dma_start3A_122 = arith.constant 4096 : i32
      %dma_start3A_123 = tpu.memref_slice %arg3[%add3A_118, %dma_start3A_122] : memref<6592x16384xf32, #tpu.memory_space<hbm>> -> memref<104x512xf32, #tpu.memory_space<hbm>>
      %dma_start3A_124 = arith.constant 4096 : i32
      %dma_start3A_125 = tpu.memref_slice %arg3[%add3A_118, %dma_start3A_124] : memref<6592x16384xf32, #tpu.memory_space<hbm>> -> memref<104x512xf32, #tpu.memory_space<hbm>>
      %dma_start3A_126 = arith.constant 0 : i32
      %dma_start3A_127 = arith.constant 0 : i32
      %dma_start3A_128 = tpu.memref_slice %arg5[%dma_start3A_126, %dma_start3A_127] : memref<208x512xf32, #tpu.memory_space<vmem>> -> memref<104x512xf32, #tpu.memory_space<vmem>>
      tpu.enqueue_dma source(%dma_start3A_128 : memref<104x512xf32, #tpu.memory_space<vmem>>) target(%dma_start3A_125 : memref<104x512xf32, #tpu.memory_space<hbm>>) target_semaphore(%arg7 : memref<!tpu.dma_semaphore, #tpu.memory_space<semaphore_mem>>)
      %add3A_129 = arith.constant 0 : i32
      %add3A_130 = arith.addi %mul3A_2, %add3A_129 : i32
      %dma_start3A_131 = arith.constant 0 : i32
      %dma_start3A_132 = arith.constant 0 : i32
      %dma_start3A_133 = tpu.memref_slice %arg5[%dma_start3A_131, %dma_start3A_132] : memref<208x512xf32, #tpu.memory_space<vmem>> -> memref<104x512xf32, #tpu.memory_space<vmem>>
      %dma_start3A_134 = arith.constant 4608 : i32
      %dma_start3A_135 = tpu.memref_slice %arg3[%add3A_130, %dma_start3A_134] : memref<6592x16384xf32, #tpu.memory_space<hbm>> -> memref<104x512xf32, #tpu.memory_space<hbm>>
      %dma_start3A_136 = arith.constant 4608 : i32
      %dma_start3A_137 = tpu.memref_slice %arg3[%add3A_130, %dma_start3A_136] : memref<6592x16384xf32, #tpu.memory_space<hbm>> -> memref<104x512xf32, #tpu.memory_space<hbm>>
      %dma_start3A_138 = arith.constant 0 : i32
      %dma_start3A_139 = arith.constant 0 : i32
      %dma_start3A_140 = tpu.memref_slice %arg5[%dma_start3A_138, %dma_start3A_139] : memref<208x512xf32, #tpu.memory_space<vmem>> -> memref<104x512xf32, #tpu.memory_space<vmem>>
      tpu.enqueue_dma source(%dma_start3A_140 : memref<104x512xf32, #tpu.memory_space<vmem>>) target(%dma_start3A_137 : memref<104x512xf32, #tpu.memory_space<hbm>>) target_semaphore(%arg7 : memref<!tpu.dma_semaphore, #tpu.memory_space<semaphore_mem>>)
      %add3A_141 = arith.constant 0 : i32
      %add3A_142 = arith.addi %mul3A_2, %add3A_141 : i32
      %dma_start3A_143 = arith.constant 0 : i32
      %dma_start3A_144 = arith.constant 0 : i32
      %dma_start3A_145 = tpu.memref_slice %arg5[%dma_start3A_143, %dma_start3A_144] : memref<208x512xf32, #tpu.memory_space<vmem>> -> memref<104x512xf32, #tpu.memory_space<vmem>>
      %dma_start3A_146 = arith.constant 5120 : i32
      %dma_start3A_147 = tpu.memref_slice %arg3[%add3A_142, %dma_start3A_146] : memref<6592x16384xf32, #tpu.memory_space<hbm>> -> memref<104x512xf32, #tpu.memory_space<hbm>>
      %dma_start3A_148 = arith.constant 5120 : i32
      %dma_start3A_149 = tpu.memref_slice %arg3[%add3A_142, %dma_start3A_148] : memref<6592x16384xf32, #tpu.memory_space<hbm>> -> memref<104x512xf32, #tpu.memory_space<hbm>>
      %dma_start3A_150 = arith.constant 0 : i32
      %dma_start3A_151 = arith.constant 0 : i32
      %dma_start3A_152 = tpu.memref_slice %arg5[%dma_start3A_150, %dma_start3A_151] : memref<208x512xf32, #tpu.memory_space<vmem>> -> memref<104x512xf32, #tpu.memory_space<vmem>>
      tpu.enqueue_dma source(%dma_start3A_152 : memref<104x512xf32, #tpu.memory_space<vmem>>) target(%dma_start3A_149 : memref<104x512xf32, #tpu.memory_space<hbm>>) target_semaphore(%arg7 : memref<!tpu.dma_semaphore, #tpu.memory_space<semaphore_mem>>)
      %add3A_153 = arith.constant 0 : i32
      %add3A_154 = arith.addi %mul3A_2, %add3A_153 : i32
      %dma_start3A_155 = arith.constant 0 : i32
      %dma_start3A_156 = arith.constant 0 : i32
      %dma_start3A_157 = tpu.memref_slice %arg5[%dma_start3A_155, %dma_start3A_156] : memref<208x512xf32, #tpu.memory_space<vmem>> -> memref<104x512xf32, #tpu.memory_space<vmem>>
      %dma_start3A_158 = arith.constant 5632 : i32
      %dma_start3A_159 = tpu.memref_slice %arg3[%add3A_154, %dma_start3A_158] : memref<6592x16384xf32, #tpu.memory_space<hbm>> -> memref<104x512xf32, #tpu.memory_space<hbm>>
      %dma_start3A_160 = arith.constant 5632 : i32
      %dma_start3A_161 = tpu.memref_slice %arg3[%add3A_154, %dma_start3A_160] : memref<6592x16384xf32, #tpu.memory_space<hbm>> -> memref<104x512xf32, #tpu.memory_space<hbm>>
      %dma_start3A_162 = arith.constant 0 : i32
      %dma_start3A_163 = arith.constant 0 : i32
      %dma_start3A_164 = tpu.memref_slice %arg5[%dma_start3A_162, %dma_start3A_163] : memref<208x512xf32, #tpu.memory_space<vmem>> -> memref<104x512xf32, #tpu.memory_space<vmem>>
      tpu.enqueue_dma source(%dma_start3A_164 : memref<104x512xf32, #tpu.memory_space<vmem>>) target(%dma_start3A_161 : memref<104x512xf32, #tpu.memory_space<hbm>>) target_semaphore(%arg7 : memref<!tpu.dma_semaphore, #tpu.memory_space<semaphore_mem>>)
      %add3A_165 = arith.constant 0 : i32
      %add3A_166 = arith.addi %mul3A_2, %add3A_165 : i32
      %dma_start3A_167 = arith.constant 0 : i32
      %dma_start3A_168 = arith.constant 0 : i32
      %dma_start3A_169 = tpu.memref_slice %arg5[%dma_start3A_167, %dma_start3A_168] : memref<208x512xf32, #tpu.memory_space<vmem>> -> memref<104x512xf32, #tpu.memory_space<vmem>>
      %dma_start3A_170 = arith.constant 6144 : i32
      %dma_start3A_171 = tpu.memref_slice %arg3[%add3A_166, %dma_start3A_170] : memref<6592x16384xf32, #tpu.memory_space<hbm>> -> memref<104x512xf32, #tpu.memory_space<hbm>>
      %dma_start3A_172 = arith.constant 6144 : i32
      %dma_start3A_173 = tpu.memref_slice %arg3[%add3A_166, %dma_start3A_172] : memref<6592x16384xf32, #tpu.memory_space<hbm>> -> memref<104x512xf32, #tpu.memory_space<hbm>>
      %dma_start3A_174 = arith.constant 0 : i32
      %dma_start3A_175 = arith.constant 0 : i32
      %dma_start3A_176 = tpu.memref_slice %arg5[%dma_start3A_174, %dma_start3A_175] : memref<208x512xf32, #tpu.memory_space<vmem>> -> memref<104x512xf32, #tpu.memory_space<vmem>>
      tpu.enqueue_dma source(%dma_start3A_176 : memref<104x512xf32, #tpu.memory_space<vmem>>) target(%dma_start3A_173 : memref<104x512xf32, #tpu.memory_space<hbm>>) target_semaphore(%arg7 : memref<!tpu.dma_semaphore, #tpu.memory_space<semaphore_mem>>)
      %add3A_177 = arith.constant 0 : i32
      %add3A_178 = arith.addi %mul3A_2, %add3A_177 : i32
      %dma_start3A_179 = arith.constant 0 : i32
      %dma_start3A_180 = arith.constant 0 : i32
      %dma_start3A_181 = tpu.memref_slice %arg5[%dma_start3A_179, %dma_start3A_180] : memref<208x512xf32, #tpu.memory_space<vmem>> -> memref<104x512xf32, #tpu.memory_space<vmem>>
      %dma_start3A_182 = arith.constant 6656 : i32
      %dma_start3A_183 = tpu.memref_slice %arg3[%add3A_178, %dma_start3A_182] : memref<6592x16384xf32, #tpu.memory_space<hbm>> -> memref<104x512xf32, #tpu.memory_space<hbm>>
      %dma_start3A_184 = arith.constant 6656 : i32
      %dma_start3A_185 = tpu.memref_slice %arg3[%add3A_178, %dma_start3A_184] : memref<6592x16384xf32, #tpu.memory_space<hbm>> -> memref<104x512xf32, #tpu.memory_space<hbm>>
      %dma_start3A_186 = arith.constant 0 : i32
      %dma_start3A_187 = arith.constant 0 : i32
      %dma_start3A_188 = tpu.memref_slice %arg5[%dma_start3A_186, %dma_start3A_187] : memref<208x512xf32, #tpu.memory_space<vmem>> -> memref<104x512xf32, #tpu.memory_space<vmem>>
      tpu.enqueue_dma source(%dma_start3A_188 : memref<104x512xf32, #tpu.memory_space<vmem>>) target(%dma_start3A_185 : memref<104x512xf32, #tpu.memory_space<hbm>>) target_semaphore(%arg7 : memref<!tpu.dma_semaphore, #tpu.memory_space<semaphore_mem>>)
      %add3A_189 = arith.constant 0 : i32
      %add3A_190 = arith.addi %mul3A_2, %add3A_189 : i32
      %dma_start3A_191 = arith.constant 0 : i32
      %dma_start3A_192 = arith.constant 0 : i32
      %dma_start3A_193 = tpu.memref_slice %arg5[%dma_start3A_191, %dma_start3A_192] : memref<208x512xf32, #tpu.memory_space<vmem>> -> memref<104x512xf32, #tpu.memory_space<vmem>>
      %dma_start3A_194 = arith.constant 7168 : i32
      %dma_start3A_195 = tpu.memref_slice %arg3[%add3A_190, %dma_start3A_194] : memref<6592x16384xf32, #tpu.memory_space<hbm>> -> memref<104x512xf32, #tpu.memory_space<hbm>>
      %dma_start3A_196 = arith.constant 7168 : i32
      %dma_start3A_197 = tpu.memref_slice %arg3[%add3A_190, %dma_start3A_196] : memref<6592x16384xf32, #tpu.memory_space<hbm>> -> memref<104x512xf32, #tpu.memory_space<hbm>>
      %dma_start3A_198 = arith.constant 0 : i32
      %dma_start3A_199 = arith.constant 0 : i32
      %dma_start3A_200 = tpu.memref_slice %arg5[%dma_start3A_198, %dma_start3A_199] : memref<208x512xf32, #tpu.memory_space<vmem>> -> memref<104x512xf32, #tpu.memory_space<vmem>>
      tpu.enqueue_dma source(%dma_start3A_200 : memref<104x512xf32, #tpu.memory_space<vmem>>) target(%dma_start3A_197 : memref<104x512xf32, #tpu.memory_space<hbm>>) target_semaphore(%arg7 : memref<!tpu.dma_semaphore, #tpu.memory_space<semaphore_mem>>)
      %add3A_201 = arith.constant 0 : i32
      %add3A_202 = arith.addi %mul3A_2, %add3A_201 : i32
      %dma_start3A_203 = arith.constant 0 : i32
      %dma_start3A_204 = arith.constant 0 : i32
      %dma_start3A_205 = tpu.memref_slice %arg5[%dma_start3A_203, %dma_start3A_204] : memref<208x512xf32, #tpu.memory_space<vmem>> -> memref<104x512xf32, #tpu.memory_space<vmem>>
      %dma_start3A_206 = arith.constant 7680 : i32
      %dma_start3A_207 = tpu.memref_slice %arg3[%add3A_202, %dma_start3A_206] : memref<6592x16384xf32, #tpu.memory_space<hbm>> -> memref<104x512xf32, #tpu.memory_space<hbm>>
      %dma_start3A_208 = arith.constant 7680 : i32
      %dma_start3A_209 = tpu.memref_slice %arg3[%add3A_202, %dma_start3A_208] : memref<6592x16384xf32, #tpu.memory_space<hbm>> -> memref<104x512xf32, #tpu.memory_space<hbm>>
      %dma_start3A_210 = arith.constant 0 : i32
      %dma_start3A_211 = arith.constant 0 : i32
      %dma_start3A_212 = tpu.memref_slice %arg5[%dma_start3A_210, %dma_start3A_211] : memref<208x512xf32, #tpu.memory_space<vmem>> -> memref<104x512xf32, #tpu.memory_space<vmem>>
      tpu.enqueue_dma source(%dma_start3A_212 : memref<104x512xf32, #tpu.memory_space<vmem>>) target(%dma_start3A_209 : memref<104x512xf32, #tpu.memory_space<hbm>>) target_semaphore(%arg7 : memref<!tpu.dma_semaphore, #tpu.memory_space<semaphore_mem>>)
      %add3A_213 = arith.constant 0 : i32
      %add3A_214 = arith.addi %mul3A_2, %add3A_213 : i32
      %dma_start3A_215 = arith.constant 0 : i32
      %dma_start3A_216 = arith.constant 0 : i32
      %dma_start3A_217 = tpu.memref_slice %arg5[%dma_start3A_215, %dma_start3A_216] : memref<208x512xf32, #tpu.memory_space<vmem>> -> memref<104x512xf32, #tpu.memory_space<vmem>>
      %dma_start3A_218 = arith.constant 8192 : i32
      %dma_start3A_219 = tpu.memref_slice %arg3[%add3A_214, %dma_start3A_218] : memref<6592x16384xf32, #tpu.memory_space<hbm>> -> memref<104x512xf32, #tpu.memory_space<hbm>>
      %dma_start3A_220 = arith.constant 8192 : i32
      %dma_start3A_221 = tpu.memref_slice %arg3[%add3A_214, %dma_start3A_220] : memref<6592x16384xf32, #tpu.memory_space<hbm>> -> memref<104x512xf32, #tpu.memory_space<hbm>>
      %dma_start3A_222 = arith.constant 0 : i32
      %dma_start3A_223 = arith.constant 0 : i32
      %dma_start3A_224 = tpu.memref_slice %arg5[%dma_start3A_222, %dma_start3A_223] : memref<208x512xf32, #tpu.memory_space<vmem>> -> memref<104x512xf32, #tpu.memory_space<vmem>>
      tpu.enqueue_dma source(%dma_start3A_224 : memref<104x512xf32, #tpu.memory_space<vmem>>) target(%dma_start3A_221 : memref<104x512xf32, #tpu.memory_space<hbm>>) target_semaphore(%arg7 : memref<!tpu.dma_semaphore, #tpu.memory_space<semaphore_mem>>)
      %add3A_225 = arith.constant 0 : i32
      %add3A_226 = arith.addi %mul3A_2, %add3A_225 : i32
      %dma_start3A_227 = arith.constant 0 : i32
      %dma_start3A_228 = arith.constant 0 : i32
      %dma_start3A_229 = tpu.memref_slice %arg5[%dma_start3A_227, %dma_start3A_228] : memref<208x512xf32, #tpu.memory_space<vmem>> -> memref<104x512xf32, #tpu.memory_space<vmem>>
      %dma_start3A_230 = arith.constant 8704 : i32
      %dma_start3A_231 = tpu.memref_slice %arg3[%add3A_226, %dma_start3A_230] : memref<6592x16384xf32, #tpu.memory_space<hbm>> -> memref<104x512xf32, #tpu.memory_space<hbm>>
      %dma_start3A_232 = arith.constant 8704 : i32
      %dma_start3A_233 = tpu.memref_slice %arg3[%add3A_226, %dma_start3A_232] : memref<6592x16384xf32, #tpu.memory_space<hbm>> -> memref<104x512xf32, #tpu.memory_space<hbm>>
      %dma_start3A_234 = arith.constant 0 : i32
      %dma_start3A_235 = arith.constant 0 : i32
      %dma_start3A_236 = tpu.memref_slice %arg5[%dma_start3A_234, %dma_start3A_235] : memref<208x512xf32, #tpu.memory_space<vmem>> -> memref<104x512xf32, #tpu.memory_space<vmem>>
      tpu.enqueue_dma source(%dma_start3A_236 : memref<104x512xf32, #tpu.memory_space<vmem>>) target(%dma_start3A_233 : memref<104x512xf32, #tpu.memory_space<hbm>>) target_semaphore(%arg7 : memref<!tpu.dma_semaphore, #tpu.memory_space<semaphore_mem>>)
      %add3A_237 = arith.constant 0 : i32
      %add3A_238 = arith.addi %mul3A_2, %add3A_237 : i32
      %dma_start3A_239 = arith.constant 0 : i32
      %dma_start3A_240 = arith.constant 0 : i32
      %dma_start3A_241 = tpu.memref_slice %arg5[%dma_start3A_239, %dma_start3A_240] : memref<208x512xf32, #tpu.memory_space<vmem>> -> memref<104x512xf32, #tpu.memory_space<vmem>>
      %dma_start3A_242 = arith.constant 9216 : i32
      %dma_start3A_243 = tpu.memref_slice %arg3[%add3A_238, %dma_start3A_242] : memref<6592x16384xf32, #tpu.memory_space<hbm>> -> memref<104x512xf32, #tpu.memory_space<hbm>>
      %dma_start3A_244 = arith.constant 9216 : i32
      %dma_start3A_245 = tpu.memref_slice %arg3[%add3A_238, %dma_start3A_244] : memref<6592x16384xf32, #tpu.memory_space<hbm>> -> memref<104x512xf32, #tpu.memory_space<hbm>>
      %dma_start3A_246 = arith.constant 0 : i32
      %dma_start3A_247 = arith.constant 0 : i32
      %dma_start3A_248 = tpu.memref_slice %arg5[%dma_start3A_246, %dma_start3A_247] : memref<208x512xf32, #tpu.memory_space<vmem>> -> memref<104x512xf32, #tpu.memory_space<vmem>>
      tpu.enqueue_dma source(%dma_start3A_248 : memref<104x512xf32, #tpu.memory_space<vmem>>) target(%dma_start3A_245 : memref<104x512xf32, #tpu.memory_space<hbm>>) target_semaphore(%arg7 : memref<!tpu.dma_semaphore, #tpu.memory_space<semaphore_mem>>)
      %add3A_249 = arith.constant 0 : i32
      %add3A_250 = arith.addi %mul3A_2, %add3A_249 : i32
      %dma_start3A_251 = arith.constant 0 : i32
      %dma_start3A_252 = arith.constant 0 : i32
      %dma_start3A_253 = tpu.memref_slice %arg5[%dma_start3A_251, %dma_start3A_252] : memref<208x512xf32, #tpu.memory_space<vmem>> -> memref<104x512xf32, #tpu.memory_space<vmem>>
      %dma_start3A_254 = arith.constant 9728 : i32
      %dma_start3A_255 = tpu.memref_slice %arg3[%add3A_250, %dma_start3A_254] : memref<6592x16384xf32, #tpu.memory_space<hbm>> -> memref<104x512xf32, #tpu.memory_space<hbm>>
      %dma_start3A_256 = arith.constant 9728 : i32
      %dma_start3A_257 = tpu.memref_slice %arg3[%add3A_250, %dma_start3A_256] : memref<6592x16384xf32, #tpu.memory_space<hbm>> -> memref<104x512xf32, #tpu.memory_space<hbm>>
      %dma_start3A_258 = arith.constant 0 : i32
      %dma_start3A_259 = arith.constant 0 : i32
      %dma_start3A_260 = tpu.memref_slice %arg5[%dma_start3A_258, %dma_start3A_259] : memref<208x512xf32, #tpu.memory_space<vmem>> -> memref<104x512xf32, #tpu.memory_space<vmem>>
      tpu.enqueue_dma source(%dma_start3A_260 : memref<104x512xf32, #tpu.memory_space<vmem>>) target(%dma_start3A_257 : memref<104x512xf32, #tpu.memory_space<hbm>>) target_semaphore(%arg7 : memref<!tpu.dma_semaphore, #tpu.memory_space<semaphore_mem>>)
      %add3A_261 = arith.constant 0 : i32
      %add3A_262 = arith.addi %mul3A_2, %add3A_261 : i32
      %dma_start3A_263 = arith.constant 0 : i32
      %dma_start3A_264 = arith.constant 0 : i32
      %dma_start3A_265 = tpu.memref_slice %arg5[%dma_start3A_263, %dma_start3A_264] : memref<208x512xf32, #tpu.memory_space<vmem>> -> memref<104x512xf32, #tpu.memory_space<vmem>>
      %dma_start3A_266 = arith.constant 10240 : i32
      %dma_start3A_267 = tpu.memref_slice %arg3[%add3A_262, %dma_start3A_266] : memref<6592x16384xf32, #tpu.memory_space<hbm>> -> memref<104x512xf32, #tpu.memory_space<hbm>>
      %dma_start3A_268 = arith.constant 10240 : i32
      %dma_start3A_269 = tpu.memref_slice %arg3[%add3A_262, %dma_start3A_268] : memref<6592x16384xf32, #tpu.memory_space<hbm>> -> memref<104x512xf32, #tpu.memory_space<hbm>>
      %dma_start3A_270 = arith.constant 0 : i32
      %dma_start3A_271 = arith.constant 0 : i32
      %dma_start3A_272 = tpu.memref_slice %arg5[%dma_start3A_270, %dma_start3A_271] : memref<208x512xf32, #tpu.memory_space<vmem>> -> memref<104x512xf32, #tpu.memory_space<vmem>>
      tpu.enqueue_dma source(%dma_start3A_272 : memref<104x512xf32, #tpu.memory_space<vmem>>) target(%dma_start3A_269 : memref<104x512xf32, #tpu.memory_space<hbm>>) target_semaphore(%arg7 : memref<!tpu.dma_semaphore, #tpu.memory_space<semaphore_mem>>)
      %add3A_273 = arith.constant 0 : i32
      %add3A_274 = arith.addi %mul3A_2, %add3A_273 : i32
      %dma_start3A_275 = arith.constant 0 : i32
      %dma_start3A_276 = arith.constant 0 : i32
      %dma_start3A_277 = tpu.memref_slice %arg5[%dma_start3A_275, %dma_start3A_276] : memref<208x512xf32, #tpu.memory_space<vmem>> -> memref<104x512xf32, #tpu.memory_space<vmem>>
      %dma_start3A_278 = arith.constant 10752 : i32
      %dma_start3A_279 = tpu.memref_slice %arg3[%add3A_274, %dma_start3A_278] : memref<6592x16384xf32, #tpu.memory_space<hbm>> -> memref<104x512xf32, #tpu.memory_space<hbm>>
      %dma_start3A_280 = arith.constant 10752 : i32
      %dma_start3A_281 = tpu.memref_slice %arg3[%add3A_274, %dma_start3A_280] : memref<6592x16384xf32, #tpu.memory_space<hbm>> -> memref<104x512xf32, #tpu.memory_space<hbm>>
      %dma_start3A_282 = arith.constant 0 : i32
      %dma_start3A_283 = arith.constant 0 : i32
      %dma_start3A_284 = tpu.memref_slice %arg5[%dma_start3A_282, %dma_start3A_283] : memref<208x512xf32, #tpu.memory_space<vmem>> -> memref<104x512xf32, #tpu.memory_space<vmem>>
      tpu.enqueue_dma source(%dma_start3A_284 : memref<104x512xf32, #tpu.memory_space<vmem>>) target(%dma_start3A_281 : memref<104x512xf32, #tpu.memory_space<hbm>>) target_semaphore(%arg7 : memref<!tpu.dma_semaphore, #tpu.memory_space<semaphore_mem>>)
      %add3A_285 = arith.constant 0 : i32
      %add3A_286 = arith.addi %mul3A_2, %add3A_285 : i32
      %dma_start3A_287 = arith.constant 0 : i32
      %dma_start3A_288 = arith.constant 0 : i32
      %dma_start3A_289 = tpu.memref_slice %arg5[%dma_start3A_287, %dma_start3A_288] : memref<208x512xf32, #tpu.memory_space<vmem>> -> memref<104x512xf32, #tpu.memory_space<vmem>>
      %dma_start3A_290 = arith.constant 11264 : i32
      %dma_start3A_291 = tpu.memref_slice %arg3[%add3A_286, %dma_start3A_290] : memref<6592x16384xf32, #tpu.memory_space<hbm>> -> memref<104x512xf32, #tpu.memory_space<hbm>>
      %dma_start3A_292 = arith.constant 11264 : i32
      %dma_start3A_293 = tpu.memref_slice %arg3[%add3A_286, %dma_start3A_292] : memref<6592x16384xf32, #tpu.memory_space<hbm>> -> memref<104x512xf32, #tpu.memory_space<hbm>>
      %dma_start3A_294 = arith.constant 0 : i32
      %dma_start3A_295 = arith.constant 0 : i32
      %dma_start3A_296 = tpu.memref_slice %arg5[%dma_start3A_294, %dma_start3A_295] : memref<208x512xf32, #tpu.memory_space<vmem>> -> memref<104x512xf32, #tpu.memory_space<vmem>>
      tpu.enqueue_dma source(%dma_start3A_296 : memref<104x512xf32, #tpu.memory_space<vmem>>) target(%dma_start3A_293 : memref<104x512xf32, #tpu.memory_space<hbm>>) target_semaphore(%arg7 : memref<!tpu.dma_semaphore, #tpu.memory_space<semaphore_mem>>)
      %add3A_297 = arith.constant 0 : i32
      %add3A_298 = arith.addi %mul3A_2, %add3A_297 : i32
      %dma_start3A_299 = arith.constant 0 : i32
      %dma_start3A_300 = arith.constant 0 : i32
      %dma_start3A_301 = tpu.memref_slice %arg5[%dma_start3A_299, %dma_start3A_300] : memref<208x512xf32, #tpu.memory_space<vmem>> -> memref<104x512xf32, #tpu.memory_space<vmem>>
      %dma_start3A_302 = arith.constant 11776 : i32
      %dma_start3A_303 = tpu.memref_slice %arg3[%add3A_298, %dma_start3A_302] : memref<6592x16384xf32, #tpu.memory_space<hbm>> -> memref<104x512xf32, #tpu.memory_space<hbm>>
      %dma_start3A_304 = arith.constant 11776 : i32
      %dma_start3A_305 = tpu.memref_slice %arg3[%add3A_298, %dma_start3A_304] : memref<6592x16384xf32, #tpu.memory_space<hbm>> -> memref<104x512xf32, #tpu.memory_space<hbm>>
      %dma_start3A_306 = arith.constant 0 : i32
      %dma_start3A_307 = arith.constant 0 : i32
      %dma_start3A_308 = tpu.memref_slice %arg5[%dma_start3A_306, %dma_start3A_307] : memref<208x512xf32, #tpu.memory_space<vmem>> -> memref<104x512xf32, #tpu.memory_space<vmem>>
      tpu.enqueue_dma source(%dma_start3A_308 : memref<104x512xf32, #tpu.memory_space<vmem>>) target(%dma_start3A_305 : memref<104x512xf32, #tpu.memory_space<hbm>>) target_semaphore(%arg7 : memref<!tpu.dma_semaphore, #tpu.memory_space<semaphore_mem>>)
      %add3A_309 = arith.constant 0 : i32
      %add3A_310 = arith.addi %mul3A_2, %add3A_309 : i32
      %dma_start3A_311 = arith.constant 0 : i32
      %dma_start3A_312 = arith.constant 0 : i32
      %dma_start3A_313 = tpu.memref_slice %arg5[%dma_start3A_311, %dma_start3A_312] : memref<208x512xf32, #tpu.memory_space<vmem>> -> memref<104x512xf32, #tpu.memory_space<vmem>>
      %dma_start3A_314 = arith.constant 12288 : i32
      %dma_start3A_315 = tpu.memref_slice %arg3[%add3A_310, %dma_start3A_314] : memref<6592x16384xf32, #tpu.memory_space<hbm>> -> memref<104x512xf32, #tpu.memory_space<hbm>>
      %dma_start3A_316 = arith.constant 12288 : i32
      %dma_start3A_317 = tpu.memref_slice %arg3[%add3A_310, %dma_start3A_316] : memref<6592x16384xf32, #tpu.memory_space<hbm>> -> memref<104x512xf32, #tpu.memory_space<hbm>>
      %dma_start3A_318 = arith.constant 0 : i32
      %dma_start3A_319 = arith.constant 0 : i32
      %dma_start3A_320 = tpu.memref_slice %arg5[%dma_start3A_318, %dma_start3A_319] : memref<208x512xf32, #tpu.memory_space<vmem>> -> memref<104x512xf32, #tpu.memory_space<vmem>>
      tpu.enqueue_dma source(%dma_start3A_320 : memref<104x512xf32, #tpu.memory_space<vmem>>) target(%dma_start3A_317 : memref<104x512xf32, #tpu.memory_space<hbm>>) target_semaphore(%arg7 : memref<!tpu.dma_semaphore, #tpu.memory_space<semaphore_mem>>)
      %add3A_321 = arith.constant 0 : i32
      %add3A_322 = arith.addi %mul3A_2, %add3A_321 : i32
      %dma_start3A_323 = arith.constant 0 : i32
      %dma_start3A_324 = arith.constant 0 : i32
      %dma_start3A_325 = tpu.memref_slice %arg5[%dma_start3A_323, %dma_start3A_324] : memref<208x512xf32, #tpu.memory_space<vmem>> -> memref<104x512xf32, #tpu.memory_space<vmem>>
      %dma_start3A_326 = arith.constant 12800 : i32
      %dma_start3A_327 = tpu.memref_slice %arg3[%add3A_322, %dma_start3A_326] : memref<6592x16384xf32, #tpu.memory_space<hbm>> -> memref<104x512xf32, #tpu.memory_space<hbm>>
      %dma_start3A_328 = arith.constant 12800 : i32
      %dma_start3A_329 = tpu.memref_slice %arg3[%add3A_322, %dma_start3A_328] : memref<6592x16384xf32, #tpu.memory_space<hbm>> -> memref<104x512xf32, #tpu.memory_space<hbm>>
      %dma_start3A_330 = arith.constant 0 : i32
      %dma_start3A_331 = arith.constant 0 : i32
      %dma_start3A_332 = tpu.memref_slice %arg5[%dma_start3A_330, %dma_start3A_331] : memref<208x512xf32, #tpu.memory_space<vmem>> -> memref<104x512xf32, #tpu.memory_space<vmem>>
      tpu.enqueue_dma source(%dma_start3A_332 : memref<104x512xf32, #tpu.memory_space<vmem>>) target(%dma_start3A_329 : memref<104x512xf32, #tpu.memory_space<hbm>>) target_semaphore(%arg7 : memref<!tpu.dma_semaphore, #tpu.memory_space<semaphore_mem>>)
      %add3A_333 = arith.constant 0 : i32
      %add3A_334 = arith.addi %mul3A_2, %add3A_333 : i32
      %dma_start3A_335 = arith.constant 0 : i32
      %dma_start3A_336 = arith.constant 0 : i32
      %dma_start3A_337 = tpu.memref_slice %arg5[%dma_start3A_335, %dma_start3A_336] : memref<208x512xf32, #tpu.memory_space<vmem>> -> memref<104x512xf32, #tpu.memory_space<vmem>>
      %dma_start3A_338 = arith.constant 13312 : i32
      %dma_start3A_339 = tpu.memref_slice %arg3[%add3A_334, %dma_start3A_338] : memref<6592x16384xf32, #tpu.memory_space<hbm>> -> memref<104x512xf32, #tpu.memory_space<hbm>>
      %dma_start3A_340 = arith.constant 13312 : i32
      %dma_start3A_341 = tpu.memref_slice %arg3[%add3A_334, %dma_start3A_340] : memref<6592x16384xf32, #tpu.memory_space<hbm>> -> memref<104x512xf32, #tpu.memory_space<hbm>>
      %dma_start3A_342 = arith.constant 0 : i32
      %dma_start3A_343 = arith.constant 0 : i32
      %dma_start3A_344 = tpu.memref_slice %arg5[%dma_start3A_342, %dma_start3A_343] : memref<208x512xf32, #tpu.memory_space<vmem>> -> memref<104x512xf32, #tpu.memory_space<vmem>>
      tpu.enqueue_dma source(%dma_start3A_344 : memref<104x512xf32, #tpu.memory_space<vmem>>) target(%dma_start3A_341 : memref<104x512xf32, #tpu.memory_space<hbm>>) target_semaphore(%arg7 : memref<!tpu.dma_semaphore, #tpu.memory_space<semaphore_mem>>)
      %add3A_345 = arith.constant 0 : i32
      %add3A_346 = arith.addi %mul3A_2, %add3A_345 : i32
      %dma_start3A_347 = arith.constant 0 : i32
      %dma_start3A_348 = arith.constant 0 : i32
      %dma_start3A_349 = tpu.memref_slice %arg5[%dma_start3A_347, %dma_start3A_348] : memref<208x512xf32, #tpu.memory_space<vmem>> -> memref<104x512xf32, #tpu.memory_space<vmem>>
      %dma_start3A_350 = arith.constant 13824 : i32
      %dma_start3A_351 = tpu.memref_slice %arg3[%add3A_346, %dma_start3A_350] : memref<6592x16384xf32, #tpu.memory_space<hbm>> -> memref<104x512xf32, #tpu.memory_space<hbm>>
      %dma_start3A_352 = arith.constant 13824 : i32
      %dma_start3A_353 = tpu.memref_slice %arg3[%add3A_346, %dma_start3A_352] : memref<6592x16384xf32, #tpu.memory_space<hbm>> -> memref<104x512xf32, #tpu.memory_space<hbm>>
      %dma_start3A_354 = arith.constant 0 : i32
      %dma_start3A_355 = arith.constant 0 : i32
      %dma_start3A_356 = tpu.memref_slice %arg5[%dma_start3A_354, %dma_start3A_355] : memref<208x512xf32, #tpu.memory_space<vmem>> -> memref<104x512xf32, #tpu.memory_space<vmem>>
      tpu.enqueue_dma source(%dma_start3A_356 : memref<104x512xf32, #tpu.memory_space<vmem>>) target(%dma_start3A_353 : memref<104x512xf32, #tpu.memory_space<hbm>>) target_semaphore(%arg7 : memref<!tpu.dma_semaphore, #tpu.memory_space<semaphore_mem>>)
      %add3A_357 = arith.constant 0 : i32
      %add3A_358 = arith.addi %mul3A_2, %add3A_357 : i32
      %dma_start3A_359 = arith.constant 0 : i32
      %dma_start3A_360 = arith.constant 0 : i32
      %dma_start3A_361 = tpu.memref_slice %arg5[%dma_start3A_359, %dma_start3A_360] : memref<208x512xf32, #tpu.memory_space<vmem>> -> memref<104x512xf32, #tpu.memory_space<vmem>>
      %dma_start3A_362 = arith.constant 14336 : i32
      %dma_start3A_363 = tpu.memref_slice %arg3[%add3A_358, %dma_start3A_362] : memref<6592x16384xf32, #tpu.memory_space<hbm>> -> memref<104x512xf32, #tpu.memory_space<hbm>>
      %dma_start3A_364 = arith.constant 14336 : i32
      %dma_start3A_365 = tpu.memref_slice %arg3[%add3A_358, %dma_start3A_364] : memref<6592x16384xf32, #tpu.memory_space<hbm>> -> memref<104x512xf32, #tpu.memory_space<hbm>>
      %dma_start3A_366 = arith.constant 0 : i32
      %dma_start3A_367 = arith.constant 0 : i32
      %dma_start3A_368 = tpu.memref_slice %arg5[%dma_start3A_366, %dma_start3A_367] : memref<208x512xf32, #tpu.memory_space<vmem>> -> memref<104x512xf32, #tpu.memory_space<vmem>>
      tpu.enqueue_dma source(%dma_start3A_368 : memref<104x512xf32, #tpu.memory_space<vmem>>) target(%dma_start3A_365 : memref<104x512xf32, #tpu.memory_space<hbm>>) target_semaphore(%arg7 : memref<!tpu.dma_semaphore, #tpu.memory_space<semaphore_mem>>)
      %add3A_369 = arith.constant 0 : i32
      %add3A_370 = arith.addi %mul3A_2, %add3A_369 : i32
      %dma_start3A_371 = arith.constant 0 : i32
      %dma_start3A_372 = arith.constant 0 : i32
      %dma_start3A_373 = tpu.memref_slice %arg5[%dma_start3A_371, %dma_start3A_372] : memref<208x512xf32, #tpu.memory_space<vmem>> -> memref<104x512xf32, #tpu.memory_space<vmem>>
      %dma_start3A_374 = arith.constant 14848 : i32
      %dma_start3A_375 = tpu.memref_slice %arg3[%add3A_370, %dma_start3A_374] : memref<6592x16384xf32, #tpu.memory_space<hbm>> -> memref<104x512xf32, #tpu.memory_space<hbm>>
      %dma_start3A_376 = arith.constant 14848 : i32
      %dma_start3A_377 = tpu.memref_slice %arg3[%add3A_370, %dma_start3A_376] : memref<6592x16384xf32, #tpu.memory_space<hbm>> -> memref<104x512xf32, #tpu.memory_space<hbm>>
      %dma_start3A_378 = arith.constant 0 : i32
      %dma_start3A_379 = arith.constant 0 : i32
      %dma_start3A_380 = tpu.memref_slice %arg5[%dma_start3A_378, %dma_start3A_379] : memref<208x512xf32, #tpu.memory_space<vmem>> -> memref<104x512xf32, #tpu.memory_space<vmem>>
      tpu.enqueue_dma source(%dma_start3A_380 : memref<104x512xf32, #tpu.memory_space<vmem>>) target(%dma_start3A_377 : memref<104x512xf32, #tpu.memory_space<hbm>>) target_semaphore(%arg7 : memref<!tpu.dma_semaphore, #tpu.memory_space<semaphore_mem>>)
      %add3A_381 = arith.constant 0 : i32
      %add3A_382 = arith.addi %mul3A_2, %add3A_381 : i32
      %dma_start3A_383 = arith.constant 0 : i32
      %dma_start3A_384 = arith.constant 0 : i32
      %dma_start3A_385 = tpu.memref_slice %arg5[%dma_start3A_383, %dma_start3A_384] : memref<208x512xf32, #tpu.memory_space<vmem>> -> memref<104x512xf32, #tpu.memory_space<vmem>>
      %dma_start3A_386 = arith.constant 15360 : i32
      %dma_start3A_387 = tpu.memref_slice %arg3[%add3A_382, %dma_start3A_386] : memref<6592x16384xf32, #tpu.memory_space<hbm>> -> memref<104x512xf32, #tpu.memory_space<hbm>>
      %dma_start3A_388 = arith.constant 15360 : i32
      %dma_start3A_389 = tpu.memref_slice %arg3[%add3A_382, %dma_start3A_388] : memref<6592x16384xf32, #tpu.memory_space<hbm>> -> memref<104x512xf32, #tpu.memory_space<hbm>>
      %dma_start3A_390 = arith.constant 0 : i32
      %dma_start3A_391 = arith.constant 0 : i32
      %dma_start3A_392 = tpu.memref_slice %arg5[%dma_start3A_390, %dma_start3A_391] : memref<208x512xf32, #tpu.memory_space<vmem>> -> memref<104x512xf32, #tpu.memory_space<vmem>>
      tpu.enqueue_dma source(%dma_start3A_392 : memref<104x512xf32, #tpu.memory_space<vmem>>) target(%dma_start3A_389 : memref<104x512xf32, #tpu.memory_space<hbm>>) target_semaphore(%arg7 : memref<!tpu.dma_semaphore, #tpu.memory_space<semaphore_mem>>)
      %add3A_393 = arith.constant 0 : i32
      %add3A_394 = arith.addi %mul3A_2, %add3A_393 : i32
      %dma_start3A_395 = arith.constant 0 : i32
      %dma_start3A_396 = arith.constant 0 : i32
      %dma_start3A_397 = tpu.memref_slice %arg5[%dma_start3A_395, %dma_start3A_396] : memref<208x512xf32, #tpu.memory_space<vmem>> -> memref<104x512xf32, #tpu.memory_space<vmem>>
      %dma_start3A_398 = arith.constant 15872 : i32
      %dma_start3A_399 = tpu.memref_slice %arg3[%add3A_394, %dma_start3A_398] : memref<6592x16384xf32, #tpu.memory_space<hbm>> -> memref<104x512xf32, #tpu.memory_space<hbm>>
      %dma_start3A_400 = arith.constant 15872 : i32
      %dma_start3A_401 = tpu.memref_slice %arg3[%add3A_394, %dma_start3A_400] : memref<6592x16384xf32, #tpu.memory_space<hbm>> -> memref<104x512xf32, #tpu.memory_space<hbm>>
      %dma_start3A_402 = arith.constant 0 : i32
      %dma_start3A_403 = arith.constant 0 : i32
      %dma_start3A_404 = tpu.memref_slice %arg5[%dma_start3A_402, %dma_start3A_403] : memref<208x512xf32, #tpu.memory_space<vmem>> -> memref<104x512xf32, #tpu.memory_space<vmem>>
      tpu.enqueue_dma source(%dma_start3A_404 : memref<104x512xf32, #tpu.memory_space<vmem>>) target(%dma_start3A_401 : memref<104x512xf32, #tpu.memory_space<hbm>>) target_semaphore(%arg7 : memref<!tpu.dma_semaphore, #tpu.memory_space<semaphore_mem>>)
      %scan3A_405 = arith.constant 0 : i32
      %scan3A_406 = arith.constant 104 : i32
      %scan3A_407 = arith.constant 104 : i32
      %scan3A_408 = arith.addi %scan3A_406, %scan3A_407 : i32
      %scan3A_409 = arith.constant 1 : i32
      %scan3A_410 = scf.for %scan3A_1436 = %scan3A_406 to %scan3A_408 step %scan3A_409 iter_args(%scan3A_1437 = %scan3A_405) -> (i32)  : i32 {
        %add3A_1438 = arith.addi %mul3A_2, %scan3A_1436 : i32
        %get3A = arith.index_cast %add3A_1438 : i32 to index
        %get3A_1439 = tpu.vector_load %arg4[%get3A] {strides = array<i32>} : memref<6672xf32, #tpu.memory_space<vmem>>, vector<16xf32>,
        %get3A_1440 = vector.shape_cast %get3A_1439 : vector<16xf32> to vector<16xf32>
        %slice3A = vector.extract_strided_slice %get3A_1440 {offsets = [0], sizes = [1], strides = [1]} : vector<16xf32> to vector<1xf32>
        %squeeze3A = vector.extract %slice3A[0] : f32 from vector<1xf32>
        %broadcast_in_dim3A = vector.broadcast %squeeze3A : f32 to vector<16xf32>
        %swap3A = arith.index_cast %scan3A_1436 : i32 to index
        %swap3A_1441 = arith.constant 0 : index
        %swap3A_1442 = tpu.vector_load %arg5[%swap3A, %swap3A_1441] {strides = array<i32>} : memref<208x512xf32, #tpu.memory_space<vmem>>, vector<1x16xf32>,
        %swap3A_1443 = vector.shape_cast %swap3A_1442 : vector<1x16xf32> to vector<16xf32>
        %swap3A_1444 = vector.shape_cast %broadcast_in_dim3A : vector<16xf32> to vector<1x16xf32>
        tpu.vector_store %arg5[%swap3A, %swap3A_1441], %swap3A_1444 {strides = array<i32>} : memref<208x512xf32, #tpu.memory_space<vmem>>, vector<1x16xf32>,
        %swap3A_1445 = arith.index_cast %scan3A_1436 : i32 to index
        %swap3A_1446 = arith.constant 16 : index
        %swap3A_1447 = tpu.vector_load %arg5[%swap3A_1445, %swap3A_1446] {strides = array<i32>} : memref<208x512xf32, #tpu.memory_space<vmem>>, vector<1x16xf32>,
        %swap3A_1448 = vector.shape_cast %swap3A_1447 : vector<1x16xf32> to vector<16xf32>
        %swap3A_1449 = vector.shape_cast %broadcast_in_dim3A : vector<16xf32> to vector<1x16xf32>
        tpu.vector_store %arg5[%swap3A_1445, %swap3A_1446], %swap3A_1449 {strides = array<i32>} : memref<208x512xf32, #tpu.memory_space<vmem>>, vector<1x16xf32>,
        %swap3A_1450 = arith.index_cast %scan3A_1436 : i32 to index
        %swap3A_1451 = arith.constant 32 : index
        %swap3A_1452 = tpu.vector_load %arg5[%swap3A_1450, %swap3A_1451] {strides = array<i32>} : memref<208x512xf32, #tpu.memory_space<vmem>>, vector<1x16xf32>,
        %swap3A_1453 = vector.shape_cast %swap3A_1452 : vector<1x16xf32> to vector<16xf32>
        %swap3A_1454 = vector.shape_cast %broadcast_in_dim3A : vector<16xf32> to vector<1x16xf32>
        tpu.vector_store %arg5[%swap3A_1450, %swap3A_1451], %swap3A_1454 {strides = array<i32>} : memref<208x512xf32, #tpu.memory_space<vmem>>, vector<1x16xf32>,
        %swap3A_1455 = arith.index_cast %scan3A_1436 : i32 to index
        %swap3A_1456 = arith.constant 48 : index
        %swap3A_1457 = tpu.vector_load %arg5[%swap3A_1455, %swap3A_1456] {strides = array<i32>} : memref<208x512xf32, #tpu.memory_space<vmem>>, vector<1x16xf32>,
        %swap3A_1458 = vector.shape_cast %swap3A_1457 : vector<1x16xf32> to vector<16xf32>
        %swap3A_1459 = vector.shape_cast %broadcast_in_dim3A : vector<16xf32> to vector<1x16xf32>
        tpu.vector_store %arg5[%swap3A_1455, %swap3A_1456], %swap3A_1459 {strides = array<i32>} : memref<208x512xf32, #tpu.memory_space<vmem>>, vector<1x16xf32>,
        %swap3A_1460 = arith.index_cast %scan3A_1436 : i32 to index
        %swap3A_1461 = arith.constant 64 : index
        %swap3A_1462 = tpu.vector_load %arg5[%swap3A_1460, %swap3A_1461] {strides = array<i32>} : memref<208x512xf32, #tpu.memory_space<vmem>>, vector<1x16xf32>,
        %swap3A_1463 = vector.shape_cast %swap3A_1462 : vector<1x16xf32> to vector<16xf32>
        %swap3A_1464 = vector.shape_cast %broadcast_in_dim3A : vector<16xf32> to vector<1x16xf32>
        tpu.vector_store %arg5[%swap3A_1460, %swap3A_1461], %swap3A_1464 {strides = array<i32>} : memref<208x512xf32, #tpu.memory_space<vmem>>, vector<1x16xf32>,
        %swap3A_1465 = arith.index_cast %scan3A_1436 : i32 to index
        %swap3A_1466 = arith.constant 80 : index
        %swap3A_1467 = tpu.vector_load %arg5[%swap3A_1465, %swap3A_1466] {strides = array<i32>} : memref<208x512xf32, #tpu.memory_space<vmem>>, vector<1x16xf32>,
        %swap3A_1468 = vector.shape_cast %swap3A_1467 : vector<1x16xf32> to vector<16xf32>
        %swap3A_1469 = vector.shape_cast %broadcast_in_dim3A : vector<16xf32> to vector<1x16xf32>
        tpu.vector_store %arg5[%swap3A_1465, %swap3A_1466], %swap3A_1469 {strides = array<i32>} : memref<208x512xf32, #tpu.memory_space<vmem>>, vector<1x16xf32>,
        %swap3A_1470 = arith.index_cast %scan3A_1436 : i32 to index
        %swap3A_1471 = arith.constant 96 : index
        %swap3A_1472 = tpu.vector_load %arg5[%swap3A_1470, %swap3A_1471] {strides = array<i32>} : memref<208x512xf32, #tpu.memory_space<vmem>>, vector<1x16xf32>,
        %swap3A_1473 = vector.shape_cast %swap3A_1472 : vector<1x16xf32> to vector<16xf32>
        %swap3A_1474 = vector.shape_cast %broadcast_in_dim3A : vector<16xf32> to vector<1x16xf32>
        tpu.vector_store %arg5[%swap3A_1470, %swap3A_1471], %swap3A_1474 {strides = array<i32>} : memref<208x512xf32, #tpu.memory_space<vmem>>, vector<1x16xf32>,
        %swap3A_1475 = arith.index_cast %scan3A_1436 : i32 to index
        %swap3A_1476 = arith.constant 112 : index
        %swap3A_1477 = tpu.vector_load %arg5[%swap3A_1475, %swap3A_1476] {strides = array<i32>} : memref<208x512xf32, #tpu.memory_space<vmem>>, vector<1x16xf32>,
        %swap3A_1478 = vector.shape_cast %swap3A_1477 : vector<1x16xf32> to vector<16xf32>
        %swap3A_1479 = vector.shape_cast %broadcast_in_dim3A : vector<16xf32> to vector<1x16xf32>
        tpu.vector_store %arg5[%swap3A_1475, %swap3A_1476], %swap3A_1479 {strides = array<i32>} : memref<208x512xf32, #tpu.memory_space<vmem>>, vector<1x16xf32>,
        %swap3A_1480 = arith.index_cast %scan3A_1436 : i32 to index
        %swap3A_1481 = arith.constant 128 : index
        %swap3A_1482 = tpu.vector_load %arg5[%swap3A_1480, %swap3A_1481] {strides = array<i32>} : memref<208x512xf32, #tpu.memory_space<vmem>>, vector<1x16xf32>,
        %swap3A_1483 = vector.shape_cast %swap3A_1482 : vector<1x16xf32> to vector<16xf32>
        %swap3A_1484 = vector.shape_cast %broadcast_in_dim3A : vector<16xf32> to vector<1x16xf32>
        tpu.vector_store %arg5[%swap3A_1480, %swap3A_1481], %swap3A_1484 {strides = array<i32>} : memref<208x512xf32, #tpu.memory_space<vmem>>, vector<1x16xf32>,
        %swap3A_1485 = arith.index_cast %scan3A_1436 : i32 to index
        %swap3A_1486 = arith.constant 144 : index
        %swap3A_1487 = tpu.vector_load %arg5[%swap3A_1485, %swap3A_1486] {strides = array<i32>} : memref<208x512xf32, #tpu.memory_space<vmem>>, vector<1x16xf32>,
        %swap3A_1488 = vector.shape_cast %swap3A_1487 : vector<1x16xf32> to vector<16xf32>
        %swap3A_1489 = vector.shape_cast %broadcast_in_dim3A : vector<16xf32> to vector<1x16xf32>
        tpu.vector_store %arg5[%swap3A_1485, %swap3A_1486], %swap3A_1489 {strides = array<i32>} : memref<208x512xf32, #tpu.memory_space<vmem>>, vector<1x16xf32>,
        %swap3A_1490 = arith.index_cast %scan3A_1436 : i32 to index
        %swap3A_1491 = arith.constant 160 : index
        %swap3A_1492 = tpu.vector_load %arg5[%swap3A_1490, %swap3A_1491] {strides = array<i32>} : memref<208x512xf32, #tpu.memory_space<vmem>>, vector<1x16xf32>,
        %swap3A_1493 = vector.shape_cast %swap3A_1492 : vector<1x16xf32> to vector<16xf32>
        %swap3A_1494 = vector.shape_cast %broadcast_in_dim3A : vector<16xf32> to vector<1x16xf32>
        tpu.vector_store %arg5[%swap3A_1490, %swap3A_1491], %swap3A_1494 {strides = array<i32>} : memref<208x512xf32, #tpu.memory_space<vmem>>, vector<1x16xf32>,
        %swap3A_1495 = arith.index_cast %scan3A_1436 : i32 to index
        %swap3A_1496 = arith.constant 176 : index
        %swap3A_1497 = tpu.vector_load %arg5[%swap3A_1495, %swap3A_1496] {strides = array<i32>} : memref<208x512xf32, #tpu.memory_space<vmem>>, vector<1x16xf32>,
        %swap3A_1498 = vector.shape_cast %swap3A_1497 : vector<1x16xf32> to vector<16xf32>
        %swap3A_1499 = vector.shape_cast %broadcast_in_dim3A : vector<16xf32> to vector<1x16xf32>
        tpu.vector_store %arg5[%swap3A_1495, %swap3A_1496], %swap3A_1499 {strides = array<i32>} : memref<208x512xf32, #tpu.memory_space<vmem>>, vector<1x16xf32>,
        %swap3A_1500 = arith.index_cast %scan3A_1436 : i32 to index
        %swap3A_1501 = arith.constant 192 : index
        %swap3A_1502 = tpu.vector_load %arg5[%swap3A_1500, %swap3A_1501] {strides = array<i32>} : memref<208x512xf32, #tpu.memory_space<vmem>>, vector<1x16xf32>,
        %swap3A_1503 = vector.shape_cast %swap3A_1502 : vector<1x16xf32> to vector<16xf32>
        %swap3A_1504 = vector.shape_cast %broadcast_in_dim3A : vector<16xf32> to vector<1x16xf32>
        tpu.vector_store %arg5[%swap3A_1500, %swap3A_1501], %swap3A_1504 {strides = array<i32>} : memref<208x512xf32, #tpu.memory_space<vmem>>, vector<1x16xf32>,
        %swap3A_1505 = arith.index_cast %scan3A_1436 : i32 to index
        %swap3A_1506 = arith.constant 208 : index
        %swap3A_1507 = tpu.vector_load %arg5[%swap3A_1505, %swap3A_1506] {strides = array<i32>} : memref<208x512xf32, #tpu.memory_space<vmem>>, vector<1x16xf32>,
        %swap3A_1508 = vector.shape_cast %swap3A_1507 : vector<1x16xf32> to vector<16xf32>
        %swap3A_1509 = vector.shape_cast %broadcast_in_dim3A : vector<16xf32> to vector<1x16xf32>
        tpu.vector_store %arg5[%swap3A_1505, %swap3A_1506], %swap3A_1509 {strides = array<i32>} : memref<208x512xf32, #tpu.memory_space<vmem>>, vector<1x16xf32>,
        %swap3A_1510 = arith.index_cast %scan3A_1436 : i32 to index
        %swap3A_1511 = arith.constant 224 : index
        %swap3A_1512 = tpu.vector_load %arg5[%swap3A_1510, %swap3A_1511] {strides = array<i32>} : memref<208x512xf32, #tpu.memory_space<vmem>>, vector<1x16xf32>,
        %swap3A_1513 = vector.shape_cast %swap3A_1512 : vector<1x16xf32> to vector<16xf32>
        %swap3A_1514 = vector.shape_cast %broadcast_in_dim3A : vector<16xf32> to vector<1x16xf32>
        tpu.vector_store %arg5[%swap3A_1510, %swap3A_1511], %swap3A_1514 {strides = array<i32>} : memref<208x512xf32, #tpu.memory_space<vmem>>, vector<1x16xf32>,
        %swap3A_1515 = arith.index_cast %scan3A_1436 : i32 to index
        %swap3A_1516 = arith.constant 240 : index
        %swap3A_1517 = tpu.vector_load %arg5[%swap3A_1515, %swap3A_1516] {strides = array<i32>} : memref<208x512xf32, #tpu.memory_space<vmem>>, vector<1x16xf32>,
        %swap3A_1518 = vector.shape_cast %swap3A_1517 : vector<1x16xf32> to vector<16xf32>
        %swap3A_1519 = vector.shape_cast %broadcast_in_dim3A : vector<16xf32> to vector<1x16xf32>
        tpu.vector_store %arg5[%swap3A_1515, %swap3A_1516], %swap3A_1519 {strides = array<i32>} : memref<208x512xf32, #tpu.memory_space<vmem>>, vector<1x16xf32>,
        %swap3A_1520 = arith.index_cast %scan3A_1436 : i32 to index
        %swap3A_1521 = arith.constant 256 : index
        %swap3A_1522 = tpu.vector_load %arg5[%swap3A_1520, %swap3A_1521] {strides = array<i32>} : memref<208x512xf32, #tpu.memory_space<vmem>>, vector<1x16xf32>,
        %swap3A_1523 = vector.shape_cast %swap3A_1522 : vector<1x16xf32> to vector<16xf32>
        %swap3A_1524 = vector.shape_cast %broadcast_in_dim3A : vector<16xf32> to vector<1x16xf32>
        tpu.vector_store %arg5[%swap3A_1520, %swap3A_1521], %swap3A_1524 {strides = array<i32>} : memref<208x512xf32, #tpu.memory_space<vmem>>, vector<1x16xf32>,
        %swap3A_1525 = arith.index_cast %scan3A_1436 : i32 to index
        %swap3A_1526 = arith.constant 272 : index
        %swap3A_1527 = tpu.vector_load %arg5[%swap3A_1525, %swap3A_1526] {strides = array<i32>} : memref<208x512xf32, #tpu.memory_space<vmem>>, vector<1x16xf32>,
        %swap3A_1528 = vector.shape_cast %swap3A_1527 : vector<1x16xf32> to vector<16xf32>
        %swap3A_1529 = vector.shape_cast %broadcast_in_dim3A : vector<16xf32> to vector<1x16xf32>
        tpu.vector_store %arg5[%swap3A_1525, %swap3A_1526], %swap3A_1529 {strides = array<i32>} : memref<208x512xf32, #tpu.memory_space<vmem>>, vector<1x16xf32>,
        %swap3A_1530 = arith.index_cast %scan3A_1436 : i32 to index
        %swap3A_1531 = arith.constant 288 : index
        %swap3A_1532 = tpu.vector_load %arg5[%swap3A_1530, %swap3A_1531] {strides = array<i32>} : memref<208x512xf32, #tpu.memory_space<vmem>>, vector<1x16xf32>,
        %swap3A_1533 = vector.shape_cast %swap3A_1532 : vector<1x16xf32> to vector<16xf32>
        %swap3A_1534 = vector.shape_cast %broadcast_in_dim3A : vector<16xf32> to vector<1x16xf32>
        tpu.vector_store %arg5[%swap3A_1530, %swap3A_1531], %swap3A_1534 {strides = array<i32>} : memref<208x512xf32, #tpu.memory_space<vmem>>, vector<1x16xf32>,
        %swap3A_1535 = arith.index_cast %scan3A_1436 : i32 to index
        %swap3A_1536 = arith.constant 304 : index
        %swap3A_1537 = tpu.vector_load %arg5[%swap3A_1535, %swap3A_1536] {strides = array<i32>} : memref<208x512xf32, #tpu.memory_space<vmem>>, vector<1x16xf32>,
        %swap3A_1538 = vector.shape_cast %swap3A_1537 : vector<1x16xf32> to vector<16xf32>
        %swap3A_1539 = vector.shape_cast %broadcast_in_dim3A : vector<16xf32> to vector<1x16xf32>
        tpu.vector_store %arg5[%swap3A_1535, %swap3A_1536], %swap3A_1539 {strides = array<i32>} : memref<208x512xf32, #tpu.memory_space<vmem>>, vector<1x16xf32>,
        %swap3A_1540 = arith.index_cast %scan3A_1436 : i32 to index
        %swap3A_1541 = arith.constant 320 : index
        %swap3A_1542 = tpu.vector_load %arg5[%swap3A_1540, %swap3A_1541] {strides = array<i32>} : memref<208x512xf32, #tpu.memory_space<vmem>>, vector<1x16xf32>,
        %swap3A_1543 = vector.shape_cast %swap3A_1542 : vector<1x16xf32> to vector<16xf32>
        %swap3A_1544 = vector.shape_cast %broadcast_in_dim3A : vector<16xf32> to vector<1x16xf32>
        tpu.vector_store %arg5[%swap3A_1540, %swap3A_1541], %swap3A_1544 {strides = array<i32>} : memref<208x512xf32, #tpu.memory_space<vmem>>, vector<1x16xf32>,
        %swap3A_1545 = arith.index_cast %scan3A_1436 : i32 to index
        %swap3A_1546 = arith.constant 336 : index
        %swap3A_1547 = tpu.vector_load %arg5[%swap3A_1545, %swap3A_1546] {strides = array<i32>} : memref<208x512xf32, #tpu.memory_space<vmem>>, vector<1x16xf32>,
        %swap3A_1548 = vector.shape_cast %swap3A_1547 : vector<1x16xf32> to vector<16xf32>
        %swap3A_1549 = vector.shape_cast %broadcast_in_dim3A : vector<16xf32> to vector<1x16xf32>
        tpu.vector_store %arg5[%swap3A_1545, %swap3A_1546], %swap3A_1549 {strides = array<i32>} : memref<208x512xf32, #tpu.memory_space<vmem>>, vector<1x16xf32>,
        %swap3A_1550 = arith.index_cast %scan3A_1436 : i32 to index
        %swap3A_1551 = arith.constant 352 : index
        %swap3A_1552 = tpu.vector_load %arg5[%swap3A_1550, %swap3A_1551] {strides = array<i32>} : memref<208x512xf32, #tpu.memory_space<vmem>>, vector<1x16xf32>,
        %swap3A_1553 = vector.shape_cast %swap3A_1552 : vector<1x16xf32> to vector<16xf32>
        %swap3A_1554 = vector.shape_cast %broadcast_in_dim3A : vector<16xf32> to vector<1x16xf32>
        tpu.vector_store %arg5[%swap3A_1550, %swap3A_1551], %swap3A_1554 {strides = array<i32>} : memref<208x512xf32, #tpu.memory_space<vmem>>, vector<1x16xf32>,
        %swap3A_1555 = arith.index_cast %scan3A_1436 : i32 to index
        %swap3A_1556 = arith.constant 368 : index
        %swap3A_1557 = tpu.vector_load %arg5[%swap3A_1555, %swap3A_1556] {strides = array<i32>} : memref<208x512xf32, #tpu.memory_space<vmem>>, vector<1x16xf32>,
        %swap3A_1558 = vector.shape_cast %swap3A_1557 : vector<1x16xf32> to vector<16xf32>
        %swap3A_1559 = vector.shape_cast %broadcast_in_dim3A : vector<16xf32> to vector<1x16xf32>
        tpu.vector_store %arg5[%swap3A_1555, %swap3A_1556], %swap3A_1559 {strides = array<i32>} : memref<208x512xf32, #tpu.memory_space<vmem>>, vector<1x16xf32>,
        %swap3A_1560 = arith.index_cast %scan3A_1436 : i32 to index
        %swap3A_1561 = arith.constant 384 : index
        %swap3A_1562 = tpu.vector_load %arg5[%swap3A_1560, %swap3A_1561] {strides = array<i32>} : memref<208x512xf32, #tpu.memory_space<vmem>>, vector<1x16xf32>,
        %swap3A_1563 = vector.shape_cast %swap3A_1562 : vector<1x16xf32> to vector<16xf32>
        %swap3A_1564 = vector.shape_cast %broadcast_in_dim3A : vector<16xf32> to vector<1x16xf32>
        tpu.vector_store %arg5[%swap3A_1560, %swap3A_1561], %swap3A_1564 {strides = array<i32>} : memref<208x512xf32, #tpu.memory_space<vmem>>, vector<1x16xf32>,
        %swap3A_1565 = arith.index_cast %scan3A_1436 : i32 to index
        %swap3A_1566 = arith.constant 400 : index
        %swap3A_1567 = tpu.vector_load %arg5[%swap3A_1565, %swap3A_1566] {strides = array<i32>} : memref<208x512xf32, #tpu.memory_space<vmem>>, vector<1x16xf32>,
        %swap3A_1568 = vector.shape_cast %swap3A_1567 : vector<1x16xf32> to vector<16xf32>
        %swap3A_1569 = vector.shape_cast %broadcast_in_dim3A : vector<16xf32> to vector<1x16xf32>
        tpu.vector_store %arg5[%swap3A_1565, %swap3A_1566], %swap3A_1569 {strides = array<i32>} : memref<208x512xf32, #tpu.memory_space<vmem>>, vector<1x16xf32>,
        %swap3A_1570 = arith.index_cast %scan3A_1436 : i32 to index
        %swap3A_1571 = arith.constant 416 : index
        %swap3A_1572 = tpu.vector_load %arg5[%swap3A_1570, %swap3A_1571] {strides = array<i32>} : memref<208x512xf32, #tpu.memory_space<vmem>>, vector<1x16xf32>,
        %swap3A_1573 = vector.shape_cast %swap3A_1572 : vector<1x16xf32> to vector<16xf32>
        %swap3A_1574 = vector.shape_cast %broadcast_in_dim3A : vector<16xf32> to vector<1x16xf32>
        tpu.vector_store %arg5[%swap3A_1570, %swap3A_1571], %swap3A_1574 {strides = array<i32>} : memref<208x512xf32, #tpu.memory_space<vmem>>, vector<1x16xf32>,
        %swap3A_1575 = arith.index_cast %scan3A_1436 : i32 to index
        %swap3A_1576 = arith.constant 432 : index
        %swap3A_1577 = tpu.vector_load %arg5[%swap3A_1575, %swap3A_1576] {strides = array<i32>} : memref<208x512xf32, #tpu.memory_space<vmem>>, vector<1x16xf32>,
        %swap3A_1578 = vector.shape_cast %swap3A_1577 : vector<1x16xf32> to vector<16xf32>
        %swap3A_1579 = vector.shape_cast %broadcast_in_dim3A : vector<16xf32> to vector<1x16xf32>
        tpu.vector_store %arg5[%swap3A_1575, %swap3A_1576], %swap3A_1579 {strides = array<i32>} : memref<208x512xf32, #tpu.memory_space<vmem>>, vector<1x16xf32>,
        %swap3A_1580 = arith.index_cast %scan3A_1436 : i32 to index
        %swap3A_1581 = arith.constant 448 : index
        %swap3A_1582 = tpu.vector_load %arg5[%swap3A_1580, %swap3A_1581] {strides = array<i32>} : memref<208x512xf32, #tpu.memory_space<vmem>>, vector<1x16xf32>,
        %swap3A_1583 = vector.shape_cast %swap3A_1582 : vector<1x16xf32> to vector<16xf32>
        %swap3A_1584 = vector.shape_cast %broadcast_in_dim3A : vector<16xf32> to vector<1x16xf32>
        tpu.vector_store %arg5[%swap3A_1580, %swap3A_1581], %swap3A_1584 {strides = array<i32>} : memref<208x512xf32, #tpu.memory_space<vmem>>, vector<1x16xf32>,
        %swap3A_1585 = arith.index_cast %scan3A_1436 : i32 to index
        %swap3A_1586 = arith.constant 464 : index
        %swap3A_1587 = tpu.vector_load %arg5[%swap3A_1585, %swap3A_1586] {strides = array<i32>} : memref<208x512xf32, #tpu.memory_space<vmem>>, vector<1x16xf32>,
        %swap3A_1588 = vector.shape_cast %swap3A_1587 : vector<1x16xf32> to vector<16xf32>
        %swap3A_1589 = vector.shape_cast %broadcast_in_dim3A : vector<16xf32> to vector<1x16xf32>
        tpu.vector_store %arg5[%swap3A_1585, %swap3A_1586], %swap3A_1589 {strides = array<i32>} : memref<208x512xf32, #tpu.memory_space<vmem>>, vector<1x16xf32>,
        %swap3A_1590 = arith.index_cast %scan3A_1436 : i32 to index
        %swap3A_1591 = arith.constant 480 : index
        %swap3A_1592 = tpu.vector_load %arg5[%swap3A_1590, %swap3A_1591] {strides = array<i32>} : memref<208x512xf32, #tpu.memory_space<vmem>>, vector<1x16xf32>,
        %swap3A_1593 = vector.shape_cast %swap3A_1592 : vector<1x16xf32> to vector<16xf32>
        %swap3A_1594 = vector.shape_cast %broadcast_in_dim3A : vector<16xf32> to vector<1x16xf32>
        tpu.vector_store %arg5[%swap3A_1590, %swap3A_1591], %swap3A_1594 {strides = array<i32>} : memref<208x512xf32, #tpu.memory_space<vmem>>, vector<1x16xf32>,
        %swap3A_1595 = arith.index_cast %scan3A_1436 : i32 to index
        %swap3A_1596 = arith.constant 496 : index
        %swap3A_1597 = tpu.vector_load %arg5[%swap3A_1595, %swap3A_1596] {strides = array<i32>} : memref<208x512xf32, #tpu.memory_space<vmem>>, vector<1x16xf32>,
        %swap3A_1598 = vector.shape_cast %swap3A_1597 : vector<1x16xf32> to vector<16xf32>
        %swap3A_1599 = vector.shape_cast %broadcast_in_dim3A : vector<16xf32> to vector<1x16xf32>
        tpu.vector_store %arg5[%swap3A_1595, %swap3A_1596], %swap3A_1599 {strides = array<i32>} : memref<208x512xf32, #tpu.memory_space<vmem>>, vector<1x16xf32>,
        %scan3A_1600 = arith.constant 0 : i32
        scf.yield %scan3A_1600 : i32
      }
      %scan3A_411 = arith.constant 104 : i32
      %add3A_412 = arith.constant 104 : i32
      %add3A_413 = arith.addi %mul3A_2, %add3A_412 : i32
      %dma_start3A_414 = arith.constant 104 : i32
      %dma_start3A_415 = arith.constant 0 : i32
      %dma_start3A_416 = tpu.memref_slice %arg5[%dma_start3A_414, %dma_start3A_415] : memref<208x512xf32, #tpu.memory_space<vmem>> -> memref<104x512xf32, #tpu.memory_space<vmem>>
      %dma_start3A_417 = arith.constant 0 : i32
      %dma_start3A_418 = tpu.memref_slice %arg3[%add3A_413, %dma_start3A_417] : memref<6592x16384xf32, #tpu.memory_space<hbm>> -> memref<104x512xf32, #tpu.memory_space<hbm>>
      %dma_start3A_419 = arith.constant 0 : i32
      %dma_start3A_420 = tpu.memref_slice %arg3[%add3A_413, %dma_start3A_419] : memref<6592x16384xf32, #tpu.memory_space<hbm>> -> memref<104x512xf32, #tpu.memory_space<hbm>>
      %dma_start3A_421 = arith.constant 104 : i32
      %dma_start3A_422 = arith.constant 0 : i32
      %dma_start3A_423 = tpu.memref_slice %arg5[%dma_start3A_421, %dma_start3A_422] : memref<208x512xf32, #tpu.memory_space<vmem>> -> memref<104x512xf32, #tpu.memory_space<vmem>>
      tpu.enqueue_dma source(%dma_start3A_423 : memref<104x512xf32, #tpu.memory_space<vmem>>) target(%dma_start3A_420 : memref<104x512xf32, #tpu.memory_space<hbm>>) target_semaphore(%arg7 : memref<!tpu.dma_semaphore, #tpu.memory_space<semaphore_mem>>)
      %add3A_424 = arith.constant 104 : i32
      %add3A_425 = arith.addi %mul3A_2, %add3A_424 : i32
      %dma_start3A_426 = arith.constant 104 : i32
      %dma_start3A_427 = arith.constant 0 : i32
      %dma_start3A_428 = tpu.memref_slice %arg5[%dma_start3A_426, %dma_start3A_427] : memref<208x512xf32, #tpu.memory_space<vmem>> -> memref<104x512xf32, #tpu.memory_space<vmem>>
      %dma_start3A_429 = arith.constant 512 : i32
      %dma_start3A_430 = tpu.memref_slice %arg3[%add3A_425, %dma_start3A_429] : memref<6592x16384xf32, #tpu.memory_space<hbm>> -> memref<104x512xf32, #tpu.memory_space<hbm>>
      %dma_start3A_431 = arith.constant 512 : i32
      %dma_start3A_432 = tpu.memref_slice %arg3[%add3A_425, %dma_start3A_431] : memref<6592x16384xf32, #tpu.memory_space<hbm>> -> memref<104x512xf32, #tpu.memory_space<hbm>>
      %dma_start3A_433 = arith.constant 104 : i32
      %dma_start3A_434 = arith.constant 0 : i32
      %dma_start3A_435 = tpu.memref_slice %arg5[%dma_start3A_433, %dma_start3A_434] : memref<208x512xf32, #tpu.memory_space<vmem>> -> memref<104x512xf32, #tpu.memory_space<vmem>>
      tpu.enqueue_dma source(%dma_start3A_435 : memref<104x512xf32, #tpu.memory_space<vmem>>) target(%dma_start3A_432 : memref<104x512xf32, #tpu.memory_space<hbm>>) target_semaphore(%arg7 : memref<!tpu.dma_semaphore, #tpu.memory_space<semaphore_mem>>)
      %add3A_436 = arith.constant 104 : i32
      %add3A_437 = arith.addi %mul3A_2, %add3A_436 : i32
      %dma_start3A_438 = arith.constant 104 : i32
      %dma_start3A_439 = arith.constant 0 : i32
      %dma_start3A_440 = tpu.memref_slice %arg5[%dma_start3A_438, %dma_start3A_439] : memref<208x512xf32, #tpu.memory_space<vmem>> -> memref<104x512xf32, #tpu.memory_space<vmem>>
      %dma_start3A_441 = arith.constant 1024 : i32
      %dma_start3A_442 = tpu.memref_slice %arg3[%add3A_437, %dma_start3A_441] : memref<6592x16384xf32, #tpu.memory_space<hbm>> -> memref<104x512xf32, #tpu.memory_space<hbm>>
      %dma_start3A_443 = arith.constant 1024 : i32
      %dma_start3A_444 = tpu.memref_slice %arg3[%add3A_437, %dma_start3A_443] : memref<6592x16384xf32, #tpu.memory_space<hbm>> -> memref<104x512xf32, #tpu.memory_space<hbm>>
      %dma_start3A_445 = arith.constant 104 : i32
      %dma_start3A_446 = arith.constant 0 : i32
      %dma_start3A_447 = tpu.memref_slice %arg5[%dma_start3A_445, %dma_start3A_446] : memref<208x512xf32, #tpu.memory_space<vmem>> -> memref<104x512xf32, #tpu.memory_space<vmem>>
      tpu.enqueue_dma source(%dma_start3A_447 : memref<104x512xf32, #tpu.memory_space<vmem>>) target(%dma_start3A_444 : memref<104x512xf32, #tpu.memory_space<hbm>>) target_semaphore(%arg7 : memref<!tpu.dma_semaphore, #tpu.memory_space<semaphore_mem>>)
      %add3A_448 = arith.constant 104 : i32
      %add3A_449 = arith.addi %mul3A_2, %add3A_448 : i32
      %dma_start3A_450 = arith.constant 104 : i32
      %dma_start3A_451 = arith.constant 0 : i32
      %dma_start3A_452 = tpu.memref_slice %arg5[%dma_start3A_450, %dma_start3A_451] : memref<208x512xf32, #tpu.memory_space<vmem>> -> memref<104x512xf32, #tpu.memory_space<vmem>>
      %dma_start3A_453 = arith.constant 1536 : i32
      %dma_start3A_454 = tpu.memref_slice %arg3[%add3A_449, %dma_start3A_453] : memref<6592x16384xf32, #tpu.memory_space<hbm>> -> memref<104x512xf32, #tpu.memory_space<hbm>>
      %dma_start3A_455 = arith.constant 1536 : i32
      %dma_start3A_456 = tpu.memref_slice %arg3[%add3A_449, %dma_start3A_455] : memref<6592x16384xf32, #tpu.memory_space<hbm>> -> memref<104x512xf32, #tpu.memory_space<hbm>>
      %dma_start3A_457 = arith.constant 104 : i32
      %dma_start3A_458 = arith.constant 0 : i32
      %dma_start3A_459 = tpu.memref_slice %arg5[%dma_start3A_457, %dma_start3A_458] : memref<208x512xf32, #tpu.memory_space<vmem>> -> memref<104x512xf32, #tpu.memory_space<vmem>>
      tpu.enqueue_dma source(%dma_start3A_459 : memref<104x512xf32, #tpu.memory_space<vmem>>) target(%dma_start3A_456 : memref<104x512xf32, #tpu.memory_space<hbm>>) target_semaphore(%arg7 : memref<!tpu.dma_semaphore, #tpu.memory_space<semaphore_mem>>)
      %add3A_460 = arith.constant 104 : i32
      %add3A_461 = arith.addi %mul3A_2, %add3A_460 : i32
      %dma_start3A_462 = arith.constant 104 : i32
      %dma_start3A_463 = arith.constant 0 : i32
      %dma_start3A_464 = tpu.memref_slice %arg5[%dma_start3A_462, %dma_start3A_463] : memref<208x512xf32, #tpu.memory_space<vmem>> -> memref<104x512xf32, #tpu.memory_space<vmem>>
      %dma_start3A_465 = arith.constant 2048 : i32
      %dma_start3A_466 = tpu.memref_slice %arg3[%add3A_461, %dma_start3A_465] : memref<6592x16384xf32, #tpu.memory_space<hbm>> -> memref<104x512xf32, #tpu.memory_space<hbm>>
      %dma_start3A_467 = arith.constant 2048 : i32
      %dma_start3A_468 = tpu.memref_slice %arg3[%add3A_461, %dma_start3A_467] : memref<6592x16384xf32, #tpu.memory_space<hbm>> -> memref<104x512xf32, #tpu.memory_space<hbm>>
      %dma_start3A_469 = arith.constant 104 : i32
      %dma_start3A_470 = arith.constant 0 : i32
      %dma_start3A_471 = tpu.memref_slice %arg5[%dma_start3A_469, %dma_start3A_470] : memref<208x512xf32, #tpu.memory_space<vmem>> -> memref<104x512xf32, #tpu.memory_space<vmem>>
      tpu.enqueue_dma source(%dma_start3A_471 : memref<104x512xf32, #tpu.memory_space<vmem>>) target(%dma_start3A_468 : memref<104x512xf32, #tpu.memory_space<hbm>>) target_semaphore(%arg7 : memref<!tpu.dma_semaphore, #tpu.memory_space<semaphore_mem>>)
      %add3A_472 = arith.constant 104 : i32
      %add3A_473 = arith.addi %mul3A_2, %add3A_472 : i32
      %dma_start3A_474 = arith.constant 104 : i32
      %dma_start3A_475 = arith.constant 0 : i32
      %dma_start3A_476 = tpu.memref_slice %arg5[%dma_start3A_474, %dma_start3A_475] : memref<208x512xf32, #tpu.memory_space<vmem>> -> memref<104x512xf32, #tpu.memory_space<vmem>>
      %dma_start3A_477 = arith.constant 2560 : i32
      %dma_start3A_478 = tpu.memref_slice %arg3[%add3A_473, %dma_start3A_477] : memref<6592x16384xf32, #tpu.memory_space<hbm>> -> memref<104x512xf32, #tpu.memory_space<hbm>>
      %dma_start3A_479 = arith.constant 2560 : i32
      %dma_start3A_480 = tpu.memref_slice %arg3[%add3A_473, %dma_start3A_479] : memref<6592x16384xf32, #tpu.memory_space<hbm>> -> memref<104x512xf32, #tpu.memory_space<hbm>>
      %dma_start3A_481 = arith.constant 104 : i32
      %dma_start3A_482 = arith.constant 0 : i32
      %dma_start3A_483 = tpu.memref_slice %arg5[%dma_start3A_481, %dma_start3A_482] : memref<208x512xf32, #tpu.memory_space<vmem>> -> memref<104x512xf32, #tpu.memory_space<vmem>>
      tpu.enqueue_dma source(%dma_start3A_483 : memref<104x512xf32, #tpu.memory_space<vmem>>) target(%dma_start3A_480 : memref<104x512xf32, #tpu.memory_space<hbm>>) target_semaphore(%arg7 : memref<!tpu.dma_semaphore, #tpu.memory_space<semaphore_mem>>)
      %add3A_484 = arith.constant 104 : i32
      %add3A_485 = arith.addi %mul3A_2, %add3A_484 : i32
      %dma_start3A_486 = arith.constant 104 : i32
      %dma_start3A_487 = arith.constant 0 : i32
      %dma_start3A_488 = tpu.memref_slice %arg5[%dma_start3A_486, %dma_start3A_487] : memref<208x512xf32, #tpu.memory_space<vmem>> -> memref<104x512xf32, #tpu.memory_space<vmem>>
      %dma_start3A_489 = arith.constant 3072 : i32
      %dma_start3A_490 = tpu.memref_slice %arg3[%add3A_485, %dma_start3A_489] : memref<6592x16384xf32, #tpu.memory_space<hbm>> -> memref<104x512xf32, #tpu.memory_space<hbm>>
      %dma_start3A_491 = arith.constant 3072 : i32
      %dma_start3A_492 = tpu.memref_slice %arg3[%add3A_485, %dma_start3A_491] : memref<6592x16384xf32, #tpu.memory_space<hbm>> -> memref<104x512xf32, #tpu.memory_space<hbm>>
      %dma_start3A_493 = arith.constant 104 : i32
      %dma_start3A_494 = arith.constant 0 : i32
      %dma_start3A_495 = tpu.memref_slice %arg5[%dma_start3A_493, %dma_start3A_494] : memref<208x512xf32, #tpu.memory_space<vmem>> -> memref<104x512xf32, #tpu.memory_space<vmem>>
      tpu.enqueue_dma source(%dma_start3A_495 : memref<104x512xf32, #tpu.memory_space<vmem>>) target(%dma_start3A_492 : memref<104x512xf32, #tpu.memory_space<hbm>>) target_semaphore(%arg7 : memref<!tpu.dma_semaphore, #tpu.memory_space<semaphore_mem>>)
      %add3A_496 = arith.constant 104 : i32
      %add3A_497 = arith.addi %mul3A_2, %add3A_496 : i32
      %dma_start3A_498 = arith.constant 104 : i32
      %dma_start3A_499 = arith.constant 0 : i32
      %dma_start3A_500 = tpu.memref_slice %arg5[%dma_start3A_498, %dma_start3A_499] : memref<208x512xf32, #tpu.memory_space<vmem>> -> memref<104x512xf32, #tpu.memory_space<vmem>>
      %dma_start3A_501 = arith.constant 3584 : i32
      %dma_start3A_502 = tpu.memref_slice %arg3[%add3A_497, %dma_start3A_501] : memref<6592x16384xf32, #tpu.memory_space<hbm>> -> memref<104x512xf32, #tpu.memory_space<hbm>>
      %dma_start3A_503 = arith.constant 3584 : i32
      %dma_start3A_504 = tpu.memref_slice %arg3[%add3A_497, %dma_start3A_503] : memref<6592x16384xf32, #tpu.memory_space<hbm>> -> memref<104x512xf32, #tpu.memory_space<hbm>>
      %dma_start3A_505 = arith.constant 104 : i32
      %dma_start3A_506 = arith.constant 0 : i32
      %dma_start3A_507 = tpu.memref_slice %arg5[%dma_start3A_505, %dma_start3A_506] : memref<208x512xf32, #tpu.memory_space<vmem>> -> memref<104x512xf32, #tpu.memory_space<vmem>>
      tpu.enqueue_dma source(%dma_start3A_507 : memref<104x512xf32, #tpu.memory_space<vmem>>) target(%dma_start3A_504 : memref<104x512xf32, #tpu.memory_space<hbm>>) target_semaphore(%arg7 : memref<!tpu.dma_semaphore, #tpu.memory_space<semaphore_mem>>)
      %add3A_508 = arith.constant 104 : i32
      %add3A_509 = arith.addi %mul3A_2, %add3A_508 : i32
      %dma_start3A_510 = arith.constant 104 : i32
      %dma_start3A_511 = arith.constant 0 : i32
      %dma_start3A_512 = tpu.memref_slice %arg5[%dma_start3A_510, %dma_start3A_511] : memref<208x512xf32, #tpu.memory_space<vmem>> -> memref<104x512xf32, #tpu.memory_space<vmem>>
      %dma_start3A_513 = arith.constant 4096 : i32
      %dma_start3A_514 = tpu.memref_slice %arg3[%add3A_509, %dma_start3A_513] : memref<6592x16384xf32, #tpu.memory_space<hbm>> -> memref<104x512xf32, #tpu.memory_space<hbm>>
      %dma_start3A_515 = arith.constant 4096 : i32
      %dma_start3A_516 = tpu.memref_slice %arg3[%add3A_509, %dma_start3A_515] : memref<6592x16384xf32, #tpu.memory_space<hbm>> -> memref<104x512xf32, #tpu.memory_space<hbm>>
      %dma_start3A_517 = arith.constant 104 : i32
      %dma_start3A_518 = arith.constant 0 : i32
      %dma_start3A_519 = tpu.memref_slice %arg5[%dma_start3A_517, %dma_start3A_518] : memref<208x512xf32, #tpu.memory_space<vmem>> -> memref<104x512xf32, #tpu.memory_space<vmem>>
      tpu.enqueue_dma source(%dma_start3A_519 : memref<104x512xf32, #tpu.memory_space<vmem>>) target(%dma_start3A_516 : memref<104x512xf32, #tpu.memory_space<hbm>>) target_semaphore(%arg7 : memref<!tpu.dma_semaphore, #tpu.memory_space<semaphore_mem>>)
      %add3A_520 = arith.constant 104 : i32
      %add3A_521 = arith.addi %mul3A_2, %add3A_520 : i32
      %dma_start3A_522 = arith.constant 104 : i32
      %dma_start3A_523 = arith.constant 0 : i32
      %dma_start3A_524 = tpu.memref_slice %arg5[%dma_start3A_522, %dma_start3A_523] : memref<208x512xf32, #tpu.memory_space<vmem>> -> memref<104x512xf32, #tpu.memory_space<vmem>>
      %dma_start3A_525 = arith.constant 4608 : i32
      %dma_start3A_526 = tpu.memref_slice %arg3[%add3A_521, %dma_start3A_525] : memref<6592x16384xf32, #tpu.memory_space<hbm>> -> memref<104x512xf32, #tpu.memory_space<hbm>>
      %dma_start3A_527 = arith.constant 4608 : i32
      %dma_start3A_528 = tpu.memref_slice %arg3[%add3A_521, %dma_start3A_527] : memref<6592x16384xf32, #tpu.memory_space<hbm>> -> memref<104x512xf32, #tpu.memory_space<hbm>>
      %dma_start3A_529 = arith.constant 104 : i32
      %dma_start3A_530 = arith.constant 0 : i32
      %dma_start3A_531 = tpu.memref_slice %arg5[%dma_start3A_529, %dma_start3A_530] : memref<208x512xf32, #tpu.memory_space<vmem>> -> memref<104x512xf32, #tpu.memory_space<vmem>>
      tpu.enqueue_dma source(%dma_start3A_531 : memref<104x512xf32, #tpu.memory_space<vmem>>) target(%dma_start3A_528 : memref<104x512xf32, #tpu.memory_space<hbm>>) target_semaphore(%arg7 : memref<!tpu.dma_semaphore, #tpu.memory_space<semaphore_mem>>)
      %add3A_532 = arith.constant 104 : i32
      %add3A_533 = arith.addi %mul3A_2, %add3A_532 : i32
      %dma_start3A_534 = arith.constant 104 : i32
      %dma_start3A_535 = arith.constant 0 : i32
      %dma_start3A_536 = tpu.memref_slice %arg5[%dma_start3A_534, %dma_start3A_535] : memref<208x512xf32, #tpu.memory_space<vmem>> -> memref<104x512xf32, #tpu.memory_space<vmem>>
      %dma_start3A_537 = arith.constant 5120 : i32
      %dma_start3A_538 = tpu.memref_slice %arg3[%add3A_533, %dma_start3A_537] : memref<6592x16384xf32, #tpu.memory_space<hbm>> -> memref<104x512xf32, #tpu.memory_space<hbm>>
      %dma_start3A_539 = arith.constant 5120 : i32
      %dma_start3A_540 = tpu.memref_slice %arg3[%add3A_533, %dma_start3A_539] : memref<6592x16384xf32, #tpu.memory_space<hbm>> -> memref<104x512xf32, #tpu.memory_space<hbm>>
      %dma_start3A_541 = arith.constant 104 : i32
      %dma_start3A_542 = arith.constant 0 : i32
      %dma_start3A_543 = tpu.memref_slice %arg5[%dma_start3A_541, %dma_start3A_542] : memref<208x512xf32, #tpu.memory_space<vmem>> -> memref<104x512xf32, #tpu.memory_space<vmem>>
      tpu.enqueue_dma source(%dma_start3A_543 : memref<104x512xf32, #tpu.memory_space<vmem>>) target(%dma_start3A_540 : memref<104x512xf32, #tpu.memory_space<hbm>>) target_semaphore(%arg7 : memref<!tpu.dma_semaphore, #tpu.memory_space<semaphore_mem>>)
      %add3A_544 = arith.constant 104 : i32
      %add3A_545 = arith.addi %mul3A_2, %add3A_544 : i32
      %dma_start3A_546 = arith.constant 104 : i32
      %dma_start3A_547 = arith.constant 0 : i32
      %dma_start3A_548 = tpu.memref_slice %arg5[%dma_start3A_546, %dma_start3A_547] : memref<208x512xf32, #tpu.memory_space<vmem>> -> memref<104x512xf32, #tpu.memory_space<vmem>>
      %dma_start3A_549 = arith.constant 5632 : i32
      %dma_start3A_550 = tpu.memref_slice %arg3[%add3A_545, %dma_start3A_549] : memref<6592x16384xf32, #tpu.memory_space<hbm>> -> memref<104x512xf32, #tpu.memory_space<hbm>>
      %dma_start3A_551 = arith.constant 5632 : i32
      %dma_start3A_552 = tpu.memref_slice %arg3[%add3A_545, %dma_start3A_551] : memref<6592x16384xf32, #tpu.memory_space<hbm>> -> memref<104x512xf32, #tpu.memory_space<hbm>>
      %dma_start3A_553 = arith.constant 104 : i32
      %dma_start3A_554 = arith.constant 0 : i32
      %dma_start3A_555 = tpu.memref_slice %arg5[%dma_start3A_553, %dma_start3A_554] : memref<208x512xf32, #tpu.memory_space<vmem>> -> memref<104x512xf32, #tpu.memory_space<vmem>>
      tpu.enqueue_dma source(%dma_start3A_555 : memref<104x512xf32, #tpu.memory_space<vmem>>) target(%dma_start3A_552 : memref<104x512xf32, #tpu.memory_space<hbm>>) target_semaphore(%arg7 : memref<!tpu.dma_semaphore, #tpu.memory_space<semaphore_mem>>)
      %add3A_556 = arith.constant 104 : i32
      %add3A_557 = arith.addi %mul3A_2, %add3A_556 : i32
      %dma_start3A_558 = arith.constant 104 : i32
      %dma_start3A_559 = arith.constant 0 : i32
      %dma_start3A_560 = tpu.memref_slice %arg5[%dma_start3A_558, %dma_start3A_559] : memref<208x512xf32, #tpu.memory_space<vmem>> -> memref<104x512xf32, #tpu.memory_space<vmem>>
      %dma_start3A_561 = arith.constant 6144 : i32
      %dma_start3A_562 = tpu.memref_slice %arg3[%add3A_557, %dma_start3A_561] : memref<6592x16384xf32, #tpu.memory_space<hbm>> -> memref<104x512xf32, #tpu.memory_space<hbm>>
      %dma_start3A_563 = arith.constant 6144 : i32
      %dma_start3A_564 = tpu.memref_slice %arg3[%add3A_557, %dma_start3A_563] : memref<6592x16384xf32, #tpu.memory_space<hbm>> -> memref<104x512xf32, #tpu.memory_space<hbm>>
      %dma_start3A_565 = arith.constant 104 : i32
      %dma_start3A_566 = arith.constant 0 : i32
      %dma_start3A_567 = tpu.memref_slice %arg5[%dma_start3A_565, %dma_start3A_566] : memref<208x512xf32, #tpu.memory_space<vmem>> -> memref<104x512xf32, #tpu.memory_space<vmem>>
      tpu.enqueue_dma source(%dma_start3A_567 : memref<104x512xf32, #tpu.memory_space<vmem>>) target(%dma_start3A_564 : memref<104x512xf32, #tpu.memory_space<hbm>>) target_semaphore(%arg7 : memref<!tpu.dma_semaphore, #tpu.memory_space<semaphore_mem>>)
      %add3A_568 = arith.constant 104 : i32
      %add3A_569 = arith.addi %mul3A_2, %add3A_568 : i32
      %dma_start3A_570 = arith.constant 104 : i32
      %dma_start3A_571 = arith.constant 0 : i32
      %dma_start3A_572 = tpu.memref_slice %arg5[%dma_start3A_570, %dma_start3A_571] : memref<208x512xf32, #tpu.memory_space<vmem>> -> memref<104x512xf32, #tpu.memory_space<vmem>>
      %dma_start3A_573 = arith.constant 6656 : i32
      %dma_start3A_574 = tpu.memref_slice %arg3[%add3A_569, %dma_start3A_573] : memref<6592x16384xf32, #tpu.memory_space<hbm>> -> memref<104x512xf32, #tpu.memory_space<hbm>>
      %dma_start3A_575 = arith.constant 6656 : i32
      %dma_start3A_576 = tpu.memref_slice %arg3[%add3A_569, %dma_start3A_575] : memref<6592x16384xf32, #tpu.memory_space<hbm>> -> memref<104x512xf32, #tpu.memory_space<hbm>>
      %dma_start3A_577 = arith.constant 104 : i32
      %dma_start3A_578 = arith.constant 0 : i32
      %dma_start3A_579 = tpu.memref_slice %arg5[%dma_start3A_577, %dma_start3A_578] : memref<208x512xf32, #tpu.memory_space<vmem>> -> memref<104x512xf32, #tpu.memory_space<vmem>>
      tpu.enqueue_dma source(%dma_start3A_579 : memref<104x512xf32, #tpu.memory_space<vmem>>) target(%dma_start3A_576 : memref<104x512xf32, #tpu.memory_space<hbm>>) target_semaphore(%arg7 : memref<!tpu.dma_semaphore, #tpu.memory_space<semaphore_mem>>)
      %add3A_580 = arith.constant 104 : i32
      %add3A_581 = arith.addi %mul3A_2, %add3A_580 : i32
      %dma_start3A_582 = arith.constant 104 : i32
      %dma_start3A_583 = arith.constant 0 : i32
      %dma_start3A_584 = tpu.memref_slice %arg5[%dma_start3A_582, %dma_start3A_583] : memref<208x512xf32, #tpu.memory_space<vmem>> -> memref<104x512xf32, #tpu.memory_space<vmem>>
      %dma_start3A_585 = arith.constant 7168 : i32
      %dma_start3A_586 = tpu.memref_slice %arg3[%add3A_581, %dma_start3A_585] : memref<6592x16384xf32, #tpu.memory_space<hbm>> -> memref<104x512xf32, #tpu.memory_space<hbm>>
      %dma_start3A_587 = arith.constant 7168 : i32
      %dma_start3A_588 = tpu.memref_slice %arg3[%add3A_581, %dma_start3A_587] : memref<6592x16384xf32, #tpu.memory_space<hbm>> -> memref<104x512xf32, #tpu.memory_space<hbm>>
      %dma_start3A_589 = arith.constant 104 : i32
      %dma_start3A_590 = arith.constant 0 : i32
      %dma_start3A_591 = tpu.memref_slice %arg5[%dma_start3A_589, %dma_start3A_590] : memref<208x512xf32, #tpu.memory_space<vmem>> -> memref<104x512xf32, #tpu.memory_space<vmem>>
      tpu.enqueue_dma source(%dma_start3A_591 : memref<104x512xf32, #tpu.memory_space<vmem>>) target(%dma_start3A_588 : memref<104x512xf32, #tpu.memory_space<hbm>>) target_semaphore(%arg7 : memref<!tpu.dma_semaphore, #tpu.memory_space<semaphore_mem>>)
      %add3A_592 = arith.constant 104 : i32
      %add3A_593 = arith.addi %mul3A_2, %add3A_592 : i32
      %dma_start3A_594 = arith.constant 104 : i32
      %dma_start3A_595 = arith.constant 0 : i32
      %dma_start3A_596 = tpu.memref_slice %arg5[%dma_start3A_594, %dma_start3A_595] : memref<208x512xf32, #tpu.memory_space<vmem>> -> memref<104x512xf32, #tpu.memory_space<vmem>>
      %dma_start3A_597 = arith.constant 7680 : i32
      %dma_start3A_598 = tpu.memref_slice %arg3[%add3A_593, %dma_start3A_597] : memref<6592x16384xf32, #tpu.memory_space<hbm>> -> memref<104x512xf32, #tpu.memory_space<hbm>>
      %dma_start3A_599 = arith.constant 7680 : i32
      %dma_start3A_600 = tpu.memref_slice %arg3[%add3A_593, %dma_start3A_599] : memref<6592x16384xf32, #tpu.memory_space<hbm>> -> memref<104x512xf32, #tpu.memory_space<hbm>>
      %dma_start3A_601 = arith.constant 104 : i32
      %dma_start3A_602 = arith.constant 0 : i32
      %dma_start3A_603 = tpu.memref_slice %arg5[%dma_start3A_601, %dma_start3A_602] : memref<208x512xf32, #tpu.memory_space<vmem>> -> memref<104x512xf32, #tpu.memory_space<vmem>>
      tpu.enqueue_dma source(%dma_start3A_603 : memref<104x512xf32, #tpu.memory_space<vmem>>) target(%dma_start3A_600 : memref<104x512xf32, #tpu.memory_space<hbm>>) target_semaphore(%arg7 : memref<!tpu.dma_semaphore, #tpu.memory_space<semaphore_mem>>)
      %add3A_604 = arith.constant 104 : i32
      %add3A_605 = arith.addi %mul3A_2, %add3A_604 : i32
      %dma_start3A_606 = arith.constant 104 : i32
      %dma_start3A_607 = arith.constant 0 : i32
      %dma_start3A_608 = tpu.memref_slice %arg5[%dma_start3A_606, %dma_start3A_607] : memref<208x512xf32, #tpu.memory_space<vmem>> -> memref<104x512xf32, #tpu.memory_space<vmem>>
      %dma_start3A_609 = arith.constant 8192 : i32
      %dma_start3A_610 = tpu.memref_slice %arg3[%add3A_605, %dma_start3A_609] : memref<6592x16384xf32, #tpu.memory_space<hbm>> -> memref<104x512xf32, #tpu.memory_space<hbm>>
      %dma_start3A_611 = arith.constant 8192 : i32
      %dma_start3A_612 = tpu.memref_slice %arg3[%add3A_605, %dma_start3A_611] : memref<6592x16384xf32, #tpu.memory_space<hbm>> -> memref<104x512xf32, #tpu.memory_space<hbm>>
      %dma_start3A_613 = arith.constant 104 : i32
      %dma_start3A_614 = arith.constant 0 : i32
      %dma_start3A_615 = tpu.memref_slice %arg5[%dma_start3A_613, %dma_start3A_614] : memref<208x512xf32, #tpu.memory_space<vmem>> -> memref<104x512xf32, #tpu.memory_space<vmem>>
      tpu.enqueue_dma source(%dma_start3A_615 : memref<104x512xf32, #tpu.memory_space<vmem>>) target(%dma_start3A_612 : memref<104x512xf32, #tpu.memory_space<hbm>>) target_semaphore(%arg7 : memref<!tpu.dma_semaphore, #tpu.memory_space<semaphore_mem>>)
      %add3A_616 = arith.constant 104 : i32
      %add3A_617 = arith.addi %mul3A_2, %add3A_616 : i32
      %dma_start3A_618 = arith.constant 104 : i32
      %dma_start3A_619 = arith.constant 0 : i32
      %dma_start3A_620 = tpu.memref_slice %arg5[%dma_start3A_618, %dma_start3A_619] : memref<208x512xf32, #tpu.memory_space<vmem>> -> memref<104x512xf32, #tpu.memory_space<vmem>>
      %dma_start3A_621 = arith.constant 8704 : i32
      %dma_start3A_622 = tpu.memref_slice %arg3[%add3A_617, %dma_start3A_621] : memref<6592x16384xf32, #tpu.memory_space<hbm>> -> memref<104x512xf32, #tpu.memory_space<hbm>>
      %dma_start3A_623 = arith.constant 8704 : i32
      %dma_start3A_624 = tpu.memref_slice %arg3[%add3A_617, %dma_start3A_623] : memref<6592x16384xf32, #tpu.memory_space<hbm>> -> memref<104x512xf32, #tpu.memory_space<hbm>>
      %dma_start3A_625 = arith.constant 104 : i32
      %dma_start3A_626 = arith.constant 0 : i32
      %dma_start3A_627 = tpu.memref_slice %arg5[%dma_start3A_625, %dma_start3A_626] : memref<208x512xf32, #tpu.memory_space<vmem>> -> memref<104x512xf32, #tpu.memory_space<vmem>>
      tpu.enqueue_dma source(%dma_start3A_627 : memref<104x512xf32, #tpu.memory_space<vmem>>) target(%dma_start3A_624 : memref<104x512xf32, #tpu.memory_space<hbm>>) target_semaphore(%arg7 : memref<!tpu.dma_semaphore, #tpu.memory_space<semaphore_mem>>)
      %add3A_628 = arith.constant 104 : i32
      %add3A_629 = arith.addi %mul3A_2, %add3A_628 : i32
      %dma_start3A_630 = arith.constant 104 : i32
      %dma_start3A_631 = arith.constant 0 : i32
      %dma_start3A_632 = tpu.memref_slice %arg5[%dma_start3A_630, %dma_start3A_631] : memref<208x512xf32, #tpu.memory_space<vmem>> -> memref<104x512xf32, #tpu.memory_space<vmem>>
      %dma_start3A_633 = arith.constant 9216 : i32
      %dma_start3A_634 = tpu.memref_slice %arg3[%add3A_629, %dma_start3A_633] : memref<6592x16384xf32, #tpu.memory_space<hbm>> -> memref<104x512xf32, #tpu.memory_space<hbm>>
      %dma_start3A_635 = arith.constant 9216 : i32
      %dma_start3A_636 = tpu.memref_slice %arg3[%add3A_629, %dma_start3A_635] : memref<6592x16384xf32, #tpu.memory_space<hbm>> -> memref<104x512xf32, #tpu.memory_space<hbm>>
      %dma_start3A_637 = arith.constant 104 : i32
      %dma_start3A_638 = arith.constant 0 : i32
      %dma_start3A_639 = tpu.memref_slice %arg5[%dma_start3A_637, %dma_start3A_638] : memref<208x512xf32, #tpu.memory_space<vmem>> -> memref<104x512xf32, #tpu.memory_space<vmem>>
      tpu.enqueue_dma source(%dma_start3A_639 : memref<104x512xf32, #tpu.memory_space<vmem>>) target(%dma_start3A_636 : memref<104x512xf32, #tpu.memory_space<hbm>>) target_semaphore(%arg7 : memref<!tpu.dma_semaphore, #tpu.memory_space<semaphore_mem>>)
      %add3A_640 = arith.constant 104 : i32
      %add3A_641 = arith.addi %mul3A_2, %add3A_640 : i32
      %dma_start3A_642 = arith.constant 104 : i32
      %dma_start3A_643 = arith.constant 0 : i32
      %dma_start3A_644 = tpu.memref_slice %arg5[%dma_start3A_642, %dma_start3A_643] : memref<208x512xf32, #tpu.memory_space<vmem>> -> memref<104x512xf32, #tpu.memory_space<vmem>>
      %dma_start3A_645 = arith.constant 9728 : i32
      %dma_start3A_646 = tpu.memref_slice %arg3[%add3A_641, %dma_start3A_645] : memref<6592x16384xf32, #tpu.memory_space<hbm>> -> memref<104x512xf32, #tpu.memory_space<hbm>>
      %dma_start3A_647 = arith.constant 9728 : i32
      %dma_start3A_648 = tpu.memref_slice %arg3[%add3A_641, %dma_start3A_647] : memref<6592x16384xf32, #tpu.memory_space<hbm>> -> memref<104x512xf32, #tpu.memory_space<hbm>>
      %dma_start3A_649 = arith.constant 104 : i32
      %dma_start3A_650 = arith.constant 0 : i32
      %dma_start3A_651 = tpu.memref_slice %arg5[%dma_start3A_649, %dma_start3A_650] : memref<208x512xf32, #tpu.memory_space<vmem>> -> memref<104x512xf32, #tpu.memory_space<vmem>>
      tpu.enqueue_dma source(%dma_start3A_651 : memref<104x512xf32, #tpu.memory_space<vmem>>) target(%dma_start3A_648 : memref<104x512xf32, #tpu.memory_space<hbm>>) target_semaphore(%arg7 : memref<!tpu.dma_semaphore, #tpu.memory_space<semaphore_mem>>)
      %add3A_652 = arith.constant 104 : i32
      %add3A_653 = arith.addi %mul3A_2, %add3A_652 : i32
      %dma_start3A_654 = arith.constant 104 : i32
      %dma_start3A_655 = arith.constant 0 : i32
      %dma_start3A_656 = tpu.memref_slice %arg5[%dma_start3A_654, %dma_start3A_655] : memref<208x512xf32, #tpu.memory_space<vmem>> -> memref<104x512xf32, #tpu.memory_space<vmem>>
      %dma_start3A_657 = arith.constant 10240 : i32
      %dma_start3A_658 = tpu.memref_slice %arg3[%add3A_653, %dma_start3A_657] : memref<6592x16384xf32, #tpu.memory_space<hbm>> -> memref<104x512xf32, #tpu.memory_space<hbm>>
      %dma_start3A_659 = arith.constant 10240 : i32
      %dma_start3A_660 = tpu.memref_slice %arg3[%add3A_653, %dma_start3A_659] : memref<6592x16384xf32, #tpu.memory_space<hbm>> -> memref<104x512xf32, #tpu.memory_space<hbm>>
      %dma_start3A_661 = arith.constant 104 : i32
      %dma_start3A_662 = arith.constant 0 : i32
      %dma_start3A_663 = tpu.memref_slice %arg5[%dma_start3A_661, %dma_start3A_662] : memref<208x512xf32, #tpu.memory_space<vmem>> -> memref<104x512xf32, #tpu.memory_space<vmem>>
      tpu.enqueue_dma source(%dma_start3A_663 : memref<104x512xf32, #tpu.memory_space<vmem>>) target(%dma_start3A_660 : memref<104x512xf32, #tpu.memory_space<hbm>>) target_semaphore(%arg7 : memref<!tpu.dma_semaphore, #tpu.memory_space<semaphore_mem>>)
      %add3A_664 = arith.constant 104 : i32
      %add3A_665 = arith.addi %mul3A_2, %add3A_664 : i32
      %dma_start3A_666 = arith.constant 104 : i32
      %dma_start3A_667 = arith.constant 0 : i32
      %dma_start3A_668 = tpu.memref_slice %arg5[%dma_start3A_666, %dma_start3A_667] : memref<208x512xf32, #tpu.memory_space<vmem>> -> memref<104x512xf32, #tpu.memory_space<vmem>>
      %dma_start3A_669 = arith.constant 10752 : i32
      %dma_start3A_670 = tpu.memref_slice %arg3[%add3A_665, %dma_start3A_669] : memref<6592x16384xf32, #tpu.memory_space<hbm>> -> memref<104x512xf32, #tpu.memory_space<hbm>>
      %dma_start3A_671 = arith.constant 10752 : i32
      %dma_start3A_672 = tpu.memref_slice %arg3[%add3A_665, %dma_start3A_671] : memref<6592x16384xf32, #tpu.memory_space<hbm>> -> memref<104x512xf32, #tpu.memory_space<hbm>>
      %dma_start3A_673 = arith.constant 104 : i32
      %dma_start3A_674 = arith.constant 0 : i32
      %dma_start3A_675 = tpu.memref_slice %arg5[%dma_start3A_673, %dma_start3A_674] : memref<208x512xf32, #tpu.memory_space<vmem>> -> memref<104x512xf32, #tpu.memory_space<vmem>>
      tpu.enqueue_dma source(%dma_start3A_675 : memref<104x512xf32, #tpu.memory_space<vmem>>) target(%dma_start3A_672 : memref<104x512xf32, #tpu.memory_space<hbm>>) target_semaphore(%arg7 : memref<!tpu.dma_semaphore, #tpu.memory_space<semaphore_mem>>)
      %add3A_676 = arith.constant 104 : i32
      %add3A_677 = arith.addi %mul3A_2, %add3A_676 : i32
      %dma_start3A_678 = arith.constant 104 : i32
      %dma_start3A_679 = arith.constant 0 : i32
      %dma_start3A_680 = tpu.memref_slice %arg5[%dma_start3A_678, %dma_start3A_679] : memref<208x512xf32, #tpu.memory_space<vmem>> -> memref<104x512xf32, #tpu.memory_space<vmem>>
      %dma_start3A_681 = arith.constant 11264 : i32
      %dma_start3A_682 = tpu.memref_slice %arg3[%add3A_677, %dma_start3A_681] : memref<6592x16384xf32, #tpu.memory_space<hbm>> -> memref<104x512xf32, #tpu.memory_space<hbm>>
      %dma_start3A_683 = arith.constant 11264 : i32
      %dma_start3A_684 = tpu.memref_slice %arg3[%add3A_677, %dma_start3A_683] : memref<6592x16384xf32, #tpu.memory_space<hbm>> -> memref<104x512xf32, #tpu.memory_space<hbm>>
      %dma_start3A_685 = arith.constant 104 : i32
      %dma_start3A_686 = arith.constant 0 : i32
      %dma_start3A_687 = tpu.memref_slice %arg5[%dma_start3A_685, %dma_start3A_686] : memref<208x512xf32, #tpu.memory_space<vmem>> -> memref<104x512xf32, #tpu.memory_space<vmem>>
      tpu.enqueue_dma source(%dma_start3A_687 : memref<104x512xf32, #tpu.memory_space<vmem>>) target(%dma_start3A_684 : memref<104x512xf32, #tpu.memory_space<hbm>>) target_semaphore(%arg7 : memref<!tpu.dma_semaphore, #tpu.memory_space<semaphore_mem>>)
      %add3A_688 = arith.constant 104 : i32
      %add3A_689 = arith.addi %mul3A_2, %add3A_688 : i32
      %dma_start3A_690 = arith.constant 104 : i32
      %dma_start3A_691 = arith.constant 0 : i32
      %dma_start3A_692 = tpu.memref_slice %arg5[%dma_start3A_690, %dma_start3A_691] : memref<208x512xf32, #tpu.memory_space<vmem>> -> memref<104x512xf32, #tpu.memory_space<vmem>>
      %dma_start3A_693 = arith.constant 11776 : i32
      %dma_start3A_694 = tpu.memref_slice %arg3[%add3A_689, %dma_start3A_693] : memref<6592x16384xf32, #tpu.memory_space<hbm>> -> memref<104x512xf32, #tpu.memory_space<hbm>>
      %dma_start3A_695 = arith.constant 11776 : i32
      %dma_start3A_696 = tpu.memref_slice %arg3[%add3A_689, %dma_start3A_695] : memref<6592x16384xf32, #tpu.memory_space<hbm>> -> memref<104x512xf32, #tpu.memory_space<hbm>>
      %dma_start3A_697 = arith.constant 104 : i32
      %dma_start3A_698 = arith.constant 0 : i32
      %dma_start3A_699 = tpu.memref_slice %arg5[%dma_start3A_697, %dma_start3A_698] : memref<208x512xf32, #tpu.memory_space<vmem>> -> memref<104x512xf32, #tpu.memory_space<vmem>>
      tpu.enqueue_dma source(%dma_start3A_699 : memref<104x512xf32, #tpu.memory_space<vmem>>) target(%dma_start3A_696 : memref<104x512xf32, #tpu.memory_space<hbm>>) target_semaphore(%arg7 : memref<!tpu.dma_semaphore, #tpu.memory_space<semaphore_mem>>)
      %add3A_700 = arith.constant 104 : i32
      %add3A_701 = arith.addi %mul3A_2, %add3A_700 : i32
      %dma_start3A_702 = arith.constant 104 : i32
      %dma_start3A_703 = arith.constant 0 : i32
      %dma_start3A_704 = tpu.memref_slice %arg5[%dma_start3A_702, %dma_start3A_703] : memref<208x512xf32, #tpu.memory_space<vmem>> -> memref<104x512xf32, #tpu.memory_space<vmem>>
      %dma_start3A_705 = arith.constant 12288 : i32
      %dma_start3A_706 = tpu.memref_slice %arg3[%add3A_701, %dma_start3A_705] : memref<6592x16384xf32, #tpu.memory_space<hbm>> -> memref<104x512xf32, #tpu.memory_space<hbm>>
      %dma_start3A_707 = arith.constant 12288 : i32
      %dma_start3A_708 = tpu.memref_slice %arg3[%add3A_701, %dma_start3A_707] : memref<6592x16384xf32, #tpu.memory_space<hbm>> -> memref<104x512xf32, #tpu.memory_space<hbm>>
      %dma_start3A_709 = arith.constant 104 : i32
      %dma_start3A_710 = arith.constant 0 : i32
      %dma_start3A_711 = tpu.memref_slice %arg5[%dma_start3A_709, %dma_start3A_710] : memref<208x512xf32, #tpu.memory_space<vmem>> -> memref<104x512xf32, #tpu.memory_space<vmem>>
      tpu.enqueue_dma source(%dma_start3A_711 : memref<104x512xf32, #tpu.memory_space<vmem>>) target(%dma_start3A_708 : memref<104x512xf32, #tpu.memory_space<hbm>>) target_semaphore(%arg7 : memref<!tpu.dma_semaphore, #tpu.memory_space<semaphore_mem>>)
      %add3A_712 = arith.constant 104 : i32
      %add3A_713 = arith.addi %mul3A_2, %add3A_712 : i32
      %dma_start3A_714 = arith.constant 104 : i32
      %dma_start3A_715 = arith.constant 0 : i32
      %dma_start3A_716 = tpu.memref_slice %arg5[%dma_start3A_714, %dma_start3A_715] : memref<208x512xf32, #tpu.memory_space<vmem>> -> memref<104x512xf32, #tpu.memory_space<vmem>>
      %dma_start3A_717 = arith.constant 12800 : i32
      %dma_start3A_718 = tpu.memref_slice %arg3[%add3A_713, %dma_start3A_717] : memref<6592x16384xf32, #tpu.memory_space<hbm>> -> memref<104x512xf32, #tpu.memory_space<hbm>>
      %dma_start3A_719 = arith.constant 12800 : i32
      %dma_start3A_720 = tpu.memref_slice %arg3[%add3A_713, %dma_start3A_719] : memref<6592x16384xf32, #tpu.memory_space<hbm>> -> memref<104x512xf32, #tpu.memory_space<hbm>>
      %dma_start3A_721 = arith.constant 104 : i32
      %dma_start3A_722 = arith.constant 0 : i32
      %dma_start3A_723 = tpu.memref_slice %arg5[%dma_start3A_721, %dma_start3A_722] : memref<208x512xf32, #tpu.memory_space<vmem>> -> memref<104x512xf32, #tpu.memory_space<vmem>>
      tpu.enqueue_dma source(%dma_start3A_723 : memref<104x512xf32, #tpu.memory_space<vmem>>) target(%dma_start3A_720 : memref<104x512xf32, #tpu.memory_space<hbm>>) target_semaphore(%arg7 : memref<!tpu.dma_semaphore, #tpu.memory_space<semaphore_mem>>)
      %add3A_724 = arith.constant 104 : i32
      %add3A_725 = arith.addi %mul3A_2, %add3A_724 : i32
      %dma_start3A_726 = arith.constant 104 : i32
      %dma_start3A_727 = arith.constant 0 : i32
      %dma_start3A_728 = tpu.memref_slice %arg5[%dma_start3A_726, %dma_start3A_727] : memref<208x512xf32, #tpu.memory_space<vmem>> -> memref<104x512xf32, #tpu.memory_space<vmem>>
      %dma_start3A_729 = arith.constant 13312 : i32
      %dma_start3A_730 = tpu.memref_slice %arg3[%add3A_725, %dma_start3A_729] : memref<6592x16384xf32, #tpu.memory_space<hbm>> -> memref<104x512xf32, #tpu.memory_space<hbm>>
      %dma_start3A_731 = arith.constant 13312 : i32
      %dma_start3A_732 = tpu.memref_slice %arg3[%add3A_725, %dma_start3A_731] : memref<6592x16384xf32, #tpu.memory_space<hbm>> -> memref<104x512xf32, #tpu.memory_space<hbm>>
      %dma_start3A_733 = arith.constant 104 : i32
      %dma_start3A_734 = arith.constant 0 : i32
      %dma_start3A_735 = tpu.memref_slice %arg5[%dma_start3A_733, %dma_start3A_734] : memref<208x512xf32, #tpu.memory_space<vmem>> -> memref<104x512xf32, #tpu.memory_space<vmem>>
      tpu.enqueue_dma source(%dma_start3A_735 : memref<104x512xf32, #tpu.memory_space<vmem>>) target(%dma_start3A_732 : memref<104x512xf32, #tpu.memory_space<hbm>>) target_semaphore(%arg7 : memref<!tpu.dma_semaphore, #tpu.memory_space<semaphore_mem>>)
      %add3A_736 = arith.constant 104 : i32
      %add3A_737 = arith.addi %mul3A_2, %add3A_736 : i32
      %dma_start3A_738 = arith.constant 104 : i32
      %dma_start3A_739 = arith.constant 0 : i32
      %dma_start3A_740 = tpu.memref_slice %arg5[%dma_start3A_738, %dma_start3A_739] : memref<208x512xf32, #tpu.memory_space<vmem>> -> memref<104x512xf32, #tpu.memory_space<vmem>>
      %dma_start3A_741 = arith.constant 13824 : i32
      %dma_start3A_742 = tpu.memref_slice %arg3[%add3A_737, %dma_start3A_741] : memref<6592x16384xf32, #tpu.memory_space<hbm>> -> memref<104x512xf32, #tpu.memory_space<hbm>>
      %dma_start3A_743 = arith.constant 13824 : i32
      %dma_start3A_744 = tpu.memref_slice %arg3[%add3A_737, %dma_start3A_743] : memref<6592x16384xf32, #tpu.memory_space<hbm>> -> memref<104x512xf32, #tpu.memory_space<hbm>>
      %dma_start3A_745 = arith.constant 104 : i32
      %dma_start3A_746 = arith.constant 0 : i32
      %dma_start3A_747 = tpu.memref_slice %arg5[%dma_start3A_745, %dma_start3A_746] : memref<208x512xf32, #tpu.memory_space<vmem>> -> memref<104x512xf32, #tpu.memory_space<vmem>>
      tpu.enqueue_dma source(%dma_start3A_747 : memref<104x512xf32, #tpu.memory_space<vmem>>) target(%dma_start3A_744 : memref<104x512xf32, #tpu.memory_space<hbm>>) target_semaphore(%arg7 : memref<!tpu.dma_semaphore, #tpu.memory_space<semaphore_mem>>)
      %add3A_748 = arith.constant 104 : i32
      %add3A_749 = arith.addi %mul3A_2, %add3A_748 : i32
      %dma_start3A_750 = arith.constant 104 : i32
      %dma_start3A_751 = arith.constant 0 : i32
      %dma_start3A_752 = tpu.memref_slice %arg5[%dma_start3A_750, %dma_start3A_751] : memref<208x512xf32, #tpu.memory_space<vmem>> -> memref<104x512xf32, #tpu.memory_space<vmem>>
      %dma_start3A_753 = arith.constant 14336 : i32
      %dma_start3A_754 = tpu.memref_slice %arg3[%add3A_749, %dma_start3A_753] : memref<6592x16384xf32, #tpu.memory_space<hbm>> -> memref<104x512xf32, #tpu.memory_space<hbm>>
      %dma_start3A_755 = arith.constant 14336 : i32
      %dma_start3A_756 = tpu.memref_slice %arg3[%add3A_749, %dma_start3A_755] : memref<6592x16384xf32, #tpu.memory_space<hbm>> -> memref<104x512xf32, #tpu.memory_space<hbm>>
      %dma_start3A_757 = arith.constant 104 : i32
      %dma_start3A_758 = arith.constant 0 : i32
      %dma_start3A_759 = tpu.memref_slice %arg5[%dma_start3A_757, %dma_start3A_758] : memref<208x512xf32, #tpu.memory_space<vmem>> -> memref<104x512xf32, #tpu.memory_space<vmem>>
      tpu.enqueue_dma source(%dma_start3A_759 : memref<104x512xf32, #tpu.memory_space<vmem>>) target(%dma_start3A_756 : memref<104x512xf32, #tpu.memory_space<hbm>>) target_semaphore(%arg7 : memref<!tpu.dma_semaphore, #tpu.memory_space<semaphore_mem>>)
      %add3A_760 = arith.constant 104 : i32
      %add3A_761 = arith.addi %mul3A_2, %add3A_760 : i32
      %dma_start3A_762 = arith.constant 104 : i32
      %dma_start3A_763 = arith.constant 0 : i32
      %dma_start3A_764 = tpu.memref_slice %arg5[%dma_start3A_762, %dma_start3A_763] : memref<208x512xf32, #tpu.memory_space<vmem>> -> memref<104x512xf32, #tpu.memory_space<vmem>>
      %dma_start3A_765 = arith.constant 14848 : i32
      %dma_start3A_766 = tpu.memref_slice %arg3[%add3A_761, %dma_start3A_765] : memref<6592x16384xf32, #tpu.memory_space<hbm>> -> memref<104x512xf32, #tpu.memory_space<hbm>>
      %dma_start3A_767 = arith.constant 14848 : i32
      %dma_start3A_768 = tpu.memref_slice %arg3[%add3A_761, %dma_start3A_767] : memref<6592x16384xf32, #tpu.memory_space<hbm>> -> memref<104x512xf32, #tpu.memory_space<hbm>>
      %dma_start3A_769 = arith.constant 104 : i32
      %dma_start3A_770 = arith.constant 0 : i32
      %dma_start3A_771 = tpu.memref_slice %arg5[%dma_start3A_769, %dma_start3A_770] : memref<208x512xf32, #tpu.memory_space<vmem>> -> memref<104x512xf32, #tpu.memory_space<vmem>>
      tpu.enqueue_dma source(%dma_start3A_771 : memref<104x512xf32, #tpu.memory_space<vmem>>) target(%dma_start3A_768 : memref<104x512xf32, #tpu.memory_space<hbm>>) target_semaphore(%arg7 : memref<!tpu.dma_semaphore, #tpu.memory_space<semaphore_mem>>)
      %add3A_772 = arith.constant 104 : i32
      %add3A_773 = arith.addi %mul3A_2, %add3A_772 : i32
      %dma_start3A_774 = arith.constant 104 : i32
      %dma_start3A_775 = arith.constant 0 : i32
      %dma_start3A_776 = tpu.memref_slice %arg5[%dma_start3A_774, %dma_start3A_775] : memref<208x512xf32, #tpu.memory_space<vmem>> -> memref<104x512xf32, #tpu.memory_space<vmem>>
      %dma_start3A_777 = arith.constant 15360 : i32
      %dma_start3A_778 = tpu.memref_slice %arg3[%add3A_773, %dma_start3A_777] : memref<6592x16384xf32, #tpu.memory_space<hbm>> -> memref<104x512xf32, #tpu.memory_space<hbm>>
      %dma_start3A_779 = arith.constant 15360 : i32
      %dma_start3A_780 = tpu.memref_slice %arg3[%add3A_773, %dma_start3A_779] : memref<6592x16384xf32, #tpu.memory_space<hbm>> -> memref<104x512xf32, #tpu.memory_space<hbm>>
      %dma_start3A_781 = arith.constant 104 : i32
      %dma_start3A_782 = arith.constant 0 : i32
      %dma_start3A_783 = tpu.memref_slice %arg5[%dma_start3A_781, %dma_start3A_782] : memref<208x512xf32, #tpu.memory_space<vmem>> -> memref<104x512xf32, #tpu.memory_space<vmem>>
      tpu.enqueue_dma source(%dma_start3A_783 : memref<104x512xf32, #tpu.memory_space<vmem>>) target(%dma_start3A_780 : memref<104x512xf32, #tpu.memory_space<hbm>>) target_semaphore(%arg7 : memref<!tpu.dma_semaphore, #tpu.memory_space<semaphore_mem>>)
      %add3A_784 = arith.constant 104 : i32
      %add3A_785 = arith.addi %mul3A_2, %add3A_784 : i32
      %dma_start3A_786 = arith.constant 104 : i32
      %dma_start3A_787 = arith.constant 0 : i32
      %dma_start3A_788 = tpu.memref_slice %arg5[%dma_start3A_786, %dma_start3A_787] : memref<208x512xf32, #tpu.memory_space<vmem>> -> memref<104x512xf32, #tpu.memory_space<vmem>>
      %dma_start3A_789 = arith.constant 15872 : i32
      %dma_start3A_790 = tpu.memref_slice %arg3[%add3A_785, %dma_start3A_789] : memref<6592x16384xf32, #tpu.memory_space<hbm>> -> memref<104x512xf32, #tpu.memory_space<hbm>>
      %dma_start3A_791 = arith.constant 15872 : i32
      %dma_start3A_792 = tpu.memref_slice %arg3[%add3A_785, %dma_start3A_791] : memref<6592x16384xf32, #tpu.memory_space<hbm>> -> memref<104x512xf32, #tpu.memory_space<hbm>>
      %dma_start3A_793 = arith.constant 104 : i32
      %dma_start3A_794 = arith.constant 0 : i32
      %dma_start3A_795 = tpu.memref_slice %arg5[%dma_start3A_793, %dma_start3A_794] : memref<208x512xf32, #tpu.memory_space<vmem>> -> memref<104x512xf32, #tpu.memory_space<vmem>>
      tpu.enqueue_dma source(%dma_start3A_795 : memref<104x512xf32, #tpu.memory_space<vmem>>) target(%dma_start3A_792 : memref<104x512xf32, #tpu.memory_space<hbm>>) target_semaphore(%arg7 : memref<!tpu.dma_semaphore, #tpu.memory_space<semaphore_mem>>)
      %dma_wait3A_796 = arith.constant 0 : i32
      %dma_wait3A_797 = arith.constant 0 : i32
      %dma_wait3A_798 = tpu.memref_slice %arg5[%dma_wait3A_796, %dma_wait3A_797] : memref<208x512xf32, #tpu.memory_space<vmem>> -> memref<104x512xf32, #tpu.memory_space<vmem>>
      %dma_wait3A_799 = arith.constant 0 : i32
      %dma_wait3A_800 = tpu.memref_slice %arg3[%add3A_22, %dma_wait3A_799] : memref<6592x16384xf32, #tpu.memory_space<hbm>> -> memref<104x512xf32, #tpu.memory_space<hbm>>
      %dma_wait3A_801 = arith.constant 0 : i32
      %dma_wait3A_802 = tpu.memref_slice %arg3[%add3A_22, %dma_wait3A_801] : memref<6592x16384xf32, #tpu.memory_space<hbm>> -> memref<104x512xf32, #tpu.memory_space<hbm>>
      %dma_wait3A_803 = arith.constant 0 : i32
      %dma_wait3A_804 = arith.constant 0 : i32
      %dma_wait3A_805 = tpu.memref_slice %arg5[%dma_wait3A_803, %dma_wait3A_804] : memref<208x512xf32, #tpu.memory_space<vmem>> -> memref<104x512xf32, #tpu.memory_space<vmem>>
      tpu.wait_dma2 semaphore(%arg7 : memref<!tpu.dma_semaphore, #tpu.memory_space<semaphore_mem>>) src(%dma_wait3A_805 : memref<104x512xf32, #tpu.memory_space<vmem>>) dst(%dma_wait3A_802 : memref<104x512xf32, #tpu.memory_space<hbm>>)
      %dma_wait3A_806 = arith.constant 0 : i32
      %dma_wait3A_807 = arith.constant 0 : i32
      %dma_wait3A_808 = tpu.memref_slice %arg5[%dma_wait3A_806, %dma_wait3A_807] : memref<208x512xf32, #tpu.memory_space<vmem>> -> memref<104x512xf32, #tpu.memory_space<vmem>>
      %dma_wait3A_809 = arith.constant 512 : i32
      %dma_wait3A_810 = tpu.memref_slice %arg3[%add3A_34, %dma_wait3A_809] : memref<6592x16384xf32, #tpu.memory_space<hbm>> -> memref<104x512xf32, #tpu.memory_space<hbm>>
      %dma_wait3A_811 = arith.constant 512 : i32
      %dma_wait3A_812 = tpu.memref_slice %arg3[%add3A_34, %dma_wait3A_811] : memref<6592x16384xf32, #tpu.memory_space<hbm>> -> memref<104x512xf32, #tpu.memory_space<hbm>>
      %dma_wait3A_813 = arith.constant 0 : i32
      %dma_wait3A_814 = arith.constant 0 : i32
      %dma_wait3A_815 = tpu.memref_slice %arg5[%dma_wait3A_813, %dma_wait3A_814] : memref<208x512xf32, #tpu.memory_space<vmem>> -> memref<104x512xf32, #tpu.memory_space<vmem>>
      tpu.wait_dma2 semaphore(%arg7 : memref<!tpu.dma_semaphore, #tpu.memory_space<semaphore_mem>>) src(%dma_wait3A_815 : memref<104x512xf32, #tpu.memory_space<vmem>>) dst(%dma_wait3A_812 : memref<104x512xf32, #tpu.memory_space<hbm>>)
      %dma_wait3A_816 = arith.constant 0 : i32
      %dma_wait3A_817 = arith.constant 0 : i32
      %dma_wait3A_818 = tpu.memref_slice %arg5[%dma_wait3A_816, %dma_wait3A_817] : memref<208x512xf32, #tpu.memory_space<vmem>> -> memref<104x512xf32, #tpu.memory_space<vmem>>
      %dma_wait3A_819 = arith.constant 1024 : i32
      %dma_wait3A_820 = tpu.memref_slice %arg3[%add3A_46, %dma_wait3A_819] : memref<6592x16384xf32, #tpu.memory_space<hbm>> -> memref<104x512xf32, #tpu.memory_space<hbm>>
      %dma_wait3A_821 = arith.constant 1024 : i32
      %dma_wait3A_822 = tpu.memref_slice %arg3[%add3A_46, %dma_wait3A_821] : memref<6592x16384xf32, #tpu.memory_space<hbm>> -> memref<104x512xf32, #tpu.memory_space<hbm>>
      %dma_wait3A_823 = arith.constant 0 : i32
      %dma_wait3A_824 = arith.constant 0 : i32
      %dma_wait3A_825 = tpu.memref_slice %arg5[%dma_wait3A_823, %dma_wait3A_824] : memref<208x512xf32, #tpu.memory_space<vmem>> -> memref<104x512xf32, #tpu.memory_space<vmem>>
      tpu.wait_dma2 semaphore(%arg7 : memref<!tpu.dma_semaphore, #tpu.memory_space<semaphore_mem>>) src(%dma_wait3A_825 : memref<104x512xf32, #tpu.memory_space<vmem>>) dst(%dma_wait3A_822 : memref<104x512xf32, #tpu.memory_space<hbm>>)
      %dma_wait3A_826 = arith.constant 0 : i32
      %dma_wait3A_827 = arith.constant 0 : i32
      %dma_wait3A_828 = tpu.memref_slice %arg5[%dma_wait3A_826, %dma_wait3A_827] : memref<208x512xf32, #tpu.memory_space<vmem>> -> memref<104x512xf32, #tpu.memory_space<vmem>>
      %dma_wait3A_829 = arith.constant 1536 : i32
      %dma_wait3A_830 = tpu.memref_slice %arg3[%add3A_58, %dma_wait3A_829] : memref<6592x16384xf32, #tpu.memory_space<hbm>> -> memref<104x512xf32, #tpu.memory_space<hbm>>
      %dma_wait3A_831 = arith.constant 1536 : i32
      %dma_wait3A_832 = tpu.memref_slice %arg3[%add3A_58, %dma_wait3A_831] : memref<6592x16384xf32, #tpu.memory_space<hbm>> -> memref<104x512xf32, #tpu.memory_space<hbm>>
      %dma_wait3A_833 = arith.constant 0 : i32
      %dma_wait3A_834 = arith.constant 0 : i32
      %dma_wait3A_835 = tpu.memref_slice %arg5[%dma_wait3A_833, %dma_wait3A_834] : memref<208x512xf32, #tpu.memory_space<vmem>> -> memref<104x512xf32, #tpu.memory_space<vmem>>
      tpu.wait_dma2 semaphore(%arg7 : memref<!tpu.dma_semaphore, #tpu.memory_space<semaphore_mem>>) src(%dma_wait3A_835 : memref<104x512xf32, #tpu.memory_space<vmem>>) dst(%dma_wait3A_832 : memref<104x512xf32, #tpu.memory_space<hbm>>)
      %dma_wait3A_836 = arith.constant 0 : i32
      %dma_wait3A_837 = arith.constant 0 : i32
      %dma_wait3A_838 = tpu.memref_slice %arg5[%dma_wait3A_836, %dma_wait3A_837] : memref<208x512xf32, #tpu.memory_space<vmem>> -> memref<104x512xf32, #tpu.memory_space<vmem>>
      %dma_wait3A_839 = arith.constant 2048 : i32
      %dma_wait3A_840 = tpu.memref_slice %arg3[%add3A_70, %dma_wait3A_839] : memref<6592x16384xf32, #tpu.memory_space<hbm>> -> memref<104x512xf32, #tpu.memory_space<hbm>>
      %dma_wait3A_841 = arith.constant 2048 : i32
      %dma_wait3A_842 = tpu.memref_slice %arg3[%add3A_70, %dma_wait3A_841] : memref<6592x16384xf32, #tpu.memory_space<hbm>> -> memref<104x512xf32, #tpu.memory_space<hbm>>
      %dma_wait3A_843 = arith.constant 0 : i32
      %dma_wait3A_844 = arith.constant 0 : i32
      %dma_wait3A_845 = tpu.memref_slice %arg5[%dma_wait3A_843, %dma_wait3A_844] : memref<208x512xf32, #tpu.memory_space<vmem>> -> memref<104x512xf32, #tpu.memory_space<vmem>>
      tpu.wait_dma2 semaphore(%arg7 : memref<!tpu.dma_semaphore, #tpu.memory_space<semaphore_mem>>) src(%dma_wait3A_845 : memref<104x512xf32, #tpu.memory_space<vmem>>) dst(%dma_wait3A_842 : memref<104x512xf32, #tpu.memory_space<hbm>>)
      %dma_wait3A_846 = arith.constant 0 : i32
      %dma_wait3A_847 = arith.constant 0 : i32
      %dma_wait3A_848 = tpu.memref_slice %arg5[%dma_wait3A_846, %dma_wait3A_847] : memref<208x512xf32, #tpu.memory_space<vmem>> -> memref<104x512xf32, #tpu.memory_space<vmem>>
      %dma_wait3A_849 = arith.constant 2560 : i32
      %dma_wait3A_850 = tpu.memref_slice %arg3[%add3A_82, %dma_wait3A_849] : memref<6592x16384xf32, #tpu.memory_space<hbm>> -> memref<104x512xf32, #tpu.memory_space<hbm>>
      %dma_wait3A_851 = arith.constant 2560 : i32
      %dma_wait3A_852 = tpu.memref_slice %arg3[%add3A_82, %dma_wait3A_851] : memref<6592x16384xf32, #tpu.memory_space<hbm>> -> memref<104x512xf32, #tpu.memory_space<hbm>>
      %dma_wait3A_853 = arith.constant 0 : i32
      %dma_wait3A_854 = arith.constant 0 : i32
      %dma_wait3A_855 = tpu.memref_slice %arg5[%dma_wait3A_853, %dma_wait3A_854] : memref<208x512xf32, #tpu.memory_space<vmem>> -> memref<104x512xf32, #tpu.memory_space<vmem>>
      tpu.wait_dma2 semaphore(%arg7 : memref<!tpu.dma_semaphore, #tpu.memory_space<semaphore_mem>>) src(%dma_wait3A_855 : memref<104x512xf32, #tpu.memory_space<vmem>>) dst(%dma_wait3A_852 : memref<104x512xf32, #tpu.memory_space<hbm>>)
      %dma_wait3A_856 = arith.constant 0 : i32
      %dma_wait3A_857 = arith.constant 0 : i32
      %dma_wait3A_858 = tpu.memref_slice %arg5[%dma_wait3A_856, %dma_wait3A_857] : memref<208x512xf32, #tpu.memory_space<vmem>> -> memref<104x512xf32, #tpu.memory_space<vmem>>
      %dma_wait3A_859 = arith.constant 3072 : i32
      %dma_wait3A_860 = tpu.memref_slice %arg3[%add3A_94, %dma_wait3A_859] : memref<6592x16384xf32, #tpu.memory_space<hbm>> -> memref<104x512xf32, #tpu.memory_space<hbm>>
      %dma_wait3A_861 = arith.constant 3072 : i32
      %dma_wait3A_862 = tpu.memref_slice %arg3[%add3A_94, %dma_wait3A_861] : memref<6592x16384xf32, #tpu.memory_space<hbm>> -> memref<104x512xf32, #tpu.memory_space<hbm>>
      %dma_wait3A_863 = arith.constant 0 : i32
      %dma_wait3A_864 = arith.constant 0 : i32
      %dma_wait3A_865 = tpu.memref_slice %arg5[%dma_wait3A_863, %dma_wait3A_864] : memref<208x512xf32, #tpu.memory_space<vmem>> -> memref<104x512xf32, #tpu.memory_space<vmem>>
      tpu.wait_dma2 semaphore(%arg7 : memref<!tpu.dma_semaphore, #tpu.memory_space<semaphore_mem>>) src(%dma_wait3A_865 : memref<104x512xf32, #tpu.memory_space<vmem>>) dst(%dma_wait3A_862 : memref<104x512xf32, #tpu.memory_space<hbm>>)
      %dma_wait3A_866 = arith.constant 0 : i32
      %dma_wait3A_867 = arith.constant 0 : i32
      %dma_wait3A_868 = tpu.memref_slice %arg5[%dma_wait3A_866, %dma_wait3A_867] : memref<208x512xf32, #tpu.memory_space<vmem>> -> memref<104x512xf32, #tpu.memory_space<vmem>>
      %dma_wait3A_869 = arith.constant 3584 : i32
      %dma_wait3A_870 = tpu.memref_slice %arg3[%add3A_106, %dma_wait3A_869] : memref<6592x16384xf32, #tpu.memory_space<hbm>> -> memref<104x512xf32, #tpu.memory_space<hbm>>
      %dma_wait3A_871 = arith.constant 3584 : i32
      %dma_wait3A_872 = tpu.memref_slice %arg3[%add3A_106, %dma_wait3A_871] : memref<6592x16384xf32, #tpu.memory_space<hbm>> -> memref<104x512xf32, #tpu.memory_space<hbm>>
      %dma_wait3A_873 = arith.constant 0 : i32
      %dma_wait3A_874 = arith.constant 0 : i32
      %dma_wait3A_875 = tpu.memref_slice %arg5[%dma_wait3A_873, %dma_wait3A_874] : memref<208x512xf32, #tpu.memory_space<vmem>> -> memref<104x512xf32, #tpu.memory_space<vmem>>
      tpu.wait_dma2 semaphore(%arg7 : memref<!tpu.dma_semaphore, #tpu.memory_space<semaphore_mem>>) src(%dma_wait3A_875 : memref<104x512xf32, #tpu.memory_space<vmem>>) dst(%dma_wait3A_872 : memref<104x512xf32, #tpu.memory_space<hbm>>)
      %dma_wait3A_876 = arith.constant 0 : i32
      %dma_wait3A_877 = arith.constant 0 : i32
      %dma_wait3A_878 = tpu.memref_slice %arg5[%dma_wait3A_876, %dma_wait3A_877] : memref<208x512xf32, #tpu.memory_space<vmem>> -> memref<104x512xf32, #tpu.memory_space<vmem>>
      %dma_wait3A_879 = arith.constant 4096 : i32
      %dma_wait3A_880 = tpu.memref_slice %arg3[%add3A_118, %dma_wait3A_879] : memref<6592x16384xf32, #tpu.memory_space<hbm>> -> memref<104x512xf32, #tpu.memory_space<hbm>>
      %dma_wait3A_881 = arith.constant 4096 : i32
      %dma_wait3A_882 = tpu.memref_slice %arg3[%add3A_118, %dma_wait3A_881] : memref<6592x16384xf32, #tpu.memory_space<hbm>> -> memref<104x512xf32, #tpu.memory_space<hbm>>
      %dma_wait3A_883 = arith.constant 0 : i32
      %dma_wait3A_884 = arith.constant 0 : i32
      %dma_wait3A_885 = tpu.memref_slice %arg5[%dma_wait3A_883, %dma_wait3A_884] : memref<208x512xf32, #tpu.memory_space<vmem>> -> memref<104x512xf32, #tpu.memory_space<vmem>>
      tpu.wait_dma2 semaphore(%arg7 : memref<!tpu.dma_semaphore, #tpu.memory_space<semaphore_mem>>) src(%dma_wait3A_885 : memref<104x512xf32, #tpu.memory_space<vmem>>) dst(%dma_wait3A_882 : memref<104x512xf32, #tpu.memory_space<hbm>>)
      %dma_wait3A_886 = arith.constant 0 : i32
      %dma_wait3A_887 = arith.constant 0 : i32
      %dma_wait3A_888 = tpu.memref_slice %arg5[%dma_wait3A_886, %dma_wait3A_887] : memref<208x512xf32, #tpu.memory_space<vmem>> -> memref<104x512xf32, #tpu.memory_space<vmem>>
      %dma_wait3A_889 = arith.constant 4608 : i32
      %dma_wait3A_890 = tpu.memref_slice %arg3[%add3A_130, %dma_wait3A_889] : memref<6592x16384xf32, #tpu.memory_space<hbm>> -> memref<104x512xf32, #tpu.memory_space<hbm>>
      %dma_wait3A_891 = arith.constant 4608 : i32
      %dma_wait3A_892 = tpu.memref_slice %arg3[%add3A_130, %dma_wait3A_891] : memref<6592x16384xf32, #tpu.memory_space<hbm>> -> memref<104x512xf32, #tpu.memory_space<hbm>>
      %dma_wait3A_893 = arith.constant 0 : i32
      %dma_wait3A_894 = arith.constant 0 : i32
      %dma_wait3A_895 = tpu.memref_slice %arg5[%dma_wait3A_893, %dma_wait3A_894] : memref<208x512xf32, #tpu.memory_space<vmem>> -> memref<104x512xf32, #tpu.memory_space<vmem>>
      tpu.wait_dma2 semaphore(%arg7 : memref<!tpu.dma_semaphore, #tpu.memory_space<semaphore_mem>>) src(%dma_wait3A_895 : memref<104x512xf32, #tpu.memory_space<vmem>>) dst(%dma_wait3A_892 : memref<104x512xf32, #tpu.memory_space<hbm>>)
      %dma_wait3A_896 = arith.constant 0 : i32
      %dma_wait3A_897 = arith.constant 0 : i32
      %dma_wait3A_898 = tpu.memref_slice %arg5[%dma_wait3A_896, %dma_wait3A_897] : memref<208x512xf32, #tpu.memory_space<vmem>> -> memref<104x512xf32, #tpu.memory_space<vmem>>
      %dma_wait3A_899 = arith.constant 5120 : i32
      %dma_wait3A_900 = tpu.memref_slice %arg3[%add3A_142, %dma_wait3A_899] : memref<6592x16384xf32, #tpu.memory_space<hbm>> -> memref<104x512xf32, #tpu.memory_space<hbm>>
      %dma_wait3A_901 = arith.constant 5120 : i32
      %dma_wait3A_902 = tpu.memref_slice %arg3[%add3A_142, %dma_wait3A_901] : memref<6592x16384xf32, #tpu.memory_space<hbm>> -> memref<104x512xf32, #tpu.memory_space<hbm>>
      %dma_wait3A_903 = arith.constant 0 : i32
      %dma_wait3A_904 = arith.constant 0 : i32
      %dma_wait3A_905 = tpu.memref_slice %arg5[%dma_wait3A_903, %dma_wait3A_904] : memref<208x512xf32, #tpu.memory_space<vmem>> -> memref<104x512xf32, #tpu.memory_space<vmem>>
      tpu.wait_dma2 semaphore(%arg7 : memref<!tpu.dma_semaphore, #tpu.memory_space<semaphore_mem>>) src(%dma_wait3A_905 : memref<104x512xf32, #tpu.memory_space<vmem>>) dst(%dma_wait3A_902 : memref<104x512xf32, #tpu.memory_space<hbm>>)
      %dma_wait3A_906 = arith.constant 0 : i32
      %dma_wait3A_907 = arith.constant 0 : i32
      %dma_wait3A_908 = tpu.memref_slice %arg5[%dma_wait3A_906, %dma_wait3A_907] : memref<208x512xf32, #tpu.memory_space<vmem>> -> memref<104x512xf32, #tpu.memory_space<vmem>>
      %dma_wait3A_909 = arith.constant 5632 : i32
      %dma_wait3A_910 = tpu.memref_slice %arg3[%add3A_154, %dma_wait3A_909] : memref<6592x16384xf32, #tpu.memory_space<hbm>> -> memref<104x512xf32, #tpu.memory_space<hbm>>
      %dma_wait3A_911 = arith.constant 5632 : i32
      %dma_wait3A_912 = tpu.memref_slice %arg3[%add3A_154, %dma_wait3A_911] : memref<6592x16384xf32, #tpu.memory_space<hbm>> -> memref<104x512xf32, #tpu.memory_space<hbm>>
      %dma_wait3A_913 = arith.constant 0 : i32
      %dma_wait3A_914 = arith.constant 0 : i32
      %dma_wait3A_915 = tpu.memref_slice %arg5[%dma_wait3A_913, %dma_wait3A_914] : memref<208x512xf32, #tpu.memory_space<vmem>> -> memref<104x512xf32, #tpu.memory_space<vmem>>
      tpu.wait_dma2 semaphore(%arg7 : memref<!tpu.dma_semaphore, #tpu.memory_space<semaphore_mem>>) src(%dma_wait3A_915 : memref<104x512xf32, #tpu.memory_space<vmem>>) dst(%dma_wait3A_912 : memref<104x512xf32, #tpu.memory_space<hbm>>)
      %dma_wait3A_916 = arith.constant 0 : i32
      %dma_wait3A_917 = arith.constant 0 : i32
      %dma_wait3A_918 = tpu.memref_slice %arg5[%dma_wait3A_916, %dma_wait3A_917] : memref<208x512xf32, #tpu.memory_space<vmem>> -> memref<104x512xf32, #tpu.memory_space<vmem>>
      %dma_wait3A_919 = arith.constant 6144 : i32
      %dma_wait3A_920 = tpu.memref_slice %arg3[%add3A_166, %dma_wait3A_919] : memref<6592x16384xf32, #tpu.memory_space<hbm>> -> memref<104x512xf32, #tpu.memory_space<hbm>>
      %dma_wait3A_921 = arith.constant 6144 : i32
      %dma_wait3A_922 = tpu.memref_slice %arg3[%add3A_166, %dma_wait3A_921] : memref<6592x16384xf32, #tpu.memory_space<hbm>> -> memref<104x512xf32, #tpu.memory_space<hbm>>
      %dma_wait3A_923 = arith.constant 0 : i32
      %dma_wait3A_924 = arith.constant 0 : i32
      %dma_wait3A_925 = tpu.memref_slice %arg5[%dma_wait3A_923, %dma_wait3A_924] : memref<208x512xf32, #tpu.memory_space<vmem>> -> memref<104x512xf32, #tpu.memory_space<vmem>>
      tpu.wait_dma2 semaphore(%arg7 : memref<!tpu.dma_semaphore, #tpu.memory_space<semaphore_mem>>) src(%dma_wait3A_925 : memref<104x512xf32, #tpu.memory_space<vmem>>) dst(%dma_wait3A_922 : memref<104x512xf32, #tpu.memory_space<hbm>>)
      %dma_wait3A_926 = arith.constant 0 : i32
      %dma_wait3A_927 = arith.constant 0 : i32
      %dma_wait3A_928 = tpu.memref_slice %arg5[%dma_wait3A_926, %dma_wait3A_927] : memref<208x512xf32, #tpu.memory_space<vmem>> -> memref<104x512xf32, #tpu.memory_space<vmem>>
      %dma_wait3A_929 = arith.constant 6656 : i32
      %dma_wait3A_930 = tpu.memref_slice %arg3[%add3A_178, %dma_wait3A_929] : memref<6592x16384xf32, #tpu.memory_space<hbm>> -> memref<104x512xf32, #tpu.memory_space<hbm>>
      %dma_wait3A_931 = arith.constant 6656 : i32
      %dma_wait3A_932 = tpu.memref_slice %arg3[%add3A_178, %dma_wait3A_931] : memref<6592x16384xf32, #tpu.memory_space<hbm>> -> memref<104x512xf32, #tpu.memory_space<hbm>>
      %dma_wait3A_933 = arith.constant 0 : i32
      %dma_wait3A_934 = arith.constant 0 : i32
      %dma_wait3A_935 = tpu.memref_slice %arg5[%dma_wait3A_933, %dma_wait3A_934] : memref<208x512xf32, #tpu.memory_space<vmem>> -> memref<104x512xf32, #tpu.memory_space<vmem>>
      tpu.wait_dma2 semaphore(%arg7 : memref<!tpu.dma_semaphore, #tpu.memory_space<semaphore_mem>>) src(%dma_wait3A_935 : memref<104x512xf32, #tpu.memory_space<vmem>>) dst(%dma_wait3A_932 : memref<104x512xf32, #tpu.memory_space<hbm>>)
      %dma_wait3A_936 = arith.constant 0 : i32
      %dma_wait3A_937 = arith.constant 0 : i32
      %dma_wait3A_938 = tpu.memref_slice %arg5[%dma_wait3A_936, %dma_wait3A_937] : memref<208x512xf32, #tpu.memory_space<vmem>> -> memref<104x512xf32, #tpu.memory_space<vmem>>
      %dma_wait3A_939 = arith.constant 7168 : i32
      %dma_wait3A_940 = tpu.memref_slice %arg3[%add3A_190, %dma_wait3A_939] : memref<6592x16384xf32, #tpu.memory_space<hbm>> -> memref<104x512xf32, #tpu.memory_space<hbm>>
      %dma_wait3A_941 = arith.constant 7168 : i32
      %dma_wait3A_942 = tpu.memref_slice %arg3[%add3A_190, %dma_wait3A_941] : memref<6592x16384xf32, #tpu.memory_space<hbm>> -> memref<104x512xf32, #tpu.memory_space<hbm>>
      %dma_wait3A_943 = arith.constant 0 : i32
      %dma_wait3A_944 = arith.constant 0 : i32
      %dma_wait3A_945 = tpu.memref_slice %arg5[%dma_wait3A_943, %dma_wait3A_944] : memref<208x512xf32, #tpu.memory_space<vmem>> -> memref<104x512xf32, #tpu.memory_space<vmem>>
      tpu.wait_dma2 semaphore(%arg7 : memref<!tpu.dma_semaphore, #tpu.memory_space<semaphore_mem>>) src(%dma_wait3A_945 : memref<104x512xf32, #tpu.memory_space<vmem>>) dst(%dma_wait3A_942 : memref<104x512xf32, #tpu.memory_space<hbm>>)
      %dma_wait3A_946 = arith.constant 0 : i32
      %dma_wait3A_947 = arith.constant 0 : i32
      %dma_wait3A_948 = tpu.memref_slice %arg5[%dma_wait3A_946, %dma_wait3A_947] : memref<208x512xf32, #tpu.memory_space<vmem>> -> memref<104x512xf32, #tpu.memory_space<vmem>>
      %dma_wait3A_949 = arith.constant 7680 : i32
      %dma_wait3A_950 = tpu.memref_slice %arg3[%add3A_202, %dma_wait3A_949] : memref<6592x16384xf32, #tpu.memory_space<hbm>> -> memref<104x512xf32, #tpu.memory_space<hbm>>
      %dma_wait3A_951 = arith.constant 7680 : i32
      %dma_wait3A_952 = tpu.memref_slice %arg3[%add3A_202, %dma_wait3A_951] : memref<6592x16384xf32, #tpu.memory_space<hbm>> -> memref<104x512xf32, #tpu.memory_space<hbm>>
      %dma_wait3A_953 = arith.constant 0 : i32
      %dma_wait3A_954 = arith.constant 0 : i32
      %dma_wait3A_955 = tpu.memref_slice %arg5[%dma_wait3A_953, %dma_wait3A_954] : memref<208x512xf32, #tpu.memory_space<vmem>> -> memref<104x512xf32, #tpu.memory_space<vmem>>
      tpu.wait_dma2 semaphore(%arg7 : memref<!tpu.dma_semaphore, #tpu.memory_space<semaphore_mem>>) src(%dma_wait3A_955 : memref<104x512xf32, #tpu.memory_space<vmem>>) dst(%dma_wait3A_952 : memref<104x512xf32, #tpu.memory_space<hbm>>)
      %dma_wait3A_956 = arith.constant 0 : i32
      %dma_wait3A_957 = arith.constant 0 : i32
      %dma_wait3A_958 = tpu.memref_slice %arg5[%dma_wait3A_956, %dma_wait3A_957] : memref<208x512xf32, #tpu.memory_space<vmem>> -> memref<104x512xf32, #tpu.memory_space<vmem>>
      %dma_wait3A_959 = arith.constant 8192 : i32
      %dma_wait3A_960 = tpu.memref_slice %arg3[%add3A_214, %dma_wait3A_959] : memref<6592x16384xf32, #tpu.memory_space<hbm>> -> memref<104x512xf32, #tpu.memory_space<hbm>>
      %dma_wait3A_961 = arith.constant 8192 : i32
      %dma_wait3A_962 = tpu.memref_slice %arg3[%add3A_214, %dma_wait3A_961] : memref<6592x16384xf32, #tpu.memory_space<hbm>> -> memref<104x512xf32, #tpu.memory_space<hbm>>
      %dma_wait3A_963 = arith.constant 0 : i32
      %dma_wait3A_964 = arith.constant 0 : i32
      %dma_wait3A_965 = tpu.memref_slice %arg5[%dma_wait3A_963, %dma_wait3A_964] : memref<208x512xf32, #tpu.memory_space<vmem>> -> memref<104x512xf32, #tpu.memory_space<vmem>>
      tpu.wait_dma2 semaphore(%arg7 : memref<!tpu.dma_semaphore, #tpu.memory_space<semaphore_mem>>) src(%dma_wait3A_965 : memref<104x512xf32, #tpu.memory_space<vmem>>) dst(%dma_wait3A_962 : memref<104x512xf32, #tpu.memory_space<hbm>>)
      %dma_wait3A_966 = arith.constant 0 : i32
      %dma_wait3A_967 = arith.constant 0 : i32
      %dma_wait3A_968 = tpu.memref_slice %arg5[%dma_wait3A_966, %dma_wait3A_967] : memref<208x512xf32, #tpu.memory_space<vmem>> -> memref<104x512xf32, #tpu.memory_space<vmem>>
      %dma_wait3A_969 = arith.constant 8704 : i32
      %dma_wait3A_970 = tpu.memref_slice %arg3[%add3A_226, %dma_wait3A_969] : memref<6592x16384xf32, #tpu.memory_space<hbm>> -> memref<104x512xf32, #tpu.memory_space<hbm>>
      %dma_wait3A_971 = arith.constant 8704 : i32
      %dma_wait3A_972 = tpu.memref_slice %arg3[%add3A_226, %dma_wait3A_971] : memref<6592x16384xf32, #tpu.memory_space<hbm>> -> memref<104x512xf32, #tpu.memory_space<hbm>>
      %dma_wait3A_973 = arith.constant 0 : i32
      %dma_wait3A_974 = arith.constant 0 : i32
      %dma_wait3A_975 = tpu.memref_slice %arg5[%dma_wait3A_973, %dma_wait3A_974] : memref<208x512xf32, #tpu.memory_space<vmem>> -> memref<104x512xf32, #tpu.memory_space<vmem>>
      tpu.wait_dma2 semaphore(%arg7 : memref<!tpu.dma_semaphore, #tpu.memory_space<semaphore_mem>>) src(%dma_wait3A_975 : memref<104x512xf32, #tpu.memory_space<vmem>>) dst(%dma_wait3A_972 : memref<104x512xf32, #tpu.memory_space<hbm>>)
      %dma_wait3A_976 = arith.constant 0 : i32
      %dma_wait3A_977 = arith.constant 0 : i32
      %dma_wait3A_978 = tpu.memref_slice %arg5[%dma_wait3A_976, %dma_wait3A_977] : memref<208x512xf32, #tpu.memory_space<vmem>> -> memref<104x512xf32, #tpu.memory_space<vmem>>
      %dma_wait3A_979 = arith.constant 9216 : i32
      %dma_wait3A_980 = tpu.memref_slice %arg3[%add3A_238, %dma_wait3A_979] : memref<6592x16384xf32, #tpu.memory_space<hbm>> -> memref<104x512xf32, #tpu.memory_space<hbm>>
      %dma_wait3A_981 = arith.constant 9216 : i32
      %dma_wait3A_982 = tpu.memref_slice %arg3[%add3A_238, %dma_wait3A_981] : memref<6592x16384xf32, #tpu.memory_space<hbm>> -> memref<104x512xf32, #tpu.memory_space<hbm>>
      %dma_wait3A_983 = arith.constant 0 : i32
      %dma_wait3A_984 = arith.constant 0 : i32
      %dma_wait3A_985 = tpu.memref_slice %arg5[%dma_wait3A_983, %dma_wait3A_984] : memref<208x512xf32, #tpu.memory_space<vmem>> -> memref<104x512xf32, #tpu.memory_space<vmem>>
      tpu.wait_dma2 semaphore(%arg7 : memref<!tpu.dma_semaphore, #tpu.memory_space<semaphore_mem>>) src(%dma_wait3A_985 : memref<104x512xf32, #tpu.memory_space<vmem>>) dst(%dma_wait3A_982 : memref<104x512xf32, #tpu.memory_space<hbm>>)
      %dma_wait3A_986 = arith.constant 0 : i32
      %dma_wait3A_987 = arith.constant 0 : i32
      %dma_wait3A_988 = tpu.memref_slice %arg5[%dma_wait3A_986, %dma_wait3A_987] : memref<208x512xf32, #tpu.memory_space<vmem>> -> memref<104x512xf32, #tpu.memory_space<vmem>>
      %dma_wait3A_989 = arith.constant 9728 : i32
      %dma_wait3A_990 = tpu.memref_slice %arg3[%add3A_250, %dma_wait3A_989] : memref<6592x16384xf32, #tpu.memory_space<hbm>> -> memref<104x512xf32, #tpu.memory_space<hbm>>
      %dma_wait3A_991 = arith.constant 9728 : i32
      %dma_wait3A_992 = tpu.memref_slice %arg3[%add3A_250, %dma_wait3A_991] : memref<6592x16384xf32, #tpu.memory_space<hbm>> -> memref<104x512xf32, #tpu.memory_space<hbm>>
      %dma_wait3A_993 = arith.constant 0 : i32
      %dma_wait3A_994 = arith.constant 0 : i32
      %dma_wait3A_995 = tpu.memref_slice %arg5[%dma_wait3A_993, %dma_wait3A_994] : memref<208x512xf32, #tpu.memory_space<vmem>> -> memref<104x512xf32, #tpu.memory_space<vmem>>
      tpu.wait_dma2 semaphore(%arg7 : memref<!tpu.dma_semaphore, #tpu.memory_space<semaphore_mem>>) src(%dma_wait3A_995 : memref<104x512xf32, #tpu.memory_space<vmem>>) dst(%dma_wait3A_992 : memref<104x512xf32, #tpu.memory_space<hbm>>)
      %dma_wait3A_996 = arith.constant 0 : i32
      %dma_wait3A_997 = arith.constant 0 : i32
      %dma_wait3A_998 = tpu.memref_slice %arg5[%dma_wait3A_996, %dma_wait3A_997] : memref<208x512xf32, #tpu.memory_space<vmem>> -> memref<104x512xf32, #tpu.memory_space<vmem>>
      %dma_wait3A_999 = arith.constant 10240 : i32
      %dma_wait3A_1000 = tpu.memref_slice %arg3[%add3A_262, %dma_wait3A_999] : memref<6592x16384xf32, #tpu.memory_space<hbm>> -> memref<104x512xf32, #tpu.memory_space<hbm>>
      %dma_wait3A_1001 = arith.constant 10240 : i32
      %dma_wait3A_1002 = tpu.memref_slice %arg3[%add3A_262, %dma_wait3A_1001] : memref<6592x16384xf32, #tpu.memory_space<hbm>> -> memref<104x512xf32, #tpu.memory_space<hbm>>
      %dma_wait3A_1003 = arith.constant 0 : i32
      %dma_wait3A_1004 = arith.constant 0 : i32
      %dma_wait3A_1005 = tpu.memref_slice %arg5[%dma_wait3A_1003, %dma_wait3A_1004] : memref<208x512xf32, #tpu.memory_space<vmem>> -> memref<104x512xf32, #tpu.memory_space<vmem>>
      tpu.wait_dma2 semaphore(%arg7 : memref<!tpu.dma_semaphore, #tpu.memory_space<semaphore_mem>>) src(%dma_wait3A_1005 : memref<104x512xf32, #tpu.memory_space<vmem>>) dst(%dma_wait3A_1002 : memref<104x512xf32, #tpu.memory_space<hbm>>)
      %dma_wait3A_1006 = arith.constant 0 : i32
      %dma_wait3A_1007 = arith.constant 0 : i32
      %dma_wait3A_1008 = tpu.memref_slice %arg5[%dma_wait3A_1006, %dma_wait3A_1007] : memref<208x512xf32, #tpu.memory_space<vmem>> -> memref<104x512xf32, #tpu.memory_space<vmem>>
      %dma_wait3A_1009 = arith.constant 10752 : i32
      %dma_wait3A_1010 = tpu.memref_slice %arg3[%add3A_274, %dma_wait3A_1009] : memref<6592x16384xf32, #tpu.memory_space<hbm>> -> memref<104x512xf32, #tpu.memory_space<hbm>>
      %dma_wait3A_1011 = arith.constant 10752 : i32
      %dma_wait3A_1012 = tpu.memref_slice %arg3[%add3A_274, %dma_wait3A_1011] : memref<6592x16384xf32, #tpu.memory_space<hbm>> -> memref<104x512xf32, #tpu.memory_space<hbm>>
      %dma_wait3A_1013 = arith.constant 0 : i32
      %dma_wait3A_1014 = arith.constant 0 : i32
      %dma_wait3A_1015 = tpu.memref_slice %arg5[%dma_wait3A_1013, %dma_wait3A_1014] : memref<208x512xf32, #tpu.memory_space<vmem>> -> memref<104x512xf32, #tpu.memory_space<vmem>>
      tpu.wait_dma2 semaphore(%arg7 : memref<!tpu.dma_semaphore, #tpu.memory_space<semaphore_mem>>) src(%dma_wait3A_1015 : memref<104x512xf32, #tpu.memory_space<vmem>>) dst(%dma_wait3A_1012 : memref<104x512xf32, #tpu.memory_space<hbm>>)
      %dma_wait3A_1016 = arith.constant 0 : i32
      %dma_wait3A_1017 = arith.constant 0 : i32
      %dma_wait3A_1018 = tpu.memref_slice %arg5[%dma_wait3A_1016, %dma_wait3A_1017] : memref<208x512xf32, #tpu.memory_space<vmem>> -> memref<104x512xf32, #tpu.memory_space<vmem>>
      %dma_wait3A_1019 = arith.constant 11264 : i32
      %dma_wait3A_1020 = tpu.memref_slice %arg3[%add3A_286, %dma_wait3A_1019] : memref<6592x16384xf32, #tpu.memory_space<hbm>> -> memref<104x512xf32, #tpu.memory_space<hbm>>
      %dma_wait3A_1021 = arith.constant 11264 : i32
      %dma_wait3A_1022 = tpu.memref_slice %arg3[%add3A_286, %dma_wait3A_1021] : memref<6592x16384xf32, #tpu.memory_space<hbm>> -> memref<104x512xf32, #tpu.memory_space<hbm>>
      %dma_wait3A_1023 = arith.constant 0 : i32
      %dma_wait3A_1024 = arith.constant 0 : i32
      %dma_wait3A_1025 = tpu.memref_slice %arg5[%dma_wait3A_1023, %dma_wait3A_1024] : memref<208x512xf32, #tpu.memory_space<vmem>> -> memref<104x512xf32, #tpu.memory_space<vmem>>
      tpu.wait_dma2 semaphore(%arg7 : memref<!tpu.dma_semaphore, #tpu.memory_space<semaphore_mem>>) src(%dma_wait3A_1025 : memref<104x512xf32, #tpu.memory_space<vmem>>) dst(%dma_wait3A_1022 : memref<104x512xf32, #tpu.memory_space<hbm>>)
      %dma_wait3A_1026 = arith.constant 0 : i32
      %dma_wait3A_1027 = arith.constant 0 : i32
      %dma_wait3A_1028 = tpu.memref_slice %arg5[%dma_wait3A_1026, %dma_wait3A_1027] : memref<208x512xf32, #tpu.memory_space<vmem>> -> memref<104x512xf32, #tpu.memory_space<vmem>>
      %dma_wait3A_1029 = arith.constant 11776 : i32
      %dma_wait3A_1030 = tpu.memref_slice %arg3[%add3A_298, %dma_wait3A_1029] : memref<6592x16384xf32, #tpu.memory_space<hbm>> -> memref<104x512xf32, #tpu.memory_space<hbm>>
      %dma_wait3A_1031 = arith.constant 11776 : i32
      %dma_wait3A_1032 = tpu.memref_slice %arg3[%add3A_298, %dma_wait3A_1031] : memref<6592x16384xf32, #tpu.memory_space<hbm>> -> memref<104x512xf32, #tpu.memory_space<hbm>>
      %dma_wait3A_1033 = arith.constant 0 : i32
      %dma_wait3A_1034 = arith.constant 0 : i32
      %dma_wait3A_1035 = tpu.memref_slice %arg5[%dma_wait3A_1033, %dma_wait3A_1034] : memref<208x512xf32, #tpu.memory_space<vmem>> -> memref<104x512xf32, #tpu.memory_space<vmem>>
      tpu.wait_dma2 semaphore(%arg7 : memref<!tpu.dma_semaphore, #tpu.memory_space<semaphore_mem>>) src(%dma_wait3A_1035 : memref<104x512xf32, #tpu.memory_space<vmem>>) dst(%dma_wait3A_1032 : memref<104x512xf32, #tpu.memory_space<hbm>>)
      %dma_wait3A_1036 = arith.constant 0 : i32
      %dma_wait3A_1037 = arith.constant 0 : i32
      %dma_wait3A_1038 = tpu.memref_slice %arg5[%dma_wait3A_1036, %dma_wait3A_1037] : memref<208x512xf32, #tpu.memory_space<vmem>> -> memref<104x512xf32, #tpu.memory_space<vmem>>
      %dma_wait3A_1039 = arith.constant 12288 : i32
      %dma_wait3A_1040 = tpu.memref_slice %arg3[%add3A_310, %dma_wait3A_1039] : memref<6592x16384xf32, #tpu.memory_space<hbm>> -> memref<104x512xf32, #tpu.memory_space<hbm>>
      %dma_wait3A_1041 = arith.constant 12288 : i32
      %dma_wait3A_1042 = tpu.memref_slice %arg3[%add3A_310, %dma_wait3A_1041] : memref<6592x16384xf32, #tpu.memory_space<hbm>> -> memref<104x512xf32, #tpu.memory_space<hbm>>
      %dma_wait3A_1043 = arith.constant 0 : i32
      %dma_wait3A_1044 = arith.constant 0 : i32
      %dma_wait3A_1045 = tpu.memref_slice %arg5[%dma_wait3A_1043, %dma_wait3A_1044] : memref<208x512xf32, #tpu.memory_space<vmem>> -> memref<104x512xf32, #tpu.memory_space<vmem>>
      tpu.wait_dma2 semaphore(%arg7 : memref<!tpu.dma_semaphore, #tpu.memory_space<semaphore_mem>>) src(%dma_wait3A_1045 : memref<104x512xf32, #tpu.memory_space<vmem>>) dst(%dma_wait3A_1042 : memref<104x512xf32, #tpu.memory_space<hbm>>)
      %dma_wait3A_1046 = arith.constant 0 : i32
      %dma_wait3A_1047 = arith.constant 0 : i32
      %dma_wait3A_1048 = tpu.memref_slice %arg5[%dma_wait3A_1046, %dma_wait3A_1047] : memref<208x512xf32, #tpu.memory_space<vmem>> -> memref<104x512xf32, #tpu.memory_space<vmem>>
      %dma_wait3A_1049 = arith.constant 12800 : i32
      %dma_wait3A_1050 = tpu.memref_slice %arg3[%add3A_322, %dma_wait3A_1049] : memref<6592x16384xf32, #tpu.memory_space<hbm>> -> memref<104x512xf32, #tpu.memory_space<hbm>>
      %dma_wait3A_1051 = arith.constant 12800 : i32
      %dma_wait3A_1052 = tpu.memref_slice %arg3[%add3A_322, %dma_wait3A_1051] : memref<6592x16384xf32, #tpu.memory_space<hbm>> -> memref<104x512xf32, #tpu.memory_space<hbm>>
      %dma_wait3A_1053 = arith.constant 0 : i32
      %dma_wait3A_1054 = arith.constant 0 : i32
      %dma_wait3A_1055 = tpu.memref_slice %arg5[%dma_wait3A_1053, %dma_wait3A_1054] : memref<208x512xf32, #tpu.memory_space<vmem>> -> memref<104x512xf32, #tpu.memory_space<vmem>>
      tpu.wait_dma2 semaphore(%arg7 : memref<!tpu.dma_semaphore, #tpu.memory_space<semaphore_mem>>) src(%dma_wait3A_1055 : memref<104x512xf32, #tpu.memory_space<vmem>>) dst(%dma_wait3A_1052 : memref<104x512xf32, #tpu.memory_space<hbm>>)
      %dma_wait3A_1056 = arith.constant 0 : i32
      %dma_wait3A_1057 = arith.constant 0 : i32
      %dma_wait3A_1058 = tpu.memref_slice %arg5[%dma_wait3A_1056, %dma_wait3A_1057] : memref<208x512xf32, #tpu.memory_space<vmem>> -> memref<104x512xf32, #tpu.memory_space<vmem>>
      %dma_wait3A_1059 = arith.constant 13312 : i32
      %dma_wait3A_1060 = tpu.memref_slice %arg3[%add3A_334, %dma_wait3A_1059] : memref<6592x16384xf32, #tpu.memory_space<hbm>> -> memref<104x512xf32, #tpu.memory_space<hbm>>
      %dma_wait3A_1061 = arith.constant 13312 : i32
      %dma_wait3A_1062 = tpu.memref_slice %arg3[%add3A_334, %dma_wait3A_1061] : memref<6592x16384xf32, #tpu.memory_space<hbm>> -> memref<104x512xf32, #tpu.memory_space<hbm>>
      %dma_wait3A_1063 = arith.constant 0 : i32
      %dma_wait3A_1064 = arith.constant 0 : i32
      %dma_wait3A_1065 = tpu.memref_slice %arg5[%dma_wait3A_1063, %dma_wait3A_1064] : memref<208x512xf32, #tpu.memory_space<vmem>> -> memref<104x512xf32, #tpu.memory_space<vmem>>
      tpu.wait_dma2 semaphore(%arg7 : memref<!tpu.dma_semaphore, #tpu.memory_space<semaphore_mem>>) src(%dma_wait3A_1065 : memref<104x512xf32, #tpu.memory_space<vmem>>) dst(%dma_wait3A_1062 : memref<104x512xf32, #tpu.memory_space<hbm>>)
      %dma_wait3A_1066 = arith.constant 0 : i32
      %dma_wait3A_1067 = arith.constant 0 : i32
      %dma_wait3A_1068 = tpu.memref_slice %arg5[%dma_wait3A_1066, %dma_wait3A_1067] : memref<208x512xf32, #tpu.memory_space<vmem>> -> memref<104x512xf32, #tpu.memory_space<vmem>>
      %dma_wait3A_1069 = arith.constant 13824 : i32
      %dma_wait3A_1070 = tpu.memref_slice %arg3[%add3A_346, %dma_wait3A_1069] : memref<6592x16384xf32, #tpu.memory_space<hbm>> -> memref<104x512xf32, #tpu.memory_space<hbm>>
      %dma_wait3A_1071 = arith.constant 13824 : i32
      %dma_wait3A_1072 = tpu.memref_slice %arg3[%add3A_346, %dma_wait3A_1071] : memref<6592x16384xf32, #tpu.memory_space<hbm>> -> memref<104x512xf32, #tpu.memory_space<hbm>>
      %dma_wait3A_1073 = arith.constant 0 : i32
      %dma_wait3A_1074 = arith.constant 0 : i32
      %dma_wait3A_1075 = tpu.memref_slice %arg5[%dma_wait3A_1073, %dma_wait3A_1074] : memref<208x512xf32, #tpu.memory_space<vmem>> -> memref<104x512xf32, #tpu.memory_space<vmem>>
      tpu.wait_dma2 semaphore(%arg7 : memref<!tpu.dma_semaphore, #tpu.memory_space<semaphore_mem>>) src(%dma_wait3A_1075 : memref<104x512xf32, #tpu.memory_space<vmem>>) dst(%dma_wait3A_1072 : memref<104x512xf32, #tpu.memory_space<hbm>>)
      %dma_wait3A_1076 = arith.constant 0 : i32
      %dma_wait3A_1077 = arith.constant 0 : i32
      %dma_wait3A_1078 = tpu.memref_slice %arg5[%dma_wait3A_1076, %dma_wait3A_1077] : memref<208x512xf32, #tpu.memory_space<vmem>> -> memref<104x512xf32, #tpu.memory_space<vmem>>
      %dma_wait3A_1079 = arith.constant 14336 : i32
      %dma_wait3A_1080 = tpu.memref_slice %arg3[%add3A_358, %dma_wait3A_1079] : memref<6592x16384xf32, #tpu.memory_space<hbm>> -> memref<104x512xf32, #tpu.memory_space<hbm>>
      %dma_wait3A_1081 = arith.constant 14336 : i32
      %dma_wait3A_1082 = tpu.memref_slice %arg3[%add3A_358, %dma_wait3A_1081] : memref<6592x16384xf32, #tpu.memory_space<hbm>> -> memref<104x512xf32, #tpu.memory_space<hbm>>
      %dma_wait3A_1083 = arith.constant 0 : i32
      %dma_wait3A_1084 = arith.constant 0 : i32
      %dma_wait3A_1085 = tpu.memref_slice %arg5[%dma_wait3A_1083, %dma_wait3A_1084] : memref<208x512xf32, #tpu.memory_space<vmem>> -> memref<104x512xf32, #tpu.memory_space<vmem>>
      tpu.wait_dma2 semaphore(%arg7 : memref<!tpu.dma_semaphore, #tpu.memory_space<semaphore_mem>>) src(%dma_wait3A_1085 : memref<104x512xf32, #tpu.memory_space<vmem>>) dst(%dma_wait3A_1082 : memref<104x512xf32, #tpu.memory_space<hbm>>)
      %dma_wait3A_1086 = arith.constant 0 : i32
      %dma_wait3A_1087 = arith.constant 0 : i32
      %dma_wait3A_1088 = tpu.memref_slice %arg5[%dma_wait3A_1086, %dma_wait3A_1087] : memref<208x512xf32, #tpu.memory_space<vmem>> -> memref<104x512xf32, #tpu.memory_space<vmem>>
      %dma_wait3A_1089 = arith.constant 14848 : i32
      %dma_wait3A_1090 = tpu.memref_slice %arg3[%add3A_370, %dma_wait3A_1089] : memref<6592x16384xf32, #tpu.memory_space<hbm>> -> memref<104x512xf32, #tpu.memory_space<hbm>>
      %dma_wait3A_1091 = arith.constant 14848 : i32
      %dma_wait3A_1092 = tpu.memref_slice %arg3[%add3A_370, %dma_wait3A_1091] : memref<6592x16384xf32, #tpu.memory_space<hbm>> -> memref<104x512xf32, #tpu.memory_space<hbm>>
      %dma_wait3A_1093 = arith.constant 0 : i32
      %dma_wait3A_1094 = arith.constant 0 : i32
      %dma_wait3A_1095 = tpu.memref_slice %arg5[%dma_wait3A_1093, %dma_wait3A_1094] : memref<208x512xf32, #tpu.memory_space<vmem>> -> memref<104x512xf32, #tpu.memory_space<vmem>>
      tpu.wait_dma2 semaphore(%arg7 : memref<!tpu.dma_semaphore, #tpu.memory_space<semaphore_mem>>) src(%dma_wait3A_1095 : memref<104x512xf32, #tpu.memory_space<vmem>>) dst(%dma_wait3A_1092 : memref<104x512xf32, #tpu.memory_space<hbm>>)
      %dma_wait3A_1096 = arith.constant 0 : i32
      %dma_wait3A_1097 = arith.constant 0 : i32
      %dma_wait3A_1098 = tpu.memref_slice %arg5[%dma_wait3A_1096, %dma_wait3A_1097] : memref<208x512xf32, #tpu.memory_space<vmem>> -> memref<104x512xf32, #tpu.memory_space<vmem>>
      %dma_wait3A_1099 = arith.constant 15360 : i32
      %dma_wait3A_1100 = tpu.memref_slice %arg3[%add3A_382, %dma_wait3A_1099] : memref<6592x16384xf32, #tpu.memory_space<hbm>> -> memref<104x512xf32, #tpu.memory_space<hbm>>
      %dma_wait3A_1101 = arith.constant 15360 : i32
      %dma_wait3A_1102 = tpu.memref_slice %arg3[%add3A_382, %dma_wait3A_1101] : memref<6592x16384xf32, #tpu.memory_space<hbm>> -> memref<104x512xf32, #tpu.memory_space<hbm>>
      %dma_wait3A_1103 = arith.constant 0 : i32
      %dma_wait3A_1104 = arith.constant 0 : i32
      %dma_wait3A_1105 = tpu.memref_slice %arg5[%dma_wait3A_1103, %dma_wait3A_1104] : memref<208x512xf32, #tpu.memory_space<vmem>> -> memref<104x512xf32, #tpu.memory_space<vmem>>
      tpu.wait_dma2 semaphore(%arg7 : memref<!tpu.dma_semaphore, #tpu.memory_space<semaphore_mem>>) src(%dma_wait3A_1105 : memref<104x512xf32, #tpu.memory_space<vmem>>) dst(%dma_wait3A_1102 : memref<104x512xf32, #tpu.memory_space<hbm>>)
      %dma_wait3A_1106 = arith.constant 0 : i32
      %dma_wait3A_1107 = arith.constant 0 : i32
      %dma_wait3A_1108 = tpu.memref_slice %arg5[%dma_wait3A_1106, %dma_wait3A_1107] : memref<208x512xf32, #tpu.memory_space<vmem>> -> memref<104x512xf32, #tpu.memory_space<vmem>>
      %dma_wait3A_1109 = arith.constant 15872 : i32
      %dma_wait3A_1110 = tpu.memref_slice %arg3[%add3A_394, %dma_wait3A_1109] : memref<6592x16384xf32, #tpu.memory_space<hbm>> -> memref<104x512xf32, #tpu.memory_space<hbm>>
      %dma_wait3A_1111 = arith.constant 15872 : i32
      %dma_wait3A_1112 = tpu.memref_slice %arg3[%add3A_394, %dma_wait3A_1111] : memref<6592x16384xf32, #tpu.memory_space<hbm>> -> memref<104x512xf32, #tpu.memory_space<hbm>>
      %dma_wait3A_1113 = arith.constant 0 : i32
      %dma_wait3A_1114 = arith.constant 0 : i32
      %dma_wait3A_1115 = tpu.memref_slice %arg5[%dma_wait3A_1113, %dma_wait3A_1114] : memref<208x512xf32, #tpu.memory_space<vmem>> -> memref<104x512xf32, #tpu.memory_space<vmem>>
      tpu.wait_dma2 semaphore(%arg7 : memref<!tpu.dma_semaphore, #tpu.memory_space<semaphore_mem>>) src(%dma_wait3A_1115 : memref<104x512xf32, #tpu.memory_space<vmem>>) dst(%dma_wait3A_1112 : memref<104x512xf32, #tpu.memory_space<hbm>>)
      %dma_wait3A_1116 = arith.constant 104 : i32
      %dma_wait3A_1117 = arith.constant 0 : i32
      %dma_wait3A_1118 = tpu.memref_slice %arg5[%dma_wait3A_1116, %dma_wait3A_1117] : memref<208x512xf32, #tpu.memory_space<vmem>> -> memref<104x512xf32, #tpu.memory_space<vmem>>
      %dma_wait3A_1119 = arith.constant 0 : i32
      %dma_wait3A_1120 = tpu.memref_slice %arg3[%add3A_413, %dma_wait3A_1119] : memref<6592x16384xf32, #tpu.memory_space<hbm>> -> memref<104x512xf32, #tpu.memory_space<hbm>>
      %dma_wait3A_1121 = arith.constant 0 : i32
      %dma_wait3A_1122 = tpu.memref_slice %arg3[%add3A_413, %dma_wait3A_1121] : memref<6592x16384xf32, #tpu.memory_space<hbm>> -> memref<104x512xf32, #tpu.memory_space<hbm>>
      %dma_wait3A_1123 = arith.constant 104 : i32
      %dma_wait3A_1124 = arith.constant 0 : i32
      %dma_wait3A_1125 = tpu.memref_slice %arg5[%dma_wait3A_1123, %dma_wait3A_1124] : memref<208x512xf32, #tpu.memory_space<vmem>> -> memref<104x512xf32, #tpu.memory_space<vmem>>
      tpu.wait_dma2 semaphore(%arg7 : memref<!tpu.dma_semaphore, #tpu.memory_space<semaphore_mem>>) src(%dma_wait3A_1125 : memref<104x512xf32, #tpu.memory_space<vmem>>) dst(%dma_wait3A_1122 : memref<104x512xf32, #tpu.memory_space<hbm>>)
      %dma_wait3A_1126 = arith.constant 104 : i32
      %dma_wait3A_1127 = arith.constant 0 : i32
      %dma_wait3A_1128 = tpu.memref_slice %arg5[%dma_wait3A_1126, %dma_wait3A_1127] : memref<208x512xf32, #tpu.memory_space<vmem>> -> memref<104x512xf32, #tpu.memory_space<vmem>>
      %dma_wait3A_1129 = arith.constant 512 : i32
      %dma_wait3A_1130 = tpu.memref_slice %arg3[%add3A_425, %dma_wait3A_1129] : memref<6592x16384xf32, #tpu.memory_space<hbm>> -> memref<104x512xf32, #tpu.memory_space<hbm>>
      %dma_wait3A_1131 = arith.constant 512 : i32
      %dma_wait3A_1132 = tpu.memref_slice %arg3[%add3A_425, %dma_wait3A_1131] : memref<6592x16384xf32, #tpu.memory_space<hbm>> -> memref<104x512xf32, #tpu.memory_space<hbm>>
      %dma_wait3A_1133 = arith.constant 104 : i32
      %dma_wait3A_1134 = arith.constant 0 : i32
      %dma_wait3A_1135 = tpu.memref_slice %arg5[%dma_wait3A_1133, %dma_wait3A_1134] : memref<208x512xf32, #tpu.memory_space<vmem>> -> memref<104x512xf32, #tpu.memory_space<vmem>>
      tpu.wait_dma2 semaphore(%arg7 : memref<!tpu.dma_semaphore, #tpu.memory_space<semaphore_mem>>) src(%dma_wait3A_1135 : memref<104x512xf32, #tpu.memory_space<vmem>>) dst(%dma_wait3A_1132 : memref<104x512xf32, #tpu.memory_space<hbm>>)
      %dma_wait3A_1136 = arith.constant 104 : i32
      %dma_wait3A_1137 = arith.constant 0 : i32
      %dma_wait3A_1138 = tpu.memref_slice %arg5[%dma_wait3A_1136, %dma_wait3A_1137] : memref<208x512xf32, #tpu.memory_space<vmem>> -> memref<104x512xf32, #tpu.memory_space<vmem>>
      %dma_wait3A_1139 = arith.constant 1024 : i32
      %dma_wait3A_1140 = tpu.memref_slice %arg3[%add3A_437, %dma_wait3A_1139] : memref<6592x16384xf32, #tpu.memory_space<hbm>> -> memref<104x512xf32, #tpu.memory_space<hbm>>
      %dma_wait3A_1141 = arith.constant 1024 : i32
      %dma_wait3A_1142 = tpu.memref_slice %arg3[%add3A_437, %dma_wait3A_1141] : memref<6592x16384xf32, #tpu.memory_space<hbm>> -> memref<104x512xf32, #tpu.memory_space<hbm>>
      %dma_wait3A_1143 = arith.constant 104 : i32
      %dma_wait3A_1144 = arith.constant 0 : i32
      %dma_wait3A_1145 = tpu.memref_slice %arg5[%dma_wait3A_1143, %dma_wait3A_1144] : memref<208x512xf32, #tpu.memory_space<vmem>> -> memref<104x512xf32, #tpu.memory_space<vmem>>
      tpu.wait_dma2 semaphore(%arg7 : memref<!tpu.dma_semaphore, #tpu.memory_space<semaphore_mem>>) src(%dma_wait3A_1145 : memref<104x512xf32, #tpu.memory_space<vmem>>) dst(%dma_wait3A_1142 : memref<104x512xf32, #tpu.memory_space<hbm>>)
      %dma_wait3A_1146 = arith.constant 104 : i32
      %dma_wait3A_1147 = arith.constant 0 : i32
      %dma_wait3A_1148 = tpu.memref_slice %arg5[%dma_wait3A_1146, %dma_wait3A_1147] : memref<208x512xf32, #tpu.memory_space<vmem>> -> memref<104x512xf32, #tpu.memory_space<vmem>>
      %dma_wait3A_1149 = arith.constant 1536 : i32
      %dma_wait3A_1150 = tpu.memref_slice %arg3[%add3A_449, %dma_wait3A_1149] : memref<6592x16384xf32, #tpu.memory_space<hbm>> -> memref<104x512xf32, #tpu.memory_space<hbm>>
      %dma_wait3A_1151 = arith.constant 1536 : i32
      %dma_wait3A_1152 = tpu.memref_slice %arg3[%add3A_449, %dma_wait3A_1151] : memref<6592x16384xf32, #tpu.memory_space<hbm>> -> memref<104x512xf32, #tpu.memory_space<hbm>>
      %dma_wait3A_1153 = arith.constant 104 : i32
      %dma_wait3A_1154 = arith.constant 0 : i32
      %dma_wait3A_1155 = tpu.memref_slice %arg5[%dma_wait3A_1153, %dma_wait3A_1154] : memref<208x512xf32, #tpu.memory_space<vmem>> -> memref<104x512xf32, #tpu.memory_space<vmem>>
      tpu.wait_dma2 semaphore(%arg7 : memref<!tpu.dma_semaphore, #tpu.memory_space<semaphore_mem>>) src(%dma_wait3A_1155 : memref<104x512xf32, #tpu.memory_space<vmem>>) dst(%dma_wait3A_1152 : memref<104x512xf32, #tpu.memory_space<hbm>>)
      %dma_wait3A_1156 = arith.constant 104 : i32
      %dma_wait3A_1157 = arith.constant 0 : i32
      %dma_wait3A_1158 = tpu.memref_slice %arg5[%dma_wait3A_1156, %dma_wait3A_1157] : memref<208x512xf32, #tpu.memory_space<vmem>> -> memref<104x512xf32, #tpu.memory_space<vmem>>
      %dma_wait3A_1159 = arith.constant 2048 : i32
      %dma_wait3A_1160 = tpu.memref_slice %arg3[%add3A_461, %dma_wait3A_1159] : memref<6592x16384xf32, #tpu.memory_space<hbm>> -> memref<104x512xf32, #tpu.memory_space<hbm>>
      %dma_wait3A_1161 = arith.constant 2048 : i32
      %dma_wait3A_1162 = tpu.memref_slice %arg3[%add3A_461, %dma_wait3A_1161] : memref<6592x16384xf32, #tpu.memory_space<hbm>> -> memref<104x512xf32, #tpu.memory_space<hbm>>
      %dma_wait3A_1163 = arith.constant 104 : i32
      %dma_wait3A_1164 = arith.constant 0 : i32
      %dma_wait3A_1165 = tpu.memref_slice %arg5[%dma_wait3A_1163, %dma_wait3A_1164] : memref<208x512xf32, #tpu.memory_space<vmem>> -> memref<104x512xf32, #tpu.memory_space<vmem>>
      tpu.wait_dma2 semaphore(%arg7 : memref<!tpu.dma_semaphore, #tpu.memory_space<semaphore_mem>>) src(%dma_wait3A_1165 : memref<104x512xf32, #tpu.memory_space<vmem>>) dst(%dma_wait3A_1162 : memref<104x512xf32, #tpu.memory_space<hbm>>)
      %dma_wait3A_1166 = arith.constant 104 : i32
      %dma_wait3A_1167 = arith.constant 0 : i32
      %dma_wait3A_1168 = tpu.memref_slice %arg5[%dma_wait3A_1166, %dma_wait3A_1167] : memref<208x512xf32, #tpu.memory_space<vmem>> -> memref<104x512xf32, #tpu.memory_space<vmem>>
      %dma_wait3A_1169 = arith.constant 2560 : i32
      %dma_wait3A_1170 = tpu.memref_slice %arg3[%add3A_473, %dma_wait3A_1169] : memref<6592x16384xf32, #tpu.memory_space<hbm>> -> memref<104x512xf32, #tpu.memory_space<hbm>>
      %dma_wait3A_1171 = arith.constant 2560 : i32
      %dma_wait3A_1172 = tpu.memref_slice %arg3[%add3A_473, %dma_wait3A_1171] : memref<6592x16384xf32, #tpu.memory_space<hbm>> -> memref<104x512xf32, #tpu.memory_space<hbm>>
      %dma_wait3A_1173 = arith.constant 104 : i32
      %dma_wait3A_1174 = arith.constant 0 : i32
      %dma_wait3A_1175 = tpu.memref_slice %arg5[%dma_wait3A_1173, %dma_wait3A_1174] : memref<208x512xf32, #tpu.memory_space<vmem>> -> memref<104x512xf32, #tpu.memory_space<vmem>>
      tpu.wait_dma2 semaphore(%arg7 : memref<!tpu.dma_semaphore, #tpu.memory_space<semaphore_mem>>) src(%dma_wait3A_1175 : memref<104x512xf32, #tpu.memory_space<vmem>>) dst(%dma_wait3A_1172 : memref<104x512xf32, #tpu.memory_space<hbm>>)
      %dma_wait3A_1176 = arith.constant 104 : i32
      %dma_wait3A_1177 = arith.constant 0 : i32
      %dma_wait3A_1178 = tpu.memref_slice %arg5[%dma_wait3A_1176, %dma_wait3A_1177] : memref<208x512xf32, #tpu.memory_space<vmem>> -> memref<104x512xf32, #tpu.memory_space<vmem>>
      %dma_wait3A_1179 = arith.constant 3072 : i32
      %dma_wait3A_1180 = tpu.memref_slice %arg3[%add3A_485, %dma_wait3A_1179] : memref<6592x16384xf32, #tpu.memory_space<hbm>> -> memref<104x512xf32, #tpu.memory_space<hbm>>
      %dma_wait3A_1181 = arith.constant 3072 : i32
      %dma_wait3A_1182 = tpu.memref_slice %arg3[%add3A_485, %dma_wait3A_1181] : memref<6592x16384xf32, #tpu.memory_space<hbm>> -> memref<104x512xf32, #tpu.memory_space<hbm>>
      %dma_wait3A_1183 = arith.constant 104 : i32
      %dma_wait3A_1184 = arith.constant 0 : i32
      %dma_wait3A_1185 = tpu.memref_slice %arg5[%dma_wait3A_1183, %dma_wait3A_1184] : memref<208x512xf32, #tpu.memory_space<vmem>> -> memref<104x512xf32, #tpu.memory_space<vmem>>
      tpu.wait_dma2 semaphore(%arg7 : memref<!tpu.dma_semaphore, #tpu.memory_space<semaphore_mem>>) src(%dma_wait3A_1185 : memref<104x512xf32, #tpu.memory_space<vmem>>) dst(%dma_wait3A_1182 : memref<104x512xf32, #tpu.memory_space<hbm>>)
      %dma_wait3A_1186 = arith.constant 104 : i32
      %dma_wait3A_1187 = arith.constant 0 : i32
      %dma_wait3A_1188 = tpu.memref_slice %arg5[%dma_wait3A_1186, %dma_wait3A_1187] : memref<208x512xf32, #tpu.memory_space<vmem>> -> memref<104x512xf32, #tpu.memory_space<vmem>>
      %dma_wait3A_1189 = arith.constant 3584 : i32
      %dma_wait3A_1190 = tpu.memref_slice %arg3[%add3A_497, %dma_wait3A_1189] : memref<6592x16384xf32, #tpu.memory_space<hbm>> -> memref<104x512xf32, #tpu.memory_space<hbm>>
      %dma_wait3A_1191 = arith.constant 3584 : i32
      %dma_wait3A_1192 = tpu.memref_slice %arg3[%add3A_497, %dma_wait3A_1191] : memref<6592x16384xf32, #tpu.memory_space<hbm>> -> memref<104x512xf32, #tpu.memory_space<hbm>>
      %dma_wait3A_1193 = arith.constant 104 : i32
      %dma_wait3A_1194 = arith.constant 0 : i32
      %dma_wait3A_1195 = tpu.memref_slice %arg5[%dma_wait3A_1193, %dma_wait3A_1194] : memref<208x512xf32, #tpu.memory_space<vmem>> -> memref<104x512xf32, #tpu.memory_space<vmem>>
      tpu.wait_dma2 semaphore(%arg7 : memref<!tpu.dma_semaphore, #tpu.memory_space<semaphore_mem>>) src(%dma_wait3A_1195 : memref<104x512xf32, #tpu.memory_space<vmem>>) dst(%dma_wait3A_1192 : memref<104x512xf32, #tpu.memory_space<hbm>>)
      %dma_wait3A_1196 = arith.constant 104 : i32
      %dma_wait3A_1197 = arith.constant 0 : i32
      %dma_wait3A_1198 = tpu.memref_slice %arg5[%dma_wait3A_1196, %dma_wait3A_1197] : memref<208x512xf32, #tpu.memory_space<vmem>> -> memref<104x512xf32, #tpu.memory_space<vmem>>
      %dma_wait3A_1199 = arith.constant 4096 : i32
      %dma_wait3A_1200 = tpu.memref_slice %arg3[%add3A_509, %dma_wait3A_1199] : memref<6592x16384xf32, #tpu.memory_space<hbm>> -> memref<104x512xf32, #tpu.memory_space<hbm>>
      %dma_wait3A_1201 = arith.constant 4096 : i32
      %dma_wait3A_1202 = tpu.memref_slice %arg3[%add3A_509, %dma_wait3A_1201] : memref<6592x16384xf32, #tpu.memory_space<hbm>> -> memref<104x512xf32, #tpu.memory_space<hbm>>
      %dma_wait3A_1203 = arith.constant 104 : i32
      %dma_wait3A_1204 = arith.constant 0 : i32
      %dma_wait3A_1205 = tpu.memref_slice %arg5[%dma_wait3A_1203, %dma_wait3A_1204] : memref<208x512xf32, #tpu.memory_space<vmem>> -> memref<104x512xf32, #tpu.memory_space<vmem>>
      tpu.wait_dma2 semaphore(%arg7 : memref<!tpu.dma_semaphore, #tpu.memory_space<semaphore_mem>>) src(%dma_wait3A_1205 : memref<104x512xf32, #tpu.memory_space<vmem>>) dst(%dma_wait3A_1202 : memref<104x512xf32, #tpu.memory_space<hbm>>)
      %dma_wait3A_1206 = arith.constant 104 : i32
      %dma_wait3A_1207 = arith.constant 0 : i32
      %dma_wait3A_1208 = tpu.memref_slice %arg5[%dma_wait3A_1206, %dma_wait3A_1207] : memref<208x512xf32, #tpu.memory_space<vmem>> -> memref<104x512xf32, #tpu.memory_space<vmem>>
      %dma_wait3A_1209 = arith.constant 4608 : i32
      %dma_wait3A_1210 = tpu.memref_slice %arg3[%add3A_521, %dma_wait3A_1209] : memref<6592x16384xf32, #tpu.memory_space<hbm>> -> memref<104x512xf32, #tpu.memory_space<hbm>>
      %dma_wait3A_1211 = arith.constant 4608 : i32
      %dma_wait3A_1212 = tpu.memref_slice %arg3[%add3A_521, %dma_wait3A_1211] : memref<6592x16384xf32, #tpu.memory_space<hbm>> -> memref<104x512xf32, #tpu.memory_space<hbm>>
      %dma_wait3A_1213 = arith.constant 104 : i32
      %dma_wait3A_1214 = arith.constant 0 : i32
      %dma_wait3A_1215 = tpu.memref_slice %arg5[%dma_wait3A_1213, %dma_wait3A_1214] : memref<208x512xf32, #tpu.memory_space<vmem>> -> memref<104x512xf32, #tpu.memory_space<vmem>>
      tpu.wait_dma2 semaphore(%arg7 : memref<!tpu.dma_semaphore, #tpu.memory_space<semaphore_mem>>) src(%dma_wait3A_1215 : memref<104x512xf32, #tpu.memory_space<vmem>>) dst(%dma_wait3A_1212 : memref<104x512xf32, #tpu.memory_space<hbm>>)
      %dma_wait3A_1216 = arith.constant 104 : i32
      %dma_wait3A_1217 = arith.constant 0 : i32
      %dma_wait3A_1218 = tpu.memref_slice %arg5[%dma_wait3A_1216, %dma_wait3A_1217] : memref<208x512xf32, #tpu.memory_space<vmem>> -> memref<104x512xf32, #tpu.memory_space<vmem>>
      %dma_wait3A_1219 = arith.constant 5120 : i32
      %dma_wait3A_1220 = tpu.memref_slice %arg3[%add3A_533, %dma_wait3A_1219] : memref<6592x16384xf32, #tpu.memory_space<hbm>> -> memref<104x512xf32, #tpu.memory_space<hbm>>
      %dma_wait3A_1221 = arith.constant 5120 : i32
      %dma_wait3A_1222 = tpu.memref_slice %arg3[%add3A_533, %dma_wait3A_1221] : memref<6592x16384xf32, #tpu.memory_space<hbm>> -> memref<104x512xf32, #tpu.memory_space<hbm>>
      %dma_wait3A_1223 = arith.constant 104 : i32
      %dma_wait3A_1224 = arith.constant 0 : i32
      %dma_wait3A_1225 = tpu.memref_slice %arg5[%dma_wait3A_1223, %dma_wait3A_1224] : memref<208x512xf32, #tpu.memory_space<vmem>> -> memref<104x512xf32, #tpu.memory_space<vmem>>
      tpu.wait_dma2 semaphore(%arg7 : memref<!tpu.dma_semaphore, #tpu.memory_space<semaphore_mem>>) src(%dma_wait3A_1225 : memref<104x512xf32, #tpu.memory_space<vmem>>) dst(%dma_wait3A_1222 : memref<104x512xf32, #tpu.memory_space<hbm>>)
      %dma_wait3A_1226 = arith.constant 104 : i32
      %dma_wait3A_1227 = arith.constant 0 : i32
      %dma_wait3A_1228 = tpu.memref_slice %arg5[%dma_wait3A_1226, %dma_wait3A_1227] : memref<208x512xf32, #tpu.memory_space<vmem>> -> memref<104x512xf32, #tpu.memory_space<vmem>>
      %dma_wait3A_1229 = arith.constant 5632 : i32
      %dma_wait3A_1230 = tpu.memref_slice %arg3[%add3A_545, %dma_wait3A_1229] : memref<6592x16384xf32, #tpu.memory_space<hbm>> -> memref<104x512xf32, #tpu.memory_space<hbm>>
      %dma_wait3A_1231 = arith.constant 5632 : i32
      %dma_wait3A_1232 = tpu.memref_slice %arg3[%add3A_545, %dma_wait3A_1231] : memref<6592x16384xf32, #tpu.memory_space<hbm>> -> memref<104x512xf32, #tpu.memory_space<hbm>>
      %dma_wait3A_1233 = arith.constant 104 : i32
      %dma_wait3A_1234 = arith.constant 0 : i32
      %dma_wait3A_1235 = tpu.memref_slice %arg5[%dma_wait3A_1233, %dma_wait3A_1234] : memref<208x512xf32, #tpu.memory_space<vmem>> -> memref<104x512xf32, #tpu.memory_space<vmem>>
      tpu.wait_dma2 semaphore(%arg7 : memref<!tpu.dma_semaphore, #tpu.memory_space<semaphore_mem>>) src(%dma_wait3A_1235 : memref<104x512xf32, #tpu.memory_space<vmem>>) dst(%dma_wait3A_1232 : memref<104x512xf32, #tpu.memory_space<hbm>>)
      %dma_wait3A_1236 = arith.constant 104 : i32
      %dma_wait3A_1237 = arith.constant 0 : i32
      %dma_wait3A_1238 = tpu.memref_slice %arg5[%dma_wait3A_1236, %dma_wait3A_1237] : memref<208x512xf32, #tpu.memory_space<vmem>> -> memref<104x512xf32, #tpu.memory_space<vmem>>
      %dma_wait3A_1239 = arith.constant 6144 : i32
      %dma_wait3A_1240 = tpu.memref_slice %arg3[%add3A_557, %dma_wait3A_1239] : memref<6592x16384xf32, #tpu.memory_space<hbm>> -> memref<104x512xf32, #tpu.memory_space<hbm>>
      %dma_wait3A_1241 = arith.constant 6144 : i32
      %dma_wait3A_1242 = tpu.memref_slice %arg3[%add3A_557, %dma_wait3A_1241] : memref<6592x16384xf32, #tpu.memory_space<hbm>> -> memref<104x512xf32, #tpu.memory_space<hbm>>
      %dma_wait3A_1243 = arith.constant 104 : i32
      %dma_wait3A_1244 = arith.constant 0 : i32
      %dma_wait3A_1245 = tpu.memref_slice %arg5[%dma_wait3A_1243, %dma_wait3A_1244] : memref<208x512xf32, #tpu.memory_space<vmem>> -> memref<104x512xf32, #tpu.memory_space<vmem>>
      tpu.wait_dma2 semaphore(%arg7 : memref<!tpu.dma_semaphore, #tpu.memory_space<semaphore_mem>>) src(%dma_wait3A_1245 : memref<104x512xf32, #tpu.memory_space<vmem>>) dst(%dma_wait3A_1242 : memref<104x512xf32, #tpu.memory_space<hbm>>)
      %dma_wait3A_1246 = arith.constant 104 : i32
      %dma_wait3A_1247 = arith.constant 0 : i32
      %dma_wait3A_1248 = tpu.memref_slice %arg5[%dma_wait3A_1246, %dma_wait3A_1247] : memref<208x512xf32, #tpu.memory_space<vmem>> -> memref<104x512xf32, #tpu.memory_space<vmem>>
      %dma_wait3A_1249 = arith.constant 6656 : i32
      %dma_wait3A_1250 = tpu.memref_slice %arg3[%add3A_569, %dma_wait3A_1249] : memref<6592x16384xf32, #tpu.memory_space<hbm>> -> memref<104x512xf32, #tpu.memory_space<hbm>>
      %dma_wait3A_1251 = arith.constant 6656 : i32
      %dma_wait3A_1252 = tpu.memref_slice %arg3[%add3A_569, %dma_wait3A_1251] : memref<6592x16384xf32, #tpu.memory_space<hbm>> -> memref<104x512xf32, #tpu.memory_space<hbm>>
      %dma_wait3A_1253 = arith.constant 104 : i32
      %dma_wait3A_1254 = arith.constant 0 : i32
      %dma_wait3A_1255 = tpu.memref_slice %arg5[%dma_wait3A_1253, %dma_wait3A_1254] : memref<208x512xf32, #tpu.memory_space<vmem>> -> memref<104x512xf32, #tpu.memory_space<vmem>>
      tpu.wait_dma2 semaphore(%arg7 : memref<!tpu.dma_semaphore, #tpu.memory_space<semaphore_mem>>) src(%dma_wait3A_1255 : memref<104x512xf32, #tpu.memory_space<vmem>>) dst(%dma_wait3A_1252 : memref<104x512xf32, #tpu.memory_space<hbm>>)
      %dma_wait3A_1256 = arith.constant 104 : i32
      %dma_wait3A_1257 = arith.constant 0 : i32
      %dma_wait3A_1258 = tpu.memref_slice %arg5[%dma_wait3A_1256, %dma_wait3A_1257] : memref<208x512xf32, #tpu.memory_space<vmem>> -> memref<104x512xf32, #tpu.memory_space<vmem>>
      %dma_wait3A_1259 = arith.constant 7168 : i32
      %dma_wait3A_1260 = tpu.memref_slice %arg3[%add3A_581, %dma_wait3A_1259] : memref<6592x16384xf32, #tpu.memory_space<hbm>> -> memref<104x512xf32, #tpu.memory_space<hbm>>
      %dma_wait3A_1261 = arith.constant 7168 : i32
      %dma_wait3A_1262 = tpu.memref_slice %arg3[%add3A_581, %dma_wait3A_1261] : memref<6592x16384xf32, #tpu.memory_space<hbm>> -> memref<104x512xf32, #tpu.memory_space<hbm>>
      %dma_wait3A_1263 = arith.constant 104 : i32
      %dma_wait3A_1264 = arith.constant 0 : i32
      %dma_wait3A_1265 = tpu.memref_slice %arg5[%dma_wait3A_1263, %dma_wait3A_1264] : memref<208x512xf32, #tpu.memory_space<vmem>> -> memref<104x512xf32, #tpu.memory_space<vmem>>
      tpu.wait_dma2 semaphore(%arg7 : memref<!tpu.dma_semaphore, #tpu.memory_space<semaphore_mem>>) src(%dma_wait3A_1265 : memref<104x512xf32, #tpu.memory_space<vmem>>) dst(%dma_wait3A_1262 : memref<104x512xf32, #tpu.memory_space<hbm>>)
      %dma_wait3A_1266 = arith.constant 104 : i32
      %dma_wait3A_1267 = arith.constant 0 : i32
      %dma_wait3A_1268 = tpu.memref_slice %arg5[%dma_wait3A_1266, %dma_wait3A_1267] : memref<208x512xf32, #tpu.memory_space<vmem>> -> memref<104x512xf32, #tpu.memory_space<vmem>>
      %dma_wait3A_1269 = arith.constant 7680 : i32
      %dma_wait3A_1270 = tpu.memref_slice %arg3[%add3A_593, %dma_wait3A_1269] : memref<6592x16384xf32, #tpu.memory_space<hbm>> -> memref<104x512xf32, #tpu.memory_space<hbm>>
      %dma_wait3A_1271 = arith.constant 7680 : i32
      %dma_wait3A_1272 = tpu.memref_slice %arg3[%add3A_593, %dma_wait3A_1271] : memref<6592x16384xf32, #tpu.memory_space<hbm>> -> memref<104x512xf32, #tpu.memory_space<hbm>>
      %dma_wait3A_1273 = arith.constant 104 : i32
      %dma_wait3A_1274 = arith.constant 0 : i32
      %dma_wait3A_1275 = tpu.memref_slice %arg5[%dma_wait3A_1273, %dma_wait3A_1274] : memref<208x512xf32, #tpu.memory_space<vmem>> -> memref<104x512xf32, #tpu.memory_space<vmem>>
      tpu.wait_dma2 semaphore(%arg7 : memref<!tpu.dma_semaphore, #tpu.memory_space<semaphore_mem>>) src(%dma_wait3A_1275 : memref<104x512xf32, #tpu.memory_space<vmem>>) dst(%dma_wait3A_1272 : memref<104x512xf32, #tpu.memory_space<hbm>>)
      %dma_wait3A_1276 = arith.constant 104 : i32
      %dma_wait3A_1277 = arith.constant 0 : i32
      %dma_wait3A_1278 = tpu.memref_slice %arg5[%dma_wait3A_1276, %dma_wait3A_1277] : memref<208x512xf32, #tpu.memory_space<vmem>> -> memref<104x512xf32, #tpu.memory_space<vmem>>
      %dma_wait3A_1279 = arith.constant 8192 : i32
      %dma_wait3A_1280 = tpu.memref_slice %arg3[%add3A_605, %dma_wait3A_1279] : memref<6592x16384xf32, #tpu.memory_space<hbm>> -> memref<104x512xf32, #tpu.memory_space<hbm>>
      %dma_wait3A_1281 = arith.constant 8192 : i32
      %dma_wait3A_1282 = tpu.memref_slice %arg3[%add3A_605, %dma_wait3A_1281] : memref<6592x16384xf32, #tpu.memory_space<hbm>> -> memref<104x512xf32, #tpu.memory_space<hbm>>
      %dma_wait3A_1283 = arith.constant 104 : i32
      %dma_wait3A_1284 = arith.constant 0 : i32
      %dma_wait3A_1285 = tpu.memref_slice %arg5[%dma_wait3A_1283, %dma_wait3A_1284] : memref<208x512xf32, #tpu.memory_space<vmem>> -> memref<104x512xf32, #tpu.memory_space<vmem>>
      tpu.wait_dma2 semaphore(%arg7 : memref<!tpu.dma_semaphore, #tpu.memory_space<semaphore_mem>>) src(%dma_wait3A_1285 : memref<104x512xf32, #tpu.memory_space<vmem>>) dst(%dma_wait3A_1282 : memref<104x512xf32, #tpu.memory_space<hbm>>)
      %dma_wait3A_1286 = arith.constant 104 : i32
      %dma_wait3A_1287 = arith.constant 0 : i32
      %dma_wait3A_1288 = tpu.memref_slice %arg5[%dma_wait3A_1286, %dma_wait3A_1287] : memref<208x512xf32, #tpu.memory_space<vmem>> -> memref<104x512xf32, #tpu.memory_space<vmem>>
      %dma_wait3A_1289 = arith.constant 8704 : i32
      %dma_wait3A_1290 = tpu.memref_slice %arg3[%add3A_617, %dma_wait3A_1289] : memref<6592x16384xf32, #tpu.memory_space<hbm>> -> memref<104x512xf32, #tpu.memory_space<hbm>>
      %dma_wait3A_1291 = arith.constant 8704 : i32
      %dma_wait3A_1292 = tpu.memref_slice %arg3[%add3A_617, %dma_wait3A_1291] : memref<6592x16384xf32, #tpu.memory_space<hbm>> -> memref<104x512xf32, #tpu.memory_space<hbm>>
      %dma_wait3A_1293 = arith.constant 104 : i32
      %dma_wait3A_1294 = arith.constant 0 : i32
      %dma_wait3A_1295 = tpu.memref_slice %arg5[%dma_wait3A_1293, %dma_wait3A_1294] : memref<208x512xf32, #tpu.memory_space<vmem>> -> memref<104x512xf32, #tpu.memory_space<vmem>>
      tpu.wait_dma2 semaphore(%arg7 : memref<!tpu.dma_semaphore, #tpu.memory_space<semaphore_mem>>) src(%dma_wait3A_1295 : memref<104x512xf32, #tpu.memory_space<vmem>>) dst(%dma_wait3A_1292 : memref<104x512xf32, #tpu.memory_space<hbm>>)
      %dma_wait3A_1296 = arith.constant 104 : i32
      %dma_wait3A_1297 = arith.constant 0 : i32
      %dma_wait3A_1298 = tpu.memref_slice %arg5[%dma_wait3A_1296, %dma_wait3A_1297] : memref<208x512xf32, #tpu.memory_space<vmem>> -> memref<104x512xf32, #tpu.memory_space<vmem>>
      %dma_wait3A_1299 = arith.constant 9216 : i32
      %dma_wait3A_1300 = tpu.memref_slice %arg3[%add3A_629, %dma_wait3A_1299] : memref<6592x16384xf32, #tpu.memory_space<hbm>> -> memref<104x512xf32, #tpu.memory_space<hbm>>
      %dma_wait3A_1301 = arith.constant 9216 : i32
      %dma_wait3A_1302 = tpu.memref_slice %arg3[%add3A_629, %dma_wait3A_1301] : memref<6592x16384xf32, #tpu.memory_space<hbm>> -> memref<104x512xf32, #tpu.memory_space<hbm>>
      %dma_wait3A_1303 = arith.constant 104 : i32
      %dma_wait3A_1304 = arith.constant 0 : i32
      %dma_wait3A_1305 = tpu.memref_slice %arg5[%dma_wait3A_1303, %dma_wait3A_1304] : memref<208x512xf32, #tpu.memory_space<vmem>> -> memref<104x512xf32, #tpu.memory_space<vmem>>
      tpu.wait_dma2 semaphore(%arg7 : memref<!tpu.dma_semaphore, #tpu.memory_space<semaphore_mem>>) src(%dma_wait3A_1305 : memref<104x512xf32, #tpu.memory_space<vmem>>) dst(%dma_wait3A_1302 : memref<104x512xf32, #tpu.memory_space<hbm>>)
      %dma_wait3A_1306 = arith.constant 104 : i32
      %dma_wait3A_1307 = arith.constant 0 : i32
      %dma_wait3A_1308 = tpu.memref_slice %arg5[%dma_wait3A_1306, %dma_wait3A_1307] : memref<208x512xf32, #tpu.memory_space<vmem>> -> memref<104x512xf32, #tpu.memory_space<vmem>>
      %dma_wait3A_1309 = arith.constant 9728 : i32
      %dma_wait3A_1310 = tpu.memref_slice %arg3[%add3A_641, %dma_wait3A_1309] : memref<6592x16384xf32, #tpu.memory_space<hbm>> -> memref<104x512xf32, #tpu.memory_space<hbm>>
      %dma_wait3A_1311 = arith.constant 9728 : i32
      %dma_wait3A_1312 = tpu.memref_slice %arg3[%add3A_641, %dma_wait3A_1311] : memref<6592x16384xf32, #tpu.memory_space<hbm>> -> memref<104x512xf32, #tpu.memory_space<hbm>>
      %dma_wait3A_1313 = arith.constant 104 : i32
      %dma_wait3A_1314 = arith.constant 0 : i32
      %dma_wait3A_1315 = tpu.memref_slice %arg5[%dma_wait3A_1313, %dma_wait3A_1314] : memref<208x512xf32, #tpu.memory_space<vmem>> -> memref<104x512xf32, #tpu.memory_space<vmem>>
      tpu.wait_dma2 semaphore(%arg7 : memref<!tpu.dma_semaphore, #tpu.memory_space<semaphore_mem>>) src(%dma_wait3A_1315 : memref<104x512xf32, #tpu.memory_space<vmem>>) dst(%dma_wait3A_1312 : memref<104x512xf32, #tpu.memory_space<hbm>>)
      %dma_wait3A_1316 = arith.constant 104 : i32
      %dma_wait3A_1317 = arith.constant 0 : i32
      %dma_wait3A_1318 = tpu.memref_slice %arg5[%dma_wait3A_1316, %dma_wait3A_1317] : memref<208x512xf32, #tpu.memory_space<vmem>> -> memref<104x512xf32, #tpu.memory_space<vmem>>
      %dma_wait3A_1319 = arith.constant 10240 : i32
      %dma_wait3A_1320 = tpu.memref_slice %arg3[%add3A_653, %dma_wait3A_1319] : memref<6592x16384xf32, #tpu.memory_space<hbm>> -> memref<104x512xf32, #tpu.memory_space<hbm>>
      %dma_wait3A_1321 = arith.constant 10240 : i32
      %dma_wait3A_1322 = tpu.memref_slice %arg3[%add3A_653, %dma_wait3A_1321] : memref<6592x16384xf32, #tpu.memory_space<hbm>> -> memref<104x512xf32, #tpu.memory_space<hbm>>
      %dma_wait3A_1323 = arith.constant 104 : i32
      %dma_wait3A_1324 = arith.constant 0 : i32
      %dma_wait3A_1325 = tpu.memref_slice %arg5[%dma_wait3A_1323, %dma_wait3A_1324] : memref<208x512xf32, #tpu.memory_space<vmem>> -> memref<104x512xf32, #tpu.memory_space<vmem>>
      tpu.wait_dma2 semaphore(%arg7 : memref<!tpu.dma_semaphore, #tpu.memory_space<semaphore_mem>>) src(%dma_wait3A_1325 : memref<104x512xf32, #tpu.memory_space<vmem>>) dst(%dma_wait3A_1322 : memref<104x512xf32, #tpu.memory_space<hbm>>)
      %dma_wait3A_1326 = arith.constant 104 : i32
      %dma_wait3A_1327 = arith.constant 0 : i32
      %dma_wait3A_1328 = tpu.memref_slice %arg5[%dma_wait3A_1326, %dma_wait3A_1327] : memref<208x512xf32, #tpu.memory_space<vmem>> -> memref<104x512xf32, #tpu.memory_space<vmem>>
      %dma_wait3A_1329 = arith.constant 10752 : i32
      %dma_wait3A_1330 = tpu.memref_slice %arg3[%add3A_665, %dma_wait3A_1329] : memref<6592x16384xf32, #tpu.memory_space<hbm>> -> memref<104x512xf32, #tpu.memory_space<hbm>>
      %dma_wait3A_1331 = arith.constant 10752 : i32
      %dma_wait3A_1332 = tpu.memref_slice %arg3[%add3A_665, %dma_wait3A_1331] : memref<6592x16384xf32, #tpu.memory_space<hbm>> -> memref<104x512xf32, #tpu.memory_space<hbm>>
      %dma_wait3A_1333 = arith.constant 104 : i32
      %dma_wait3A_1334 = arith.constant 0 : i32
      %dma_wait3A_1335 = tpu.memref_slice %arg5[%dma_wait3A_1333, %dma_wait3A_1334] : memref<208x512xf32, #tpu.memory_space<vmem>> -> memref<104x512xf32, #tpu.memory_space<vmem>>
      tpu.wait_dma2 semaphore(%arg7 : memref<!tpu.dma_semaphore, #tpu.memory_space<semaphore_mem>>) src(%dma_wait3A_1335 : memref<104x512xf32, #tpu.memory_space<vmem>>) dst(%dma_wait3A_1332 : memref<104x512xf32, #tpu.memory_space<hbm>>)
      %dma_wait3A_1336 = arith.constant 104 : i32
      %dma_wait3A_1337 = arith.constant 0 : i32
      %dma_wait3A_1338 = tpu.memref_slice %arg5[%dma_wait3A_1336, %dma_wait3A_1337] : memref<208x512xf32, #tpu.memory_space<vmem>> -> memref<104x512xf32, #tpu.memory_space<vmem>>
      %dma_wait3A_1339 = arith.constant 11264 : i32
      %dma_wait3A_1340 = tpu.memref_slice %arg3[%add3A_677, %dma_wait3A_1339] : memref<6592x16384xf32, #tpu.memory_space<hbm>> -> memref<104x512xf32, #tpu.memory_space<hbm>>
      %dma_wait3A_1341 = arith.constant 11264 : i32
      %dma_wait3A_1342 = tpu.memref_slice %arg3[%add3A_677, %dma_wait3A_1341] : memref<6592x16384xf32, #tpu.memory_space<hbm>> -> memref<104x512xf32, #tpu.memory_space<hbm>>
      %dma_wait3A_1343 = arith.constant 104 : i32
      %dma_wait3A_1344 = arith.constant 0 : i32
      %dma_wait3A_1345 = tpu.memref_slice %arg5[%dma_wait3A_1343, %dma_wait3A_1344] : memref<208x512xf32, #tpu.memory_space<vmem>> -> memref<104x512xf32, #tpu.memory_space<vmem>>
      tpu.wait_dma2 semaphore(%arg7 : memref<!tpu.dma_semaphore, #tpu.memory_space<semaphore_mem>>) src(%dma_wait3A_1345 : memref<104x512xf32, #tpu.memory_space<vmem>>) dst(%dma_wait3A_1342 : memref<104x512xf32, #tpu.memory_space<hbm>>)
      %dma_wait3A_1346 = arith.constant 104 : i32
      %dma_wait3A_1347 = arith.constant 0 : i32
      %dma_wait3A_1348 = tpu.memref_slice %arg5[%dma_wait3A_1346, %dma_wait3A_1347] : memref<208x512xf32, #tpu.memory_space<vmem>> -> memref<104x512xf32, #tpu.memory_space<vmem>>
      %dma_wait3A_1349 = arith.constant 11776 : i32
      %dma_wait3A_1350 = tpu.memref_slice %arg3[%add3A_689, %dma_wait3A_1349] : memref<6592x16384xf32, #tpu.memory_space<hbm>> -> memref<104x512xf32, #tpu.memory_space<hbm>>
      %dma_wait3A_1351 = arith.constant 11776 : i32
      %dma_wait3A_1352 = tpu.memref_slice %arg3[%add3A_689, %dma_wait3A_1351] : memref<6592x16384xf32, #tpu.memory_space<hbm>> -> memref<104x512xf32, #tpu.memory_space<hbm>>
      %dma_wait3A_1353 = arith.constant 104 : i32
      %dma_wait3A_1354 = arith.constant 0 : i32
      %dma_wait3A_1355 = tpu.memref_slice %arg5[%dma_wait3A_1353, %dma_wait3A_1354] : memref<208x512xf32, #tpu.memory_space<vmem>> -> memref<104x512xf32, #tpu.memory_space<vmem>>
      tpu.wait_dma2 semaphore(%arg7 : memref<!tpu.dma_semaphore, #tpu.memory_space<semaphore_mem>>) src(%dma_wait3A_1355 : memref<104x512xf32, #tpu.memory_space<vmem>>) dst(%dma_wait3A_1352 : memref<104x512xf32, #tpu.memory_space<hbm>>)
      %dma_wait3A_1356 = arith.constant 104 : i32
      %dma_wait3A_1357 = arith.constant 0 : i32
      %dma_wait3A_1358 = tpu.memref_slice %arg5[%dma_wait3A_1356, %dma_wait3A_1357] : memref<208x512xf32, #tpu.memory_space<vmem>> -> memref<104x512xf32, #tpu.memory_space<vmem>>
      %dma_wait3A_1359 = arith.constant 12288 : i32
      %dma_wait3A_1360 = tpu.memref_slice %arg3[%add3A_701, %dma_wait3A_1359] : memref<6592x16384xf32, #tpu.memory_space<hbm>> -> memref<104x512xf32, #tpu.memory_space<hbm>>
      %dma_wait3A_1361 = arith.constant 12288 : i32
      %dma_wait3A_1362 = tpu.memref_slice %arg3[%add3A_701, %dma_wait3A_1361] : memref<6592x16384xf32, #tpu.memory_space<hbm>> -> memref<104x512xf32, #tpu.memory_space<hbm>>
      %dma_wait3A_1363 = arith.constant 104 : i32
      %dma_wait3A_1364 = arith.constant 0 : i32
      %dma_wait3A_1365 = tpu.memref_slice %arg5[%dma_wait3A_1363, %dma_wait3A_1364] : memref<208x512xf32, #tpu.memory_space<vmem>> -> memref<104x512xf32, #tpu.memory_space<vmem>>
      tpu.wait_dma2 semaphore(%arg7 : memref<!tpu.dma_semaphore, #tpu.memory_space<semaphore_mem>>) src(%dma_wait3A_1365 : memref<104x512xf32, #tpu.memory_space<vmem>>) dst(%dma_wait3A_1362 : memref<104x512xf32, #tpu.memory_space<hbm>>)
      %dma_wait3A_1366 = arith.constant 104 : i32
      %dma_wait3A_1367 = arith.constant 0 : i32
      %dma_wait3A_1368 = tpu.memref_slice %arg5[%dma_wait3A_1366, %dma_wait3A_1367] : memref<208x512xf32, #tpu.memory_space<vmem>> -> memref<104x512xf32, #tpu.memory_space<vmem>>
      %dma_wait3A_1369 = arith.constant 12800 : i32
      %dma_wait3A_1370 = tpu.memref_slice %arg3[%add3A_713, %dma_wait3A_1369] : memref<6592x16384xf32, #tpu.memory_space<hbm>> -> memref<104x512xf32, #tpu.memory_space<hbm>>
      %dma_wait3A_1371 = arith.constant 12800 : i32
      %dma_wait3A_1372 = tpu.memref_slice %arg3[%add3A_713, %dma_wait3A_1371] : memref<6592x16384xf32, #tpu.memory_space<hbm>> -> memref<104x512xf32, #tpu.memory_space<hbm>>
      %dma_wait3A_1373 = arith.constant 104 : i32
      %dma_wait3A_1374 = arith.constant 0 : i32
      %dma_wait3A_1375 = tpu.memref_slice %arg5[%dma_wait3A_1373, %dma_wait3A_1374] : memref<208x512xf32, #tpu.memory_space<vmem>> -> memref<104x512xf32, #tpu.memory_space<vmem>>
      tpu.wait_dma2 semaphore(%arg7 : memref<!tpu.dma_semaphore, #tpu.memory_space<semaphore_mem>>) src(%dma_wait3A_1375 : memref<104x512xf32, #tpu.memory_space<vmem>>) dst(%dma_wait3A_1372 : memref<104x512xf32, #tpu.memory_space<hbm>>)
      %dma_wait3A_1376 = arith.constant 104 : i32
      %dma_wait3A_1377 = arith.constant 0 : i32
      %dma_wait3A_1378 = tpu.memref_slice %arg5[%dma_wait3A_1376, %dma_wait3A_1377] : memref<208x512xf32, #tpu.memory_space<vmem>> -> memref<104x512xf32, #tpu.memory_space<vmem>>
      %dma_wait3A_1379 = arith.constant 13312 : i32
      %dma_wait3A_1380 = tpu.memref_slice %arg3[%add3A_725, %dma_wait3A_1379] : memref<6592x16384xf32, #tpu.memory_space<hbm>> -> memref<104x512xf32, #tpu.memory_space<hbm>>
      %dma_wait3A_1381 = arith.constant 13312 : i32
      %dma_wait3A_1382 = tpu.memref_slice %arg3[%add3A_725, %dma_wait3A_1381] : memref<6592x16384xf32, #tpu.memory_space<hbm>> -> memref<104x512xf32, #tpu.memory_space<hbm>>
      %dma_wait3A_1383 = arith.constant 104 : i32
      %dma_wait3A_1384 = arith.constant 0 : i32
      %dma_wait3A_1385 = tpu.memref_slice %arg5[%dma_wait3A_1383, %dma_wait3A_1384] : memref<208x512xf32, #tpu.memory_space<vmem>> -> memref<104x512xf32, #tpu.memory_space<vmem>>
      tpu.wait_dma2 semaphore(%arg7 : memref<!tpu.dma_semaphore, #tpu.memory_space<semaphore_mem>>) src(%dma_wait3A_1385 : memref<104x512xf32, #tpu.memory_space<vmem>>) dst(%dma_wait3A_1382 : memref<104x512xf32, #tpu.memory_space<hbm>>)
      %dma_wait3A_1386 = arith.constant 104 : i32
      %dma_wait3A_1387 = arith.constant 0 : i32
      %dma_wait3A_1388 = tpu.memref_slice %arg5[%dma_wait3A_1386, %dma_wait3A_1387] : memref<208x512xf32, #tpu.memory_space<vmem>> -> memref<104x512xf32, #tpu.memory_space<vmem>>
      %dma_wait3A_1389 = arith.constant 13824 : i32
      %dma_wait3A_1390 = tpu.memref_slice %arg3[%add3A_737, %dma_wait3A_1389] : memref<6592x16384xf32, #tpu.memory_space<hbm>> -> memref<104x512xf32, #tpu.memory_space<hbm>>
      %dma_wait3A_1391 = arith.constant 13824 : i32
      %dma_wait3A_1392 = tpu.memref_slice %arg3[%add3A_737, %dma_wait3A_1391] : memref<6592x16384xf32, #tpu.memory_space<hbm>> -> memref<104x512xf32, #tpu.memory_space<hbm>>
      %dma_wait3A_1393 = arith.constant 104 : i32
      %dma_wait3A_1394 = arith.constant 0 : i32
      %dma_wait3A_1395 = tpu.memref_slice %arg5[%dma_wait3A_1393, %dma_wait3A_1394] : memref<208x512xf32, #tpu.memory_space<vmem>> -> memref<104x512xf32, #tpu.memory_space<vmem>>
      tpu.wait_dma2 semaphore(%arg7 : memref<!tpu.dma_semaphore, #tpu.memory_space<semaphore_mem>>) src(%dma_wait3A_1395 : memref<104x512xf32, #tpu.memory_space<vmem>>) dst(%dma_wait3A_1392 : memref<104x512xf32, #tpu.memory_space<hbm>>)
      %dma_wait3A_1396 = arith.constant 104 : i32
      %dma_wait3A_1397 = arith.constant 0 : i32
      %dma_wait3A_1398 = tpu.memref_slice %arg5[%dma_wait3A_1396, %dma_wait3A_1397] : memref<208x512xf32, #tpu.memory_space<vmem>> -> memref<104x512xf32, #tpu.memory_space<vmem>>
      %dma_wait3A_1399 = arith.constant 14336 : i32
      %dma_wait3A_1400 = tpu.memref_slice %arg3[%add3A_749, %dma_wait3A_1399] : memref<6592x16384xf32, #tpu.memory_space<hbm>> -> memref<104x512xf32, #tpu.memory_space<hbm>>
      %dma_wait3A_1401 = arith.constant 14336 : i32
      %dma_wait3A_1402 = tpu.memref_slice %arg3[%add3A_749, %dma_wait3A_1401] : memref<6592x16384xf32, #tpu.memory_space<hbm>> -> memref<104x512xf32, #tpu.memory_space<hbm>>
      %dma_wait3A_1403 = arith.constant 104 : i32
      %dma_wait3A_1404 = arith.constant 0 : i32
      %dma_wait3A_1405 = tpu.memref_slice %arg5[%dma_wait3A_1403, %dma_wait3A_1404] : memref<208x512xf32, #tpu.memory_space<vmem>> -> memref<104x512xf32, #tpu.memory_space<vmem>>
      tpu.wait_dma2 semaphore(%arg7 : memref<!tpu.dma_semaphore, #tpu.memory_space<semaphore_mem>>) src(%dma_wait3A_1405 : memref<104x512xf32, #tpu.memory_space<vmem>>) dst(%dma_wait3A_1402 : memref<104x512xf32, #tpu.memory_space<hbm>>)
      %dma_wait3A_1406 = arith.constant 104 : i32
      %dma_wait3A_1407 = arith.constant 0 : i32
      %dma_wait3A_1408 = tpu.memref_slice %arg5[%dma_wait3A_1406, %dma_wait3A_1407] : memref<208x512xf32, #tpu.memory_space<vmem>> -> memref<104x512xf32, #tpu.memory_space<vmem>>
      %dma_wait3A_1409 = arith.constant 14848 : i32
      %dma_wait3A_1410 = tpu.memref_slice %arg3[%add3A_761, %dma_wait3A_1409] : memref<6592x16384xf32, #tpu.memory_space<hbm>> -> memref<104x512xf32, #tpu.memory_space<hbm>>
      %dma_wait3A_1411 = arith.constant 14848 : i32
      %dma_wait3A_1412 = tpu.memref_slice %arg3[%add3A_761, %dma_wait3A_1411] : memref<6592x16384xf32, #tpu.memory_space<hbm>> -> memref<104x512xf32, #tpu.memory_space<hbm>>
      %dma_wait3A_1413 = arith.constant 104 : i32
      %dma_wait3A_1414 = arith.constant 0 : i32
      %dma_wait3A_1415 = tpu.memref_slice %arg5[%dma_wait3A_1413, %dma_wait3A_1414] : memref<208x512xf32, #tpu.memory_space<vmem>> -> memref<104x512xf32, #tpu.memory_space<vmem>>
      tpu.wait_dma2 semaphore(%arg7 : memref<!tpu.dma_semaphore, #tpu.memory_space<semaphore_mem>>) src(%dma_wait3A_1415 : memref<104x512xf32, #tpu.memory_space<vmem>>) dst(%dma_wait3A_1412 : memref<104x512xf32, #tpu.memory_space<hbm>>)
      %dma_wait3A_1416 = arith.constant 104 : i32
      %dma_wait3A_1417 = arith.constant 0 : i32
      %dma_wait3A_1418 = tpu.memref_slice %arg5[%dma_wait3A_1416, %dma_wait3A_1417] : memref<208x512xf32, #tpu.memory_space<vmem>> -> memref<104x512xf32, #tpu.memory_space<vmem>>
      %dma_wait3A_1419 = arith.constant 15360 : i32
      %dma_wait3A_1420 = tpu.memref_slice %arg3[%add3A_773, %dma_wait3A_1419] : memref<6592x16384xf32, #tpu.memory_space<hbm>> -> memref<104x512xf32, #tpu.memory_space<hbm>>
      %dma_wait3A_1421 = arith.constant 15360 : i32
      %dma_wait3A_1422 = tpu.memref_slice %arg3[%add3A_773, %dma_wait3A_1421] : memref<6592x16384xf32, #tpu.memory_space<hbm>> -> memref<104x512xf32, #tpu.memory_space<hbm>>
      %dma_wait3A_1423 = arith.constant 104 : i32
      %dma_wait3A_1424 = arith.constant 0 : i32
      %dma_wait3A_1425 = tpu.memref_slice %arg5[%dma_wait3A_1423, %dma_wait3A_1424] : memref<208x512xf32, #tpu.memory_space<vmem>> -> memref<104x512xf32, #tpu.memory_space<vmem>>
      tpu.wait_dma2 semaphore(%arg7 : memref<!tpu.dma_semaphore, #tpu.memory_space<semaphore_mem>>) src(%dma_wait3A_1425 : memref<104x512xf32, #tpu.memory_space<vmem>>) dst(%dma_wait3A_1422 : memref<104x512xf32, #tpu.memory_space<hbm>>)
      %dma_wait3A_1426 = arith.constant 104 : i32
      %dma_wait3A_1427 = arith.constant 0 : i32
      %dma_wait3A_1428 = tpu.memref_slice %arg5[%dma_wait3A_1426, %dma_wait3A_1427] : memref<208x512xf32, #tpu.memory_space<vmem>> -> memref<104x512xf32, #tpu.memory_space<vmem>>
      %dma_wait3A_1429 = arith.constant 15872 : i32
      %dma_wait3A_1430 = tpu.memref_slice %arg3[%add3A_785, %dma_wait3A_1429] : memref<6592x16384xf32, #tpu.memory_space<hbm>> -> memref<104x512xf32, #tpu.memory_space<hbm>>
      %dma_wait3A_1431 = arith.constant 15872 : i32
      %dma_wait3A_1432 = tpu.memref_slice %arg3[%add3A_785, %dma_wait3A_1431] : memref<6592x16384xf32, #tpu.memory_space<hbm>> -> memref<104x512xf32, #tpu.memory_space<hbm>>
      %dma_wait3A_1433 = arith.constant 104 : i32
      %dma_wait3A_1434 = arith.constant 0 : i32
      %dma_wait3A_1435 = tpu.memref_slice %arg5[%dma_wait3A_1433, %dma_wait3A_1434] : memref<208x512xf32, #tpu.memory_space<vmem>> -> memref<104x512xf32, #tpu.memory_space<vmem>>
      tpu.wait_dma2 semaphore(%arg7 : memref<!tpu.dma_semaphore, #tpu.memory_space<semaphore_mem>>) src(%dma_wait3A_1435 : memref<104x512xf32, #tpu.memory_space<vmem>>) dst(%dma_wait3A_1432 : memref<104x512xf32, #tpu.memory_space<hbm>>)
    } else {
    }
    %eq3A = arith.constant 31 : i32
    %eq3A_17 = arith.cmpi eq, %add3A, %eq3A : i32
    %convert_element_type3A_18 = arith.extui %eq3A_17 : i1 to i32
    %cond3A_19 = arith.constant 0 : i32
    %cond3A_20 = arith.cmpi ne, %convert_element_type3A_18, %cond3A_19 : i32
    scf.if %cond3A_20 {
      %add3A_21 = arith.constant 0 : i32
      %add3A_22 = arith.addi %mul3A_2, %add3A_21 : i32
      %dma_start3A_23 = arith.constant 0 : i32
      %dma_start3A_24 = arith.constant 0 : i32
      %dma_start3A_25 = tpu.memref_slice %arg5[%dma_start3A_23, %dma_start3A_24] : memref<208x512xf32, #tpu.memory_space<vmem>> -> memref<104x512xf32, #tpu.memory_space<vmem>>
      %dma_start3A_26 = arith.constant 0 : i32
      %dma_start3A_27 = tpu.memref_slice %arg3[%add3A_22, %dma_start3A_26] : memref<6592x16384xf32, #tpu.memory_space<hbm>> -> memref<104x512xf32, #tpu.memory_space<hbm>>
      %dma_start3A_28 = arith.constant 0 : i32
      %dma_start3A_29 = tpu.memref_slice %arg3[%add3A_22, %dma_start3A_28] : memref<6592x16384xf32, #tpu.memory_space<hbm>> -> memref<104x512xf32, #tpu.memory_space<hbm>>
      %dma_start3A_30 = arith.constant 0 : i32
      %dma_start3A_31 = arith.constant 0 : i32
      %dma_start3A_32 = tpu.memref_slice %arg5[%dma_start3A_30, %dma_start3A_31] : memref<208x512xf32, #tpu.memory_space<vmem>> -> memref<104x512xf32, #tpu.memory_space<vmem>>
      tpu.enqueue_dma source(%dma_start3A_32 : memref<104x512xf32, #tpu.memory_space<vmem>>) target(%dma_start3A_29 : memref<104x512xf32, #tpu.memory_space<hbm>>) target_semaphore(%arg7 : memref<!tpu.dma_semaphore, #tpu.memory_space<semaphore_mem>>)
      %add3A_33 = arith.constant 0 : i32
      %add3A_34 = arith.addi %mul3A_2, %add3A_33 : i32
      %dma_start3A_35 = arith.constant 0 : i32
      %dma_start3A_36 = arith.constant 0 : i32
      %dma_start3A_37 = tpu.memref_slice %arg5[%dma_start3A_35, %dma_start3A_36] : memref<208x512xf32, #tpu.memory_space<vmem>> -> memref<104x512xf32, #tpu.memory_space<vmem>>
      %dma_start3A_38 = arith.constant 512 : i32
      %dma_start3A_39 = tpu.memref_slice %arg3[%add3A_34, %dma_start3A_38] : memref<6592x16384xf32, #tpu.memory_space<hbm>> -> memref<104x512xf32, #tpu.memory_space<hbm>>
      %dma_start3A_40 = arith.constant 512 : i32
      %dma_start3A_41 = tpu.memref_slice %arg3[%add3A_34, %dma_start3A_40] : memref<6592x16384xf32, #tpu.memory_space<hbm>> -> memref<104x512xf32, #tpu.memory_space<hbm>>
      %dma_start3A_42 = arith.constant 0 : i32
      %dma_start3A_43 = arith.constant 0 : i32
      %dma_start3A_44 = tpu.memref_slice %arg5[%dma_start3A_42, %dma_start3A_43] : memref<208x512xf32, #tpu.memory_space<vmem>> -> memref<104x512xf32, #tpu.memory_space<vmem>>
      tpu.enqueue_dma source(%dma_start3A_44 : memref<104x512xf32, #tpu.memory_space<vmem>>) target(%dma_start3A_41 : memref<104x512xf32, #tpu.memory_space<hbm>>) target_semaphore(%arg7 : memref<!tpu.dma_semaphore, #tpu.memory_space<semaphore_mem>>)
      %add3A_45 = arith.constant 0 : i32
      %add3A_46 = arith.addi %mul3A_2, %add3A_45 : i32
      %dma_start3A_47 = arith.constant 0 : i32
      %dma_start3A_48 = arith.constant 0 : i32
      %dma_start3A_49 = tpu.memref_slice %arg5[%dma_start3A_47, %dma_start3A_48] : memref<208x512xf32, #tpu.memory_space<vmem>> -> memref<104x512xf32, #tpu.memory_space<vmem>>
      %dma_start3A_50 = arith.constant 1024 : i32
      %dma_start3A_51 = tpu.memref_slice %arg3[%add3A_46, %dma_start3A_50] : memref<6592x16384xf32, #tpu.memory_space<hbm>> -> memref<104x512xf32, #tpu.memory_space<hbm>>
      %dma_start3A_52 = arith.constant 1024 : i32
      %dma_start3A_53 = tpu.memref_slice %arg3[%add3A_46, %dma_start3A_52] : memref<6592x16384xf32, #tpu.memory_space<hbm>> -> memref<104x512xf32, #tpu.memory_space<hbm>>
      %dma_start3A_54 = arith.constant 0 : i32
      %dma_start3A_55 = arith.constant 0 : i32
      %dma_start3A_56 = tpu.memref_slice %arg5[%dma_start3A_54, %dma_start3A_55] : memref<208x512xf32, #tpu.memory_space<vmem>> -> memref<104x512xf32, #tpu.memory_space<vmem>>
      tpu.enqueue_dma source(%dma_start3A_56 : memref<104x512xf32, #tpu.memory_space<vmem>>) target(%dma_start3A_53 : memref<104x512xf32, #tpu.memory_space<hbm>>) target_semaphore(%arg7 : memref<!tpu.dma_semaphore, #tpu.memory_space<semaphore_mem>>)
      %add3A_57 = arith.constant 0 : i32
      %add3A_58 = arith.addi %mul3A_2, %add3A_57 : i32
      %dma_start3A_59 = arith.constant 0 : i32
      %dma_start3A_60 = arith.constant 0 : i32
      %dma_start3A_61 = tpu.memref_slice %arg5[%dma_start3A_59, %dma_start3A_60] : memref<208x512xf32, #tpu.memory_space<vmem>> -> memref<104x512xf32, #tpu.memory_space<vmem>>
      %dma_start3A_62 = arith.constant 1536 : i32
      %dma_start3A_63 = tpu.memref_slice %arg3[%add3A_58, %dma_start3A_62] : memref<6592x16384xf32, #tpu.memory_space<hbm>> -> memref<104x512xf32, #tpu.memory_space<hbm>>
      %dma_start3A_64 = arith.constant 1536 : i32
      %dma_start3A_65 = tpu.memref_slice %arg3[%add3A_58, %dma_start3A_64] : memref<6592x16384xf32, #tpu.memory_space<hbm>> -> memref<104x512xf32, #tpu.memory_space<hbm>>
      %dma_start3A_66 = arith.constant 0 : i32
      %dma_start3A_67 = arith.constant 0 : i32
      %dma_start3A_68 = tpu.memref_slice %arg5[%dma_start3A_66, %dma_start3A_67] : memref<208x512xf32, #tpu.memory_space<vmem>> -> memref<104x512xf32, #tpu.memory_space<vmem>>
      tpu.enqueue_dma source(%dma_start3A_68 : memref<104x512xf32, #tpu.memory_space<vmem>>) target(%dma_start3A_65 : memref<104x512xf32, #tpu.memory_space<hbm>>) target_semaphore(%arg7 : memref<!tpu.dma_semaphore, #tpu.memory_space<semaphore_mem>>)
      %add3A_69 = arith.constant 0 : i32
      %add3A_70 = arith.addi %mul3A_2, %add3A_69 : i32
      %dma_start3A_71 = arith.constant 0 : i32
      %dma_start3A_72 = arith.constant 0 : i32
      %dma_start3A_73 = tpu.memref_slice %arg5[%dma_start3A_71, %dma_start3A_72] : memref<208x512xf32, #tpu.memory_space<vmem>> -> memref<104x512xf32, #tpu.memory_space<vmem>>
      %dma_start3A_74 = arith.constant 2048 : i32
      %dma_start3A_75 = tpu.memref_slice %arg3[%add3A_70, %dma_start3A_74] : memref<6592x16384xf32, #tpu.memory_space<hbm>> -> memref<104x512xf32, #tpu.memory_space<hbm>>
      %dma_start3A_76 = arith.constant 2048 : i32
      %dma_start3A_77 = tpu.memref_slice %arg3[%add3A_70, %dma_start3A_76] : memref<6592x16384xf32, #tpu.memory_space<hbm>> -> memref<104x512xf32, #tpu.memory_space<hbm>>
      %dma_start3A_78 = arith.constant 0 : i32
      %dma_start3A_79 = arith.constant 0 : i32
      %dma_start3A_80 = tpu.memref_slice %arg5[%dma_start3A_78, %dma_start3A_79] : memref<208x512xf32, #tpu.memory_space<vmem>> -> memref<104x512xf32, #tpu.memory_space<vmem>>
      tpu.enqueue_dma source(%dma_start3A_80 : memref<104x512xf32, #tpu.memory_space<vmem>>) target(%dma_start3A_77 : memref<104x512xf32, #tpu.memory_space<hbm>>) target_semaphore(%arg7 : memref<!tpu.dma_semaphore, #tpu.memory_space<semaphore_mem>>)
      %add3A_81 = arith.constant 0 : i32
      %add3A_82 = arith.addi %mul3A_2, %add3A_81 : i32
      %dma_start3A_83 = arith.constant 0 : i32
      %dma_start3A_84 = arith.constant 0 : i32
      %dma_start3A_85 = tpu.memref_slice %arg5[%dma_start3A_83, %dma_start3A_84] : memref<208x512xf32, #tpu.memory_space<vmem>> -> memref<104x512xf32, #tpu.memory_space<vmem>>
      %dma_start3A_86 = arith.constant 2560 : i32
      %dma_start3A_87 = tpu.memref_slice %arg3[%add3A_82, %dma_start3A_86] : memref<6592x16384xf32, #tpu.memory_space<hbm>> -> memref<104x512xf32, #tpu.memory_space<hbm>>
      %dma_start3A_88 = arith.constant 2560 : i32
      %dma_start3A_89 = tpu.memref_slice %arg3[%add3A_82, %dma_start3A_88] : memref<6592x16384xf32, #tpu.memory_space<hbm>> -> memref<104x512xf32, #tpu.memory_space<hbm>>
      %dma_start3A_90 = arith.constant 0 : i32
      %dma_start3A_91 = arith.constant 0 : i32
      %dma_start3A_92 = tpu.memref_slice %arg5[%dma_start3A_90, %dma_start3A_91] : memref<208x512xf32, #tpu.memory_space<vmem>> -> memref<104x512xf32, #tpu.memory_space<vmem>>
      tpu.enqueue_dma source(%dma_start3A_92 : memref<104x512xf32, #tpu.memory_space<vmem>>) target(%dma_start3A_89 : memref<104x512xf32, #tpu.memory_space<hbm>>) target_semaphore(%arg7 : memref<!tpu.dma_semaphore, #tpu.memory_space<semaphore_mem>>)
      %add3A_93 = arith.constant 0 : i32
      %add3A_94 = arith.addi %mul3A_2, %add3A_93 : i32
      %dma_start3A_95 = arith.constant 0 : i32
      %dma_start3A_96 = arith.constant 0 : i32
      %dma_start3A_97 = tpu.memref_slice %arg5[%dma_start3A_95, %dma_start3A_96] : memref<208x512xf32, #tpu.memory_space<vmem>> -> memref<104x512xf32, #tpu.memory_space<vmem>>
      %dma_start3A_98 = arith.constant 3072 : i32
      %dma_start3A_99 = tpu.memref_slice %arg3[%add3A_94, %dma_start3A_98] : memref<6592x16384xf32, #tpu.memory_space<hbm>> -> memref<104x512xf32, #tpu.memory_space<hbm>>
      %dma_start3A_100 = arith.constant 3072 : i32
      %dma_start3A_101 = tpu.memref_slice %arg3[%add3A_94, %dma_start3A_100] : memref<6592x16384xf32, #tpu.memory_space<hbm>> -> memref<104x512xf32, #tpu.memory_space<hbm>>
      %dma_start3A_102 = arith.constant 0 : i32
      %dma_start3A_103 = arith.constant 0 : i32
      %dma_start3A_104 = tpu.memref_slice %arg5[%dma_start3A_102, %dma_start3A_103] : memref<208x512xf32, #tpu.memory_space<vmem>> -> memref<104x512xf32, #tpu.memory_space<vmem>>
      tpu.enqueue_dma source(%dma_start3A_104 : memref<104x512xf32, #tpu.memory_space<vmem>>) target(%dma_start3A_101 : memref<104x512xf32, #tpu.memory_space<hbm>>) target_semaphore(%arg7 : memref<!tpu.dma_semaphore, #tpu.memory_space<semaphore_mem>>)
      %add3A_105 = arith.constant 0 : i32
      %add3A_106 = arith.addi %mul3A_2, %add3A_105 : i32
      %dma_start3A_107 = arith.constant 0 : i32
      %dma_start3A_108 = arith.constant 0 : i32
      %dma_start3A_109 = tpu.memref_slice %arg5[%dma_start3A_107, %dma_start3A_108] : memref<208x512xf32, #tpu.memory_space<vmem>> -> memref<104x512xf32, #tpu.memory_space<vmem>>
      %dma_start3A_110 = arith.constant 3584 : i32
      %dma_start3A_111 = tpu.memref_slice %arg3[%add3A_106, %dma_start3A_110] : memref<6592x16384xf32, #tpu.memory_space<hbm>> -> memref<104x512xf32, #tpu.memory_space<hbm>>
      %dma_start3A_112 = arith.constant 3584 : i32
      %dma_start3A_113 = tpu.memref_slice %arg3[%add3A_106, %dma_start3A_112] : memref<6592x16384xf32, #tpu.memory_space<hbm>> -> memref<104x512xf32, #tpu.memory_space<hbm>>
      %dma_start3A_114 = arith.constant 0 : i32
      %dma_start3A_115 = arith.constant 0 : i32
      %dma_start3A_116 = tpu.memref_slice %arg5[%dma_start3A_114, %dma_start3A_115] : memref<208x512xf32, #tpu.memory_space<vmem>> -> memref<104x512xf32, #tpu.memory_space<vmem>>
      tpu.enqueue_dma source(%dma_start3A_116 : memref<104x512xf32, #tpu.memory_space<vmem>>) target(%dma_start3A_113 : memref<104x512xf32, #tpu.memory_space<hbm>>) target_semaphore(%arg7 : memref<!tpu.dma_semaphore, #tpu.memory_space<semaphore_mem>>)
      %add3A_117 = arith.constant 0 : i32
      %add3A_118 = arith.addi %mul3A_2, %add3A_117 : i32
      %dma_start3A_119 = arith.constant 0 : i32
      %dma_start3A_120 = arith.constant 0 : i32
      %dma_start3A_121 = tpu.memref_slice %arg5[%dma_start3A_119, %dma_start3A_120] : memref<208x512xf32, #tpu.memory_space<vmem>> -> memref<104x512xf32, #tpu.memory_space<vmem>>
      %dma_start3A_122 = arith.constant 4096 : i32
      %dma_start3A_123 = tpu.memref_slice %arg3[%add3A_118, %dma_start3A_122] : memref<6592x16384xf32, #tpu.memory_space<hbm>> -> memref<104x512xf32, #tpu.memory_space<hbm>>
      %dma_start3A_124 = arith.constant 4096 : i32
      %dma_start3A_125 = tpu.memref_slice %arg3[%add3A_118, %dma_start3A_124] : memref<6592x16384xf32, #tpu.memory_space<hbm>> -> memref<104x512xf32, #tpu.memory_space<hbm>>
      %dma_start3A_126 = arith.constant 0 : i32
      %dma_start3A_127 = arith.constant 0 : i32
      %dma_start3A_128 = tpu.memref_slice %arg5[%dma_start3A_126, %dma_start3A_127] : memref<208x512xf32, #tpu.memory_space<vmem>> -> memref<104x512xf32, #tpu.memory_space<vmem>>
      tpu.enqueue_dma source(%dma_start3A_128 : memref<104x512xf32, #tpu.memory_space<vmem>>) target(%dma_start3A_125 : memref<104x512xf32, #tpu.memory_space<hbm>>) target_semaphore(%arg7 : memref<!tpu.dma_semaphore, #tpu.memory_space<semaphore_mem>>)
      %add3A_129 = arith.constant 0 : i32
      %add3A_130 = arith.addi %mul3A_2, %add3A_129 : i32
      %dma_start3A_131 = arith.constant 0 : i32
      %dma_start3A_132 = arith.constant 0 : i32
      %dma_start3A_133 = tpu.memref_slice %arg5[%dma_start3A_131, %dma_start3A_132] : memref<208x512xf32, #tpu.memory_space<vmem>> -> memref<104x512xf32, #tpu.memory_space<vmem>>
      %dma_start3A_134 = arith.constant 4608 : i32
      %dma_start3A_135 = tpu.memref_slice %arg3[%add3A_130, %dma_start3A_134] : memref<6592x16384xf32, #tpu.memory_space<hbm>> -> memref<104x512xf32, #tpu.memory_space<hbm>>
      %dma_start3A_136 = arith.constant 4608 : i32
      %dma_start3A_137 = tpu.memref_slice %arg3[%add3A_130, %dma_start3A_136] : memref<6592x16384xf32, #tpu.memory_space<hbm>> -> memref<104x512xf32, #tpu.memory_space<hbm>>
      %dma_start3A_138 = arith.constant 0 : i32
      %dma_start3A_139 = arith.constant 0 : i32
      %dma_start3A_140 = tpu.memref_slice %arg5[%dma_start3A_138, %dma_start3A_139] : memref<208x512xf32, #tpu.memory_space<vmem>> -> memref<104x512xf32, #tpu.memory_space<vmem>>
      tpu.enqueue_dma source(%dma_start3A_140 : memref<104x512xf32, #tpu.memory_space<vmem>>) target(%dma_start3A_137 : memref<104x512xf32, #tpu.memory_space<hbm>>) target_semaphore(%arg7 : memref<!tpu.dma_semaphore, #tpu.memory_space<semaphore_mem>>)
      %add3A_141 = arith.constant 0 : i32
      %add3A_142 = arith.addi %mul3A_2, %add3A_141 : i32
      %dma_start3A_143 = arith.constant 0 : i32
      %dma_start3A_144 = arith.constant 0 : i32
      %dma_start3A_145 = tpu.memref_slice %arg5[%dma_start3A_143, %dma_start3A_144] : memref<208x512xf32, #tpu.memory_space<vmem>> -> memref<104x512xf32, #tpu.memory_space<vmem>>
      %dma_start3A_146 = arith.constant 5120 : i32
      %dma_start3A_147 = tpu.memref_slice %arg3[%add3A_142, %dma_start3A_146] : memref<6592x16384xf32, #tpu.memory_space<hbm>> -> memref<104x512xf32, #tpu.memory_space<hbm>>
      %dma_start3A_148 = arith.constant 5120 : i32
      %dma_start3A_149 = tpu.memref_slice %arg3[%add3A_142, %dma_start3A_148] : memref<6592x16384xf32, #tpu.memory_space<hbm>> -> memref<104x512xf32, #tpu.memory_space<hbm>>
      %dma_start3A_150 = arith.constant 0 : i32
      %dma_start3A_151 = arith.constant 0 : i32
      %dma_start3A_152 = tpu.memref_slice %arg5[%dma_start3A_150, %dma_start3A_151] : memref<208x512xf32, #tpu.memory_space<vmem>> -> memref<104x512xf32, #tpu.memory_space<vmem>>
      tpu.enqueue_dma source(%dma_start3A_152 : memref<104x512xf32, #tpu.memory_space<vmem>>) target(%dma_start3A_149 : memref<104x512xf32, #tpu.memory_space<hbm>>) target_semaphore(%arg7 : memref<!tpu.dma_semaphore, #tpu.memory_space<semaphore_mem>>)
      %add3A_153 = arith.constant 0 : i32
      %add3A_154 = arith.addi %mul3A_2, %add3A_153 : i32
      %dma_start3A_155 = arith.constant 0 : i32
      %dma_start3A_156 = arith.constant 0 : i32
      %dma_start3A_157 = tpu.memref_slice %arg5[%dma_start3A_155, %dma_start3A_156] : memref<208x512xf32, #tpu.memory_space<vmem>> -> memref<104x512xf32, #tpu.memory_space<vmem>>
      %dma_start3A_158 = arith.constant 5632 : i32
      %dma_start3A_159 = tpu.memref_slice %arg3[%add3A_154, %dma_start3A_158] : memref<6592x16384xf32, #tpu.memory_space<hbm>> -> memref<104x512xf32, #tpu.memory_space<hbm>>
      %dma_start3A_160 = arith.constant 5632 : i32
      %dma_start3A_161 = tpu.memref_slice %arg3[%add3A_154, %dma_start3A_160] : memref<6592x16384xf32, #tpu.memory_space<hbm>> -> memref<104x512xf32, #tpu.memory_space<hbm>>
      %dma_start3A_162 = arith.constant 0 : i32
      %dma_start3A_163 = arith.constant 0 : i32
      %dma_start3A_164 = tpu.memref_slice %arg5[%dma_start3A_162, %dma_start3A_163] : memref<208x512xf32, #tpu.memory_space<vmem>> -> memref<104x512xf32, #tpu.memory_space<vmem>>
      tpu.enqueue_dma source(%dma_start3A_164 : memref<104x512xf32, #tpu.memory_space<vmem>>) target(%dma_start3A_161 : memref<104x512xf32, #tpu.memory_space<hbm>>) target_semaphore(%arg7 : memref<!tpu.dma_semaphore, #tpu.memory_space<semaphore_mem>>)
      %add3A_165 = arith.constant 0 : i32
      %add3A_166 = arith.addi %mul3A_2, %add3A_165 : i32
      %dma_start3A_167 = arith.constant 0 : i32
      %dma_start3A_168 = arith.constant 0 : i32
      %dma_start3A_169 = tpu.memref_slice %arg5[%dma_start3A_167, %dma_start3A_168] : memref<208x512xf32, #tpu.memory_space<vmem>> -> memref<104x512xf32, #tpu.memory_space<vmem>>
      %dma_start3A_170 = arith.constant 6144 : i32
      %dma_start3A_171 = tpu.memref_slice %arg3[%add3A_166, %dma_start3A_170] : memref<6592x16384xf32, #tpu.memory_space<hbm>> -> memref<104x512xf32, #tpu.memory_space<hbm>>
      %dma_start3A_172 = arith.constant 6144 : i32
      %dma_start3A_173 = tpu.memref_slice %arg3[%add3A_166, %dma_start3A_172] : memref<6592x16384xf32, #tpu.memory_space<hbm>> -> memref<104x512xf32, #tpu.memory_space<hbm>>
      %dma_start3A_174 = arith.constant 0 : i32
      %dma_start3A_175 = arith.constant 0 : i32
      %dma_start3A_176 = tpu.memref_slice %arg5[%dma_start3A_174, %dma_start3A_175] : memref<208x512xf32, #tpu.memory_space<vmem>> -> memref<104x512xf32, #tpu.memory_space<vmem>>
      tpu.enqueue_dma source(%dma_start3A_176 : memref<104x512xf32, #tpu.memory_space<vmem>>) target(%dma_start3A_173 : memref<104x512xf32, #tpu.memory_space<hbm>>) target_semaphore(%arg7 : memref<!tpu.dma_semaphore, #tpu.memory_space<semaphore_mem>>)
      %add3A_177 = arith.constant 0 : i32
      %add3A_178 = arith.addi %mul3A_2, %add3A_177 : i32
      %dma_start3A_179 = arith.constant 0 : i32
      %dma_start3A_180 = arith.constant 0 : i32
      %dma_start3A_181 = tpu.memref_slice %arg5[%dma_start3A_179, %dma_start3A_180] : memref<208x512xf32, #tpu.memory_space<vmem>> -> memref<104x512xf32, #tpu.memory_space<vmem>>
      %dma_start3A_182 = arith.constant 6656 : i32
      %dma_start3A_183 = tpu.memref_slice %arg3[%add3A_178, %dma_start3A_182] : memref<6592x16384xf32, #tpu.memory_space<hbm>> -> memref<104x512xf32, #tpu.memory_space<hbm>>
      %dma_start3A_184 = arith.constant 6656 : i32
      %dma_start3A_185 = tpu.memref_slice %arg3[%add3A_178, %dma_start3A_184] : memref<6592x16384xf32, #tpu.memory_space<hbm>> -> memref<104x512xf32, #tpu.memory_space<hbm>>
      %dma_start3A_186 = arith.constant 0 : i32
      %dma_start3A_187 = arith.constant 0 : i32
      %dma_start3A_188 = tpu.memref_slice %arg5[%dma_start3A_186, %dma_start3A_187] : memref<208x512xf32, #tpu.memory_space<vmem>> -> memref<104x512xf32, #tpu.memory_space<vmem>>
      tpu.enqueue_dma source(%dma_start3A_188 : memref<104x512xf32, #tpu.memory_space<vmem>>) target(%dma_start3A_185 : memref<104x512xf32, #tpu.memory_space<hbm>>) target_semaphore(%arg7 : memref<!tpu.dma_semaphore, #tpu.memory_space<semaphore_mem>>)
      %add3A_189 = arith.constant 0 : i32
      %add3A_190 = arith.addi %mul3A_2, %add3A_189 : i32
      %dma_start3A_191 = arith.constant 0 : i32
      %dma_start3A_192 = arith.constant 0 : i32
      %dma_start3A_193 = tpu.memref_slice %arg5[%dma_start3A_191, %dma_start3A_192] : memref<208x512xf32, #tpu.memory_space<vmem>> -> memref<104x512xf32, #tpu.memory_space<vmem>>
      %dma_start3A_194 = arith.constant 7168 : i32
      %dma_start3A_195 = tpu.memref_slice %arg3[%add3A_190, %dma_start3A_194] : memref<6592x16384xf32, #tpu.memory_space<hbm>> -> memref<104x512xf32, #tpu.memory_space<hbm>>
      %dma_start3A_196 = arith.constant 7168 : i32
      %dma_start3A_197 = tpu.memref_slice %arg3[%add3A_190, %dma_start3A_196] : memref<6592x16384xf32, #tpu.memory_space<hbm>> -> memref<104x512xf32, #tpu.memory_space<hbm>>
      %dma_start3A_198 = arith.constant 0 : i32
      %dma_start3A_199 = arith.constant 0 : i32
      %dma_start3A_200 = tpu.memref_slice %arg5[%dma_start3A_198, %dma_start3A_199] : memref<208x512xf32, #tpu.memory_space<vmem>> -> memref<104x512xf32, #tpu.memory_space<vmem>>
      tpu.enqueue_dma source(%dma_start3A_200 : memref<104x512xf32, #tpu.memory_space<vmem>>) target(%dma_start3A_197 : memref<104x512xf32, #tpu.memory_space<hbm>>) target_semaphore(%arg7 : memref<!tpu.dma_semaphore, #tpu.memory_space<semaphore_mem>>)
      %add3A_201 = arith.constant 0 : i32
      %add3A_202 = arith.addi %mul3A_2, %add3A_201 : i32
      %dma_start3A_203 = arith.constant 0 : i32
      %dma_start3A_204 = arith.constant 0 : i32
      %dma_start3A_205 = tpu.memref_slice %arg5[%dma_start3A_203, %dma_start3A_204] : memref<208x512xf32, #tpu.memory_space<vmem>> -> memref<104x512xf32, #tpu.memory_space<vmem>>
      %dma_start3A_206 = arith.constant 7680 : i32
      %dma_start3A_207 = tpu.memref_slice %arg3[%add3A_202, %dma_start3A_206] : memref<6592x16384xf32, #tpu.memory_space<hbm>> -> memref<104x512xf32, #tpu.memory_space<hbm>>
      %dma_start3A_208 = arith.constant 7680 : i32
      %dma_start3A_209 = tpu.memref_slice %arg3[%add3A_202, %dma_start3A_208] : memref<6592x16384xf32, #tpu.memory_space<hbm>> -> memref<104x512xf32, #tpu.memory_space<hbm>>
      %dma_start3A_210 = arith.constant 0 : i32
      %dma_start3A_211 = arith.constant 0 : i32
      %dma_start3A_212 = tpu.memref_slice %arg5[%dma_start3A_210, %dma_start3A_211] : memref<208x512xf32, #tpu.memory_space<vmem>> -> memref<104x512xf32, #tpu.memory_space<vmem>>
      tpu.enqueue_dma source(%dma_start3A_212 : memref<104x512xf32, #tpu.memory_space<vmem>>) target(%dma_start3A_209 : memref<104x512xf32, #tpu.memory_space<hbm>>) target_semaphore(%arg7 : memref<!tpu.dma_semaphore, #tpu.memory_space<semaphore_mem>>)
      %add3A_213 = arith.constant 0 : i32
      %add3A_214 = arith.addi %mul3A_2, %add3A_213 : i32
      %dma_start3A_215 = arith.constant 0 : i32
      %dma_start3A_216 = arith.constant 0 : i32
      %dma_start3A_217 = tpu.memref_slice %arg5[%dma_start3A_215, %dma_start3A_216] : memref<208x512xf32, #tpu.memory_space<vmem>> -> memref<104x512xf32, #tpu.memory_space<vmem>>
      %dma_start3A_218 = arith.constant 8192 : i32
      %dma_start3A_219 = tpu.memref_slice %arg3[%add3A_214, %dma_start3A_218] : memref<6592x16384xf32, #tpu.memory_space<hbm>> -> memref<104x512xf32, #tpu.memory_space<hbm>>
      %dma_start3A_220 = arith.constant 8192 : i32
      %dma_start3A_221 = tpu.memref_slice %arg3[%add3A_214, %dma_start3A_220] : memref<6592x16384xf32, #tpu.memory_space<hbm>> -> memref<104x512xf32, #tpu.memory_space<hbm>>
      %dma_start3A_222 = arith.constant 0 : i32
      %dma_start3A_223 = arith.constant 0 : i32
      %dma_start3A_224 = tpu.memref_slice %arg5[%dma_start3A_222, %dma_start3A_223] : memref<208x512xf32, #tpu.memory_space<vmem>> -> memref<104x512xf32, #tpu.memory_space<vmem>>
      tpu.enqueue_dma source(%dma_start3A_224 : memref<104x512xf32, #tpu.memory_space<vmem>>) target(%dma_start3A_221 : memref<104x512xf32, #tpu.memory_space<hbm>>) target_semaphore(%arg7 : memref<!tpu.dma_semaphore, #tpu.memory_space<semaphore_mem>>)
      %add3A_225 = arith.constant 0 : i32
      %add3A_226 = arith.addi %mul3A_2, %add3A_225 : i32
      %dma_start3A_227 = arith.constant 0 : i32
      %dma_start3A_228 = arith.constant 0 : i32
      %dma_start3A_229 = tpu.memref_slice %arg5[%dma_start3A_227, %dma_start3A_228] : memref<208x512xf32, #tpu.memory_space<vmem>> -> memref<104x512xf32, #tpu.memory_space<vmem>>
      %dma_start3A_230 = arith.constant 8704 : i32
      %dma_start3A_231 = tpu.memref_slice %arg3[%add3A_226, %dma_start3A_230] : memref<6592x16384xf32, #tpu.memory_space<hbm>> -> memref<104x512xf32, #tpu.memory_space<hbm>>
      %dma_start3A_232 = arith.constant 8704 : i32
      %dma_start3A_233 = tpu.memref_slice %arg3[%add3A_226, %dma_start3A_232] : memref<6592x16384xf32, #tpu.memory_space<hbm>> -> memref<104x512xf32, #tpu.memory_space<hbm>>
      %dma_start3A_234 = arith.constant 0 : i32
      %dma_start3A_235 = arith.constant 0 : i32
      %dma_start3A_236 = tpu.memref_slice %arg5[%dma_start3A_234, %dma_start3A_235] : memref<208x512xf32, #tpu.memory_space<vmem>> -> memref<104x512xf32, #tpu.memory_space<vmem>>
      tpu.enqueue_dma source(%dma_start3A_236 : memref<104x512xf32, #tpu.memory_space<vmem>>) target(%dma_start3A_233 : memref<104x512xf32, #tpu.memory_space<hbm>>) target_semaphore(%arg7 : memref<!tpu.dma_semaphore, #tpu.memory_space<semaphore_mem>>)
      %add3A_237 = arith.constant 0 : i32
      %add3A_238 = arith.addi %mul3A_2, %add3A_237 : i32
      %dma_start3A_239 = arith.constant 0 : i32
      %dma_start3A_240 = arith.constant 0 : i32
      %dma_start3A_241 = tpu.memref_slice %arg5[%dma_start3A_239, %dma_start3A_240] : memref<208x512xf32, #tpu.memory_space<vmem>> -> memref<104x512xf32, #tpu.memory_space<vmem>>
      %dma_start3A_242 = arith.constant 9216 : i32
      %dma_start3A_243 = tpu.memref_slice %arg3[%add3A_238, %dma_start3A_242] : memref<6592x16384xf32, #tpu.memory_space<hbm>> -> memref<104x512xf32, #tpu.memory_space<hbm>>
      %dma_start3A_244 = arith.constant 9216 : i32
      %dma_start3A_245 = tpu.memref_slice %arg3[%add3A_238, %dma_start3A_244] : memref<6592x16384xf32, #tpu.memory_space<hbm>> -> memref<104x512xf32, #tpu.memory_space<hbm>>
      %dma_start3A_246 = arith.constant 0 : i32
      %dma_start3A_247 = arith.constant 0 : i32
      %dma_start3A_248 = tpu.memref_slice %arg5[%dma_start3A_246, %dma_start3A_247] : memref<208x512xf32, #tpu.memory_space<vmem>> -> memref<104x512xf32, #tpu.memory_space<vmem>>
      tpu.enqueue_dma source(%dma_start3A_248 : memref<104x512xf32, #tpu.memory_space<vmem>>) target(%dma_start3A_245 : memref<104x512xf32, #tpu.memory_space<hbm>>) target_semaphore(%arg7 : memref<!tpu.dma_semaphore, #tpu.memory_space<semaphore_mem>>)
      %add3A_249 = arith.constant 0 : i32
      %add3A_250 = arith.addi %mul3A_2, %add3A_249 : i32
      %dma_start3A_251 = arith.constant 0 : i32
      %dma_start3A_252 = arith.constant 0 : i32
      %dma_start3A_253 = tpu.memref_slice %arg5[%dma_start3A_251, %dma_start3A_252] : memref<208x512xf32, #tpu.memory_space<vmem>> -> memref<104x512xf32, #tpu.memory_space<vmem>>
      %dma_start3A_254 = arith.constant 9728 : i32
      %dma_start3A_255 = tpu.memref_slice %arg3[%add3A_250, %dma_start3A_254] : memref<6592x16384xf32, #tpu.memory_space<hbm>> -> memref<104x512xf32, #tpu.memory_space<hbm>>
      %dma_start3A_256 = arith.constant 9728 : i32
      %dma_start3A_257 = tpu.memref_slice %arg3[%add3A_250, %dma_start3A_256] : memref<6592x16384xf32, #tpu.memory_space<hbm>> -> memref<104x512xf32, #tpu.memory_space<hbm>>
      %dma_start3A_258 = arith.constant 0 : i32
      %dma_start3A_259 = arith.constant 0 : i32
      %dma_start3A_260 = tpu.memref_slice %arg5[%dma_start3A_258, %dma_start3A_259] : memref<208x512xf32, #tpu.memory_space<vmem>> -> memref<104x512xf32, #tpu.memory_space<vmem>>
      tpu.enqueue_dma source(%dma_start3A_260 : memref<104x512xf32, #tpu.memory_space<vmem>>) target(%dma_start3A_257 : memref<104x512xf32, #tpu.memory_space<hbm>>) target_semaphore(%arg7 : memref<!tpu.dma_semaphore, #tpu.memory_space<semaphore_mem>>)
      %add3A_261 = arith.constant 0 : i32
      %add3A_262 = arith.addi %mul3A_2, %add3A_261 : i32
      %dma_start3A_263 = arith.constant 0 : i32
      %dma_start3A_264 = arith.constant 0 : i32
      %dma_start3A_265 = tpu.memref_slice %arg5[%dma_start3A_263, %dma_start3A_264] : memref<208x512xf32, #tpu.memory_space<vmem>> -> memref<104x512xf32, #tpu.memory_space<vmem>>
      %dma_start3A_266 = arith.constant 10240 : i32
      %dma_start3A_267 = tpu.memref_slice %arg3[%add3A_262, %dma_start3A_266] : memref<6592x16384xf32, #tpu.memory_space<hbm>> -> memref<104x512xf32, #tpu.memory_space<hbm>>
      %dma_start3A_268 = arith.constant 10240 : i32
      %dma_start3A_269 = tpu.memref_slice %arg3[%add3A_262, %dma_start3A_268] : memref<6592x16384xf32, #tpu.memory_space<hbm>> -> memref<104x512xf32, #tpu.memory_space<hbm>>
      %dma_start3A_270 = arith.constant 0 : i32
      %dma_start3A_271 = arith.constant 0 : i32
      %dma_start3A_272 = tpu.memref_slice %arg5[%dma_start3A_270, %dma_start3A_271] : memref<208x512xf32, #tpu.memory_space<vmem>> -> memref<104x512xf32, #tpu.memory_space<vmem>>
      tpu.enqueue_dma source(%dma_start3A_272 : memref<104x512xf32, #tpu.memory_space<vmem>>) target(%dma_start3A_269 : memref<104x512xf32, #tpu.memory_space<hbm>>) target_semaphore(%arg7 : memref<!tpu.dma_semaphore, #tpu.memory_space<semaphore_mem>>)
      %add3A_273 = arith.constant 0 : i32
      %add3A_274 = arith.addi %mul3A_2, %add3A_273 : i32
      %dma_start3A_275 = arith.constant 0 : i32
      %dma_start3A_276 = arith.constant 0 : i32
      %dma_start3A_277 = tpu.memref_slice %arg5[%dma_start3A_275, %dma_start3A_276] : memref<208x512xf32, #tpu.memory_space<vmem>> -> memref<104x512xf32, #tpu.memory_space<vmem>>
      %dma_start3A_278 = arith.constant 10752 : i32
      %dma_start3A_279 = tpu.memref_slice %arg3[%add3A_274, %dma_start3A_278] : memref<6592x16384xf32, #tpu.memory_space<hbm>> -> memref<104x512xf32, #tpu.memory_space<hbm>>
      %dma_start3A_280 = arith.constant 10752 : i32
      %dma_start3A_281 = tpu.memref_slice %arg3[%add3A_274, %dma_start3A_280] : memref<6592x16384xf32, #tpu.memory_space<hbm>> -> memref<104x512xf32, #tpu.memory_space<hbm>>
      %dma_start3A_282 = arith.constant 0 : i32
      %dma_start3A_283 = arith.constant 0 : i32
      %dma_start3A_284 = tpu.memref_slice %arg5[%dma_start3A_282, %dma_start3A_283] : memref<208x512xf32, #tpu.memory_space<vmem>> -> memref<104x512xf32, #tpu.memory_space<vmem>>
      tpu.enqueue_dma source(%dma_start3A_284 : memref<104x512xf32, #tpu.memory_space<vmem>>) target(%dma_start3A_281 : memref<104x512xf32, #tpu.memory_space<hbm>>) target_semaphore(%arg7 : memref<!tpu.dma_semaphore, #tpu.memory_space<semaphore_mem>>)
      %add3A_285 = arith.constant 0 : i32
      %add3A_286 = arith.addi %mul3A_2, %add3A_285 : i32
      %dma_start3A_287 = arith.constant 0 : i32
      %dma_start3A_288 = arith.constant 0 : i32
      %dma_start3A_289 = tpu.memref_slice %arg5[%dma_start3A_287, %dma_start3A_288] : memref<208x512xf32, #tpu.memory_space<vmem>> -> memref<104x512xf32, #tpu.memory_space<vmem>>
      %dma_start3A_290 = arith.constant 11264 : i32
      %dma_start3A_291 = tpu.memref_slice %arg3[%add3A_286, %dma_start3A_290] : memref<6592x16384xf32, #tpu.memory_space<hbm>> -> memref<104x512xf32, #tpu.memory_space<hbm>>
      %dma_start3A_292 = arith.constant 11264 : i32
      %dma_start3A_293 = tpu.memref_slice %arg3[%add3A_286, %dma_start3A_292] : memref<6592x16384xf32, #tpu.memory_space<hbm>> -> memref<104x512xf32, #tpu.memory_space<hbm>>
      %dma_start3A_294 = arith.constant 0 : i32
      %dma_start3A_295 = arith.constant 0 : i32
      %dma_start3A_296 = tpu.memref_slice %arg5[%dma_start3A_294, %dma_start3A_295] : memref<208x512xf32, #tpu.memory_space<vmem>> -> memref<104x512xf32, #tpu.memory_space<vmem>>
      tpu.enqueue_dma source(%dma_start3A_296 : memref<104x512xf32, #tpu.memory_space<vmem>>) target(%dma_start3A_293 : memref<104x512xf32, #tpu.memory_space<hbm>>) target_semaphore(%arg7 : memref<!tpu.dma_semaphore, #tpu.memory_space<semaphore_mem>>)
      %add3A_297 = arith.constant 0 : i32
      %add3A_298 = arith.addi %mul3A_2, %add3A_297 : i32
      %dma_start3A_299 = arith.constant 0 : i32
      %dma_start3A_300 = arith.constant 0 : i32
      %dma_start3A_301 = tpu.memref_slice %arg5[%dma_start3A_299, %dma_start3A_300] : memref<208x512xf32, #tpu.memory_space<vmem>> -> memref<104x512xf32, #tpu.memory_space<vmem>>
      %dma_start3A_302 = arith.constant 11776 : i32
      %dma_start3A_303 = tpu.memref_slice %arg3[%add3A_298, %dma_start3A_302] : memref<6592x16384xf32, #tpu.memory_space<hbm>> -> memref<104x512xf32, #tpu.memory_space<hbm>>
      %dma_start3A_304 = arith.constant 11776 : i32
      %dma_start3A_305 = tpu.memref_slice %arg3[%add3A_298, %dma_start3A_304] : memref<6592x16384xf32, #tpu.memory_space<hbm>> -> memref<104x512xf32, #tpu.memory_space<hbm>>
      %dma_start3A_306 = arith.constant 0 : i32
      %dma_start3A_307 = arith.constant 0 : i32
      %dma_start3A_308 = tpu.memref_slice %arg5[%dma_start3A_306, %dma_start3A_307] : memref<208x512xf32, #tpu.memory_space<vmem>> -> memref<104x512xf32, #tpu.memory_space<vmem>>
      tpu.enqueue_dma source(%dma_start3A_308 : memref<104x512xf32, #tpu.memory_space<vmem>>) target(%dma_start3A_305 : memref<104x512xf32, #tpu.memory_space<hbm>>) target_semaphore(%arg7 : memref<!tpu.dma_semaphore, #tpu.memory_space<semaphore_mem>>)
      %add3A_309 = arith.constant 0 : i32
      %add3A_310 = arith.addi %mul3A_2, %add3A_309 : i32
      %dma_start3A_311 = arith.constant 0 : i32
      %dma_start3A_312 = arith.constant 0 : i32
      %dma_start3A_313 = tpu.memref_slice %arg5[%dma_start3A_311, %dma_start3A_312] : memref<208x512xf32, #tpu.memory_space<vmem>> -> memref<104x512xf32, #tpu.memory_space<vmem>>
      %dma_start3A_314 = arith.constant 12288 : i32
      %dma_start3A_315 = tpu.memref_slice %arg3[%add3A_310, %dma_start3A_314] : memref<6592x16384xf32, #tpu.memory_space<hbm>> -> memref<104x512xf32, #tpu.memory_space<hbm>>
      %dma_start3A_316 = arith.constant 12288 : i32
      %dma_start3A_317 = tpu.memref_slice %arg3[%add3A_310, %dma_start3A_316] : memref<6592x16384xf32, #tpu.memory_space<hbm>> -> memref<104x512xf32, #tpu.memory_space<hbm>>
      %dma_start3A_318 = arith.constant 0 : i32
      %dma_start3A_319 = arith.constant 0 : i32
      %dma_start3A_320 = tpu.memref_slice %arg5[%dma_start3A_318, %dma_start3A_319] : memref<208x512xf32, #tpu.memory_space<vmem>> -> memref<104x512xf32, #tpu.memory_space<vmem>>
      tpu.enqueue_dma source(%dma_start3A_320 : memref<104x512xf32, #tpu.memory_space<vmem>>) target(%dma_start3A_317 : memref<104x512xf32, #tpu.memory_space<hbm>>) target_semaphore(%arg7 : memref<!tpu.dma_semaphore, #tpu.memory_space<semaphore_mem>>)
      %add3A_321 = arith.constant 0 : i32
      %add3A_322 = arith.addi %mul3A_2, %add3A_321 : i32
      %dma_start3A_323 = arith.constant 0 : i32
      %dma_start3A_324 = arith.constant 0 : i32
      %dma_start3A_325 = tpu.memref_slice %arg5[%dma_start3A_323, %dma_start3A_324] : memref<208x512xf32, #tpu.memory_space<vmem>> -> memref<104x512xf32, #tpu.memory_space<vmem>>
      %dma_start3A_326 = arith.constant 12800 : i32
      %dma_start3A_327 = tpu.memref_slice %arg3[%add3A_322, %dma_start3A_326] : memref<6592x16384xf32, #tpu.memory_space<hbm>> -> memref<104x512xf32, #tpu.memory_space<hbm>>
      %dma_start3A_328 = arith.constant 12800 : i32
      %dma_start3A_329 = tpu.memref_slice %arg3[%add3A_322, %dma_start3A_328] : memref<6592x16384xf32, #tpu.memory_space<hbm>> -> memref<104x512xf32, #tpu.memory_space<hbm>>
      %dma_start3A_330 = arith.constant 0 : i32
      %dma_start3A_331 = arith.constant 0 : i32
      %dma_start3A_332 = tpu.memref_slice %arg5[%dma_start3A_330, %dma_start3A_331] : memref<208x512xf32, #tpu.memory_space<vmem>> -> memref<104x512xf32, #tpu.memory_space<vmem>>
      tpu.enqueue_dma source(%dma_start3A_332 : memref<104x512xf32, #tpu.memory_space<vmem>>) target(%dma_start3A_329 : memref<104x512xf32, #tpu.memory_space<hbm>>) target_semaphore(%arg7 : memref<!tpu.dma_semaphore, #tpu.memory_space<semaphore_mem>>)
      %add3A_333 = arith.constant 0 : i32
      %add3A_334 = arith.addi %mul3A_2, %add3A_333 : i32
      %dma_start3A_335 = arith.constant 0 : i32
      %dma_start3A_336 = arith.constant 0 : i32
      %dma_start3A_337 = tpu.memref_slice %arg5[%dma_start3A_335, %dma_start3A_336] : memref<208x512xf32, #tpu.memory_space<vmem>> -> memref<104x512xf32, #tpu.memory_space<vmem>>
      %dma_start3A_338 = arith.constant 13312 : i32
      %dma_start3A_339 = tpu.memref_slice %arg3[%add3A_334, %dma_start3A_338] : memref<6592x16384xf32, #tpu.memory_space<hbm>> -> memref<104x512xf32, #tpu.memory_space<hbm>>
      %dma_start3A_340 = arith.constant 13312 : i32
      %dma_start3A_341 = tpu.memref_slice %arg3[%add3A_334, %dma_start3A_340] : memref<6592x16384xf32, #tpu.memory_space<hbm>> -> memref<104x512xf32, #tpu.memory_space<hbm>>
      %dma_start3A_342 = arith.constant 0 : i32
      %dma_start3A_343 = arith.constant 0 : i32
      %dma_start3A_344 = tpu.memref_slice %arg5[%dma_start3A_342, %dma_start3A_343] : memref<208x512xf32, #tpu.memory_space<vmem>> -> memref<104x512xf32, #tpu.memory_space<vmem>>
      tpu.enqueue_dma source(%dma_start3A_344 : memref<104x512xf32, #tpu.memory_space<vmem>>) target(%dma_start3A_341 : memref<104x512xf32, #tpu.memory_space<hbm>>) target_semaphore(%arg7 : memref<!tpu.dma_semaphore, #tpu.memory_space<semaphore_mem>>)
      %add3A_345 = arith.constant 0 : i32
      %add3A_346 = arith.addi %mul3A_2, %add3A_345 : i32
      %dma_start3A_347 = arith.constant 0 : i32
      %dma_start3A_348 = arith.constant 0 : i32
      %dma_start3A_349 = tpu.memref_slice %arg5[%dma_start3A_347, %dma_start3A_348] : memref<208x512xf32, #tpu.memory_space<vmem>> -> memref<104x512xf32, #tpu.memory_space<vmem>>
      %dma_start3A_350 = arith.constant 13824 : i32
      %dma_start3A_351 = tpu.memref_slice %arg3[%add3A_346, %dma_start3A_350] : memref<6592x16384xf32, #tpu.memory_space<hbm>> -> memref<104x512xf32, #tpu.memory_space<hbm>>
      %dma_start3A_352 = arith.constant 13824 : i32
      %dma_start3A_353 = tpu.memref_slice %arg3[%add3A_346, %dma_start3A_352] : memref<6592x16384xf32, #tpu.memory_space<hbm>> -> memref<104x512xf32, #tpu.memory_space<hbm>>
      %dma_start3A_354 = arith.constant 0 : i32
      %dma_start3A_355 = arith.constant 0 : i32
      %dma_start3A_356 = tpu.memref_slice %arg5[%dma_start3A_354, %dma_start3A_355] : memref<208x512xf32, #tpu.memory_space<vmem>> -> memref<104x512xf32, #tpu.memory_space<vmem>>
      tpu.enqueue_dma source(%dma_start3A_356 : memref<104x512xf32, #tpu.memory_space<vmem>>) target(%dma_start3A_353 : memref<104x512xf32, #tpu.memory_space<hbm>>) target_semaphore(%arg7 : memref<!tpu.dma_semaphore, #tpu.memory_space<semaphore_mem>>)
      %add3A_357 = arith.constant 0 : i32
      %add3A_358 = arith.addi %mul3A_2, %add3A_357 : i32
      %dma_start3A_359 = arith.constant 0 : i32
      %dma_start3A_360 = arith.constant 0 : i32
      %dma_start3A_361 = tpu.memref_slice %arg5[%dma_start3A_359, %dma_start3A_360] : memref<208x512xf32, #tpu.memory_space<vmem>> -> memref<104x512xf32, #tpu.memory_space<vmem>>
      %dma_start3A_362 = arith.constant 14336 : i32
      %dma_start3A_363 = tpu.memref_slice %arg3[%add3A_358, %dma_start3A_362] : memref<6592x16384xf32, #tpu.memory_space<hbm>> -> memref<104x512xf32, #tpu.memory_space<hbm>>
      %dma_start3A_364 = arith.constant 14336 : i32
      %dma_start3A_365 = tpu.memref_slice %arg3[%add3A_358, %dma_start3A_364] : memref<6592x16384xf32, #tpu.memory_space<hbm>> -> memref<104x512xf32, #tpu.memory_space<hbm>>
      %dma_start3A_366 = arith.constant 0 : i32
      %dma_start3A_367 = arith.constant 0 : i32
      %dma_start3A_368 = tpu.memref_slice %arg5[%dma_start3A_366, %dma_start3A_367] : memref<208x512xf32, #tpu.memory_space<vmem>> -> memref<104x512xf32, #tpu.memory_space<vmem>>
      tpu.enqueue_dma source(%dma_start3A_368 : memref<104x512xf32, #tpu.memory_space<vmem>>) target(%dma_start3A_365 : memref<104x512xf32, #tpu.memory_space<hbm>>) target_semaphore(%arg7 : memref<!tpu.dma_semaphore, #tpu.memory_space<semaphore_mem>>)
      %add3A_369 = arith.constant 0 : i32
      %add3A_370 = arith.addi %mul3A_2, %add3A_369 : i32
      %dma_start3A_371 = arith.constant 0 : i32
      %dma_start3A_372 = arith.constant 0 : i32
      %dma_start3A_373 = tpu.memref_slice %arg5[%dma_start3A_371, %dma_start3A_372] : memref<208x512xf32, #tpu.memory_space<vmem>> -> memref<104x512xf32, #tpu.memory_space<vmem>>
      %dma_start3A_374 = arith.constant 14848 : i32
      %dma_start3A_375 = tpu.memref_slice %arg3[%add3A_370, %dma_start3A_374] : memref<6592x16384xf32, #tpu.memory_space<hbm>> -> memref<104x512xf32, #tpu.memory_space<hbm>>
      %dma_start3A_376 = arith.constant 14848 : i32
      %dma_start3A_377 = tpu.memref_slice %arg3[%add3A_370, %dma_start3A_376] : memref<6592x16384xf32, #tpu.memory_space<hbm>> -> memref<104x512xf32, #tpu.memory_space<hbm>>
      %dma_start3A_378 = arith.constant 0 : i32
      %dma_start3A_379 = arith.constant 0 : i32
      %dma_start3A_380 = tpu.memref_slice %arg5[%dma_start3A_378, %dma_start3A_379] : memref<208x512xf32, #tpu.memory_space<vmem>> -> memref<104x512xf32, #tpu.memory_space<vmem>>
      tpu.enqueue_dma source(%dma_start3A_380 : memref<104x512xf32, #tpu.memory_space<vmem>>) target(%dma_start3A_377 : memref<104x512xf32, #tpu.memory_space<hbm>>) target_semaphore(%arg7 : memref<!tpu.dma_semaphore, #tpu.memory_space<semaphore_mem>>)
      %add3A_381 = arith.constant 0 : i32
      %add3A_382 = arith.addi %mul3A_2, %add3A_381 : i32
      %dma_start3A_383 = arith.constant 0 : i32
      %dma_start3A_384 = arith.constant 0 : i32
      %dma_start3A_385 = tpu.memref_slice %arg5[%dma_start3A_383, %dma_start3A_384] : memref<208x512xf32, #tpu.memory_space<vmem>> -> memref<104x512xf32, #tpu.memory_space<vmem>>
      %dma_start3A_386 = arith.constant 15360 : i32
      %dma_start3A_387 = tpu.memref_slice %arg3[%add3A_382, %dma_start3A_386] : memref<6592x16384xf32, #tpu.memory_space<hbm>> -> memref<104x512xf32, #tpu.memory_space<hbm>>
      %dma_start3A_388 = arith.constant 15360 : i32
      %dma_start3A_389 = tpu.memref_slice %arg3[%add3A_382, %dma_start3A_388] : memref<6592x16384xf32, #tpu.memory_space<hbm>> -> memref<104x512xf32, #tpu.memory_space<hbm>>
      %dma_start3A_390 = arith.constant 0 : i32
      %dma_start3A_391 = arith.constant 0 : i32
      %dma_start3A_392 = tpu.memref_slice %arg5[%dma_start3A_390, %dma_start3A_391] : memref<208x512xf32, #tpu.memory_space<vmem>> -> memref<104x512xf32, #tpu.memory_space<vmem>>
      tpu.enqueue_dma source(%dma_start3A_392 : memref<104x512xf32, #tpu.memory_space<vmem>>) target(%dma_start3A_389 : memref<104x512xf32, #tpu.memory_space<hbm>>) target_semaphore(%arg7 : memref<!tpu.dma_semaphore, #tpu.memory_space<semaphore_mem>>)
      %add3A_393 = arith.constant 0 : i32
      %add3A_394 = arith.addi %mul3A_2, %add3A_393 : i32
      %dma_start3A_395 = arith.constant 0 : i32
      %dma_start3A_396 = arith.constant 0 : i32
      %dma_start3A_397 = tpu.memref_slice %arg5[%dma_start3A_395, %dma_start3A_396] : memref<208x512xf32, #tpu.memory_space<vmem>> -> memref<104x512xf32, #tpu.memory_space<vmem>>
      %dma_start3A_398 = arith.constant 15872 : i32
      %dma_start3A_399 = tpu.memref_slice %arg3[%add3A_394, %dma_start3A_398] : memref<6592x16384xf32, #tpu.memory_space<hbm>> -> memref<104x512xf32, #tpu.memory_space<hbm>>
      %dma_start3A_400 = arith.constant 15872 : i32
      %dma_start3A_401 = tpu.memref_slice %arg3[%add3A_394, %dma_start3A_400] : memref<6592x16384xf32, #tpu.memory_space<hbm>> -> memref<104x512xf32, #tpu.memory_space<hbm>>
      %dma_start3A_402 = arith.constant 0 : i32
      %dma_start3A_403 = arith.constant 0 : i32
      %dma_start3A_404 = tpu.memref_slice %arg5[%dma_start3A_402, %dma_start3A_403] : memref<208x512xf32, #tpu.memory_space<vmem>> -> memref<104x512xf32, #tpu.memory_space<vmem>>
      tpu.enqueue_dma source(%dma_start3A_404 : memref<104x512xf32, #tpu.memory_space<vmem>>) target(%dma_start3A_401 : memref<104x512xf32, #tpu.memory_space<hbm>>) target_semaphore(%arg7 : memref<!tpu.dma_semaphore, #tpu.memory_space<semaphore_mem>>)
      %scan3A_405 = arith.constant 0 : i32
      %scan3A_406 = arith.constant 104 : i32
      %scan3A_407 = arith.constant 40 : i32
      %scan3A_408 = arith.addi %scan3A_406, %scan3A_407 : i32
      %scan3A_409 = arith.constant 1 : i32
      %scan3A_410 = scf.for %scan3A_1436 = %scan3A_406 to %scan3A_408 step %scan3A_409 iter_args(%scan3A_1437 = %scan3A_405) -> (i32)  : i32 {
        %add3A_1438 = arith.addi %mul3A_2, %scan3A_1436 : i32
        %get3A = arith.index_cast %add3A_1438 : i32 to index
        %get3A_1439 = tpu.vector_load %arg4[%get3A] {strides = array<i32>} : memref<6672xf32, #tpu.memory_space<vmem>>, vector<16xf32>,
        %get3A_1440 = vector.shape_cast %get3A_1439 : vector<16xf32> to vector<16xf32>
        %slice3A = vector.extract_strided_slice %get3A_1440 {offsets = [0], sizes = [1], strides = [1]} : vector<16xf32> to vector<1xf32>
        %squeeze3A = vector.extract %slice3A[0] : f32 from vector<1xf32>
        %broadcast_in_dim3A = vector.broadcast %squeeze3A : f32 to vector<16xf32>
        %swap3A = arith.index_cast %scan3A_1436 : i32 to index
        %swap3A_1441 = arith.constant 0 : index
        %swap3A_1442 = tpu.vector_load %arg5[%swap3A, %swap3A_1441] {strides = array<i32>} : memref<208x512xf32, #tpu.memory_space<vmem>>, vector<1x16xf32>,
        %swap3A_1443 = vector.shape_cast %swap3A_1442 : vector<1x16xf32> to vector<16xf32>
        %swap3A_1444 = vector.shape_cast %broadcast_in_dim3A : vector<16xf32> to vector<1x16xf32>
        tpu.vector_store %arg5[%swap3A, %swap3A_1441], %swap3A_1444 {strides = array<i32>} : memref<208x512xf32, #tpu.memory_space<vmem>>, vector<1x16xf32>,
        %swap3A_1445 = arith.index_cast %scan3A_1436 : i32 to index
        %swap3A_1446 = arith.constant 16 : index
        %swap3A_1447 = tpu.vector_load %arg5[%swap3A_1445, %swap3A_1446] {strides = array<i32>} : memref<208x512xf32, #tpu.memory_space<vmem>>, vector<1x16xf32>,
        %swap3A_1448 = vector.shape_cast %swap3A_1447 : vector<1x16xf32> to vector<16xf32>
        %swap3A_1449 = vector.shape_cast %broadcast_in_dim3A : vector<16xf32> to vector<1x16xf32>
        tpu.vector_store %arg5[%swap3A_1445, %swap3A_1446], %swap3A_1449 {strides = array<i32>} : memref<208x512xf32, #tpu.memory_space<vmem>>, vector<1x16xf32>,
        %swap3A_1450 = arith.index_cast %scan3A_1436 : i32 to index
        %swap3A_1451 = arith.constant 32 : index
        %swap3A_1452 = tpu.vector_load %arg5[%swap3A_1450, %swap3A_1451] {strides = array<i32>} : memref<208x512xf32, #tpu.memory_space<vmem>>, vector<1x16xf32>,
        %swap3A_1453 = vector.shape_cast %swap3A_1452 : vector<1x16xf32> to vector<16xf32>
        %swap3A_1454 = vector.shape_cast %broadcast_in_dim3A : vector<16xf32> to vector<1x16xf32>
        tpu.vector_store %arg5[%swap3A_1450, %swap3A_1451], %swap3A_1454 {strides = array<i32>} : memref<208x512xf32, #tpu.memory_space<vmem>>, vector<1x16xf32>,
        %swap3A_1455 = arith.index_cast %scan3A_1436 : i32 to index
        %swap3A_1456 = arith.constant 48 : index
        %swap3A_1457 = tpu.vector_load %arg5[%swap3A_1455, %swap3A_1456] {strides = array<i32>} : memref<208x512xf32, #tpu.memory_space<vmem>>, vector<1x16xf32>,
        %swap3A_1458 = vector.shape_cast %swap3A_1457 : vector<1x16xf32> to vector<16xf32>
        %swap3A_1459 = vector.shape_cast %broadcast_in_dim3A : vector<16xf32> to vector<1x16xf32>
        tpu.vector_store %arg5[%swap3A_1455, %swap3A_1456], %swap3A_1459 {strides = array<i32>} : memref<208x512xf32, #tpu.memory_space<vmem>>, vector<1x16xf32>,
        %swap3A_1460 = arith.index_cast %scan3A_1436 : i32 to index
        %swap3A_1461 = arith.constant 64 : index
        %swap3A_1462 = tpu.vector_load %arg5[%swap3A_1460, %swap3A_1461] {strides = array<i32>} : memref<208x512xf32, #tpu.memory_space<vmem>>, vector<1x16xf32>,
        %swap3A_1463 = vector.shape_cast %swap3A_1462 : vector<1x16xf32> to vector<16xf32>
        %swap3A_1464 = vector.shape_cast %broadcast_in_dim3A : vector<16xf32> to vector<1x16xf32>
        tpu.vector_store %arg5[%swap3A_1460, %swap3A_1461], %swap3A_1464 {strides = array<i32>} : memref<208x512xf32, #tpu.memory_space<vmem>>, vector<1x16xf32>,
        %swap3A_1465 = arith.index_cast %scan3A_1436 : i32 to index
        %swap3A_1466 = arith.constant 80 : index
        %swap3A_1467 = tpu.vector_load %arg5[%swap3A_1465, %swap3A_1466] {strides = array<i32>} : memref<208x512xf32, #tpu.memory_space<vmem>>, vector<1x16xf32>,
        %swap3A_1468 = vector.shape_cast %swap3A_1467 : vector<1x16xf32> to vector<16xf32>
        %swap3A_1469 = vector.shape_cast %broadcast_in_dim3A : vector<16xf32> to vector<1x16xf32>
        tpu.vector_store %arg5[%swap3A_1465, %swap3A_1466], %swap3A_1469 {strides = array<i32>} : memref<208x512xf32, #tpu.memory_space<vmem>>, vector<1x16xf32>,
        %swap3A_1470 = arith.index_cast %scan3A_1436 : i32 to index
        %swap3A_1471 = arith.constant 96 : index
        %swap3A_1472 = tpu.vector_load %arg5[%swap3A_1470, %swap3A_1471] {strides = array<i32>} : memref<208x512xf32, #tpu.memory_space<vmem>>, vector<1x16xf32>,
        %swap3A_1473 = vector.shape_cast %swap3A_1472 : vector<1x16xf32> to vector<16xf32>
        %swap3A_1474 = vector.shape_cast %broadcast_in_dim3A : vector<16xf32> to vector<1x16xf32>
        tpu.vector_store %arg5[%swap3A_1470, %swap3A_1471], %swap3A_1474 {strides = array<i32>} : memref<208x512xf32, #tpu.memory_space<vmem>>, vector<1x16xf32>,
        %swap3A_1475 = arith.index_cast %scan3A_1436 : i32 to index
        %swap3A_1476 = arith.constant 112 : index
        %swap3A_1477 = tpu.vector_load %arg5[%swap3A_1475, %swap3A_1476] {strides = array<i32>} : memref<208x512xf32, #tpu.memory_space<vmem>>, vector<1x16xf32>,
        %swap3A_1478 = vector.shape_cast %swap3A_1477 : vector<1x16xf32> to vector<16xf32>
        %swap3A_1479 = vector.shape_cast %broadcast_in_dim3A : vector<16xf32> to vector<1x16xf32>
        tpu.vector_store %arg5[%swap3A_1475, %swap3A_1476], %swap3A_1479 {strides = array<i32>} : memref<208x512xf32, #tpu.memory_space<vmem>>, vector<1x16xf32>,
        %swap3A_1480 = arith.index_cast %scan3A_1436 : i32 to index
        %swap3A_1481 = arith.constant 128 : index
        %swap3A_1482 = tpu.vector_load %arg5[%swap3A_1480, %swap3A_1481] {strides = array<i32>} : memref<208x512xf32, #tpu.memory_space<vmem>>, vector<1x16xf32>,
        %swap3A_1483 = vector.shape_cast %swap3A_1482 : vector<1x16xf32> to vector<16xf32>
        %swap3A_1484 = vector.shape_cast %broadcast_in_dim3A : vector<16xf32> to vector<1x16xf32>
        tpu.vector_store %arg5[%swap3A_1480, %swap3A_1481], %swap3A_1484 {strides = array<i32>} : memref<208x512xf32, #tpu.memory_space<vmem>>, vector<1x16xf32>,
        %swap3A_1485 = arith.index_cast %scan3A_1436 : i32 to index
        %swap3A_1486 = arith.constant 144 : index
        %swap3A_1487 = tpu.vector_load %arg5[%swap3A_1485, %swap3A_1486] {strides = array<i32>} : memref<208x512xf32, #tpu.memory_space<vmem>>, vector<1x16xf32>,
        %swap3A_1488 = vector.shape_cast %swap3A_1487 : vector<1x16xf32> to vector<16xf32>
        %swap3A_1489 = vector.shape_cast %broadcast_in_dim3A : vector<16xf32> to vector<1x16xf32>
        tpu.vector_store %arg5[%swap3A_1485, %swap3A_1486], %swap3A_1489 {strides = array<i32>} : memref<208x512xf32, #tpu.memory_space<vmem>>, vector<1x16xf32>,
        %swap3A_1490 = arith.index_cast %scan3A_1436 : i32 to index
        %swap3A_1491 = arith.constant 160 : index
        %swap3A_1492 = tpu.vector_load %arg5[%swap3A_1490, %swap3A_1491] {strides = array<i32>} : memref<208x512xf32, #tpu.memory_space<vmem>>, vector<1x16xf32>,
        %swap3A_1493 = vector.shape_cast %swap3A_1492 : vector<1x16xf32> to vector<16xf32>
        %swap3A_1494 = vector.shape_cast %broadcast_in_dim3A : vector<16xf32> to vector<1x16xf32>
        tpu.vector_store %arg5[%swap3A_1490, %swap3A_1491], %swap3A_1494 {strides = array<i32>} : memref<208x512xf32, #tpu.memory_space<vmem>>, vector<1x16xf32>,
        %swap3A_1495 = arith.index_cast %scan3A_1436 : i32 to index
        %swap3A_1496 = arith.constant 176 : index
        %swap3A_1497 = tpu.vector_load %arg5[%swap3A_1495, %swap3A_1496] {strides = array<i32>} : memref<208x512xf32, #tpu.memory_space<vmem>>, vector<1x16xf32>,
        %swap3A_1498 = vector.shape_cast %swap3A_1497 : vector<1x16xf32> to vector<16xf32>
        %swap3A_1499 = vector.shape_cast %broadcast_in_dim3A : vector<16xf32> to vector<1x16xf32>
        tpu.vector_store %arg5[%swap3A_1495, %swap3A_1496], %swap3A_1499 {strides = array<i32>} : memref<208x512xf32, #tpu.memory_space<vmem>>, vector<1x16xf32>,
        %swap3A_1500 = arith.index_cast %scan3A_1436 : i32 to index
        %swap3A_1501 = arith.constant 192 : index
        %swap3A_1502 = tpu.vector_load %arg5[%swap3A_1500, %swap3A_1501] {strides = array<i32>} : memref<208x512xf32, #tpu.memory_space<vmem>>, vector<1x16xf32>,
        %swap3A_1503 = vector.shape_cast %swap3A_1502 : vector<1x16xf32> to vector<16xf32>
        %swap3A_1504 = vector.shape_cast %broadcast_in_dim3A : vector<16xf32> to vector<1x16xf32>
        tpu.vector_store %arg5[%swap3A_1500, %swap3A_1501], %swap3A_1504 {strides = array<i32>} : memref<208x512xf32, #tpu.memory_space<vmem>>, vector<1x16xf32>,
        %swap3A_1505 = arith.index_cast %scan3A_1436 : i32 to index
        %swap3A_1506 = arith.constant 208 : index
        %swap3A_1507 = tpu.vector_load %arg5[%swap3A_1505, %swap3A_1506] {strides = array<i32>} : memref<208x512xf32, #tpu.memory_space<vmem>>, vector<1x16xf32>,
        %swap3A_1508 = vector.shape_cast %swap3A_1507 : vector<1x16xf32> to vector<16xf32>
        %swap3A_1509 = vector.shape_cast %broadcast_in_dim3A : vector<16xf32> to vector<1x16xf32>
        tpu.vector_store %arg5[%swap3A_1505, %swap3A_1506], %swap3A_1509 {strides = array<i32>} : memref<208x512xf32, #tpu.memory_space<vmem>>, vector<1x16xf32>,
        %swap3A_1510 = arith.index_cast %scan3A_1436 : i32 to index
        %swap3A_1511 = arith.constant 224 : index
        %swap3A_1512 = tpu.vector_load %arg5[%swap3A_1510, %swap3A_1511] {strides = array<i32>} : memref<208x512xf32, #tpu.memory_space<vmem>>, vector<1x16xf32>,
        %swap3A_1513 = vector.shape_cast %swap3A_1512 : vector<1x16xf32> to vector<16xf32>
        %swap3A_1514 = vector.shape_cast %broadcast_in_dim3A : vector<16xf32> to vector<1x16xf32>
        tpu.vector_store %arg5[%swap3A_1510, %swap3A_1511], %swap3A_1514 {strides = array<i32>} : memref<208x512xf32, #tpu.memory_space<vmem>>, vector<1x16xf32>,
        %swap3A_1515 = arith.index_cast %scan3A_1436 : i32 to index
        %swap3A_1516 = arith.constant 240 : index
        %swap3A_1517 = tpu.vector_load %arg5[%swap3A_1515, %swap3A_1516] {strides = array<i32>} : memref<208x512xf32, #tpu.memory_space<vmem>>, vector<1x16xf32>,
        %swap3A_1518 = vector.shape_cast %swap3A_1517 : vector<1x16xf32> to vector<16xf32>
        %swap3A_1519 = vector.shape_cast %broadcast_in_dim3A : vector<16xf32> to vector<1x16xf32>
        tpu.vector_store %arg5[%swap3A_1515, %swap3A_1516], %swap3A_1519 {strides = array<i32>} : memref<208x512xf32, #tpu.memory_space<vmem>>, vector<1x16xf32>,
        %swap3A_1520 = arith.index_cast %scan3A_1436 : i32 to index
        %swap3A_1521 = arith.constant 256 : index
        %swap3A_1522 = tpu.vector_load %arg5[%swap3A_1520, %swap3A_1521] {strides = array<i32>} : memref<208x512xf32, #tpu.memory_space<vmem>>, vector<1x16xf32>,
        %swap3A_1523 = vector.shape_cast %swap3A_1522 : vector<1x16xf32> to vector<16xf32>
        %swap3A_1524 = vector.shape_cast %broadcast_in_dim3A : vector<16xf32> to vector<1x16xf32>
        tpu.vector_store %arg5[%swap3A_1520, %swap3A_1521], %swap3A_1524 {strides = array<i32>} : memref<208x512xf32, #tpu.memory_space<vmem>>, vector<1x16xf32>,
        %swap3A_1525 = arith.index_cast %scan3A_1436 : i32 to index
        %swap3A_1526 = arith.constant 272 : index
        %swap3A_1527 = tpu.vector_load %arg5[%swap3A_1525, %swap3A_1526] {strides = array<i32>} : memref<208x512xf32, #tpu.memory_space<vmem>>, vector<1x16xf32>,
        %swap3A_1528 = vector.shape_cast %swap3A_1527 : vector<1x16xf32> to vector<16xf32>
        %swap3A_1529 = vector.shape_cast %broadcast_in_dim3A : vector<16xf32> to vector<1x16xf32>
        tpu.vector_store %arg5[%swap3A_1525, %swap3A_1526], %swap3A_1529 {strides = array<i32>} : memref<208x512xf32, #tpu.memory_space<vmem>>, vector<1x16xf32>,
        %swap3A_1530 = arith.index_cast %scan3A_1436 : i32 to index
        %swap3A_1531 = arith.constant 288 : index
        %swap3A_1532 = tpu.vector_load %arg5[%swap3A_1530, %swap3A_1531] {strides = array<i32>} : memref<208x512xf32, #tpu.memory_space<vmem>>, vector<1x16xf32>,
        %swap3A_1533 = vector.shape_cast %swap3A_1532 : vector<1x16xf32> to vector<16xf32>
        %swap3A_1534 = vector.shape_cast %broadcast_in_dim3A : vector<16xf32> to vector<1x16xf32>
        tpu.vector_store %arg5[%swap3A_1530, %swap3A_1531], %swap3A_1534 {strides = array<i32>} : memref<208x512xf32, #tpu.memory_space<vmem>>, vector<1x16xf32>,
        %swap3A_1535 = arith.index_cast %scan3A_1436 : i32 to index
        %swap3A_1536 = arith.constant 304 : index
        %swap3A_1537 = tpu.vector_load %arg5[%swap3A_1535, %swap3A_1536] {strides = array<i32>} : memref<208x512xf32, #tpu.memory_space<vmem>>, vector<1x16xf32>,
        %swap3A_1538 = vector.shape_cast %swap3A_1537 : vector<1x16xf32> to vector<16xf32>
        %swap3A_1539 = vector.shape_cast %broadcast_in_dim3A : vector<16xf32> to vector<1x16xf32>
        tpu.vector_store %arg5[%swap3A_1535, %swap3A_1536], %swap3A_1539 {strides = array<i32>} : memref<208x512xf32, #tpu.memory_space<vmem>>, vector<1x16xf32>,
        %swap3A_1540 = arith.index_cast %scan3A_1436 : i32 to index
        %swap3A_1541 = arith.constant 320 : index
        %swap3A_1542 = tpu.vector_load %arg5[%swap3A_1540, %swap3A_1541] {strides = array<i32>} : memref<208x512xf32, #tpu.memory_space<vmem>>, vector<1x16xf32>,
        %swap3A_1543 = vector.shape_cast %swap3A_1542 : vector<1x16xf32> to vector<16xf32>
        %swap3A_1544 = vector.shape_cast %broadcast_in_dim3A : vector<16xf32> to vector<1x16xf32>
        tpu.vector_store %arg5[%swap3A_1540, %swap3A_1541], %swap3A_1544 {strides = array<i32>} : memref<208x512xf32, #tpu.memory_space<vmem>>, vector<1x16xf32>,
        %swap3A_1545 = arith.index_cast %scan3A_1436 : i32 to index
        %swap3A_1546 = arith.constant 336 : index
        %swap3A_1547 = tpu.vector_load %arg5[%swap3A_1545, %swap3A_1546] {strides = array<i32>} : memref<208x512xf32, #tpu.memory_space<vmem>>, vector<1x16xf32>,
        %swap3A_1548 = vector.shape_cast %swap3A_1547 : vector<1x16xf32> to vector<16xf32>
        %swap3A_1549 = vector.shape_cast %broadcast_in_dim3A : vector<16xf32> to vector<1x16xf32>
        tpu.vector_store %arg5[%swap3A_1545, %swap3A_1546], %swap3A_1549 {strides = array<i32>} : memref<208x512xf32, #tpu.memory_space<vmem>>, vector<1x16xf32>,
        %swap3A_1550 = arith.index_cast %scan3A_1436 : i32 to index
        %swap3A_1551 = arith.constant 352 : index
        %swap3A_1552 = tpu.vector_load %arg5[%swap3A_1550, %swap3A_1551] {strides = array<i32>} : memref<208x512xf32, #tpu.memory_space<vmem>>, vector<1x16xf32>,
        %swap3A_1553 = vector.shape_cast %swap3A_1552 : vector<1x16xf32> to vector<16xf32>
        %swap3A_1554 = vector.shape_cast %broadcast_in_dim3A : vector<16xf32> to vector<1x16xf32>
        tpu.vector_store %arg5[%swap3A_1550, %swap3A_1551], %swap3A_1554 {strides = array<i32>} : memref<208x512xf32, #tpu.memory_space<vmem>>, vector<1x16xf32>,
        %swap3A_1555 = arith.index_cast %scan3A_1436 : i32 to index
        %swap3A_1556 = arith.constant 368 : index
        %swap3A_1557 = tpu.vector_load %arg5[%swap3A_1555, %swap3A_1556] {strides = array<i32>} : memref<208x512xf32, #tpu.memory_space<vmem>>, vector<1x16xf32>,
        %swap3A_1558 = vector.shape_cast %swap3A_1557 : vector<1x16xf32> to vector<16xf32>
        %swap3A_1559 = vector.shape_cast %broadcast_in_dim3A : vector<16xf32> to vector<1x16xf32>
        tpu.vector_store %arg5[%swap3A_1555, %swap3A_1556], %swap3A_1559 {strides = array<i32>} : memref<208x512xf32, #tpu.memory_space<vmem>>, vector<1x16xf32>,
        %swap3A_1560 = arith.index_cast %scan3A_1436 : i32 to index
        %swap3A_1561 = arith.constant 384 : index
        %swap3A_1562 = tpu.vector_load %arg5[%swap3A_1560, %swap3A_1561] {strides = array<i32>} : memref<208x512xf32, #tpu.memory_space<vmem>>, vector<1x16xf32>,
        %swap3A_1563 = vector.shape_cast %swap3A_1562 : vector<1x16xf32> to vector<16xf32>
        %swap3A_1564 = vector.shape_cast %broadcast_in_dim3A : vector<16xf32> to vector<1x16xf32>
        tpu.vector_store %arg5[%swap3A_1560, %swap3A_1561], %swap3A_1564 {strides = array<i32>} : memref<208x512xf32, #tpu.memory_space<vmem>>, vector<1x16xf32>,
        %swap3A_1565 = arith.index_cast %scan3A_1436 : i32 to index
        %swap3A_1566 = arith.constant 400 : index
        %swap3A_1567 = tpu.vector_load %arg5[%swap3A_1565, %swap3A_1566] {strides = array<i32>} : memref<208x512xf32, #tpu.memory_space<vmem>>, vector<1x16xf32>,
        %swap3A_1568 = vector.shape_cast %swap3A_1567 : vector<1x16xf32> to vector<16xf32>
        %swap3A_1569 = vector.shape_cast %broadcast_in_dim3A : vector<16xf32> to vector<1x16xf32>
        tpu.vector_store %arg5[%swap3A_1565, %swap3A_1566], %swap3A_1569 {strides = array<i32>} : memref<208x512xf32, #tpu.memory_space<vmem>>, vector<1x16xf32>,
        %swap3A_1570 = arith.index_cast %scan3A_1436 : i32 to index
        %swap3A_1571 = arith.constant 416 : index
        %swap3A_1572 = tpu.vector_load %arg5[%swap3A_1570, %swap3A_1571] {strides = array<i32>} : memref<208x512xf32, #tpu.memory_space<vmem>>, vector<1x16xf32>,
        %swap3A_1573 = vector.shape_cast %swap3A_1572 : vector<1x16xf32> to vector<16xf32>
        %swap3A_1574 = vector.shape_cast %broadcast_in_dim3A : vector<16xf32> to vector<1x16xf32>
        tpu.vector_store %arg5[%swap3A_1570, %swap3A_1571], %swap3A_1574 {strides = array<i32>} : memref<208x512xf32, #tpu.memory_space<vmem>>, vector<1x16xf32>,
        %swap3A_1575 = arith.index_cast %scan3A_1436 : i32 to index
        %swap3A_1576 = arith.constant 432 : index
        %swap3A_1577 = tpu.vector_load %arg5[%swap3A_1575, %swap3A_1576] {strides = array<i32>} : memref<208x512xf32, #tpu.memory_space<vmem>>, vector<1x16xf32>,
        %swap3A_1578 = vector.shape_cast %swap3A_1577 : vector<1x16xf32> to vector<16xf32>
        %swap3A_1579 = vector.shape_cast %broadcast_in_dim3A : vector<16xf32> to vector<1x16xf32>
        tpu.vector_store %arg5[%swap3A_1575, %swap3A_1576], %swap3A_1579 {strides = array<i32>} : memref<208x512xf32, #tpu.memory_space<vmem>>, vector<1x16xf32>,
        %swap3A_1580 = arith.index_cast %scan3A_1436 : i32 to index
        %swap3A_1581 = arith.constant 448 : index
        %swap3A_1582 = tpu.vector_load %arg5[%swap3A_1580, %swap3A_1581] {strides = array<i32>} : memref<208x512xf32, #tpu.memory_space<vmem>>, vector<1x16xf32>,
        %swap3A_1583 = vector.shape_cast %swap3A_1582 : vector<1x16xf32> to vector<16xf32>
        %swap3A_1584 = vector.shape_cast %broadcast_in_dim3A : vector<16xf32> to vector<1x16xf32>
        tpu.vector_store %arg5[%swap3A_1580, %swap3A_1581], %swap3A_1584 {strides = array<i32>} : memref<208x512xf32, #tpu.memory_space<vmem>>, vector<1x16xf32>,
        %swap3A_1585 = arith.index_cast %scan3A_1436 : i32 to index
        %swap3A_1586 = arith.constant 464 : index
        %swap3A_1587 = tpu.vector_load %arg5[%swap3A_1585, %swap3A_1586] {strides = array<i32>} : memref<208x512xf32, #tpu.memory_space<vmem>>, vector<1x16xf32>,
        %swap3A_1588 = vector.shape_cast %swap3A_1587 : vector<1x16xf32> to vector<16xf32>
        %swap3A_1589 = vector.shape_cast %broadcast_in_dim3A : vector<16xf32> to vector<1x16xf32>
        tpu.vector_store %arg5[%swap3A_1585, %swap3A_1586], %swap3A_1589 {strides = array<i32>} : memref<208x512xf32, #tpu.memory_space<vmem>>, vector<1x16xf32>,
        %swap3A_1590 = arith.index_cast %scan3A_1436 : i32 to index
        %swap3A_1591 = arith.constant 480 : index
        %swap3A_1592 = tpu.vector_load %arg5[%swap3A_1590, %swap3A_1591] {strides = array<i32>} : memref<208x512xf32, #tpu.memory_space<vmem>>, vector<1x16xf32>,
        %swap3A_1593 = vector.shape_cast %swap3A_1592 : vector<1x16xf32> to vector<16xf32>
        %swap3A_1594 = vector.shape_cast %broadcast_in_dim3A : vector<16xf32> to vector<1x16xf32>
        tpu.vector_store %arg5[%swap3A_1590, %swap3A_1591], %swap3A_1594 {strides = array<i32>} : memref<208x512xf32, #tpu.memory_space<vmem>>, vector<1x16xf32>,
        %swap3A_1595 = arith.index_cast %scan3A_1436 : i32 to index
        %swap3A_1596 = arith.constant 496 : index
        %swap3A_1597 = tpu.vector_load %arg5[%swap3A_1595, %swap3A_1596] {strides = array<i32>} : memref<208x512xf32, #tpu.memory_space<vmem>>, vector<1x16xf32>,
        %swap3A_1598 = vector.shape_cast %swap3A_1597 : vector<1x16xf32> to vector<16xf32>
        %swap3A_1599 = vector.shape_cast %broadcast_in_dim3A : vector<16xf32> to vector<1x16xf32>
        tpu.vector_store %arg5[%swap3A_1595, %swap3A_1596], %swap3A_1599 {strides = array<i32>} : memref<208x512xf32, #tpu.memory_space<vmem>>, vector<1x16xf32>,
        %scan3A_1600 = arith.constant 0 : i32
        scf.yield %scan3A_1600 : i32
      }
      %scan3A_411 = arith.constant 40 : i32
      %add3A_412 = arith.constant 104 : i32
      %add3A_413 = arith.addi %mul3A_2, %add3A_412 : i32
      %dma_start3A_414 = arith.constant 104 : i32
      %dma_start3A_415 = arith.constant 0 : i32
      %dma_start3A_416 = tpu.memref_slice %arg5[%dma_start3A_414, %dma_start3A_415] : memref<208x512xf32, #tpu.memory_space<vmem>> -> memref<40x512xf32, #tpu.memory_space<vmem>>
      %dma_start3A_417 = arith.constant 0 : i32
      %dma_start3A_418 = tpu.memref_slice %arg3[%add3A_413, %dma_start3A_417] : memref<6592x16384xf32, #tpu.memory_space<hbm>> -> memref<40x512xf32, #tpu.memory_space<hbm>>
      %dma_start3A_419 = arith.constant 0 : i32
      %dma_start3A_420 = tpu.memref_slice %arg3[%add3A_413, %dma_start3A_419] : memref<6592x16384xf32, #tpu.memory_space<hbm>> -> memref<40x512xf32, #tpu.memory_space<hbm>>
      %dma_start3A_421 = arith.constant 104 : i32
      %dma_start3A_422 = arith.constant 0 : i32
      %dma_start3A_423 = tpu.memref_slice %arg5[%dma_start3A_421, %dma_start3A_422] : memref<208x512xf32, #tpu.memory_space<vmem>> -> memref<40x512xf32, #tpu.memory_space<vmem>>
      tpu.enqueue_dma source(%dma_start3A_423 : memref<40x512xf32, #tpu.memory_space<vmem>>) target(%dma_start3A_420 : memref<40x512xf32, #tpu.memory_space<hbm>>) target_semaphore(%arg7 : memref<!tpu.dma_semaphore, #tpu.memory_space<semaphore_mem>>)
      %add3A_424 = arith.constant 104 : i32
      %add3A_425 = arith.addi %mul3A_2, %add3A_424 : i32
      %dma_start3A_426 = arith.constant 104 : i32
      %dma_start3A_427 = arith.constant 0 : i32
      %dma_start3A_428 = tpu.memref_slice %arg5[%dma_start3A_426, %dma_start3A_427] : memref<208x512xf32, #tpu.memory_space<vmem>> -> memref<40x512xf32, #tpu.memory_space<vmem>>
      %dma_start3A_429 = arith.constant 512 : i32
      %dma_start3A_430 = tpu.memref_slice %arg3[%add3A_425, %dma_start3A_429] : memref<6592x16384xf32, #tpu.memory_space<hbm>> -> memref<40x512xf32, #tpu.memory_space<hbm>>
      %dma_start3A_431 = arith.constant 512 : i32
      %dma_start3A_432 = tpu.memref_slice %arg3[%add3A_425, %dma_start3A_431] : memref<6592x16384xf32, #tpu.memory_space<hbm>> -> memref<40x512xf32, #tpu.memory_space<hbm>>
      %dma_start3A_433 = arith.constant 104 : i32
      %dma_start3A_434 = arith.constant 0 : i32
      %dma_start3A_435 = tpu.memref_slice %arg5[%dma_start3A_433, %dma_start3A_434] : memref<208x512xf32, #tpu.memory_space<vmem>> -> memref<40x512xf32, #tpu.memory_space<vmem>>
      tpu.enqueue_dma source(%dma_start3A_435 : memref<40x512xf32, #tpu.memory_space<vmem>>) target(%dma_start3A_432 : memref<40x512xf32, #tpu.memory_space<hbm>>) target_semaphore(%arg7 : memref<!tpu.dma_semaphore, #tpu.memory_space<semaphore_mem>>)
      %add3A_436 = arith.constant 104 : i32
      %add3A_437 = arith.addi %mul3A_2, %add3A_436 : i32
      %dma_start3A_438 = arith.constant 104 : i32
      %dma_start3A_439 = arith.constant 0 : i32
      %dma_start3A_440 = tpu.memref_slice %arg5[%dma_start3A_438, %dma_start3A_439] : memref<208x512xf32, #tpu.memory_space<vmem>> -> memref<40x512xf32, #tpu.memory_space<vmem>>
      %dma_start3A_441 = arith.constant 1024 : i32
      %dma_start3A_442 = tpu.memref_slice %arg3[%add3A_437, %dma_start3A_441] : memref<6592x16384xf32, #tpu.memory_space<hbm>> -> memref<40x512xf32, #tpu.memory_space<hbm>>
      %dma_start3A_443 = arith.constant 1024 : i32
      %dma_start3A_444 = tpu.memref_slice %arg3[%add3A_437, %dma_start3A_443] : memref<6592x16384xf32, #tpu.memory_space<hbm>> -> memref<40x512xf32, #tpu.memory_space<hbm>>
      %dma_start3A_445 = arith.constant 104 : i32
      %dma_start3A_446 = arith.constant 0 : i32
      %dma_start3A_447 = tpu.memref_slice %arg5[%dma_start3A_445, %dma_start3A_446] : memref<208x512xf32, #tpu.memory_space<vmem>> -> memref<40x512xf32, #tpu.memory_space<vmem>>
      tpu.enqueue_dma source(%dma_start3A_447 : memref<40x512xf32, #tpu.memory_space<vmem>>) target(%dma_start3A_444 : memref<40x512xf32, #tpu.memory_space<hbm>>) target_semaphore(%arg7 : memref<!tpu.dma_semaphore, #tpu.memory_space<semaphore_mem>>)
      %add3A_448 = arith.constant 104 : i32
      %add3A_449 = arith.addi %mul3A_2, %add3A_448 : i32
      %dma_start3A_450 = arith.constant 104 : i32
      %dma_start3A_451 = arith.constant 0 : i32
      %dma_start3A_452 = tpu.memref_slice %arg5[%dma_start3A_450, %dma_start3A_451] : memref<208x512xf32, #tpu.memory_space<vmem>> -> memref<40x512xf32, #tpu.memory_space<vmem>>
      %dma_start3A_453 = arith.constant 1536 : i32
      %dma_start3A_454 = tpu.memref_slice %arg3[%add3A_449, %dma_start3A_453] : memref<6592x16384xf32, #tpu.memory_space<hbm>> -> memref<40x512xf32, #tpu.memory_space<hbm>>
      %dma_start3A_455 = arith.constant 1536 : i32
      %dma_start3A_456 = tpu.memref_slice %arg3[%add3A_449, %dma_start3A_455] : memref<6592x16384xf32, #tpu.memory_space<hbm>> -> memref<40x512xf32, #tpu.memory_space<hbm>>
      %dma_start3A_457 = arith.constant 104 : i32
      %dma_start3A_458 = arith.constant 0 : i32
      %dma_start3A_459 = tpu.memref_slice %arg5[%dma_start3A_457, %dma_start3A_458] : memref<208x512xf32, #tpu.memory_space<vmem>> -> memref<40x512xf32, #tpu.memory_space<vmem>>
      tpu.enqueue_dma source(%dma_start3A_459 : memref<40x512xf32, #tpu.memory_space<vmem>>) target(%dma_start3A_456 : memref<40x512xf32, #tpu.memory_space<hbm>>) target_semaphore(%arg7 : memref<!tpu.dma_semaphore, #tpu.memory_space<semaphore_mem>>)
      %add3A_460 = arith.constant 104 : i32
      %add3A_461 = arith.addi %mul3A_2, %add3A_460 : i32
      %dma_start3A_462 = arith.constant 104 : i32
      %dma_start3A_463 = arith.constant 0 : i32
      %dma_start3A_464 = tpu.memref_slice %arg5[%dma_start3A_462, %dma_start3A_463] : memref<208x512xf32, #tpu.memory_space<vmem>> -> memref<40x512xf32, #tpu.memory_space<vmem>>
      %dma_start3A_465 = arith.constant 2048 : i32
      %dma_start3A_466 = tpu.memref_slice %arg3[%add3A_461, %dma_start3A_465] : memref<6592x16384xf32, #tpu.memory_space<hbm>> -> memref<40x512xf32, #tpu.memory_space<hbm>>
      %dma_start3A_467 = arith.constant 2048 : i32
      %dma_start3A_468 = tpu.memref_slice %arg3[%add3A_461, %dma_start3A_467] : memref<6592x16384xf32, #tpu.memory_space<hbm>> -> memref<40x512xf32, #tpu.memory_space<hbm>>
      %dma_start3A_469 = arith.constant 104 : i32
      %dma_start3A_470 = arith.constant 0 : i32
      %dma_start3A_471 = tpu.memref_slice %arg5[%dma_start3A_469, %dma_start3A_470] : memref<208x512xf32, #tpu.memory_space<vmem>> -> memref<40x512xf32, #tpu.memory_space<vmem>>
      tpu.enqueue_dma source(%dma_start3A_471 : memref<40x512xf32, #tpu.memory_space<vmem>>) target(%dma_start3A_468 : memref<40x512xf32, #tpu.memory_space<hbm>>) target_semaphore(%arg7 : memref<!tpu.dma_semaphore, #tpu.memory_space<semaphore_mem>>)
      %add3A_472 = arith.constant 104 : i32
      %add3A_473 = arith.addi %mul3A_2, %add3A_472 : i32
      %dma_start3A_474 = arith.constant 104 : i32
      %dma_start3A_475 = arith.constant 0 : i32
      %dma_start3A_476 = tpu.memref_slice %arg5[%dma_start3A_474, %dma_start3A_475] : memref<208x512xf32, #tpu.memory_space<vmem>> -> memref<40x512xf32, #tpu.memory_space<vmem>>
      %dma_start3A_477 = arith.constant 2560 : i32
      %dma_start3A_478 = tpu.memref_slice %arg3[%add3A_473, %dma_start3A_477] : memref<6592x16384xf32, #tpu.memory_space<hbm>> -> memref<40x512xf32, #tpu.memory_space<hbm>>
      %dma_start3A_479 = arith.constant 2560 : i32
      %dma_start3A_480 = tpu.memref_slice %arg3[%add3A_473, %dma_start3A_479] : memref<6592x16384xf32, #tpu.memory_space<hbm>> -> memref<40x512xf32, #tpu.memory_space<hbm>>
      %dma_start3A_481 = arith.constant 104 : i32
      %dma_start3A_482 = arith.constant 0 : i32
      %dma_start3A_483 = tpu.memref_slice %arg5[%dma_start3A_481, %dma_start3A_482] : memref<208x512xf32, #tpu.memory_space<vmem>> -> memref<40x512xf32, #tpu.memory_space<vmem>>
      tpu.enqueue_dma source(%dma_start3A_483 : memref<40x512xf32, #tpu.memory_space<vmem>>) target(%dma_start3A_480 : memref<40x512xf32, #tpu.memory_space<hbm>>) target_semaphore(%arg7 : memref<!tpu.dma_semaphore, #tpu.memory_space<semaphore_mem>>)
      %add3A_484 = arith.constant 104 : i32
      %add3A_485 = arith.addi %mul3A_2, %add3A_484 : i32
      %dma_start3A_486 = arith.constant 104 : i32
      %dma_start3A_487 = arith.constant 0 : i32
      %dma_start3A_488 = tpu.memref_slice %arg5[%dma_start3A_486, %dma_start3A_487] : memref<208x512xf32, #tpu.memory_space<vmem>> -> memref<40x512xf32, #tpu.memory_space<vmem>>
      %dma_start3A_489 = arith.constant 3072 : i32
      %dma_start3A_490 = tpu.memref_slice %arg3[%add3A_485, %dma_start3A_489] : memref<6592x16384xf32, #tpu.memory_space<hbm>> -> memref<40x512xf32, #tpu.memory_space<hbm>>
      %dma_start3A_491 = arith.constant 3072 : i32
      %dma_start3A_492 = tpu.memref_slice %arg3[%add3A_485, %dma_start3A_491] : memref<6592x16384xf32, #tpu.memory_space<hbm>> -> memref<40x512xf32, #tpu.memory_space<hbm>>
      %dma_start3A_493 = arith.constant 104 : i32
      %dma_start3A_494 = arith.constant 0 : i32
      %dma_start3A_495 = tpu.memref_slice %arg5[%dma_start3A_493, %dma_start3A_494] : memref<208x512xf32, #tpu.memory_space<vmem>> -> memref<40x512xf32, #tpu.memory_space<vmem>>
      tpu.enqueue_dma source(%dma_start3A_495 : memref<40x512xf32, #tpu.memory_space<vmem>>) target(%dma_start3A_492 : memref<40x512xf32, #tpu.memory_space<hbm>>) target_semaphore(%arg7 : memref<!tpu.dma_semaphore, #tpu.memory_space<semaphore_mem>>)
      %add3A_496 = arith.constant 104 : i32
      %add3A_497 = arith.addi %mul3A_2, %add3A_496 : i32
      %dma_start3A_498 = arith.constant 104 : i32
      %dma_start3A_499 = arith.constant 0 : i32
      %dma_start3A_500 = tpu.memref_slice %arg5[%dma_start3A_498, %dma_start3A_499] : memref<208x512xf32, #tpu.memory_space<vmem>> -> memref<40x512xf32, #tpu.memory_space<vmem>>
      %dma_start3A_501 = arith.constant 3584 : i32
      %dma_start3A_502 = tpu.memref_slice %arg3[%add3A_497, %dma_start3A_501] : memref<6592x16384xf32, #tpu.memory_space<hbm>> -> memref<40x512xf32, #tpu.memory_space<hbm>>
      %dma_start3A_503 = arith.constant 3584 : i32
      %dma_start3A_504 = tpu.memref_slice %arg3[%add3A_497, %dma_start3A_503] : memref<6592x16384xf32, #tpu.memory_space<hbm>> -> memref<40x512xf32, #tpu.memory_space<hbm>>
      %dma_start3A_505 = arith.constant 104 : i32
      %dma_start3A_506 = arith.constant 0 : i32
      %dma_start3A_507 = tpu.memref_slice %arg5[%dma_start3A_505, %dma_start3A_506] : memref<208x512xf32, #tpu.memory_space<vmem>> -> memref<40x512xf32, #tpu.memory_space<vmem>>
      tpu.enqueue_dma source(%dma_start3A_507 : memref<40x512xf32, #tpu.memory_space<vmem>>) target(%dma_start3A_504 : memref<40x512xf32, #tpu.memory_space<hbm>>) target_semaphore(%arg7 : memref<!tpu.dma_semaphore, #tpu.memory_space<semaphore_mem>>)
      %add3A_508 = arith.constant 104 : i32
      %add3A_509 = arith.addi %mul3A_2, %add3A_508 : i32
      %dma_start3A_510 = arith.constant 104 : i32
      %dma_start3A_511 = arith.constant 0 : i32
      %dma_start3A_512 = tpu.memref_slice %arg5[%dma_start3A_510, %dma_start3A_511] : memref<208x512xf32, #tpu.memory_space<vmem>> -> memref<40x512xf32, #tpu.memory_space<vmem>>
      %dma_start3A_513 = arith.constant 4096 : i32
      %dma_start3A_514 = tpu.memref_slice %arg3[%add3A_509, %dma_start3A_513] : memref<6592x16384xf32, #tpu.memory_space<hbm>> -> memref<40x512xf32, #tpu.memory_space<hbm>>
      %dma_start3A_515 = arith.constant 4096 : i32
      %dma_start3A_516 = tpu.memref_slice %arg3[%add3A_509, %dma_start3A_515] : memref<6592x16384xf32, #tpu.memory_space<hbm>> -> memref<40x512xf32, #tpu.memory_space<hbm>>
      %dma_start3A_517 = arith.constant 104 : i32
      %dma_start3A_518 = arith.constant 0 : i32
      %dma_start3A_519 = tpu.memref_slice %arg5[%dma_start3A_517, %dma_start3A_518] : memref<208x512xf32, #tpu.memory_space<vmem>> -> memref<40x512xf32, #tpu.memory_space<vmem>>
      tpu.enqueue_dma source(%dma_start3A_519 : memref<40x512xf32, #tpu.memory_space<vmem>>) target(%dma_start3A_516 : memref<40x512xf32, #tpu.memory_space<hbm>>) target_semaphore(%arg7 : memref<!tpu.dma_semaphore, #tpu.memory_space<semaphore_mem>>)
      %add3A_520 = arith.constant 104 : i32
      %add3A_521 = arith.addi %mul3A_2, %add3A_520 : i32
      %dma_start3A_522 = arith.constant 104 : i32
      %dma_start3A_523 = arith.constant 0 : i32
      %dma_start3A_524 = tpu.memref_slice %arg5[%dma_start3A_522, %dma_start3A_523] : memref<208x512xf32, #tpu.memory_space<vmem>> -> memref<40x512xf32, #tpu.memory_space<vmem>>
      %dma_start3A_525 = arith.constant 4608 : i32
      %dma_start3A_526 = tpu.memref_slice %arg3[%add3A_521, %dma_start3A_525] : memref<6592x16384xf32, #tpu.memory_space<hbm>> -> memref<40x512xf32, #tpu.memory_space<hbm>>
      %dma_start3A_527 = arith.constant 4608 : i32
      %dma_start3A_528 = tpu.memref_slice %arg3[%add3A_521, %dma_start3A_527] : memref<6592x16384xf32, #tpu.memory_space<hbm>> -> memref<40x512xf32, #tpu.memory_space<hbm>>
      %dma_start3A_529 = arith.constant 104 : i32
      %dma_start3A_530 = arith.constant 0 : i32
      %dma_start3A_531 = tpu.memref_slice %arg5[%dma_start3A_529, %dma_start3A_530] : memref<208x512xf32, #tpu.memory_space<vmem>> -> memref<40x512xf32, #tpu.memory_space<vmem>>
      tpu.enqueue_dma source(%dma_start3A_531 : memref<40x512xf32, #tpu.memory_space<vmem>>) target(%dma_start3A_528 : memref<40x512xf32, #tpu.memory_space<hbm>>) target_semaphore(%arg7 : memref<!tpu.dma_semaphore, #tpu.memory_space<semaphore_mem>>)
      %add3A_532 = arith.constant 104 : i32
      %add3A_533 = arith.addi %mul3A_2, %add3A_532 : i32
      %dma_start3A_534 = arith.constant 104 : i32
      %dma_start3A_535 = arith.constant 0 : i32
      %dma_start3A_536 = tpu.memref_slice %arg5[%dma_start3A_534, %dma_start3A_535] : memref<208x512xf32, #tpu.memory_space<vmem>> -> memref<40x512xf32, #tpu.memory_space<vmem>>
      %dma_start3A_537 = arith.constant 5120 : i32
      %dma_start3A_538 = tpu.memref_slice %arg3[%add3A_533, %dma_start3A_537] : memref<6592x16384xf32, #tpu.memory_space<hbm>> -> memref<40x512xf32, #tpu.memory_space<hbm>>
      %dma_start3A_539 = arith.constant 5120 : i32
      %dma_start3A_540 = tpu.memref_slice %arg3[%add3A_533, %dma_start3A_539] : memref<6592x16384xf32, #tpu.memory_space<hbm>> -> memref<40x512xf32, #tpu.memory_space<hbm>>
      %dma_start3A_541 = arith.constant 104 : i32
      %dma_start3A_542 = arith.constant 0 : i32
      %dma_start3A_543 = tpu.memref_slice %arg5[%dma_start3A_541, %dma_start3A_542] : memref<208x512xf32, #tpu.memory_space<vmem>> -> memref<40x512xf32, #tpu.memory_space<vmem>>
      tpu.enqueue_dma source(%dma_start3A_543 : memref<40x512xf32, #tpu.memory_space<vmem>>) target(%dma_start3A_540 : memref<40x512xf32, #tpu.memory_space<hbm>>) target_semaphore(%arg7 : memref<!tpu.dma_semaphore, #tpu.memory_space<semaphore_mem>>)
      %add3A_544 = arith.constant 104 : i32
      %add3A_545 = arith.addi %mul3A_2, %add3A_544 : i32
      %dma_start3A_546 = arith.constant 104 : i32
      %dma_start3A_547 = arith.constant 0 : i32
      %dma_start3A_548 = tpu.memref_slice %arg5[%dma_start3A_546, %dma_start3A_547] : memref<208x512xf32, #tpu.memory_space<vmem>> -> memref<40x512xf32, #tpu.memory_space<vmem>>
      %dma_start3A_549 = arith.constant 5632 : i32
      %dma_start3A_550 = tpu.memref_slice %arg3[%add3A_545, %dma_start3A_549] : memref<6592x16384xf32, #tpu.memory_space<hbm>> -> memref<40x512xf32, #tpu.memory_space<hbm>>
      %dma_start3A_551 = arith.constant 5632 : i32
      %dma_start3A_552 = tpu.memref_slice %arg3[%add3A_545, %dma_start3A_551] : memref<6592x16384xf32, #tpu.memory_space<hbm>> -> memref<40x512xf32, #tpu.memory_space<hbm>>
      %dma_start3A_553 = arith.constant 104 : i32
      %dma_start3A_554 = arith.constant 0 : i32
      %dma_start3A_555 = tpu.memref_slice %arg5[%dma_start3A_553, %dma_start3A_554] : memref<208x512xf32, #tpu.memory_space<vmem>> -> memref<40x512xf32, #tpu.memory_space<vmem>>
      tpu.enqueue_dma source(%dma_start3A_555 : memref<40x512xf32, #tpu.memory_space<vmem>>) target(%dma_start3A_552 : memref<40x512xf32, #tpu.memory_space<hbm>>) target_semaphore(%arg7 : memref<!tpu.dma_semaphore, #tpu.memory_space<semaphore_mem>>)
      %add3A_556 = arith.constant 104 : i32
      %add3A_557 = arith.addi %mul3A_2, %add3A_556 : i32
      %dma_start3A_558 = arith.constant 104 : i32
      %dma_start3A_559 = arith.constant 0 : i32
      %dma_start3A_560 = tpu.memref_slice %arg5[%dma_start3A_558, %dma_start3A_559] : memref<208x512xf32, #tpu.memory_space<vmem>> -> memref<40x512xf32, #tpu.memory_space<vmem>>
      %dma_start3A_561 = arith.constant 6144 : i32
      %dma_start3A_562 = tpu.memref_slice %arg3[%add3A_557, %dma_start3A_561] : memref<6592x16384xf32, #tpu.memory_space<hbm>> -> memref<40x512xf32, #tpu.memory_space<hbm>>
      %dma_start3A_563 = arith.constant 6144 : i32
      %dma_start3A_564 = tpu.memref_slice %arg3[%add3A_557, %dma_start3A_563] : memref<6592x16384xf32, #tpu.memory_space<hbm>> -> memref<40x512xf32, #tpu.memory_space<hbm>>
      %dma_start3A_565 = arith.constant 104 : i32
      %dma_start3A_566 = arith.constant 0 : i32
      %dma_start3A_567 = tpu.memref_slice %arg5[%dma_start3A_565, %dma_start3A_566] : memref<208x512xf32, #tpu.memory_space<vmem>> -> memref<40x512xf32, #tpu.memory_space<vmem>>
      tpu.enqueue_dma source(%dma_start3A_567 : memref<40x512xf32, #tpu.memory_space<vmem>>) target(%dma_start3A_564 : memref<40x512xf32, #tpu.memory_space<hbm>>) target_semaphore(%arg7 : memref<!tpu.dma_semaphore, #tpu.memory_space<semaphore_mem>>)
      %add3A_568 = arith.constant 104 : i32
      %add3A_569 = arith.addi %mul3A_2, %add3A_568 : i32
      %dma_start3A_570 = arith.constant 104 : i32
      %dma_start3A_571 = arith.constant 0 : i32
      %dma_start3A_572 = tpu.memref_slice %arg5[%dma_start3A_570, %dma_start3A_571] : memref<208x512xf32, #tpu.memory_space<vmem>> -> memref<40x512xf32, #tpu.memory_space<vmem>>
      %dma_start3A_573 = arith.constant 6656 : i32
      %dma_start3A_574 = tpu.memref_slice %arg3[%add3A_569, %dma_start3A_573] : memref<6592x16384xf32, #tpu.memory_space<hbm>> -> memref<40x512xf32, #tpu.memory_space<hbm>>
      %dma_start3A_575 = arith.constant 6656 : i32
      %dma_start3A_576 = tpu.memref_slice %arg3[%add3A_569, %dma_start3A_575] : memref<6592x16384xf32, #tpu.memory_space<hbm>> -> memref<40x512xf32, #tpu.memory_space<hbm>>
      %dma_start3A_577 = arith.constant 104 : i32
      %dma_start3A_578 = arith.constant 0 : i32
      %dma_start3A_579 = tpu.memref_slice %arg5[%dma_start3A_577, %dma_start3A_578] : memref<208x512xf32, #tpu.memory_space<vmem>> -> memref<40x512xf32, #tpu.memory_space<vmem>>
      tpu.enqueue_dma source(%dma_start3A_579 : memref<40x512xf32, #tpu.memory_space<vmem>>) target(%dma_start3A_576 : memref<40x512xf32, #tpu.memory_space<hbm>>) target_semaphore(%arg7 : memref<!tpu.dma_semaphore, #tpu.memory_space<semaphore_mem>>)
      %add3A_580 = arith.constant 104 : i32
      %add3A_581 = arith.addi %mul3A_2, %add3A_580 : i32
      %dma_start3A_582 = arith.constant 104 : i32
      %dma_start3A_583 = arith.constant 0 : i32
      %dma_start3A_584 = tpu.memref_slice %arg5[%dma_start3A_582, %dma_start3A_583] : memref<208x512xf32, #tpu.memory_space<vmem>> -> memref<40x512xf32, #tpu.memory_space<vmem>>
      %dma_start3A_585 = arith.constant 7168 : i32
      %dma_start3A_586 = tpu.memref_slice %arg3[%add3A_581, %dma_start3A_585] : memref<6592x16384xf32, #tpu.memory_space<hbm>> -> memref<40x512xf32, #tpu.memory_space<hbm>>
      %dma_start3A_587 = arith.constant 7168 : i32
      %dma_start3A_588 = tpu.memref_slice %arg3[%add3A_581, %dma_start3A_587] : memref<6592x16384xf32, #tpu.memory_space<hbm>> -> memref<40x512xf32, #tpu.memory_space<hbm>>
      %dma_start3A_589 = arith.constant 104 : i32
      %dma_start3A_590 = arith.constant 0 : i32
      %dma_start3A_591 = tpu.memref_slice %arg5[%dma_start3A_589, %dma_start3A_590] : memref<208x512xf32, #tpu.memory_space<vmem>> -> memref<40x512xf32, #tpu.memory_space<vmem>>
      tpu.enqueue_dma source(%dma_start3A_591 : memref<40x512xf32, #tpu.memory_space<vmem>>) target(%dma_start3A_588 : memref<40x512xf32, #tpu.memory_space<hbm>>) target_semaphore(%arg7 : memref<!tpu.dma_semaphore, #tpu.memory_space<semaphore_mem>>)
      %add3A_592 = arith.constant 104 : i32
      %add3A_593 = arith.addi %mul3A_2, %add3A_592 : i32
      %dma_start3A_594 = arith.constant 104 : i32
      %dma_start3A_595 = arith.constant 0 : i32
      %dma_start3A_596 = tpu.memref_slice %arg5[%dma_start3A_594, %dma_start3A_595] : memref<208x512xf32, #tpu.memory_space<vmem>> -> memref<40x512xf32, #tpu.memory_space<vmem>>
      %dma_start3A_597 = arith.constant 7680 : i32
      %dma_start3A_598 = tpu.memref_slice %arg3[%add3A_593, %dma_start3A_597] : memref<6592x16384xf32, #tpu.memory_space<hbm>> -> memref<40x512xf32, #tpu.memory_space<hbm>>
      %dma_start3A_599 = arith.constant 7680 : i32
      %dma_start3A_600 = tpu.memref_slice %arg3[%add3A_593, %dma_start3A_599] : memref<6592x16384xf32, #tpu.memory_space<hbm>> -> memref<40x512xf32, #tpu.memory_space<hbm>>
      %dma_start3A_601 = arith.constant 104 : i32
      %dma_start3A_602 = arith.constant 0 : i32
      %dma_start3A_603 = tpu.memref_slice %arg5[%dma_start3A_601, %dma_start3A_602] : memref<208x512xf32, #tpu.memory_space<vmem>> -> memref<40x512xf32, #tpu.memory_space<vmem>>
      tpu.enqueue_dma source(%dma_start3A_603 : memref<40x512xf32, #tpu.memory_space<vmem>>) target(%dma_start3A_600 : memref<40x512xf32, #tpu.memory_space<hbm>>) target_semaphore(%arg7 : memref<!tpu.dma_semaphore, #tpu.memory_space<semaphore_mem>>)
      %add3A_604 = arith.constant 104 : i32
      %add3A_605 = arith.addi %mul3A_2, %add3A_604 : i32
      %dma_start3A_606 = arith.constant 104 : i32
      %dma_start3A_607 = arith.constant 0 : i32
      %dma_start3A_608 = tpu.memref_slice %arg5[%dma_start3A_606, %dma_start3A_607] : memref<208x512xf32, #tpu.memory_space<vmem>> -> memref<40x512xf32, #tpu.memory_space<vmem>>
      %dma_start3A_609 = arith.constant 8192 : i32
      %dma_start3A_610 = tpu.memref_slice %arg3[%add3A_605, %dma_start3A_609] : memref<6592x16384xf32, #tpu.memory_space<hbm>> -> memref<40x512xf32, #tpu.memory_space<hbm>>
      %dma_start3A_611 = arith.constant 8192 : i32
      %dma_start3A_612 = tpu.memref_slice %arg3[%add3A_605, %dma_start3A_611] : memref<6592x16384xf32, #tpu.memory_space<hbm>> -> memref<40x512xf32, #tpu.memory_space<hbm>>
      %dma_start3A_613 = arith.constant 104 : i32
      %dma_start3A_614 = arith.constant 0 : i32
      %dma_start3A_615 = tpu.memref_slice %arg5[%dma_start3A_613, %dma_start3A_614] : memref<208x512xf32, #tpu.memory_space<vmem>> -> memref<40x512xf32, #tpu.memory_space<vmem>>
      tpu.enqueue_dma source(%dma_start3A_615 : memref<40x512xf32, #tpu.memory_space<vmem>>) target(%dma_start3A_612 : memref<40x512xf32, #tpu.memory_space<hbm>>) target_semaphore(%arg7 : memref<!tpu.dma_semaphore, #tpu.memory_space<semaphore_mem>>)
      %add3A_616 = arith.constant 104 : i32
      %add3A_617 = arith.addi %mul3A_2, %add3A_616 : i32
      %dma_start3A_618 = arith.constant 104 : i32
      %dma_start3A_619 = arith.constant 0 : i32
      %dma_start3A_620 = tpu.memref_slice %arg5[%dma_start3A_618, %dma_start3A_619] : memref<208x512xf32, #tpu.memory_space<vmem>> -> memref<40x512xf32, #tpu.memory_space<vmem>>
      %dma_start3A_621 = arith.constant 8704 : i32
      %dma_start3A_622 = tpu.memref_slice %arg3[%add3A_617, %dma_start3A_621] : memref<6592x16384xf32, #tpu.memory_space<hbm>> -> memref<40x512xf32, #tpu.memory_space<hbm>>
      %dma_start3A_623 = arith.constant 8704 : i32
      %dma_start3A_624 = tpu.memref_slice %arg3[%add3A_617, %dma_start3A_623] : memref<6592x16384xf32, #tpu.memory_space<hbm>> -> memref<40x512xf32, #tpu.memory_space<hbm>>
      %dma_start3A_625 = arith.constant 104 : i32
      %dma_start3A_626 = arith.constant 0 : i32
      %dma_start3A_627 = tpu.memref_slice %arg5[%dma_start3A_625, %dma_start3A_626] : memref<208x512xf32, #tpu.memory_space<vmem>> -> memref<40x512xf32, #tpu.memory_space<vmem>>
      tpu.enqueue_dma source(%dma_start3A_627 : memref<40x512xf32, #tpu.memory_space<vmem>>) target(%dma_start3A_624 : memref<40x512xf32, #tpu.memory_space<hbm>>) target_semaphore(%arg7 : memref<!tpu.dma_semaphore, #tpu.memory_space<semaphore_mem>>)
      %add3A_628 = arith.constant 104 : i32
      %add3A_629 = arith.addi %mul3A_2, %add3A_628 : i32
      %dma_start3A_630 = arith.constant 104 : i32
      %dma_start3A_631 = arith.constant 0 : i32
      %dma_start3A_632 = tpu.memref_slice %arg5[%dma_start3A_630, %dma_start3A_631] : memref<208x512xf32, #tpu.memory_space<vmem>> -> memref<40x512xf32, #tpu.memory_space<vmem>>
      %dma_start3A_633 = arith.constant 9216 : i32
      %dma_start3A_634 = tpu.memref_slice %arg3[%add3A_629, %dma_start3A_633] : memref<6592x16384xf32, #tpu.memory_space<hbm>> -> memref<40x512xf32, #tpu.memory_space<hbm>>
      %dma_start3A_635 = arith.constant 9216 : i32
      %dma_start3A_636 = tpu.memref_slice %arg3[%add3A_629, %dma_start3A_635] : memref<6592x16384xf32, #tpu.memory_space<hbm>> -> memref<40x512xf32, #tpu.memory_space<hbm>>
      %dma_start3A_637 = arith.constant 104 : i32
      %dma_start3A_638 = arith.constant 0 : i32
      %dma_start3A_639 = tpu.memref_slice %arg5[%dma_start3A_637, %dma_start3A_638] : memref<208x512xf32, #tpu.memory_space<vmem>> -> memref<40x512xf32, #tpu.memory_space<vmem>>
      tpu.enqueue_dma source(%dma_start3A_639 : memref<40x512xf32, #tpu.memory_space<vmem>>) target(%dma_start3A_636 : memref<40x512xf32, #tpu.memory_space<hbm>>) target_semaphore(%arg7 : memref<!tpu.dma_semaphore, #tpu.memory_space<semaphore_mem>>)
      %add3A_640 = arith.constant 104 : i32
      %add3A_641 = arith.addi %mul3A_2, %add3A_640 : i32
      %dma_start3A_642 = arith.constant 104 : i32
      %dma_start3A_643 = arith.constant 0 : i32
      %dma_start3A_644 = tpu.memref_slice %arg5[%dma_start3A_642, %dma_start3A_643] : memref<208x512xf32, #tpu.memory_space<vmem>> -> memref<40x512xf32, #tpu.memory_space<vmem>>
      %dma_start3A_645 = arith.constant 9728 : i32
      %dma_start3A_646 = tpu.memref_slice %arg3[%add3A_641, %dma_start3A_645] : memref<6592x16384xf32, #tpu.memory_space<hbm>> -> memref<40x512xf32, #tpu.memory_space<hbm>>
      %dma_start3A_647 = arith.constant 9728 : i32
      %dma_start3A_648 = tpu.memref_slice %arg3[%add3A_641, %dma_start3A_647] : memref<6592x16384xf32, #tpu.memory_space<hbm>> -> memref<40x512xf32, #tpu.memory_space<hbm>>
      %dma_start3A_649 = arith.constant 104 : i32
      %dma_start3A_650 = arith.constant 0 : i32
      %dma_start3A_651 = tpu.memref_slice %arg5[%dma_start3A_649, %dma_start3A_650] : memref<208x512xf32, #tpu.memory_space<vmem>> -> memref<40x512xf32, #tpu.memory_space<vmem>>
      tpu.enqueue_dma source(%dma_start3A_651 : memref<40x512xf32, #tpu.memory_space<vmem>>) target(%dma_start3A_648 : memref<40x512xf32, #tpu.memory_space<hbm>>) target_semaphore(%arg7 : memref<!tpu.dma_semaphore, #tpu.memory_space<semaphore_mem>>)
      %add3A_652 = arith.constant 104 : i32
      %add3A_653 = arith.addi %mul3A_2, %add3A_652 : i32
      %dma_start3A_654 = arith.constant 104 : i32
      %dma_start3A_655 = arith.constant 0 : i32
      %dma_start3A_656 = tpu.memref_slice %arg5[%dma_start3A_654, %dma_start3A_655] : memref<208x512xf32, #tpu.memory_space<vmem>> -> memref<40x512xf32, #tpu.memory_space<vmem>>
      %dma_start3A_657 = arith.constant 10240 : i32
      %dma_start3A_658 = tpu.memref_slice %arg3[%add3A_653, %dma_start3A_657] : memref<6592x16384xf32, #tpu.memory_space<hbm>> -> memref<40x512xf32, #tpu.memory_space<hbm>>
      %dma_start3A_659 = arith.constant 10240 : i32
      %dma_start3A_660 = tpu.memref_slice %arg3[%add3A_653, %dma_start3A_659] : memref<6592x16384xf32, #tpu.memory_space<hbm>> -> memref<40x512xf32, #tpu.memory_space<hbm>>
      %dma_start3A_661 = arith.constant 104 : i32
      %dma_start3A_662 = arith.constant 0 : i32
      %dma_start3A_663 = tpu.memref_slice %arg5[%dma_start3A_661, %dma_start3A_662] : memref<208x512xf32, #tpu.memory_space<vmem>> -> memref<40x512xf32, #tpu.memory_space<vmem>>
      tpu.enqueue_dma source(%dma_start3A_663 : memref<40x512xf32, #tpu.memory_space<vmem>>) target(%dma_start3A_660 : memref<40x512xf32, #tpu.memory_space<hbm>>) target_semaphore(%arg7 : memref<!tpu.dma_semaphore, #tpu.memory_space<semaphore_mem>>)
      %add3A_664 = arith.constant 104 : i32
      %add3A_665 = arith.addi %mul3A_2, %add3A_664 : i32
      %dma_start3A_666 = arith.constant 104 : i32
      %dma_start3A_667 = arith.constant 0 : i32
      %dma_start3A_668 = tpu.memref_slice %arg5[%dma_start3A_666, %dma_start3A_667] : memref<208x512xf32, #tpu.memory_space<vmem>> -> memref<40x512xf32, #tpu.memory_space<vmem>>
      %dma_start3A_669 = arith.constant 10752 : i32
      %dma_start3A_670 = tpu.memref_slice %arg3[%add3A_665, %dma_start3A_669] : memref<6592x16384xf32, #tpu.memory_space<hbm>> -> memref<40x512xf32, #tpu.memory_space<hbm>>
      %dma_start3A_671 = arith.constant 10752 : i32
      %dma_start3A_672 = tpu.memref_slice %arg3[%add3A_665, %dma_start3A_671] : memref<6592x16384xf32, #tpu.memory_space<hbm>> -> memref<40x512xf32, #tpu.memory_space<hbm>>
      %dma_start3A_673 = arith.constant 104 : i32
      %dma_start3A_674 = arith.constant 0 : i32
      %dma_start3A_675 = tpu.memref_slice %arg5[%dma_start3A_673, %dma_start3A_674] : memref<208x512xf32, #tpu.memory_space<vmem>> -> memref<40x512xf32, #tpu.memory_space<vmem>>
      tpu.enqueue_dma source(%dma_start3A_675 : memref<40x512xf32, #tpu.memory_space<vmem>>) target(%dma_start3A_672 : memref<40x512xf32, #tpu.memory_space<hbm>>) target_semaphore(%arg7 : memref<!tpu.dma_semaphore, #tpu.memory_space<semaphore_mem>>)
      %add3A_676 = arith.constant 104 : i32
      %add3A_677 = arith.addi %mul3A_2, %add3A_676 : i32
      %dma_start3A_678 = arith.constant 104 : i32
      %dma_start3A_679 = arith.constant 0 : i32
      %dma_start3A_680 = tpu.memref_slice %arg5[%dma_start3A_678, %dma_start3A_679] : memref<208x512xf32, #tpu.memory_space<vmem>> -> memref<40x512xf32, #tpu.memory_space<vmem>>
      %dma_start3A_681 = arith.constant 11264 : i32
      %dma_start3A_682 = tpu.memref_slice %arg3[%add3A_677, %dma_start3A_681] : memref<6592x16384xf32, #tpu.memory_space<hbm>> -> memref<40x512xf32, #tpu.memory_space<hbm>>
      %dma_start3A_683 = arith.constant 11264 : i32
      %dma_start3A_684 = tpu.memref_slice %arg3[%add3A_677, %dma_start3A_683] : memref<6592x16384xf32, #tpu.memory_space<hbm>> -> memref<40x512xf32, #tpu.memory_space<hbm>>
      %dma_start3A_685 = arith.constant 104 : i32
      %dma_start3A_686 = arith.constant 0 : i32
      %dma_start3A_687 = tpu.memref_slice %arg5[%dma_start3A_685, %dma_start3A_686] : memref<208x512xf32, #tpu.memory_space<vmem>> -> memref<40x512xf32, #tpu.memory_space<vmem>>
      tpu.enqueue_dma source(%dma_start3A_687 : memref<40x512xf32, #tpu.memory_space<vmem>>) target(%dma_start3A_684 : memref<40x512xf32, #tpu.memory_space<hbm>>) target_semaphore(%arg7 : memref<!tpu.dma_semaphore, #tpu.memory_space<semaphore_mem>>)
      %add3A_688 = arith.constant 104 : i32
      %add3A_689 = arith.addi %mul3A_2, %add3A_688 : i32
      %dma_start3A_690 = arith.constant 104 : i32
      %dma_start3A_691 = arith.constant 0 : i32
      %dma_start3A_692 = tpu.memref_slice %arg5[%dma_start3A_690, %dma_start3A_691] : memref<208x512xf32, #tpu.memory_space<vmem>> -> memref<40x512xf32, #tpu.memory_space<vmem>>
      %dma_start3A_693 = arith.constant 11776 : i32
      %dma_start3A_694 = tpu.memref_slice %arg3[%add3A_689, %dma_start3A_693] : memref<6592x16384xf32, #tpu.memory_space<hbm>> -> memref<40x512xf32, #tpu.memory_space<hbm>>
      %dma_start3A_695 = arith.constant 11776 : i32
      %dma_start3A_696 = tpu.memref_slice %arg3[%add3A_689, %dma_start3A_695] : memref<6592x16384xf32, #tpu.memory_space<hbm>> -> memref<40x512xf32, #tpu.memory_space<hbm>>
      %dma_start3A_697 = arith.constant 104 : i32
      %dma_start3A_698 = arith.constant 0 : i32
      %dma_start3A_699 = tpu.memref_slice %arg5[%dma_start3A_697, %dma_start3A_698] : memref<208x512xf32, #tpu.memory_space<vmem>> -> memref<40x512xf32, #tpu.memory_space<vmem>>
      tpu.enqueue_dma source(%dma_start3A_699 : memref<40x512xf32, #tpu.memory_space<vmem>>) target(%dma_start3A_696 : memref<40x512xf32, #tpu.memory_space<hbm>>) target_semaphore(%arg7 : memref<!tpu.dma_semaphore, #tpu.memory_space<semaphore_mem>>)
      %add3A_700 = arith.constant 104 : i32
      %add3A_701 = arith.addi %mul3A_2, %add3A_700 : i32
      %dma_start3A_702 = arith.constant 104 : i32
      %dma_start3A_703 = arith.constant 0 : i32
      %dma_start3A_704 = tpu.memref_slice %arg5[%dma_start3A_702, %dma_start3A_703] : memref<208x512xf32, #tpu.memory_space<vmem>> -> memref<40x512xf32, #tpu.memory_space<vmem>>
      %dma_start3A_705 = arith.constant 12288 : i32
      %dma_start3A_706 = tpu.memref_slice %arg3[%add3A_701, %dma_start3A_705] : memref<6592x16384xf32, #tpu.memory_space<hbm>> -> memref<40x512xf32, #tpu.memory_space<hbm>>
      %dma_start3A_707 = arith.constant 12288 : i32
      %dma_start3A_708 = tpu.memref_slice %arg3[%add3A_701, %dma_start3A_707] : memref<6592x16384xf32, #tpu.memory_space<hbm>> -> memref<40x512xf32, #tpu.memory_space<hbm>>
      %dma_start3A_709 = arith.constant 104 : i32
      %dma_start3A_710 = arith.constant 0 : i32
      %dma_start3A_711 = tpu.memref_slice %arg5[%dma_start3A_709, %dma_start3A_710] : memref<208x512xf32, #tpu.memory_space<vmem>> -> memref<40x512xf32, #tpu.memory_space<vmem>>
      tpu.enqueue_dma source(%dma_start3A_711 : memref<40x512xf32, #tpu.memory_space<vmem>>) target(%dma_start3A_708 : memref<40x512xf32, #tpu.memory_space<hbm>>) target_semaphore(%arg7 : memref<!tpu.dma_semaphore, #tpu.memory_space<semaphore_mem>>)
      %add3A_712 = arith.constant 104 : i32
      %add3A_713 = arith.addi %mul3A_2, %add3A_712 : i32
      %dma_start3A_714 = arith.constant 104 : i32
      %dma_start3A_715 = arith.constant 0 : i32
      %dma_start3A_716 = tpu.memref_slice %arg5[%dma_start3A_714, %dma_start3A_715] : memref<208x512xf32, #tpu.memory_space<vmem>> -> memref<40x512xf32, #tpu.memory_space<vmem>>
      %dma_start3A_717 = arith.constant 12800 : i32
      %dma_start3A_718 = tpu.memref_slice %arg3[%add3A_713, %dma_start3A_717] : memref<6592x16384xf32, #tpu.memory_space<hbm>> -> memref<40x512xf32, #tpu.memory_space<hbm>>
      %dma_start3A_719 = arith.constant 12800 : i32
      %dma_start3A_720 = tpu.memref_slice %arg3[%add3A_713, %dma_start3A_719] : memref<6592x16384xf32, #tpu.memory_space<hbm>> -> memref<40x512xf32, #tpu.memory_space<hbm>>
      %dma_start3A_721 = arith.constant 104 : i32
      %dma_start3A_722 = arith.constant 0 : i32
      %dma_start3A_723 = tpu.memref_slice %arg5[%dma_start3A_721, %dma_start3A_722] : memref<208x512xf32, #tpu.memory_space<vmem>> -> memref<40x512xf32, #tpu.memory_space<vmem>>
      tpu.enqueue_dma source(%dma_start3A_723 : memref<40x512xf32, #tpu.memory_space<vmem>>) target(%dma_start3A_720 : memref<40x512xf32, #tpu.memory_space<hbm>>) target_semaphore(%arg7 : memref<!tpu.dma_semaphore, #tpu.memory_space<semaphore_mem>>)
      %add3A_724 = arith.constant 104 : i32
      %add3A_725 = arith.addi %mul3A_2, %add3A_724 : i32
      %dma_start3A_726 = arith.constant 104 : i32
      %dma_start3A_727 = arith.constant 0 : i32
      %dma_start3A_728 = tpu.memref_slice %arg5[%dma_start3A_726, %dma_start3A_727] : memref<208x512xf32, #tpu.memory_space<vmem>> -> memref<40x512xf32, #tpu.memory_space<vmem>>
      %dma_start3A_729 = arith.constant 13312 : i32
      %dma_start3A_730 = tpu.memref_slice %arg3[%add3A_725, %dma_start3A_729] : memref<6592x16384xf32, #tpu.memory_space<hbm>> -> memref<40x512xf32, #tpu.memory_space<hbm>>
      %dma_start3A_731 = arith.constant 13312 : i32
      %dma_start3A_732 = tpu.memref_slice %arg3[%add3A_725, %dma_start3A_731] : memref<6592x16384xf32, #tpu.memory_space<hbm>> -> memref<40x512xf32, #tpu.memory_space<hbm>>
      %dma_start3A_733 = arith.constant 104 : i32
      %dma_start3A_734 = arith.constant 0 : i32
      %dma_start3A_735 = tpu.memref_slice %arg5[%dma_start3A_733, %dma_start3A_734] : memref<208x512xf32, #tpu.memory_space<vmem>> -> memref<40x512xf32, #tpu.memory_space<vmem>>
      tpu.enqueue_dma source(%dma_start3A_735 : memref<40x512xf32, #tpu.memory_space<vmem>>) target(%dma_start3A_732 : memref<40x512xf32, #tpu.memory_space<hbm>>) target_semaphore(%arg7 : memref<!tpu.dma_semaphore, #tpu.memory_space<semaphore_mem>>)
      %add3A_736 = arith.constant 104 : i32
      %add3A_737 = arith.addi %mul3A_2, %add3A_736 : i32
      %dma_start3A_738 = arith.constant 104 : i32
      %dma_start3A_739 = arith.constant 0 : i32
      %dma_start3A_740 = tpu.memref_slice %arg5[%dma_start3A_738, %dma_start3A_739] : memref<208x512xf32, #tpu.memory_space<vmem>> -> memref<40x512xf32, #tpu.memory_space<vmem>>
      %dma_start3A_741 = arith.constant 13824 : i32
      %dma_start3A_742 = tpu.memref_slice %arg3[%add3A_737, %dma_start3A_741] : memref<6592x16384xf32, #tpu.memory_space<hbm>> -> memref<40x512xf32, #tpu.memory_space<hbm>>
      %dma_start3A_743 = arith.constant 13824 : i32
      %dma_start3A_744 = tpu.memref_slice %arg3[%add3A_737, %dma_start3A_743] : memref<6592x16384xf32, #tpu.memory_space<hbm>> -> memref<40x512xf32, #tpu.memory_space<hbm>>
      %dma_start3A_745 = arith.constant 104 : i32
      %dma_start3A_746 = arith.constant 0 : i32
      %dma_start3A_747 = tpu.memref_slice %arg5[%dma_start3A_745, %dma_start3A_746] : memref<208x512xf32, #tpu.memory_space<vmem>> -> memref<40x512xf32, #tpu.memory_space<vmem>>
      tpu.enqueue_dma source(%dma_start3A_747 : memref<40x512xf32, #tpu.memory_space<vmem>>) target(%dma_start3A_744 : memref<40x512xf32, #tpu.memory_space<hbm>>) target_semaphore(%arg7 : memref<!tpu.dma_semaphore, #tpu.memory_space<semaphore_mem>>)
      %add3A_748 = arith.constant 104 : i32
      %add3A_749 = arith.addi %mul3A_2, %add3A_748 : i32
      %dma_start3A_750 = arith.constant 104 : i32
      %dma_start3A_751 = arith.constant 0 : i32
      %dma_start3A_752 = tpu.memref_slice %arg5[%dma_start3A_750, %dma_start3A_751] : memref<208x512xf32, #tpu.memory_space<vmem>> -> memref<40x512xf32, #tpu.memory_space<vmem>>
      %dma_start3A_753 = arith.constant 14336 : i32
      %dma_start3A_754 = tpu.memref_slice %arg3[%add3A_749, %dma_start3A_753] : memref<6592x16384xf32, #tpu.memory_space<hbm>> -> memref<40x512xf32, #tpu.memory_space<hbm>>
      %dma_start3A_755 = arith.constant 14336 : i32
      %dma_start3A_756 = tpu.memref_slice %arg3[%add3A_749, %dma_start3A_755] : memref<6592x16384xf32, #tpu.memory_space<hbm>> -> memref<40x512xf32, #tpu.memory_space<hbm>>
      %dma_start3A_757 = arith.constant 104 : i32
      %dma_start3A_758 = arith.constant 0 : i32
      %dma_start3A_759 = tpu.memref_slice %arg5[%dma_start3A_757, %dma_start3A_758] : memref<208x512xf32, #tpu.memory_space<vmem>> -> memref<40x512xf32, #tpu.memory_space<vmem>>
      tpu.enqueue_dma source(%dma_start3A_759 : memref<40x512xf32, #tpu.memory_space<vmem>>) target(%dma_start3A_756 : memref<40x512xf32, #tpu.memory_space<hbm>>) target_semaphore(%arg7 : memref<!tpu.dma_semaphore, #tpu.memory_space<semaphore_mem>>)
      %add3A_760 = arith.constant 104 : i32
      %add3A_761 = arith.addi %mul3A_2, %add3A_760 : i32
      %dma_start3A_762 = arith.constant 104 : i32
      %dma_start3A_763 = arith.constant 0 : i32
      %dma_start3A_764 = tpu.memref_slice %arg5[%dma_start3A_762, %dma_start3A_763] : memref<208x512xf32, #tpu.memory_space<vmem>> -> memref<40x512xf32, #tpu.memory_space<vmem>>
      %dma_start3A_765 = arith.constant 14848 : i32
      %dma_start3A_766 = tpu.memref_slice %arg3[%add3A_761, %dma_start3A_765] : memref<6592x16384xf32, #tpu.memory_space<hbm>> -> memref<40x512xf32, #tpu.memory_space<hbm>>
      %dma_start3A_767 = arith.constant 14848 : i32
      %dma_start3A_768 = tpu.memref_slice %arg3[%add3A_761, %dma_start3A_767] : memref<6592x16384xf32, #tpu.memory_space<hbm>> -> memref<40x512xf32, #tpu.memory_space<hbm>>
      %dma_start3A_769 = arith.constant 104 : i32
      %dma_start3A_770 = arith.constant 0 : i32
      %dma_start3A_771 = tpu.memref_slice %arg5[%dma_start3A_769, %dma_start3A_770] : memref<208x512xf32, #tpu.memory_space<vmem>> -> memref<40x512xf32, #tpu.memory_space<vmem>>
      tpu.enqueue_dma source(%dma_start3A_771 : memref<40x512xf32, #tpu.memory_space<vmem>>) target(%dma_start3A_768 : memref<40x512xf32, #tpu.memory_space<hbm>>) target_semaphore(%arg7 : memref<!tpu.dma_semaphore, #tpu.memory_space<semaphore_mem>>)
      %add3A_772 = arith.constant 104 : i32
      %add3A_773 = arith.addi %mul3A_2, %add3A_772 : i32
      %dma_start3A_774 = arith.constant 104 : i32
      %dma_start3A_775 = arith.constant 0 : i32
      %dma_start3A_776 = tpu.memref_slice %arg5[%dma_start3A_774, %dma_start3A_775] : memref<208x512xf32, #tpu.memory_space<vmem>> -> memref<40x512xf32, #tpu.memory_space<vmem>>
      %dma_start3A_777 = arith.constant 15360 : i32
      %dma_start3A_778 = tpu.memref_slice %arg3[%add3A_773, %dma_start3A_777] : memref<6592x16384xf32, #tpu.memory_space<hbm>> -> memref<40x512xf32, #tpu.memory_space<hbm>>
      %dma_start3A_779 = arith.constant 15360 : i32
      %dma_start3A_780 = tpu.memref_slice %arg3[%add3A_773, %dma_start3A_779] : memref<6592x16384xf32, #tpu.memory_space<hbm>> -> memref<40x512xf32, #tpu.memory_space<hbm>>
      %dma_start3A_781 = arith.constant 104 : i32
      %dma_start3A_782 = arith.constant 0 : i32
      %dma_start3A_783 = tpu.memref_slice %arg5[%dma_start3A_781, %dma_start3A_782] : memref<208x512xf32, #tpu.memory_space<vmem>> -> memref<40x512xf32, #tpu.memory_space<vmem>>
      tpu.enqueue_dma source(%dma_start3A_783 : memref<40x512xf32, #tpu.memory_space<vmem>>) target(%dma_start3A_780 : memref<40x512xf32, #tpu.memory_space<hbm>>) target_semaphore(%arg7 : memref<!tpu.dma_semaphore, #tpu.memory_space<semaphore_mem>>)
      %add3A_784 = arith.constant 104 : i32
      %add3A_785 = arith.addi %mul3A_2, %add3A_784 : i32
      %dma_start3A_786 = arith.constant 104 : i32
      %dma_start3A_787 = arith.constant 0 : i32
      %dma_start3A_788 = tpu.memref_slice %arg5[%dma_start3A_786, %dma_start3A_787] : memref<208x512xf32, #tpu.memory_space<vmem>> -> memref<40x512xf32, #tpu.memory_space<vmem>>
      %dma_start3A_789 = arith.constant 15872 : i32
      %dma_start3A_790 = tpu.memref_slice %arg3[%add3A_785, %dma_start3A_789] : memref<6592x16384xf32, #tpu.memory_space<hbm>> -> memref<40x512xf32, #tpu.memory_space<hbm>>
      %dma_start3A_791 = arith.constant 15872 : i32
      %dma_start3A_792 = tpu.memref_slice %arg3[%add3A_785, %dma_start3A_791] : memref<6592x16384xf32, #tpu.memory_space<hbm>> -> memref<40x512xf32, #tpu.memory_space<hbm>>
      %dma_start3A_793 = arith.constant 104 : i32
      %dma_start3A_794 = arith.constant 0 : i32
      %dma_start3A_795 = tpu.memref_slice %arg5[%dma_start3A_793, %dma_start3A_794] : memref<208x512xf32, #tpu.memory_space<vmem>> -> memref<40x512xf32, #tpu.memory_space<vmem>>
      tpu.enqueue_dma source(%dma_start3A_795 : memref<40x512xf32, #tpu.memory_space<vmem>>) target(%dma_start3A_792 : memref<40x512xf32, #tpu.memory_space<hbm>>) target_semaphore(%arg7 : memref<!tpu.dma_semaphore, #tpu.memory_space<semaphore_mem>>)
      %dma_wait3A_796 = arith.constant 0 : i32
      %dma_wait3A_797 = arith.constant 0 : i32
      %dma_wait3A_798 = tpu.memref_slice %arg5[%dma_wait3A_796, %dma_wait3A_797] : memref<208x512xf32, #tpu.memory_space<vmem>> -> memref<104x512xf32, #tpu.memory_space<vmem>>
      %dma_wait3A_799 = arith.constant 0 : i32
      %dma_wait3A_800 = tpu.memref_slice %arg3[%add3A_22, %dma_wait3A_799] : memref<6592x16384xf32, #tpu.memory_space<hbm>> -> memref<104x512xf32, #tpu.memory_space<hbm>>
      %dma_wait3A_801 = arith.constant 0 : i32
      %dma_wait3A_802 = tpu.memref_slice %arg3[%add3A_22, %dma_wait3A_801] : memref<6592x16384xf32, #tpu.memory_space<hbm>> -> memref<104x512xf32, #tpu.memory_space<hbm>>
      %dma_wait3A_803 = arith.constant 0 : i32
      %dma_wait3A_804 = arith.constant 0 : i32
      %dma_wait3A_805 = tpu.memref_slice %arg5[%dma_wait3A_803, %dma_wait3A_804] : memref<208x512xf32, #tpu.memory_space<vmem>> -> memref<104x512xf32, #tpu.memory_space<vmem>>
      tpu.wait_dma2 semaphore(%arg7 : memref<!tpu.dma_semaphore, #tpu.memory_space<semaphore_mem>>) src(%dma_wait3A_805 : memref<104x512xf32, #tpu.memory_space<vmem>>) dst(%dma_wait3A_802 : memref<104x512xf32, #tpu.memory_space<hbm>>)
      %dma_wait3A_806 = arith.constant 0 : i32
      %dma_wait3A_807 = arith.constant 0 : i32
      %dma_wait3A_808 = tpu.memref_slice %arg5[%dma_wait3A_806, %dma_wait3A_807] : memref<208x512xf32, #tpu.memory_space<vmem>> -> memref<104x512xf32, #tpu.memory_space<vmem>>
      %dma_wait3A_809 = arith.constant 512 : i32
      %dma_wait3A_810 = tpu.memref_slice %arg3[%add3A_34, %dma_wait3A_809] : memref<6592x16384xf32, #tpu.memory_space<hbm>> -> memref<104x512xf32, #tpu.memory_space<hbm>>
      %dma_wait3A_811 = arith.constant 512 : i32
      %dma_wait3A_812 = tpu.memref_slice %arg3[%add3A_34, %dma_wait3A_811] : memref<6592x16384xf32, #tpu.memory_space<hbm>> -> memref<104x512xf32, #tpu.memory_space<hbm>>
      %dma_wait3A_813 = arith.constant 0 : i32
      %dma_wait3A_814 = arith.constant 0 : i32
      %dma_wait3A_815 = tpu.memref_slice %arg5[%dma_wait3A_813, %dma_wait3A_814] : memref<208x512xf32, #tpu.memory_space<vmem>> -> memref<104x512xf32, #tpu.memory_space<vmem>>
      tpu.wait_dma2 semaphore(%arg7 : memref<!tpu.dma_semaphore, #tpu.memory_space<semaphore_mem>>) src(%dma_wait3A_815 : memref<104x512xf32, #tpu.memory_space<vmem>>) dst(%dma_wait3A_812 : memref<104x512xf32, #tpu.memory_space<hbm>>)
      %dma_wait3A_816 = arith.constant 0 : i32
      %dma_wait3A_817 = arith.constant 0 : i32
      %dma_wait3A_818 = tpu.memref_slice %arg5[%dma_wait3A_816, %dma_wait3A_817] : memref<208x512xf32, #tpu.memory_space<vmem>> -> memref<104x512xf32, #tpu.memory_space<vmem>>
      %dma_wait3A_819 = arith.constant 1024 : i32
      %dma_wait3A_820 = tpu.memref_slice %arg3[%add3A_46, %dma_wait3A_819] : memref<6592x16384xf32, #tpu.memory_space<hbm>> -> memref<104x512xf32, #tpu.memory_space<hbm>>
      %dma_wait3A_821 = arith.constant 1024 : i32
      %dma_wait3A_822 = tpu.memref_slice %arg3[%add3A_46, %dma_wait3A_821] : memref<6592x16384xf32, #tpu.memory_space<hbm>> -> memref<104x512xf32, #tpu.memory_space<hbm>>
      %dma_wait3A_823 = arith.constant 0 : i32
      %dma_wait3A_824 = arith.constant 0 : i32
      %dma_wait3A_825 = tpu.memref_slice %arg5[%dma_wait3A_823, %dma_wait3A_824] : memref<208x512xf32, #tpu.memory_space<vmem>> -> memref<104x512xf32, #tpu.memory_space<vmem>>
      tpu.wait_dma2 semaphore(%arg7 : memref<!tpu.dma_semaphore, #tpu.memory_space<semaphore_mem>>) src(%dma_wait3A_825 : memref<104x512xf32, #tpu.memory_space<vmem>>) dst(%dma_wait3A_822 : memref<104x512xf32, #tpu.memory_space<hbm>>)
      %dma_wait3A_826 = arith.constant 0 : i32
      %dma_wait3A_827 = arith.constant 0 : i32
      %dma_wait3A_828 = tpu.memref_slice %arg5[%dma_wait3A_826, %dma_wait3A_827] : memref<208x512xf32, #tpu.memory_space<vmem>> -> memref<104x512xf32, #tpu.memory_space<vmem>>
      %dma_wait3A_829 = arith.constant 1536 : i32
      %dma_wait3A_830 = tpu.memref_slice %arg3[%add3A_58, %dma_wait3A_829] : memref<6592x16384xf32, #tpu.memory_space<hbm>> -> memref<104x512xf32, #tpu.memory_space<hbm>>
      %dma_wait3A_831 = arith.constant 1536 : i32
      %dma_wait3A_832 = tpu.memref_slice %arg3[%add3A_58, %dma_wait3A_831] : memref<6592x16384xf32, #tpu.memory_space<hbm>> -> memref<104x512xf32, #tpu.memory_space<hbm>>
      %dma_wait3A_833 = arith.constant 0 : i32
      %dma_wait3A_834 = arith.constant 0 : i32
      %dma_wait3A_835 = tpu.memref_slice %arg5[%dma_wait3A_833, %dma_wait3A_834] : memref<208x512xf32, #tpu.memory_space<vmem>> -> memref<104x512xf32, #tpu.memory_space<vmem>>
      tpu.wait_dma2 semaphore(%arg7 : memref<!tpu.dma_semaphore, #tpu.memory_space<semaphore_mem>>) src(%dma_wait3A_835 : memref<104x512xf32, #tpu.memory_space<vmem>>) dst(%dma_wait3A_832 : memref<104x512xf32, #tpu.memory_space<hbm>>)
      %dma_wait3A_836 = arith.constant 0 : i32
      %dma_wait3A_837 = arith.constant 0 : i32
      %dma_wait3A_838 = tpu.memref_slice %arg5[%dma_wait3A_836, %dma_wait3A_837] : memref<208x512xf32, #tpu.memory_space<vmem>> -> memref<104x512xf32, #tpu.memory_space<vmem>>
      %dma_wait3A_839 = arith.constant 2048 : i32
      %dma_wait3A_840 = tpu.memref_slice %arg3[%add3A_70, %dma_wait3A_839] : memref<6592x16384xf32, #tpu.memory_space<hbm>> -> memref<104x512xf32, #tpu.memory_space<hbm>>
      %dma_wait3A_841 = arith.constant 2048 : i32
      %dma_wait3A_842 = tpu.memref_slice %arg3[%add3A_70, %dma_wait3A_841] : memref<6592x16384xf32, #tpu.memory_space<hbm>> -> memref<104x512xf32, #tpu.memory_space<hbm>>
      %dma_wait3A_843 = arith.constant 0 : i32
      %dma_wait3A_844 = arith.constant 0 : i32
      %dma_wait3A_845 = tpu.memref_slice %arg5[%dma_wait3A_843, %dma_wait3A_844] : memref<208x512xf32, #tpu.memory_space<vmem>> -> memref<104x512xf32, #tpu.memory_space<vmem>>
      tpu.wait_dma2 semaphore(%arg7 : memref<!tpu.dma_semaphore, #tpu.memory_space<semaphore_mem>>) src(%dma_wait3A_845 : memref<104x512xf32, #tpu.memory_space<vmem>>) dst(%dma_wait3A_842 : memref<104x512xf32, #tpu.memory_space<hbm>>)
      %dma_wait3A_846 = arith.constant 0 : i32
      %dma_wait3A_847 = arith.constant 0 : i32
      %dma_wait3A_848 = tpu.memref_slice %arg5[%dma_wait3A_846, %dma_wait3A_847] : memref<208x512xf32, #tpu.memory_space<vmem>> -> memref<104x512xf32, #tpu.memory_space<vmem>>
      %dma_wait3A_849 = arith.constant 2560 : i32
      %dma_wait3A_850 = tpu.memref_slice %arg3[%add3A_82, %dma_wait3A_849] : memref<6592x16384xf32, #tpu.memory_space<hbm>> -> memref<104x512xf32, #tpu.memory_space<hbm>>
      %dma_wait3A_851 = arith.constant 2560 : i32
      %dma_wait3A_852 = tpu.memref_slice %arg3[%add3A_82, %dma_wait3A_851] : memref<6592x16384xf32, #tpu.memory_space<hbm>> -> memref<104x512xf32, #tpu.memory_space<hbm>>
      %dma_wait3A_853 = arith.constant 0 : i32
      %dma_wait3A_854 = arith.constant 0 : i32
      %dma_wait3A_855 = tpu.memref_slice %arg5[%dma_wait3A_853, %dma_wait3A_854] : memref<208x512xf32, #tpu.memory_space<vmem>> -> memref<104x512xf32, #tpu.memory_space<vmem>>
      tpu.wait_dma2 semaphore(%arg7 : memref<!tpu.dma_semaphore, #tpu.memory_space<semaphore_mem>>) src(%dma_wait3A_855 : memref<104x512xf32, #tpu.memory_space<vmem>>) dst(%dma_wait3A_852 : memref<104x512xf32, #tpu.memory_space<hbm>>)
      %dma_wait3A_856 = arith.constant 0 : i32
      %dma_wait3A_857 = arith.constant 0 : i32
      %dma_wait3A_858 = tpu.memref_slice %arg5[%dma_wait3A_856, %dma_wait3A_857] : memref<208x512xf32, #tpu.memory_space<vmem>> -> memref<104x512xf32, #tpu.memory_space<vmem>>
      %dma_wait3A_859 = arith.constant 3072 : i32
      %dma_wait3A_860 = tpu.memref_slice %arg3[%add3A_94, %dma_wait3A_859] : memref<6592x16384xf32, #tpu.memory_space<hbm>> -> memref<104x512xf32, #tpu.memory_space<hbm>>
      %dma_wait3A_861 = arith.constant 3072 : i32
      %dma_wait3A_862 = tpu.memref_slice %arg3[%add3A_94, %dma_wait3A_861] : memref<6592x16384xf32, #tpu.memory_space<hbm>> -> memref<104x512xf32, #tpu.memory_space<hbm>>
      %dma_wait3A_863 = arith.constant 0 : i32
      %dma_wait3A_864 = arith.constant 0 : i32
      %dma_wait3A_865 = tpu.memref_slice %arg5[%dma_wait3A_863, %dma_wait3A_864] : memref<208x512xf32, #tpu.memory_space<vmem>> -> memref<104x512xf32, #tpu.memory_space<vmem>>
      tpu.wait_dma2 semaphore(%arg7 : memref<!tpu.dma_semaphore, #tpu.memory_space<semaphore_mem>>) src(%dma_wait3A_865 : memref<104x512xf32, #tpu.memory_space<vmem>>) dst(%dma_wait3A_862 : memref<104x512xf32, #tpu.memory_space<hbm>>)
      %dma_wait3A_866 = arith.constant 0 : i32
      %dma_wait3A_867 = arith.constant 0 : i32
      %dma_wait3A_868 = tpu.memref_slice %arg5[%dma_wait3A_866, %dma_wait3A_867] : memref<208x512xf32, #tpu.memory_space<vmem>> -> memref<104x512xf32, #tpu.memory_space<vmem>>
      %dma_wait3A_869 = arith.constant 3584 : i32
      %dma_wait3A_870 = tpu.memref_slice %arg3[%add3A_106, %dma_wait3A_869] : memref<6592x16384xf32, #tpu.memory_space<hbm>> -> memref<104x512xf32, #tpu.memory_space<hbm>>
      %dma_wait3A_871 = arith.constant 3584 : i32
      %dma_wait3A_872 = tpu.memref_slice %arg3[%add3A_106, %dma_wait3A_871] : memref<6592x16384xf32, #tpu.memory_space<hbm>> -> memref<104x512xf32, #tpu.memory_space<hbm>>
      %dma_wait3A_873 = arith.constant 0 : i32
      %dma_wait3A_874 = arith.constant 0 : i32
      %dma_wait3A_875 = tpu.memref_slice %arg5[%dma_wait3A_873, %dma_wait3A_874] : memref<208x512xf32, #tpu.memory_space<vmem>> -> memref<104x512xf32, #tpu.memory_space<vmem>>
      tpu.wait_dma2 semaphore(%arg7 : memref<!tpu.dma_semaphore, #tpu.memory_space<semaphore_mem>>) src(%dma_wait3A_875 : memref<104x512xf32, #tpu.memory_space<vmem>>) dst(%dma_wait3A_872 : memref<104x512xf32, #tpu.memory_space<hbm>>)
      %dma_wait3A_876 = arith.constant 0 : i32
      %dma_wait3A_877 = arith.constant 0 : i32
      %dma_wait3A_878 = tpu.memref_slice %arg5[%dma_wait3A_876, %dma_wait3A_877] : memref<208x512xf32, #tpu.memory_space<vmem>> -> memref<104x512xf32, #tpu.memory_space<vmem>>
      %dma_wait3A_879 = arith.constant 4096 : i32
      %dma_wait3A_880 = tpu.memref_slice %arg3[%add3A_118, %dma_wait3A_879] : memref<6592x16384xf32, #tpu.memory_space<hbm>> -> memref<104x512xf32, #tpu.memory_space<hbm>>
      %dma_wait3A_881 = arith.constant 4096 : i32
      %dma_wait3A_882 = tpu.memref_slice %arg3[%add3A_118, %dma_wait3A_881] : memref<6592x16384xf32, #tpu.memory_space<hbm>> -> memref<104x512xf32, #tpu.memory_space<hbm>>
      %dma_wait3A_883 = arith.constant 0 : i32
      %dma_wait3A_884 = arith.constant 0 : i32
      %dma_wait3A_885 = tpu.memref_slice %arg5[%dma_wait3A_883, %dma_wait3A_884] : memref<208x512xf32, #tpu.memory_space<vmem>> -> memref<104x512xf32, #tpu.memory_space<vmem>>
      tpu.wait_dma2 semaphore(%arg7 : memref<!tpu.dma_semaphore, #tpu.memory_space<semaphore_mem>>) src(%dma_wait3A_885 : memref<104x512xf32, #tpu.memory_space<vmem>>) dst(%dma_wait3A_882 : memref<104x512xf32, #tpu.memory_space<hbm>>)
      %dma_wait3A_886 = arith.constant 0 : i32
      %dma_wait3A_887 = arith.constant 0 : i32
      %dma_wait3A_888 = tpu.memref_slice %arg5[%dma_wait3A_886, %dma_wait3A_887] : memref<208x512xf32, #tpu.memory_space<vmem>> -> memref<104x512xf32, #tpu.memory_space<vmem>>
      %dma_wait3A_889 = arith.constant 4608 : i32
      %dma_wait3A_890 = tpu.memref_slice %arg3[%add3A_130, %dma_wait3A_889] : memref<6592x16384xf32, #tpu.memory_space<hbm>> -> memref<104x512xf32, #tpu.memory_space<hbm>>
      %dma_wait3A_891 = arith.constant 4608 : i32
      %dma_wait3A_892 = tpu.memref_slice %arg3[%add3A_130, %dma_wait3A_891] : memref<6592x16384xf32, #tpu.memory_space<hbm>> -> memref<104x512xf32, #tpu.memory_space<hbm>>
      %dma_wait3A_893 = arith.constant 0 : i32
      %dma_wait3A_894 = arith.constant 0 : i32
      %dma_wait3A_895 = tpu.memref_slice %arg5[%dma_wait3A_893, %dma_wait3A_894] : memref<208x512xf32, #tpu.memory_space<vmem>> -> memref<104x512xf32, #tpu.memory_space<vmem>>
      tpu.wait_dma2 semaphore(%arg7 : memref<!tpu.dma_semaphore, #tpu.memory_space<semaphore_mem>>) src(%dma_wait3A_895 : memref<104x512xf32, #tpu.memory_space<vmem>>) dst(%dma_wait3A_892 : memref<104x512xf32, #tpu.memory_space<hbm>>)
      %dma_wait3A_896 = arith.constant 0 : i32
      %dma_wait3A_897 = arith.constant 0 : i32
      %dma_wait3A_898 = tpu.memref_slice %arg5[%dma_wait3A_896, %dma_wait3A_897] : memref<208x512xf32, #tpu.memory_space<vmem>> -> memref<104x512xf32, #tpu.memory_space<vmem>>
      %dma_wait3A_899 = arith.constant 5120 : i32
      %dma_wait3A_900 = tpu.memref_slice %arg3[%add3A_142, %dma_wait3A_899] : memref<6592x16384xf32, #tpu.memory_space<hbm>> -> memref<104x512xf32, #tpu.memory_space<hbm>>
      %dma_wait3A_901 = arith.constant 5120 : i32
      %dma_wait3A_902 = tpu.memref_slice %arg3[%add3A_142, %dma_wait3A_901] : memref<6592x16384xf32, #tpu.memory_space<hbm>> -> memref<104x512xf32, #tpu.memory_space<hbm>>
      %dma_wait3A_903 = arith.constant 0 : i32
      %dma_wait3A_904 = arith.constant 0 : i32
      %dma_wait3A_905 = tpu.memref_slice %arg5[%dma_wait3A_903, %dma_wait3A_904] : memref<208x512xf32, #tpu.memory_space<vmem>> -> memref<104x512xf32, #tpu.memory_space<vmem>>
      tpu.wait_dma2 semaphore(%arg7 : memref<!tpu.dma_semaphore, #tpu.memory_space<semaphore_mem>>) src(%dma_wait3A_905 : memref<104x512xf32, #tpu.memory_space<vmem>>) dst(%dma_wait3A_902 : memref<104x512xf32, #tpu.memory_space<hbm>>)
      %dma_wait3A_906 = arith.constant 0 : i32
      %dma_wait3A_907 = arith.constant 0 : i32
      %dma_wait3A_908 = tpu.memref_slice %arg5[%dma_wait3A_906, %dma_wait3A_907] : memref<208x512xf32, #tpu.memory_space<vmem>> -> memref<104x512xf32, #tpu.memory_space<vmem>>
      %dma_wait3A_909 = arith.constant 5632 : i32
      %dma_wait3A_910 = tpu.memref_slice %arg3[%add3A_154, %dma_wait3A_909] : memref<6592x16384xf32, #tpu.memory_space<hbm>> -> memref<104x512xf32, #tpu.memory_space<hbm>>
      %dma_wait3A_911 = arith.constant 5632 : i32
      %dma_wait3A_912 = tpu.memref_slice %arg3[%add3A_154, %dma_wait3A_911] : memref<6592x16384xf32, #tpu.memory_space<hbm>> -> memref<104x512xf32, #tpu.memory_space<hbm>>
      %dma_wait3A_913 = arith.constant 0 : i32
      %dma_wait3A_914 = arith.constant 0 : i32
      %dma_wait3A_915 = tpu.memref_slice %arg5[%dma_wait3A_913, %dma_wait3A_914] : memref<208x512xf32, #tpu.memory_space<vmem>> -> memref<104x512xf32, #tpu.memory_space<vmem>>
      tpu.wait_dma2 semaphore(%arg7 : memref<!tpu.dma_semaphore, #tpu.memory_space<semaphore_mem>>) src(%dma_wait3A_915 : memref<104x512xf32, #tpu.memory_space<vmem>>) dst(%dma_wait3A_912 : memref<104x512xf32, #tpu.memory_space<hbm>>)
      %dma_wait3A_916 = arith.constant 0 : i32
      %dma_wait3A_917 = arith.constant 0 : i32
      %dma_wait3A_918 = tpu.memref_slice %arg5[%dma_wait3A_916, %dma_wait3A_917] : memref<208x512xf32, #tpu.memory_space<vmem>> -> memref<104x512xf32, #tpu.memory_space<vmem>>
      %dma_wait3A_919 = arith.constant 6144 : i32
      %dma_wait3A_920 = tpu.memref_slice %arg3[%add3A_166, %dma_wait3A_919] : memref<6592x16384xf32, #tpu.memory_space<hbm>> -> memref<104x512xf32, #tpu.memory_space<hbm>>
      %dma_wait3A_921 = arith.constant 6144 : i32
      %dma_wait3A_922 = tpu.memref_slice %arg3[%add3A_166, %dma_wait3A_921] : memref<6592x16384xf32, #tpu.memory_space<hbm>> -> memref<104x512xf32, #tpu.memory_space<hbm>>
      %dma_wait3A_923 = arith.constant 0 : i32
      %dma_wait3A_924 = arith.constant 0 : i32
      %dma_wait3A_925 = tpu.memref_slice %arg5[%dma_wait3A_923, %dma_wait3A_924] : memref<208x512xf32, #tpu.memory_space<vmem>> -> memref<104x512xf32, #tpu.memory_space<vmem>>
      tpu.wait_dma2 semaphore(%arg7 : memref<!tpu.dma_semaphore, #tpu.memory_space<semaphore_mem>>) src(%dma_wait3A_925 : memref<104x512xf32, #tpu.memory_space<vmem>>) dst(%dma_wait3A_922 : memref<104x512xf32, #tpu.memory_space<hbm>>)
      %dma_wait3A_926 = arith.constant 0 : i32
      %dma_wait3A_927 = arith.constant 0 : i32
      %dma_wait3A_928 = tpu.memref_slice %arg5[%dma_wait3A_926, %dma_wait3A_927] : memref<208x512xf32, #tpu.memory_space<vmem>> -> memref<104x512xf32, #tpu.memory_space<vmem>>
      %dma_wait3A_929 = arith.constant 6656 : i32
      %dma_wait3A_930 = tpu.memref_slice %arg3[%add3A_178, %dma_wait3A_929] : memref<6592x16384xf32, #tpu.memory_space<hbm>> -> memref<104x512xf32, #tpu.memory_space<hbm>>
      %dma_wait3A_931 = arith.constant 6656 : i32
      %dma_wait3A_932 = tpu.memref_slice %arg3[%add3A_178, %dma_wait3A_931] : memref<6592x16384xf32, #tpu.memory_space<hbm>> -> memref<104x512xf32, #tpu.memory_space<hbm>>
      %dma_wait3A_933 = arith.constant 0 : i32
      %dma_wait3A_934 = arith.constant 0 : i32
      %dma_wait3A_935 = tpu.memref_slice %arg5[%dma_wait3A_933, %dma_wait3A_934] : memref<208x512xf32, #tpu.memory_space<vmem>> -> memref<104x512xf32, #tpu.memory_space<vmem>>
      tpu.wait_dma2 semaphore(%arg7 : memref<!tpu.dma_semaphore, #tpu.memory_space<semaphore_mem>>) src(%dma_wait3A_935 : memref<104x512xf32, #tpu.memory_space<vmem>>) dst(%dma_wait3A_932 : memref<104x512xf32, #tpu.memory_space<hbm>>)
      %dma_wait3A_936 = arith.constant 0 : i32
      %dma_wait3A_937 = arith.constant 0 : i32
      %dma_wait3A_938 = tpu.memref_slice %arg5[%dma_wait3A_936, %dma_wait3A_937] : memref<208x512xf32, #tpu.memory_space<vmem>> -> memref<104x512xf32, #tpu.memory_space<vmem>>
      %dma_wait3A_939 = arith.constant 7168 : i32
      %dma_wait3A_940 = tpu.memref_slice %arg3[%add3A_190, %dma_wait3A_939] : memref<6592x16384xf32, #tpu.memory_space<hbm>> -> memref<104x512xf32, #tpu.memory_space<hbm>>
      %dma_wait3A_941 = arith.constant 7168 : i32
      %dma_wait3A_942 = tpu.memref_slice %arg3[%add3A_190, %dma_wait3A_941] : memref<6592x16384xf32, #tpu.memory_space<hbm>> -> memref<104x512xf32, #tpu.memory_space<hbm>>
      %dma_wait3A_943 = arith.constant 0 : i32
      %dma_wait3A_944 = arith.constant 0 : i32
      %dma_wait3A_945 = tpu.memref_slice %arg5[%dma_wait3A_943, %dma_wait3A_944] : memref<208x512xf32, #tpu.memory_space<vmem>> -> memref<104x512xf32, #tpu.memory_space<vmem>>
      tpu.wait_dma2 semaphore(%arg7 : memref<!tpu.dma_semaphore, #tpu.memory_space<semaphore_mem>>) src(%dma_wait3A_945 : memref<104x512xf32, #tpu.memory_space<vmem>>) dst(%dma_wait3A_942 : memref<104x512xf32, #tpu.memory_space<hbm>>)
      %dma_wait3A_946 = arith.constant 0 : i32
      %dma_wait3A_947 = arith.constant 0 : i32
      %dma_wait3A_948 = tpu.memref_slice %arg5[%dma_wait3A_946, %dma_wait3A_947] : memref<208x512xf32, #tpu.memory_space<vmem>> -> memref<104x512xf32, #tpu.memory_space<vmem>>
      %dma_wait3A_949 = arith.constant 7680 : i32
      %dma_wait3A_950 = tpu.memref_slice %arg3[%add3A_202, %dma_wait3A_949] : memref<6592x16384xf32, #tpu.memory_space<hbm>> -> memref<104x512xf32, #tpu.memory_space<hbm>>
      %dma_wait3A_951 = arith.constant 7680 : i32
      %dma_wait3A_952 = tpu.memref_slice %arg3[%add3A_202, %dma_wait3A_951] : memref<6592x16384xf32, #tpu.memory_space<hbm>> -> memref<104x512xf32, #tpu.memory_space<hbm>>
      %dma_wait3A_953 = arith.constant 0 : i32
      %dma_wait3A_954 = arith.constant 0 : i32
      %dma_wait3A_955 = tpu.memref_slice %arg5[%dma_wait3A_953, %dma_wait3A_954] : memref<208x512xf32, #tpu.memory_space<vmem>> -> memref<104x512xf32, #tpu.memory_space<vmem>>
      tpu.wait_dma2 semaphore(%arg7 : memref<!tpu.dma_semaphore, #tpu.memory_space<semaphore_mem>>) src(%dma_wait3A_955 : memref<104x512xf32, #tpu.memory_space<vmem>>) dst(%dma_wait3A_952 : memref<104x512xf32, #tpu.memory_space<hbm>>)
      %dma_wait3A_956 = arith.constant 0 : i32
      %dma_wait3A_957 = arith.constant 0 : i32
      %dma_wait3A_958 = tpu.memref_slice %arg5[%dma_wait3A_956, %dma_wait3A_957] : memref<208x512xf32, #tpu.memory_space<vmem>> -> memref<104x512xf32, #tpu.memory_space<vmem>>
      %dma_wait3A_959 = arith.constant 8192 : i32
      %dma_wait3A_960 = tpu.memref_slice %arg3[%add3A_214, %dma_wait3A_959] : memref<6592x16384xf32, #tpu.memory_space<hbm>> -> memref<104x512xf32, #tpu.memory_space<hbm>>
      %dma_wait3A_961 = arith.constant 8192 : i32
      %dma_wait3A_962 = tpu.memref_slice %arg3[%add3A_214, %dma_wait3A_961] : memref<6592x16384xf32, #tpu.memory_space<hbm>> -> memref<104x512xf32, #tpu.memory_space<hbm>>
      %dma_wait3A_963 = arith.constant 0 : i32
      %dma_wait3A_964 = arith.constant 0 : i32
      %dma_wait3A_965 = tpu.memref_slice %arg5[%dma_wait3A_963, %dma_wait3A_964] : memref<208x512xf32, #tpu.memory_space<vmem>> -> memref<104x512xf32, #tpu.memory_space<vmem>>
      tpu.wait_dma2 semaphore(%arg7 : memref<!tpu.dma_semaphore, #tpu.memory_space<semaphore_mem>>) src(%dma_wait3A_965 : memref<104x512xf32, #tpu.memory_space<vmem>>) dst(%dma_wait3A_962 : memref<104x512xf32, #tpu.memory_space<hbm>>)
      %dma_wait3A_966 = arith.constant 0 : i32
      %dma_wait3A_967 = arith.constant 0 : i32
      %dma_wait3A_968 = tpu.memref_slice %arg5[%dma_wait3A_966, %dma_wait3A_967] : memref<208x512xf32, #tpu.memory_space<vmem>> -> memref<104x512xf32, #tpu.memory_space<vmem>>
      %dma_wait3A_969 = arith.constant 8704 : i32
      %dma_wait3A_970 = tpu.memref_slice %arg3[%add3A_226, %dma_wait3A_969] : memref<6592x16384xf32, #tpu.memory_space<hbm>> -> memref<104x512xf32, #tpu.memory_space<hbm>>
      %dma_wait3A_971 = arith.constant 8704 : i32
      %dma_wait3A_972 = tpu.memref_slice %arg3[%add3A_226, %dma_wait3A_971] : memref<6592x16384xf32, #tpu.memory_space<hbm>> -> memref<104x512xf32, #tpu.memory_space<hbm>>
      %dma_wait3A_973 = arith.constant 0 : i32
      %dma_wait3A_974 = arith.constant 0 : i32
      %dma_wait3A_975 = tpu.memref_slice %arg5[%dma_wait3A_973, %dma_wait3A_974] : memref<208x512xf32, #tpu.memory_space<vmem>> -> memref<104x512xf32, #tpu.memory_space<vmem>>
      tpu.wait_dma2 semaphore(%arg7 : memref<!tpu.dma_semaphore, #tpu.memory_space<semaphore_mem>>) src(%dma_wait3A_975 : memref<104x512xf32, #tpu.memory_space<vmem>>) dst(%dma_wait3A_972 : memref<104x512xf32, #tpu.memory_space<hbm>>)
      %dma_wait3A_976 = arith.constant 0 : i32
      %dma_wait3A_977 = arith.constant 0 : i32
      %dma_wait3A_978 = tpu.memref_slice %arg5[%dma_wait3A_976, %dma_wait3A_977] : memref<208x512xf32, #tpu.memory_space<vmem>> -> memref<104x512xf32, #tpu.memory_space<vmem>>
      %dma_wait3A_979 = arith.constant 9216 : i32
      %dma_wait3A_980 = tpu.memref_slice %arg3[%add3A_238, %dma_wait3A_979] : memref<6592x16384xf32, #tpu.memory_space<hbm>> -> memref<104x512xf32, #tpu.memory_space<hbm>>
      %dma_wait3A_981 = arith.constant 9216 : i32
      %dma_wait3A_982 = tpu.memref_slice %arg3[%add3A_238, %dma_wait3A_981] : memref<6592x16384xf32, #tpu.memory_space<hbm>> -> memref<104x512xf32, #tpu.memory_space<hbm>>
      %dma_wait3A_983 = arith.constant 0 : i32
      %dma_wait3A_984 = arith.constant 0 : i32
      %dma_wait3A_985 = tpu.memref_slice %arg5[%dma_wait3A_983, %dma_wait3A_984] : memref<208x512xf32, #tpu.memory_space<vmem>> -> memref<104x512xf32, #tpu.memory_space<vmem>>
      tpu.wait_dma2 semaphore(%arg7 : memref<!tpu.dma_semaphore, #tpu.memory_space<semaphore_mem>>) src(%dma_wait3A_985 : memref<104x512xf32, #tpu.memory_space<vmem>>) dst(%dma_wait3A_982 : memref<104x512xf32, #tpu.memory_space<hbm>>)
      %dma_wait3A_986 = arith.constant 0 : i32
      %dma_wait3A_987 = arith.constant 0 : i32
      %dma_wait3A_988 = tpu.memref_slice %arg5[%dma_wait3A_986, %dma_wait3A_987] : memref<208x512xf32, #tpu.memory_space<vmem>> -> memref<104x512xf32, #tpu.memory_space<vmem>>
      %dma_wait3A_989 = arith.constant 9728 : i32
      %dma_wait3A_990 = tpu.memref_slice %arg3[%add3A_250, %dma_wait3A_989] : memref<6592x16384xf32, #tpu.memory_space<hbm>> -> memref<104x512xf32, #tpu.memory_space<hbm>>
      %dma_wait3A_991 = arith.constant 9728 : i32
      %dma_wait3A_992 = tpu.memref_slice %arg3[%add3A_250, %dma_wait3A_991] : memref<6592x16384xf32, #tpu.memory_space<hbm>> -> memref<104x512xf32, #tpu.memory_space<hbm>>
      %dma_wait3A_993 = arith.constant 0 : i32
      %dma_wait3A_994 = arith.constant 0 : i32
      %dma_wait3A_995 = tpu.memref_slice %arg5[%dma_wait3A_993, %dma_wait3A_994] : memref<208x512xf32, #tpu.memory_space<vmem>> -> memref<104x512xf32, #tpu.memory_space<vmem>>
      tpu.wait_dma2 semaphore(%arg7 : memref<!tpu.dma_semaphore, #tpu.memory_space<semaphore_mem>>) src(%dma_wait3A_995 : memref<104x512xf32, #tpu.memory_space<vmem>>) dst(%dma_wait3A_992 : memref<104x512xf32, #tpu.memory_space<hbm>>)
      %dma_wait3A_996 = arith.constant 0 : i32
      %dma_wait3A_997 = arith.constant 0 : i32
      %dma_wait3A_998 = tpu.memref_slice %arg5[%dma_wait3A_996, %dma_wait3A_997] : memref<208x512xf32, #tpu.memory_space<vmem>> -> memref<104x512xf32, #tpu.memory_space<vmem>>
      %dma_wait3A_999 = arith.constant 10240 : i32
      %dma_wait3A_1000 = tpu.memref_slice %arg3[%add3A_262, %dma_wait3A_999] : memref<6592x16384xf32, #tpu.memory_space<hbm>> -> memref<104x512xf32, #tpu.memory_space<hbm>>
      %dma_wait3A_1001 = arith.constant 10240 : i32
      %dma_wait3A_1002 = tpu.memref_slice %arg3[%add3A_262, %dma_wait3A_1001] : memref<6592x16384xf32, #tpu.memory_space<hbm>> -> memref<104x512xf32, #tpu.memory_space<hbm>>
      %dma_wait3A_1003 = arith.constant 0 : i32
      %dma_wait3A_1004 = arith.constant 0 : i32
      %dma_wait3A_1005 = tpu.memref_slice %arg5[%dma_wait3A_1003, %dma_wait3A_1004] : memref<208x512xf32, #tpu.memory_space<vmem>> -> memref<104x512xf32, #tpu.memory_space<vmem>>
      tpu.wait_dma2 semaphore(%arg7 : memref<!tpu.dma_semaphore, #tpu.memory_space<semaphore_mem>>) src(%dma_wait3A_1005 : memref<104x512xf32, #tpu.memory_space<vmem>>) dst(%dma_wait3A_1002 : memref<104x512xf32, #tpu.memory_space<hbm>>)
      %dma_wait3A_1006 = arith.constant 0 : i32
      %dma_wait3A_1007 = arith.constant 0 : i32
      %dma_wait3A_1008 = tpu.memref_slice %arg5[%dma_wait3A_1006, %dma_wait3A_1007] : memref<208x512xf32, #tpu.memory_space<vmem>> -> memref<104x512xf32, #tpu.memory_space<vmem>>
      %dma_wait3A_1009 = arith.constant 10752 : i32
      %dma_wait3A_1010 = tpu.memref_slice %arg3[%add3A_274, %dma_wait3A_1009] : memref<6592x16384xf32, #tpu.memory_space<hbm>> -> memref<104x512xf32, #tpu.memory_space<hbm>>
      %dma_wait3A_1011 = arith.constant 10752 : i32
      %dma_wait3A_1012 = tpu.memref_slice %arg3[%add3A_274, %dma_wait3A_1011] : memref<6592x16384xf32, #tpu.memory_space<hbm>> -> memref<104x512xf32, #tpu.memory_space<hbm>>
      %dma_wait3A_1013 = arith.constant 0 : i32
      %dma_wait3A_1014 = arith.constant 0 : i32
      %dma_wait3A_1015 = tpu.memref_slice %arg5[%dma_wait3A_1013, %dma_wait3A_1014] : memref<208x512xf32, #tpu.memory_space<vmem>> -> memref<104x512xf32, #tpu.memory_space<vmem>>
      tpu.wait_dma2 semaphore(%arg7 : memref<!tpu.dma_semaphore, #tpu.memory_space<semaphore_mem>>) src(%dma_wait3A_1015 : memref<104x512xf32, #tpu.memory_space<vmem>>) dst(%dma_wait3A_1012 : memref<104x512xf32, #tpu.memory_space<hbm>>)
      %dma_wait3A_1016 = arith.constant 0 : i32
      %dma_wait3A_1017 = arith.constant 0 : i32
      %dma_wait3A_1018 = tpu.memref_slice %arg5[%dma_wait3A_1016, %dma_wait3A_1017] : memref<208x512xf32, #tpu.memory_space<vmem>> -> memref<104x512xf32, #tpu.memory_space<vmem>>
      %dma_wait3A_1019 = arith.constant 11264 : i32
      %dma_wait3A_1020 = tpu.memref_slice %arg3[%add3A_286, %dma_wait3A_1019] : memref<6592x16384xf32, #tpu.memory_space<hbm>> -> memref<104x512xf32, #tpu.memory_space<hbm>>
      %dma_wait3A_1021 = arith.constant 11264 : i32
      %dma_wait3A_1022 = tpu.memref_slice %arg3[%add3A_286, %dma_wait3A_1021] : memref<6592x16384xf32, #tpu.memory_space<hbm>> -> memref<104x512xf32, #tpu.memory_space<hbm>>
      %dma_wait3A_1023 = arith.constant 0 : i32
      %dma_wait3A_1024 = arith.constant 0 : i32
      %dma_wait3A_1025 = tpu.memref_slice %arg5[%dma_wait3A_1023, %dma_wait3A_1024] : memref<208x512xf32, #tpu.memory_space<vmem>> -> memref<104x512xf32, #tpu.memory_space<vmem>>
      tpu.wait_dma2 semaphore(%arg7 : memref<!tpu.dma_semaphore, #tpu.memory_space<semaphore_mem>>) src(%dma_wait3A_1025 : memref<104x512xf32, #tpu.memory_space<vmem>>) dst(%dma_wait3A_1022 : memref<104x512xf32, #tpu.memory_space<hbm>>)
      %dma_wait3A_1026 = arith.constant 0 : i32
      %dma_wait3A_1027 = arith.constant 0 : i32
      %dma_wait3A_1028 = tpu.memref_slice %arg5[%dma_wait3A_1026, %dma_wait3A_1027] : memref<208x512xf32, #tpu.memory_space<vmem>> -> memref<104x512xf32, #tpu.memory_space<vmem>>
      %dma_wait3A_1029 = arith.constant 11776 : i32
      %dma_wait3A_1030 = tpu.memref_slice %arg3[%add3A_298, %dma_wait3A_1029] : memref<6592x16384xf32, #tpu.memory_space<hbm>> -> memref<104x512xf32, #tpu.memory_space<hbm>>
      %dma_wait3A_1031 = arith.constant 11776 : i32
      %dma_wait3A_1032 = tpu.memref_slice %arg3[%add3A_298, %dma_wait3A_1031] : memref<6592x16384xf32, #tpu.memory_space<hbm>> -> memref<104x512xf32, #tpu.memory_space<hbm>>
      %dma_wait3A_1033 = arith.constant 0 : i32
      %dma_wait3A_1034 = arith.constant 0 : i32
      %dma_wait3A_1035 = tpu.memref_slice %arg5[%dma_wait3A_1033, %dma_wait3A_1034] : memref<208x512xf32, #tpu.memory_space<vmem>> -> memref<104x512xf32, #tpu.memory_space<vmem>>
      tpu.wait_dma2 semaphore(%arg7 : memref<!tpu.dma_semaphore, #tpu.memory_space<semaphore_mem>>) src(%dma_wait3A_1035 : memref<104x512xf32, #tpu.memory_space<vmem>>) dst(%dma_wait3A_1032 : memref<104x512xf32, #tpu.memory_space<hbm>>)
      %dma_wait3A_1036 = arith.constant 0 : i32
      %dma_wait3A_1037 = arith.constant 0 : i32
      %dma_wait3A_1038 = tpu.memref_slice %arg5[%dma_wait3A_1036, %dma_wait3A_1037] : memref<208x512xf32, #tpu.memory_space<vmem>> -> memref<104x512xf32, #tpu.memory_space<vmem>>
      %dma_wait3A_1039 = arith.constant 12288 : i32
      %dma_wait3A_1040 = tpu.memref_slice %arg3[%add3A_310, %dma_wait3A_1039] : memref<6592x16384xf32, #tpu.memory_space<hbm>> -> memref<104x512xf32, #tpu.memory_space<hbm>>
      %dma_wait3A_1041 = arith.constant 12288 : i32
      %dma_wait3A_1042 = tpu.memref_slice %arg3[%add3A_310, %dma_wait3A_1041] : memref<6592x16384xf32, #tpu.memory_space<hbm>> -> memref<104x512xf32, #tpu.memory_space<hbm>>
      %dma_wait3A_1043 = arith.constant 0 : i32
      %dma_wait3A_1044 = arith.constant 0 : i32
      %dma_wait3A_1045 = tpu.memref_slice %arg5[%dma_wait3A_1043, %dma_wait3A_1044] : memref<208x512xf32, #tpu.memory_space<vmem>> -> memref<104x512xf32, #tpu.memory_space<vmem>>
      tpu.wait_dma2 semaphore(%arg7 : memref<!tpu.dma_semaphore, #tpu.memory_space<semaphore_mem>>) src(%dma_wait3A_1045 : memref<104x512xf32, #tpu.memory_space<vmem>>) dst(%dma_wait3A_1042 : memref<104x512xf32, #tpu.memory_space<hbm>>)
      %dma_wait3A_1046 = arith.constant 0 : i32
      %dma_wait3A_1047 = arith.constant 0 : i32
      %dma_wait3A_1048 = tpu.memref_slice %arg5[%dma_wait3A_1046, %dma_wait3A_1047] : memref<208x512xf32, #tpu.memory_space<vmem>> -> memref<104x512xf32, #tpu.memory_space<vmem>>
      %dma_wait3A_1049 = arith.constant 12800 : i32
      %dma_wait3A_1050 = tpu.memref_slice %arg3[%add3A_322, %dma_wait3A_1049] : memref<6592x16384xf32, #tpu.memory_space<hbm>> -> memref<104x512xf32, #tpu.memory_space<hbm>>
      %dma_wait3A_1051 = arith.constant 12800 : i32
      %dma_wait3A_1052 = tpu.memref_slice %arg3[%add3A_322, %dma_wait3A_1051] : memref<6592x16384xf32, #tpu.memory_space<hbm>> -> memref<104x512xf32, #tpu.memory_space<hbm>>
      %dma_wait3A_1053 = arith.constant 0 : i32
      %dma_wait3A_1054 = arith.constant 0 : i32
      %dma_wait3A_1055 = tpu.memref_slice %arg5[%dma_wait3A_1053, %dma_wait3A_1054] : memref<208x512xf32, #tpu.memory_space<vmem>> -> memref<104x512xf32, #tpu.memory_space<vmem>>
      tpu.wait_dma2 semaphore(%arg7 : memref<!tpu.dma_semaphore, #tpu.memory_space<semaphore_mem>>) src(%dma_wait3A_1055 : memref<104x512xf32, #tpu.memory_space<vmem>>) dst(%dma_wait3A_1052 : memref<104x512xf32, #tpu.memory_space<hbm>>)
      %dma_wait3A_1056 = arith.constant 0 : i32
      %dma_wait3A_1057 = arith.constant 0 : i32
      %dma_wait3A_1058 = tpu.memref_slice %arg5[%dma_wait3A_1056, %dma_wait3A_1057] : memref<208x512xf32, #tpu.memory_space<vmem>> -> memref<104x512xf32, #tpu.memory_space<vmem>>
      %dma_wait3A_1059 = arith.constant 13312 : i32
      %dma_wait3A_1060 = tpu.memref_slice %arg3[%add3A_334, %dma_wait3A_1059] : memref<6592x16384xf32, #tpu.memory_space<hbm>> -> memref<104x512xf32, #tpu.memory_space<hbm>>
      %dma_wait3A_1061 = arith.constant 13312 : i32
      %dma_wait3A_1062 = tpu.memref_slice %arg3[%add3A_334, %dma_wait3A_1061] : memref<6592x16384xf32, #tpu.memory_space<hbm>> -> memref<104x512xf32, #tpu.memory_space<hbm>>
      %dma_wait3A_1063 = arith.constant 0 : i32
      %dma_wait3A_1064 = arith.constant 0 : i32
      %dma_wait3A_1065 = tpu.memref_slice %arg5[%dma_wait3A_1063, %dma_wait3A_1064] : memref<208x512xf32, #tpu.memory_space<vmem>> -> memref<104x512xf32, #tpu.memory_space<vmem>>
      tpu.wait_dma2 semaphore(%arg7 : memref<!tpu.dma_semaphore, #tpu.memory_space<semaphore_mem>>) src(%dma_wait3A_1065 : memref<104x512xf32, #tpu.memory_space<vmem>>) dst(%dma_wait3A_1062 : memref<104x512xf32, #tpu.memory_space<hbm>>)
      %dma_wait3A_1066 = arith.constant 0 : i32
      %dma_wait3A_1067 = arith.constant 0 : i32
      %dma_wait3A_1068 = tpu.memref_slice %arg5[%dma_wait3A_1066, %dma_wait3A_1067] : memref<208x512xf32, #tpu.memory_space<vmem>> -> memref<104x512xf32, #tpu.memory_space<vmem>>
      %dma_wait3A_1069 = arith.constant 13824 : i32
      %dma_wait3A_1070 = tpu.memref_slice %arg3[%add3A_346, %dma_wait3A_1069] : memref<6592x16384xf32, #tpu.memory_space<hbm>> -> memref<104x512xf32, #tpu.memory_space<hbm>>
      %dma_wait3A_1071 = arith.constant 13824 : i32
      %dma_wait3A_1072 = tpu.memref_slice %arg3[%add3A_346, %dma_wait3A_1071] : memref<6592x16384xf32, #tpu.memory_space<hbm>> -> memref<104x512xf32, #tpu.memory_space<hbm>>
      %dma_wait3A_1073 = arith.constant 0 : i32
      %dma_wait3A_1074 = arith.constant 0 : i32
      %dma_wait3A_1075 = tpu.memref_slice %arg5[%dma_wait3A_1073, %dma_wait3A_1074] : memref<208x512xf32, #tpu.memory_space<vmem>> -> memref<104x512xf32, #tpu.memory_space<vmem>>
      tpu.wait_dma2 semaphore(%arg7 : memref<!tpu.dma_semaphore, #tpu.memory_space<semaphore_mem>>) src(%dma_wait3A_1075 : memref<104x512xf32, #tpu.memory_space<vmem>>) dst(%dma_wait3A_1072 : memref<104x512xf32, #tpu.memory_space<hbm>>)
      %dma_wait3A_1076 = arith.constant 0 : i32
      %dma_wait3A_1077 = arith.constant 0 : i32
      %dma_wait3A_1078 = tpu.memref_slice %arg5[%dma_wait3A_1076, %dma_wait3A_1077] : memref<208x512xf32, #tpu.memory_space<vmem>> -> memref<104x512xf32, #tpu.memory_space<vmem>>
      %dma_wait3A_1079 = arith.constant 14336 : i32
      %dma_wait3A_1080 = tpu.memref_slice %arg3[%add3A_358, %dma_wait3A_1079] : memref<6592x16384xf32, #tpu.memory_space<hbm>> -> memref<104x512xf32, #tpu.memory_space<hbm>>
      %dma_wait3A_1081 = arith.constant 14336 : i32
      %dma_wait3A_1082 = tpu.memref_slice %arg3[%add3A_358, %dma_wait3A_1081] : memref<6592x16384xf32, #tpu.memory_space<hbm>> -> memref<104x512xf32, #tpu.memory_space<hbm>>
      %dma_wait3A_1083 = arith.constant 0 : i32
      %dma_wait3A_1084 = arith.constant 0 : i32
      %dma_wait3A_1085 = tpu.memref_slice %arg5[%dma_wait3A_1083, %dma_wait3A_1084] : memref<208x512xf32, #tpu.memory_space<vmem>> -> memref<104x512xf32, #tpu.memory_space<vmem>>
      tpu.wait_dma2 semaphore(%arg7 : memref<!tpu.dma_semaphore, #tpu.memory_space<semaphore_mem>>) src(%dma_wait3A_1085 : memref<104x512xf32, #tpu.memory_space<vmem>>) dst(%dma_wait3A_1082 : memref<104x512xf32, #tpu.memory_space<hbm>>)
      %dma_wait3A_1086 = arith.constant 0 : i32
      %dma_wait3A_1087 = arith.constant 0 : i32
      %dma_wait3A_1088 = tpu.memref_slice %arg5[%dma_wait3A_1086, %dma_wait3A_1087] : memref<208x512xf32, #tpu.memory_space<vmem>> -> memref<104x512xf32, #tpu.memory_space<vmem>>
      %dma_wait3A_1089 = arith.constant 14848 : i32
      %dma_wait3A_1090 = tpu.memref_slice %arg3[%add3A_370, %dma_wait3A_1089] : memref<6592x16384xf32, #tpu.memory_space<hbm>> -> memref<104x512xf32, #tpu.memory_space<hbm>>
      %dma_wait3A_1091 = arith.constant 14848 : i32
      %dma_wait3A_1092 = tpu.memref_slice %arg3[%add3A_370, %dma_wait3A_1091] : memref<6592x16384xf32, #tpu.memory_space<hbm>> -> memref<104x512xf32, #tpu.memory_space<hbm>>
      %dma_wait3A_1093 = arith.constant 0 : i32
      %dma_wait3A_1094 = arith.constant 0 : i32
      %dma_wait3A_1095 = tpu.memref_slice %arg5[%dma_wait3A_1093, %dma_wait3A_1094] : memref<208x512xf32, #tpu.memory_space<vmem>> -> memref<104x512xf32, #tpu.memory_space<vmem>>
      tpu.wait_dma2 semaphore(%arg7 : memref<!tpu.dma_semaphore, #tpu.memory_space<semaphore_mem>>) src(%dma_wait3A_1095 : memref<104x512xf32, #tpu.memory_space<vmem>>) dst(%dma_wait3A_1092 : memref<104x512xf32, #tpu.memory_space<hbm>>)
      %dma_wait3A_1096 = arith.constant 0 : i32
      %dma_wait3A_1097 = arith.constant 0 : i32
      %dma_wait3A_1098 = tpu.memref_slice %arg5[%dma_wait3A_1096, %dma_wait3A_1097] : memref<208x512xf32, #tpu.memory_space<vmem>> -> memref<104x512xf32, #tpu.memory_space<vmem>>
      %dma_wait3A_1099 = arith.constant 15360 : i32
      %dma_wait3A_1100 = tpu.memref_slice %arg3[%add3A_382, %dma_wait3A_1099] : memref<6592x16384xf32, #tpu.memory_space<hbm>> -> memref<104x512xf32, #tpu.memory_space<hbm>>
      %dma_wait3A_1101 = arith.constant 15360 : i32
      %dma_wait3A_1102 = tpu.memref_slice %arg3[%add3A_382, %dma_wait3A_1101] : memref<6592x16384xf32, #tpu.memory_space<hbm>> -> memref<104x512xf32, #tpu.memory_space<hbm>>
      %dma_wait3A_1103 = arith.constant 0 : i32
      %dma_wait3A_1104 = arith.constant 0 : i32
      %dma_wait3A_1105 = tpu.memref_slice %arg5[%dma_wait3A_1103, %dma_wait3A_1104] : memref<208x512xf32, #tpu.memory_space<vmem>> -> memref<104x512xf32, #tpu.memory_space<vmem>>
      tpu.wait_dma2 semaphore(%arg7 : memref<!tpu.dma_semaphore, #tpu.memory_space<semaphore_mem>>) src(%dma_wait3A_1105 : memref<104x512xf32, #tpu.memory_space<vmem>>) dst(%dma_wait3A_1102 : memref<104x512xf32, #tpu.memory_space<hbm>>)
      %dma_wait3A_1106 = arith.constant 0 : i32
      %dma_wait3A_1107 = arith.constant 0 : i32
      %dma_wait3A_1108 = tpu.memref_slice %arg5[%dma_wait3A_1106, %dma_wait3A_1107] : memref<208x512xf32, #tpu.memory_space<vmem>> -> memref<104x512xf32, #tpu.memory_space<vmem>>
      %dma_wait3A_1109 = arith.constant 15872 : i32
      %dma_wait3A_1110 = tpu.memref_slice %arg3[%add3A_394, %dma_wait3A_1109] : memref<6592x16384xf32, #tpu.memory_space<hbm>> -> memref<104x512xf32, #tpu.memory_space<hbm>>
      %dma_wait3A_1111 = arith.constant 15872 : i32
      %dma_wait3A_1112 = tpu.memref_slice %arg3[%add3A_394, %dma_wait3A_1111] : memref<6592x16384xf32, #tpu.memory_space<hbm>> -> memref<104x512xf32, #tpu.memory_space<hbm>>
      %dma_wait3A_1113 = arith.constant 0 : i32
      %dma_wait3A_1114 = arith.constant 0 : i32
      %dma_wait3A_1115 = tpu.memref_slice %arg5[%dma_wait3A_1113, %dma_wait3A_1114] : memref<208x512xf32, #tpu.memory_space<vmem>> -> memref<104x512xf32, #tpu.memory_space<vmem>>
      tpu.wait_dma2 semaphore(%arg7 : memref<!tpu.dma_semaphore, #tpu.memory_space<semaphore_mem>>) src(%dma_wait3A_1115 : memref<104x512xf32, #tpu.memory_space<vmem>>) dst(%dma_wait3A_1112 : memref<104x512xf32, #tpu.memory_space<hbm>>)
      %dma_wait3A_1116 = arith.constant 104 : i32
      %dma_wait3A_1117 = arith.constant 0 : i32
      %dma_wait3A_1118 = tpu.memref_slice %arg5[%dma_wait3A_1116, %dma_wait3A_1117] : memref<208x512xf32, #tpu.memory_space<vmem>> -> memref<40x512xf32, #tpu.memory_space<vmem>>
      %dma_wait3A_1119 = arith.constant 0 : i32
      %dma_wait3A_1120 = tpu.memref_slice %arg3[%add3A_413, %dma_wait3A_1119] : memref<6592x16384xf32, #tpu.memory_space<hbm>> -> memref<40x512xf32, #tpu.memory_space<hbm>>
      %dma_wait3A_1121 = arith.constant 0 : i32
      %dma_wait3A_1122 = tpu.memref_slice %arg3[%add3A_413, %dma_wait3A_1121] : memref<6592x16384xf32, #tpu.memory_space<hbm>> -> memref<40x512xf32, #tpu.memory_space<hbm>>
      %dma_wait3A_1123 = arith.constant 104 : i32
      %dma_wait3A_1124 = arith.constant 0 : i32
      %dma_wait3A_1125 = tpu.memref_slice %arg5[%dma_wait3A_1123, %dma_wait3A_1124] : memref<208x512xf32, #tpu.memory_space<vmem>> -> memref<40x512xf32, #tpu.memory_space<vmem>>
      tpu.wait_dma2 semaphore(%arg7 : memref<!tpu.dma_semaphore, #tpu.memory_space<semaphore_mem>>) src(%dma_wait3A_1125 : memref<40x512xf32, #tpu.memory_space<vmem>>) dst(%dma_wait3A_1122 : memref<40x512xf32, #tpu.memory_space<hbm>>)
      %dma_wait3A_1126 = arith.constant 104 : i32
      %dma_wait3A_1127 = arith.constant 0 : i32
      %dma_wait3A_1128 = tpu.memref_slice %arg5[%dma_wait3A_1126, %dma_wait3A_1127] : memref<208x512xf32, #tpu.memory_space<vmem>> -> memref<40x512xf32, #tpu.memory_space<vmem>>
      %dma_wait3A_1129 = arith.constant 512 : i32
      %dma_wait3A_1130 = tpu.memref_slice %arg3[%add3A_425, %dma_wait3A_1129] : memref<6592x16384xf32, #tpu.memory_space<hbm>> -> memref<40x512xf32, #tpu.memory_space<hbm>>
      %dma_wait3A_1131 = arith.constant 512 : i32
      %dma_wait3A_1132 = tpu.memref_slice %arg3[%add3A_425, %dma_wait3A_1131] : memref<6592x16384xf32, #tpu.memory_space<hbm>> -> memref<40x512xf32, #tpu.memory_space<hbm>>
      %dma_wait3A_1133 = arith.constant 104 : i32
      %dma_wait3A_1134 = arith.constant 0 : i32
      %dma_wait3A_1135 = tpu.memref_slice %arg5[%dma_wait3A_1133, %dma_wait3A_1134] : memref<208x512xf32, #tpu.memory_space<vmem>> -> memref<40x512xf32, #tpu.memory_space<vmem>>
      tpu.wait_dma2 semaphore(%arg7 : memref<!tpu.dma_semaphore, #tpu.memory_space<semaphore_mem>>) src(%dma_wait3A_1135 : memref<40x512xf32, #tpu.memory_space<vmem>>) dst(%dma_wait3A_1132 : memref<40x512xf32, #tpu.memory_space<hbm>>)
      %dma_wait3A_1136 = arith.constant 104 : i32
      %dma_wait3A_1137 = arith.constant 0 : i32
      %dma_wait3A_1138 = tpu.memref_slice %arg5[%dma_wait3A_1136, %dma_wait3A_1137] : memref<208x512xf32, #tpu.memory_space<vmem>> -> memref<40x512xf32, #tpu.memory_space<vmem>>
      %dma_wait3A_1139 = arith.constant 1024 : i32
      %dma_wait3A_1140 = tpu.memref_slice %arg3[%add3A_437, %dma_wait3A_1139] : memref<6592x16384xf32, #tpu.memory_space<hbm>> -> memref<40x512xf32, #tpu.memory_space<hbm>>
      %dma_wait3A_1141 = arith.constant 1024 : i32
      %dma_wait3A_1142 = tpu.memref_slice %arg3[%add3A_437, %dma_wait3A_1141] : memref<6592x16384xf32, #tpu.memory_space<hbm>> -> memref<40x512xf32, #tpu.memory_space<hbm>>
      %dma_wait3A_1143 = arith.constant 104 : i32
      %dma_wait3A_1144 = arith.constant 0 : i32
      %dma_wait3A_1145 = tpu.memref_slice %arg5[%dma_wait3A_1143, %dma_wait3A_1144] : memref<208x512xf32, #tpu.memory_space<vmem>> -> memref<40x512xf32, #tpu.memory_space<vmem>>
      tpu.wait_dma2 semaphore(%arg7 : memref<!tpu.dma_semaphore, #tpu.memory_space<semaphore_mem>>) src(%dma_wait3A_1145 : memref<40x512xf32, #tpu.memory_space<vmem>>) dst(%dma_wait3A_1142 : memref<40x512xf32, #tpu.memory_space<hbm>>)
      %dma_wait3A_1146 = arith.constant 104 : i32
      %dma_wait3A_1147 = arith.constant 0 : i32
      %dma_wait3A_1148 = tpu.memref_slice %arg5[%dma_wait3A_1146, %dma_wait3A_1147] : memref<208x512xf32, #tpu.memory_space<vmem>> -> memref<40x512xf32, #tpu.memory_space<vmem>>
      %dma_wait3A_1149 = arith.constant 1536 : i32
      %dma_wait3A_1150 = tpu.memref_slice %arg3[%add3A_449, %dma_wait3A_1149] : memref<6592x16384xf32, #tpu.memory_space<hbm>> -> memref<40x512xf32, #tpu.memory_space<hbm>>
      %dma_wait3A_1151 = arith.constant 1536 : i32
      %dma_wait3A_1152 = tpu.memref_slice %arg3[%add3A_449, %dma_wait3A_1151] : memref<6592x16384xf32, #tpu.memory_space<hbm>> -> memref<40x512xf32, #tpu.memory_space<hbm>>
      %dma_wait3A_1153 = arith.constant 104 : i32
      %dma_wait3A_1154 = arith.constant 0 : i32
      %dma_wait3A_1155 = tpu.memref_slice %arg5[%dma_wait3A_1153, %dma_wait3A_1154] : memref<208x512xf32, #tpu.memory_space<vmem>> -> memref<40x512xf32, #tpu.memory_space<vmem>>
      tpu.wait_dma2 semaphore(%arg7 : memref<!tpu.dma_semaphore, #tpu.memory_space<semaphore_mem>>) src(%dma_wait3A_1155 : memref<40x512xf32, #tpu.memory_space<vmem>>) dst(%dma_wait3A_1152 : memref<40x512xf32, #tpu.memory_space<hbm>>)
      %dma_wait3A_1156 = arith.constant 104 : i32
      %dma_wait3A_1157 = arith.constant 0 : i32
      %dma_wait3A_1158 = tpu.memref_slice %arg5[%dma_wait3A_1156, %dma_wait3A_1157] : memref<208x512xf32, #tpu.memory_space<vmem>> -> memref<40x512xf32, #tpu.memory_space<vmem>>
      %dma_wait3A_1159 = arith.constant 2048 : i32
      %dma_wait3A_1160 = tpu.memref_slice %arg3[%add3A_461, %dma_wait3A_1159] : memref<6592x16384xf32, #tpu.memory_space<hbm>> -> memref<40x512xf32, #tpu.memory_space<hbm>>
      %dma_wait3A_1161 = arith.constant 2048 : i32
      %dma_wait3A_1162 = tpu.memref_slice %arg3[%add3A_461, %dma_wait3A_1161] : memref<6592x16384xf32, #tpu.memory_space<hbm>> -> memref<40x512xf32, #tpu.memory_space<hbm>>
      %dma_wait3A_1163 = arith.constant 104 : i32
      %dma_wait3A_1164 = arith.constant 0 : i32
      %dma_wait3A_1165 = tpu.memref_slice %arg5[%dma_wait3A_1163, %dma_wait3A_1164] : memref<208x512xf32, #tpu.memory_space<vmem>> -> memref<40x512xf32, #tpu.memory_space<vmem>>
      tpu.wait_dma2 semaphore(%arg7 : memref<!tpu.dma_semaphore, #tpu.memory_space<semaphore_mem>>) src(%dma_wait3A_1165 : memref<40x512xf32, #tpu.memory_space<vmem>>) dst(%dma_wait3A_1162 : memref<40x512xf32, #tpu.memory_space<hbm>>)
      %dma_wait3A_1166 = arith.constant 104 : i32
      %dma_wait3A_1167 = arith.constant 0 : i32
      %dma_wait3A_1168 = tpu.memref_slice %arg5[%dma_wait3A_1166, %dma_wait3A_1167] : memref<208x512xf32, #tpu.memory_space<vmem>> -> memref<40x512xf32, #tpu.memory_space<vmem>>
      %dma_wait3A_1169 = arith.constant 2560 : i32
      %dma_wait3A_1170 = tpu.memref_slice %arg3[%add3A_473, %dma_wait3A_1169] : memref<6592x16384xf32, #tpu.memory_space<hbm>> -> memref<40x512xf32, #tpu.memory_space<hbm>>
      %dma_wait3A_1171 = arith.constant 2560 : i32
      %dma_wait3A_1172 = tpu.memref_slice %arg3[%add3A_473, %dma_wait3A_1171] : memref<6592x16384xf32, #tpu.memory_space<hbm>> -> memref<40x512xf32, #tpu.memory_space<hbm>>
      %dma_wait3A_1173 = arith.constant 104 : i32
      %dma_wait3A_1174 = arith.constant 0 : i32
      %dma_wait3A_1175 = tpu.memref_slice %arg5[%dma_wait3A_1173, %dma_wait3A_1174] : memref<208x512xf32, #tpu.memory_space<vmem>> -> memref<40x512xf32, #tpu.memory_space<vmem>>
      tpu.wait_dma2 semaphore(%arg7 : memref<!tpu.dma_semaphore, #tpu.memory_space<semaphore_mem>>) src(%dma_wait3A_1175 : memref<40x512xf32, #tpu.memory_space<vmem>>) dst(%dma_wait3A_1172 : memref<40x512xf32, #tpu.memory_space<hbm>>)
      %dma_wait3A_1176 = arith.constant 104 : i32
      %dma_wait3A_1177 = arith.constant 0 : i32
      %dma_wait3A_1178 = tpu.memref_slice %arg5[%dma_wait3A_1176, %dma_wait3A_1177] : memref<208x512xf32, #tpu.memory_space<vmem>> -> memref<40x512xf32, #tpu.memory_space<vmem>>
      %dma_wait3A_1179 = arith.constant 3072 : i32
      %dma_wait3A_1180 = tpu.memref_slice %arg3[%add3A_485, %dma_wait3A_1179] : memref<6592x16384xf32, #tpu.memory_space<hbm>> -> memref<40x512xf32, #tpu.memory_space<hbm>>
      %dma_wait3A_1181 = arith.constant 3072 : i32
      %dma_wait3A_1182 = tpu.memref_slice %arg3[%add3A_485, %dma_wait3A_1181] : memref<6592x16384xf32, #tpu.memory_space<hbm>> -> memref<40x512xf32, #tpu.memory_space<hbm>>
      %dma_wait3A_1183 = arith.constant 104 : i32
      %dma_wait3A_1184 = arith.constant 0 : i32
      %dma_wait3A_1185 = tpu.memref_slice %arg5[%dma_wait3A_1183, %dma_wait3A_1184] : memref<208x512xf32, #tpu.memory_space<vmem>> -> memref<40x512xf32, #tpu.memory_space<vmem>>
      tpu.wait_dma2 semaphore(%arg7 : memref<!tpu.dma_semaphore, #tpu.memory_space<semaphore_mem>>) src(%dma_wait3A_1185 : memref<40x512xf32, #tpu.memory_space<vmem>>) dst(%dma_wait3A_1182 : memref<40x512xf32, #tpu.memory_space<hbm>>)
      %dma_wait3A_1186 = arith.constant 104 : i32
      %dma_wait3A_1187 = arith.constant 0 : i32
      %dma_wait3A_1188 = tpu.memref_slice %arg5[%dma_wait3A_1186, %dma_wait3A_1187] : memref<208x512xf32, #tpu.memory_space<vmem>> -> memref<40x512xf32, #tpu.memory_space<vmem>>
      %dma_wait3A_1189 = arith.constant 3584 : i32
      %dma_wait3A_1190 = tpu.memref_slice %arg3[%add3A_497, %dma_wait3A_1189] : memref<6592x16384xf32, #tpu.memory_space<hbm>> -> memref<40x512xf32, #tpu.memory_space<hbm>>
      %dma_wait3A_1191 = arith.constant 3584 : i32
      %dma_wait3A_1192 = tpu.memref_slice %arg3[%add3A_497, %dma_wait3A_1191] : memref<6592x16384xf32, #tpu.memory_space<hbm>> -> memref<40x512xf32, #tpu.memory_space<hbm>>
      %dma_wait3A_1193 = arith.constant 104 : i32
      %dma_wait3A_1194 = arith.constant 0 : i32
      %dma_wait3A_1195 = tpu.memref_slice %arg5[%dma_wait3A_1193, %dma_wait3A_1194] : memref<208x512xf32, #tpu.memory_space<vmem>> -> memref<40x512xf32, #tpu.memory_space<vmem>>
      tpu.wait_dma2 semaphore(%arg7 : memref<!tpu.dma_semaphore, #tpu.memory_space<semaphore_mem>>) src(%dma_wait3A_1195 : memref<40x512xf32, #tpu.memory_space<vmem>>) dst(%dma_wait3A_1192 : memref<40x512xf32, #tpu.memory_space<hbm>>)
      %dma_wait3A_1196 = arith.constant 104 : i32
      %dma_wait3A_1197 = arith.constant 0 : i32
      %dma_wait3A_1198 = tpu.memref_slice %arg5[%dma_wait3A_1196, %dma_wait3A_1197] : memref<208x512xf32, #tpu.memory_space<vmem>> -> memref<40x512xf32, #tpu.memory_space<vmem>>
      %dma_wait3A_1199 = arith.constant 4096 : i32
      %dma_wait3A_1200 = tpu.memref_slice %arg3[%add3A_509, %dma_wait3A_1199] : memref<6592x16384xf32, #tpu.memory_space<hbm>> -> memref<40x512xf32, #tpu.memory_space<hbm>>
      %dma_wait3A_1201 = arith.constant 4096 : i32
      %dma_wait3A_1202 = tpu.memref_slice %arg3[%add3A_509, %dma_wait3A_1201] : memref<6592x16384xf32, #tpu.memory_space<hbm>> -> memref<40x512xf32, #tpu.memory_space<hbm>>
      %dma_wait3A_1203 = arith.constant 104 : i32
      %dma_wait3A_1204 = arith.constant 0 : i32
      %dma_wait3A_1205 = tpu.memref_slice %arg5[%dma_wait3A_1203, %dma_wait3A_1204] : memref<208x512xf32, #tpu.memory_space<vmem>> -> memref<40x512xf32, #tpu.memory_space<vmem>>
      tpu.wait_dma2 semaphore(%arg7 : memref<!tpu.dma_semaphore, #tpu.memory_space<semaphore_mem>>) src(%dma_wait3A_1205 : memref<40x512xf32, #tpu.memory_space<vmem>>) dst(%dma_wait3A_1202 : memref<40x512xf32, #tpu.memory_space<hbm>>)
      %dma_wait3A_1206 = arith.constant 104 : i32
      %dma_wait3A_1207 = arith.constant 0 : i32
      %dma_wait3A_1208 = tpu.memref_slice %arg5[%dma_wait3A_1206, %dma_wait3A_1207] : memref<208x512xf32, #tpu.memory_space<vmem>> -> memref<40x512xf32, #tpu.memory_space<vmem>>
      %dma_wait3A_1209 = arith.constant 4608 : i32
      %dma_wait3A_1210 = tpu.memref_slice %arg3[%add3A_521, %dma_wait3A_1209] : memref<6592x16384xf32, #tpu.memory_space<hbm>> -> memref<40x512xf32, #tpu.memory_space<hbm>>
      %dma_wait3A_1211 = arith.constant 4608 : i32
      %dma_wait3A_1212 = tpu.memref_slice %arg3[%add3A_521, %dma_wait3A_1211] : memref<6592x16384xf32, #tpu.memory_space<hbm>> -> memref<40x512xf32, #tpu.memory_space<hbm>>
      %dma_wait3A_1213 = arith.constant 104 : i32
      %dma_wait3A_1214 = arith.constant 0 : i32
      %dma_wait3A_1215 = tpu.memref_slice %arg5[%dma_wait3A_1213, %dma_wait3A_1214] : memref<208x512xf32, #tpu.memory_space<vmem>> -> memref<40x512xf32, #tpu.memory_space<vmem>>
      tpu.wait_dma2 semaphore(%arg7 : memref<!tpu.dma_semaphore, #tpu.memory_space<semaphore_mem>>) src(%dma_wait3A_1215 : memref<40x512xf32, #tpu.memory_space<vmem>>) dst(%dma_wait3A_1212 : memref<40x512xf32, #tpu.memory_space<hbm>>)
      %dma_wait3A_1216 = arith.constant 104 : i32
      %dma_wait3A_1217 = arith.constant 0 : i32
      %dma_wait3A_1218 = tpu.memref_slice %arg5[%dma_wait3A_1216, %dma_wait3A_1217] : memref<208x512xf32, #tpu.memory_space<vmem>> -> memref<40x512xf32, #tpu.memory_space<vmem>>
      %dma_wait3A_1219 = arith.constant 5120 : i32
      %dma_wait3A_1220 = tpu.memref_slice %arg3[%add3A_533, %dma_wait3A_1219] : memref<6592x16384xf32, #tpu.memory_space<hbm>> -> memref<40x512xf32, #tpu.memory_space<hbm>>
      %dma_wait3A_1221 = arith.constant 5120 : i32
      %dma_wait3A_1222 = tpu.memref_slice %arg3[%add3A_533, %dma_wait3A_1221] : memref<6592x16384xf32, #tpu.memory_space<hbm>> -> memref<40x512xf32, #tpu.memory_space<hbm>>
      %dma_wait3A_1223 = arith.constant 104 : i32
      %dma_wait3A_1224 = arith.constant 0 : i32
      %dma_wait3A_1225 = tpu.memref_slice %arg5[%dma_wait3A_1223, %dma_wait3A_1224] : memref<208x512xf32, #tpu.memory_space<vmem>> -> memref<40x512xf32, #tpu.memory_space<vmem>>
      tpu.wait_dma2 semaphore(%arg7 : memref<!tpu.dma_semaphore, #tpu.memory_space<semaphore_mem>>) src(%dma_wait3A_1225 : memref<40x512xf32, #tpu.memory_space<vmem>>) dst(%dma_wait3A_1222 : memref<40x512xf32, #tpu.memory_space<hbm>>)
      %dma_wait3A_1226 = arith.constant 104 : i32
      %dma_wait3A_1227 = arith.constant 0 : i32
      %dma_wait3A_1228 = tpu.memref_slice %arg5[%dma_wait3A_1226, %dma_wait3A_1227] : memref<208x512xf32, #tpu.memory_space<vmem>> -> memref<40x512xf32, #tpu.memory_space<vmem>>
      %dma_wait3A_1229 = arith.constant 5632 : i32
      %dma_wait3A_1230 = tpu.memref_slice %arg3[%add3A_545, %dma_wait3A_1229] : memref<6592x16384xf32, #tpu.memory_space<hbm>> -> memref<40x512xf32, #tpu.memory_space<hbm>>
      %dma_wait3A_1231 = arith.constant 5632 : i32
      %dma_wait3A_1232 = tpu.memref_slice %arg3[%add3A_545, %dma_wait3A_1231] : memref<6592x16384xf32, #tpu.memory_space<hbm>> -> memref<40x512xf32, #tpu.memory_space<hbm>>
      %dma_wait3A_1233 = arith.constant 104 : i32
      %dma_wait3A_1234 = arith.constant 0 : i32
      %dma_wait3A_1235 = tpu.memref_slice %arg5[%dma_wait3A_1233, %dma_wait3A_1234] : memref<208x512xf32, #tpu.memory_space<vmem>> -> memref<40x512xf32, #tpu.memory_space<vmem>>
      tpu.wait_dma2 semaphore(%arg7 : memref<!tpu.dma_semaphore, #tpu.memory_space<semaphore_mem>>) src(%dma_wait3A_1235 : memref<40x512xf32, #tpu.memory_space<vmem>>) dst(%dma_wait3A_1232 : memref<40x512xf32, #tpu.memory_space<hbm>>)
      %dma_wait3A_1236 = arith.constant 104 : i32
      %dma_wait3A_1237 = arith.constant 0 : i32
      %dma_wait3A_1238 = tpu.memref_slice %arg5[%dma_wait3A_1236, %dma_wait3A_1237] : memref<208x512xf32, #tpu.memory_space<vmem>> -> memref<40x512xf32, #tpu.memory_space<vmem>>
      %dma_wait3A_1239 = arith.constant 6144 : i32
      %dma_wait3A_1240 = tpu.memref_slice %arg3[%add3A_557, %dma_wait3A_1239] : memref<6592x16384xf32, #tpu.memory_space<hbm>> -> memref<40x512xf32, #tpu.memory_space<hbm>>
      %dma_wait3A_1241 = arith.constant 6144 : i32
      %dma_wait3A_1242 = tpu.memref_slice %arg3[%add3A_557, %dma_wait3A_1241] : memref<6592x16384xf32, #tpu.memory_space<hbm>> -> memref<40x512xf32, #tpu.memory_space<hbm>>
      %dma_wait3A_1243 = arith.constant 104 : i32
      %dma_wait3A_1244 = arith.constant 0 : i32
      %dma_wait3A_1245 = tpu.memref_slice %arg5[%dma_wait3A_1243, %dma_wait3A_1244] : memref<208x512xf32, #tpu.memory_space<vmem>> -> memref<40x512xf32, #tpu.memory_space<vmem>>
      tpu.wait_dma2 semaphore(%arg7 : memref<!tpu.dma_semaphore, #tpu.memory_space<semaphore_mem>>) src(%dma_wait3A_1245 : memref<40x512xf32, #tpu.memory_space<vmem>>) dst(%dma_wait3A_1242 : memref<40x512xf32, #tpu.memory_space<hbm>>)
      %dma_wait3A_1246 = arith.constant 104 : i32
      %dma_wait3A_1247 = arith.constant 0 : i32
      %dma_wait3A_1248 = tpu.memref_slice %arg5[%dma_wait3A_1246, %dma_wait3A_1247] : memref<208x512xf32, #tpu.memory_space<vmem>> -> memref<40x512xf32, #tpu.memory_space<vmem>>
      %dma_wait3A_1249 = arith.constant 6656 : i32
      %dma_wait3A_1250 = tpu.memref_slice %arg3[%add3A_569, %dma_wait3A_1249] : memref<6592x16384xf32, #tpu.memory_space<hbm>> -> memref<40x512xf32, #tpu.memory_space<hbm>>
      %dma_wait3A_1251 = arith.constant 6656 : i32
      %dma_wait3A_1252 = tpu.memref_slice %arg3[%add3A_569, %dma_wait3A_1251] : memref<6592x16384xf32, #tpu.memory_space<hbm>> -> memref<40x512xf32, #tpu.memory_space<hbm>>
      %dma_wait3A_1253 = arith.constant 104 : i32
      %dma_wait3A_1254 = arith.constant 0 : i32
      %dma_wait3A_1255 = tpu.memref_slice %arg5[%dma_wait3A_1253, %dma_wait3A_1254] : memref<208x512xf32, #tpu.memory_space<vmem>> -> memref<40x512xf32, #tpu.memory_space<vmem>>
      tpu.wait_dma2 semaphore(%arg7 : memref<!tpu.dma_semaphore, #tpu.memory_space<semaphore_mem>>) src(%dma_wait3A_1255 : memref<40x512xf32, #tpu.memory_space<vmem>>) dst(%dma_wait3A_1252 : memref<40x512xf32, #tpu.memory_space<hbm>>)
      %dma_wait3A_1256 = arith.constant 104 : i32
      %dma_wait3A_1257 = arith.constant 0 : i32
      %dma_wait3A_1258 = tpu.memref_slice %arg5[%dma_wait3A_1256, %dma_wait3A_1257] : memref<208x512xf32, #tpu.memory_space<vmem>> -> memref<40x512xf32, #tpu.memory_space<vmem>>
      %dma_wait3A_1259 = arith.constant 7168 : i32
      %dma_wait3A_1260 = tpu.memref_slice %arg3[%add3A_581, %dma_wait3A_1259] : memref<6592x16384xf32, #tpu.memory_space<hbm>> -> memref<40x512xf32, #tpu.memory_space<hbm>>
      %dma_wait3A_1261 = arith.constant 7168 : i32
      %dma_wait3A_1262 = tpu.memref_slice %arg3[%add3A_581, %dma_wait3A_1261] : memref<6592x16384xf32, #tpu.memory_space<hbm>> -> memref<40x512xf32, #tpu.memory_space<hbm>>
      %dma_wait3A_1263 = arith.constant 104 : i32
      %dma_wait3A_1264 = arith.constant 0 : i32
      %dma_wait3A_1265 = tpu.memref_slice %arg5[%dma_wait3A_1263, %dma_wait3A_1264] : memref<208x512xf32, #tpu.memory_space<vmem>> -> memref<40x512xf32, #tpu.memory_space<vmem>>
      tpu.wait_dma2 semaphore(%arg7 : memref<!tpu.dma_semaphore, #tpu.memory_space<semaphore_mem>>) src(%dma_wait3A_1265 : memref<40x512xf32, #tpu.memory_space<vmem>>) dst(%dma_wait3A_1262 : memref<40x512xf32, #tpu.memory_space<hbm>>)
      %dma_wait3A_1266 = arith.constant 104 : i32
      %dma_wait3A_1267 = arith.constant 0 : i32
      %dma_wait3A_1268 = tpu.memref_slice %arg5[%dma_wait3A_1266, %dma_wait3A_1267] : memref<208x512xf32, #tpu.memory_space<vmem>> -> memref<40x512xf32, #tpu.memory_space<vmem>>
      %dma_wait3A_1269 = arith.constant 7680 : i32
      %dma_wait3A_1270 = tpu.memref_slice %arg3[%add3A_593, %dma_wait3A_1269] : memref<6592x16384xf32, #tpu.memory_space<hbm>> -> memref<40x512xf32, #tpu.memory_space<hbm>>
      %dma_wait3A_1271 = arith.constant 7680 : i32
      %dma_wait3A_1272 = tpu.memref_slice %arg3[%add3A_593, %dma_wait3A_1271] : memref<6592x16384xf32, #tpu.memory_space<hbm>> -> memref<40x512xf32, #tpu.memory_space<hbm>>
      %dma_wait3A_1273 = arith.constant 104 : i32
      %dma_wait3A_1274 = arith.constant 0 : i32
      %dma_wait3A_1275 = tpu.memref_slice %arg5[%dma_wait3A_1273, %dma_wait3A_1274] : memref<208x512xf32, #tpu.memory_space<vmem>> -> memref<40x512xf32, #tpu.memory_space<vmem>>
      tpu.wait_dma2 semaphore(%arg7 : memref<!tpu.dma_semaphore, #tpu.memory_space<semaphore_mem>>) src(%dma_wait3A_1275 : memref<40x512xf32, #tpu.memory_space<vmem>>) dst(%dma_wait3A_1272 : memref<40x512xf32, #tpu.memory_space<hbm>>)
      %dma_wait3A_1276 = arith.constant 104 : i32
      %dma_wait3A_1277 = arith.constant 0 : i32
      %dma_wait3A_1278 = tpu.memref_slice %arg5[%dma_wait3A_1276, %dma_wait3A_1277] : memref<208x512xf32, #tpu.memory_space<vmem>> -> memref<40x512xf32, #tpu.memory_space<vmem>>
      %dma_wait3A_1279 = arith.constant 8192 : i32
      %dma_wait3A_1280 = tpu.memref_slice %arg3[%add3A_605, %dma_wait3A_1279] : memref<6592x16384xf32, #tpu.memory_space<hbm>> -> memref<40x512xf32, #tpu.memory_space<hbm>>
      %dma_wait3A_1281 = arith.constant 8192 : i32
      %dma_wait3A_1282 = tpu.memref_slice %arg3[%add3A_605, %dma_wait3A_1281] : memref<6592x16384xf32, #tpu.memory_space<hbm>> -> memref<40x512xf32, #tpu.memory_space<hbm>>
      %dma_wait3A_1283 = arith.constant 104 : i32
      %dma_wait3A_1284 = arith.constant 0 : i32
      %dma_wait3A_1285 = tpu.memref_slice %arg5[%dma_wait3A_1283, %dma_wait3A_1284] : memref<208x512xf32, #tpu.memory_space<vmem>> -> memref<40x512xf32, #tpu.memory_space<vmem>>
      tpu.wait_dma2 semaphore(%arg7 : memref<!tpu.dma_semaphore, #tpu.memory_space<semaphore_mem>>) src(%dma_wait3A_1285 : memref<40x512xf32, #tpu.memory_space<vmem>>) dst(%dma_wait3A_1282 : memref<40x512xf32, #tpu.memory_space<hbm>>)
      %dma_wait3A_1286 = arith.constant 104 : i32
      %dma_wait3A_1287 = arith.constant 0 : i32
      %dma_wait3A_1288 = tpu.memref_slice %arg5[%dma_wait3A_1286, %dma_wait3A_1287] : memref<208x512xf32, #tpu.memory_space<vmem>> -> memref<40x512xf32, #tpu.memory_space<vmem>>
      %dma_wait3A_1289 = arith.constant 8704 : i32
      %dma_wait3A_1290 = tpu.memref_slice %arg3[%add3A_617, %dma_wait3A_1289] : memref<6592x16384xf32, #tpu.memory_space<hbm>> -> memref<40x512xf32, #tpu.memory_space<hbm>>
      %dma_wait3A_1291 = arith.constant 8704 : i32
      %dma_wait3A_1292 = tpu.memref_slice %arg3[%add3A_617, %dma_wait3A_1291] : memref<6592x16384xf32, #tpu.memory_space<hbm>> -> memref<40x512xf32, #tpu.memory_space<hbm>>
      %dma_wait3A_1293 = arith.constant 104 : i32
      %dma_wait3A_1294 = arith.constant 0 : i32
      %dma_wait3A_1295 = tpu.memref_slice %arg5[%dma_wait3A_1293, %dma_wait3A_1294] : memref<208x512xf32, #tpu.memory_space<vmem>> -> memref<40x512xf32, #tpu.memory_space<vmem>>
      tpu.wait_dma2 semaphore(%arg7 : memref<!tpu.dma_semaphore, #tpu.memory_space<semaphore_mem>>) src(%dma_wait3A_1295 : memref<40x512xf32, #tpu.memory_space<vmem>>) dst(%dma_wait3A_1292 : memref<40x512xf32, #tpu.memory_space<hbm>>)
      %dma_wait3A_1296 = arith.constant 104 : i32
      %dma_wait3A_1297 = arith.constant 0 : i32
      %dma_wait3A_1298 = tpu.memref_slice %arg5[%dma_wait3A_1296, %dma_wait3A_1297] : memref<208x512xf32, #tpu.memory_space<vmem>> -> memref<40x512xf32, #tpu.memory_space<vmem>>
      %dma_wait3A_1299 = arith.constant 9216 : i32
      %dma_wait3A_1300 = tpu.memref_slice %arg3[%add3A_629, %dma_wait3A_1299] : memref<6592x16384xf32, #tpu.memory_space<hbm>> -> memref<40x512xf32, #tpu.memory_space<hbm>>
      %dma_wait3A_1301 = arith.constant 9216 : i32
      %dma_wait3A_1302 = tpu.memref_slice %arg3[%add3A_629, %dma_wait3A_1301] : memref<6592x16384xf32, #tpu.memory_space<hbm>> -> memref<40x512xf32, #tpu.memory_space<hbm>>
      %dma_wait3A_1303 = arith.constant 104 : i32
      %dma_wait3A_1304 = arith.constant 0 : i32
      %dma_wait3A_1305 = tpu.memref_slice %arg5[%dma_wait3A_1303, %dma_wait3A_1304] : memref<208x512xf32, #tpu.memory_space<vmem>> -> memref<40x512xf32, #tpu.memory_space<vmem>>
      tpu.wait_dma2 semaphore(%arg7 : memref<!tpu.dma_semaphore, #tpu.memory_space<semaphore_mem>>) src(%dma_wait3A_1305 : memref<40x512xf32, #tpu.memory_space<vmem>>) dst(%dma_wait3A_1302 : memref<40x512xf32, #tpu.memory_space<hbm>>)
      %dma_wait3A_1306 = arith.constant 104 : i32
      %dma_wait3A_1307 = arith.constant 0 : i32
      %dma_wait3A_1308 = tpu.memref_slice %arg5[%dma_wait3A_1306, %dma_wait3A_1307] : memref<208x512xf32, #tpu.memory_space<vmem>> -> memref<40x512xf32, #tpu.memory_space<vmem>>
      %dma_wait3A_1309 = arith.constant 9728 : i32
      %dma_wait3A_1310 = tpu.memref_slice %arg3[%add3A_641, %dma_wait3A_1309] : memref<6592x16384xf32, #tpu.memory_space<hbm>> -> memref<40x512xf32, #tpu.memory_space<hbm>>
      %dma_wait3A_1311 = arith.constant 9728 : i32
      %dma_wait3A_1312 = tpu.memref_slice %arg3[%add3A_641, %dma_wait3A_1311] : memref<6592x16384xf32, #tpu.memory_space<hbm>> -> memref<40x512xf32, #tpu.memory_space<hbm>>
      %dma_wait3A_1313 = arith.constant 104 : i32
      %dma_wait3A_1314 = arith.constant 0 : i32
      %dma_wait3A_1315 = tpu.memref_slice %arg5[%dma_wait3A_1313, %dma_wait3A_1314] : memref<208x512xf32, #tpu.memory_space<vmem>> -> memref<40x512xf32, #tpu.memory_space<vmem>>
      tpu.wait_dma2 semaphore(%arg7 : memref<!tpu.dma_semaphore, #tpu.memory_space<semaphore_mem>>) src(%dma_wait3A_1315 : memref<40x512xf32, #tpu.memory_space<vmem>>) dst(%dma_wait3A_1312 : memref<40x512xf32, #tpu.memory_space<hbm>>)
      %dma_wait3A_1316 = arith.constant 104 : i32
      %dma_wait3A_1317 = arith.constant 0 : i32
      %dma_wait3A_1318 = tpu.memref_slice %arg5[%dma_wait3A_1316, %dma_wait3A_1317] : memref<208x512xf32, #tpu.memory_space<vmem>> -> memref<40x512xf32, #tpu.memory_space<vmem>>
      %dma_wait3A_1319 = arith.constant 10240 : i32
      %dma_wait3A_1320 = tpu.memref_slice %arg3[%add3A_653, %dma_wait3A_1319] : memref<6592x16384xf32, #tpu.memory_space<hbm>> -> memref<40x512xf32, #tpu.memory_space<hbm>>
      %dma_wait3A_1321 = arith.constant 10240 : i32
      %dma_wait3A_1322 = tpu.memref_slice %arg3[%add3A_653, %dma_wait3A_1321] : memref<6592x16384xf32, #tpu.memory_space<hbm>> -> memref<40x512xf32, #tpu.memory_space<hbm>>
      %dma_wait3A_1323 = arith.constant 104 : i32
      %dma_wait3A_1324 = arith.constant 0 : i32
      %dma_wait3A_1325 = tpu.memref_slice %arg5[%dma_wait3A_1323, %dma_wait3A_1324] : memref<208x512xf32, #tpu.memory_space<vmem>> -> memref<40x512xf32, #tpu.memory_space<vmem>>
      tpu.wait_dma2 semaphore(%arg7 : memref<!tpu.dma_semaphore, #tpu.memory_space<semaphore_mem>>) src(%dma_wait3A_1325 : memref<40x512xf32, #tpu.memory_space<vmem>>) dst(%dma_wait3A_1322 : memref<40x512xf32, #tpu.memory_space<hbm>>)
      %dma_wait3A_1326 = arith.constant 104 : i32
      %dma_wait3A_1327 = arith.constant 0 : i32
      %dma_wait3A_1328 = tpu.memref_slice %arg5[%dma_wait3A_1326, %dma_wait3A_1327] : memref<208x512xf32, #tpu.memory_space<vmem>> -> memref<40x512xf32, #tpu.memory_space<vmem>>
      %dma_wait3A_1329 = arith.constant 10752 : i32
      %dma_wait3A_1330 = tpu.memref_slice %arg3[%add3A_665, %dma_wait3A_1329] : memref<6592x16384xf32, #tpu.memory_space<hbm>> -> memref<40x512xf32, #tpu.memory_space<hbm>>
      %dma_wait3A_1331 = arith.constant 10752 : i32
      %dma_wait3A_1332 = tpu.memref_slice %arg3[%add3A_665, %dma_wait3A_1331] : memref<6592x16384xf32, #tpu.memory_space<hbm>> -> memref<40x512xf32, #tpu.memory_space<hbm>>
      %dma_wait3A_1333 = arith.constant 104 : i32
      %dma_wait3A_1334 = arith.constant 0 : i32
      %dma_wait3A_1335 = tpu.memref_slice %arg5[%dma_wait3A_1333, %dma_wait3A_1334] : memref<208x512xf32, #tpu.memory_space<vmem>> -> memref<40x512xf32, #tpu.memory_space<vmem>>
      tpu.wait_dma2 semaphore(%arg7 : memref<!tpu.dma_semaphore, #tpu.memory_space<semaphore_mem>>) src(%dma_wait3A_1335 : memref<40x512xf32, #tpu.memory_space<vmem>>) dst(%dma_wait3A_1332 : memref<40x512xf32, #tpu.memory_space<hbm>>)
      %dma_wait3A_1336 = arith.constant 104 : i32
      %dma_wait3A_1337 = arith.constant 0 : i32
      %dma_wait3A_1338 = tpu.memref_slice %arg5[%dma_wait3A_1336, %dma_wait3A_1337] : memref<208x512xf32, #tpu.memory_space<vmem>> -> memref<40x512xf32, #tpu.memory_space<vmem>>
      %dma_wait3A_1339 = arith.constant 11264 : i32
      %dma_wait3A_1340 = tpu.memref_slice %arg3[%add3A_677, %dma_wait3A_1339] : memref<6592x16384xf32, #tpu.memory_space<hbm>> -> memref<40x512xf32, #tpu.memory_space<hbm>>
      %dma_wait3A_1341 = arith.constant 11264 : i32
      %dma_wait3A_1342 = tpu.memref_slice %arg3[%add3A_677, %dma_wait3A_1341] : memref<6592x16384xf32, #tpu.memory_space<hbm>> -> memref<40x512xf32, #tpu.memory_space<hbm>>
      %dma_wait3A_1343 = arith.constant 104 : i32
      %dma_wait3A_1344 = arith.constant 0 : i32
      %dma_wait3A_1345 = tpu.memref_slice %arg5[%dma_wait3A_1343, %dma_wait3A_1344] : memref<208x512xf32, #tpu.memory_space<vmem>> -> memref<40x512xf32, #tpu.memory_space<vmem>>
      tpu.wait_dma2 semaphore(%arg7 : memref<!tpu.dma_semaphore, #tpu.memory_space<semaphore_mem>>) src(%dma_wait3A_1345 : memref<40x512xf32, #tpu.memory_space<vmem>>) dst(%dma_wait3A_1342 : memref<40x512xf32, #tpu.memory_space<hbm>>)
      %dma_wait3A_1346 = arith.constant 104 : i32
      %dma_wait3A_1347 = arith.constant 0 : i32
      %dma_wait3A_1348 = tpu.memref_slice %arg5[%dma_wait3A_1346, %dma_wait3A_1347] : memref<208x512xf32, #tpu.memory_space<vmem>> -> memref<40x512xf32, #tpu.memory_space<vmem>>
      %dma_wait3A_1349 = arith.constant 11776 : i32
      %dma_wait3A_1350 = tpu.memref_slice %arg3[%add3A_689, %dma_wait3A_1349] : memref<6592x16384xf32, #tpu.memory_space<hbm>> -> memref<40x512xf32, #tpu.memory_space<hbm>>
      %dma_wait3A_1351 = arith.constant 11776 : i32
      %dma_wait3A_1352 = tpu.memref_slice %arg3[%add3A_689, %dma_wait3A_1351] : memref<6592x16384xf32, #tpu.memory_space<hbm>> -> memref<40x512xf32, #tpu.memory_space<hbm>>
      %dma_wait3A_1353 = arith.constant 104 : i32
      %dma_wait3A_1354 = arith.constant 0 : i32
      %dma_wait3A_1355 = tpu.memref_slice %arg5[%dma_wait3A_1353, %dma_wait3A_1354] : memref<208x512xf32, #tpu.memory_space<vmem>> -> memref<40x512xf32, #tpu.memory_space<vmem>>
      tpu.wait_dma2 semaphore(%arg7 : memref<!tpu.dma_semaphore, #tpu.memory_space<semaphore_mem>>) src(%dma_wait3A_1355 : memref<40x512xf32, #tpu.memory_space<vmem>>) dst(%dma_wait3A_1352 : memref<40x512xf32, #tpu.memory_space<hbm>>)
      %dma_wait3A_1356 = arith.constant 104 : i32
      %dma_wait3A_1357 = arith.constant 0 : i32
      %dma_wait3A_1358 = tpu.memref_slice %arg5[%dma_wait3A_1356, %dma_wait3A_1357] : memref<208x512xf32, #tpu.memory_space<vmem>> -> memref<40x512xf32, #tpu.memory_space<vmem>>
      %dma_wait3A_1359 = arith.constant 12288 : i32
      %dma_wait3A_1360 = tpu.memref_slice %arg3[%add3A_701, %dma_wait3A_1359] : memref<6592x16384xf32, #tpu.memory_space<hbm>> -> memref<40x512xf32, #tpu.memory_space<hbm>>
      %dma_wait3A_1361 = arith.constant 12288 : i32
      %dma_wait3A_1362 = tpu.memref_slice %arg3[%add3A_701, %dma_wait3A_1361] : memref<6592x16384xf32, #tpu.memory_space<hbm>> -> memref<40x512xf32, #tpu.memory_space<hbm>>
      %dma_wait3A_1363 = arith.constant 104 : i32
      %dma_wait3A_1364 = arith.constant 0 : i32
      %dma_wait3A_1365 = tpu.memref_slice %arg5[%dma_wait3A_1363, %dma_wait3A_1364] : memref<208x512xf32, #tpu.memory_space<vmem>> -> memref<40x512xf32, #tpu.memory_space<vmem>>
      tpu.wait_dma2 semaphore(%arg7 : memref<!tpu.dma_semaphore, #tpu.memory_space<semaphore_mem>>) src(%dma_wait3A_1365 : memref<40x512xf32, #tpu.memory_space<vmem>>) dst(%dma_wait3A_1362 : memref<40x512xf32, #tpu.memory_space<hbm>>)
      %dma_wait3A_1366 = arith.constant 104 : i32
      %dma_wait3A_1367 = arith.constant 0 : i32
      %dma_wait3A_1368 = tpu.memref_slice %arg5[%dma_wait3A_1366, %dma_wait3A_1367] : memref<208x512xf32, #tpu.memory_space<vmem>> -> memref<40x512xf32, #tpu.memory_space<vmem>>
      %dma_wait3A_1369 = arith.constant 12800 : i32
      %dma_wait3A_1370 = tpu.memref_slice %arg3[%add3A_713, %dma_wait3A_1369] : memref<6592x16384xf32, #tpu.memory_space<hbm>> -> memref<40x512xf32, #tpu.memory_space<hbm>>
      %dma_wait3A_1371 = arith.constant 12800 : i32
      %dma_wait3A_1372 = tpu.memref_slice %arg3[%add3A_713, %dma_wait3A_1371] : memref<6592x16384xf32, #tpu.memory_space<hbm>> -> memref<40x512xf32, #tpu.memory_space<hbm>>
      %dma_wait3A_1373 = arith.constant 104 : i32
      %dma_wait3A_1374 = arith.constant 0 : i32
      %dma_wait3A_1375 = tpu.memref_slice %arg5[%dma_wait3A_1373, %dma_wait3A_1374] : memref<208x512xf32, #tpu.memory_space<vmem>> -> memref<40x512xf32, #tpu.memory_space<vmem>>
      tpu.wait_dma2 semaphore(%arg7 : memref<!tpu.dma_semaphore, #tpu.memory_space<semaphore_mem>>) src(%dma_wait3A_1375 : memref<40x512xf32, #tpu.memory_space<vmem>>) dst(%dma_wait3A_1372 : memref<40x512xf32, #tpu.memory_space<hbm>>)
      %dma_wait3A_1376 = arith.constant 104 : i32
      %dma_wait3A_1377 = arith.constant 0 : i32
      %dma_wait3A_1378 = tpu.memref_slice %arg5[%dma_wait3A_1376, %dma_wait3A_1377] : memref<208x512xf32, #tpu.memory_space<vmem>> -> memref<40x512xf32, #tpu.memory_space<vmem>>
      %dma_wait3A_1379 = arith.constant 13312 : i32
      %dma_wait3A_1380 = tpu.memref_slice %arg3[%add3A_725, %dma_wait3A_1379] : memref<6592x16384xf32, #tpu.memory_space<hbm>> -> memref<40x512xf32, #tpu.memory_space<hbm>>
      %dma_wait3A_1381 = arith.constant 13312 : i32
      %dma_wait3A_1382 = tpu.memref_slice %arg3[%add3A_725, %dma_wait3A_1381] : memref<6592x16384xf32, #tpu.memory_space<hbm>> -> memref<40x512xf32, #tpu.memory_space<hbm>>
      %dma_wait3A_1383 = arith.constant 104 : i32
      %dma_wait3A_1384 = arith.constant 0 : i32
      %dma_wait3A_1385 = tpu.memref_slice %arg5[%dma_wait3A_1383, %dma_wait3A_1384] : memref<208x512xf32, #tpu.memory_space<vmem>> -> memref<40x512xf32, #tpu.memory_space<vmem>>
      tpu.wait_dma2 semaphore(%arg7 : memref<!tpu.dma_semaphore, #tpu.memory_space<semaphore_mem>>) src(%dma_wait3A_1385 : memref<40x512xf32, #tpu.memory_space<vmem>>) dst(%dma_wait3A_1382 : memref<40x512xf32, #tpu.memory_space<hbm>>)
      %dma_wait3A_1386 = arith.constant 104 : i32
      %dma_wait3A_1387 = arith.constant 0 : i32
      %dma_wait3A_1388 = tpu.memref_slice %arg5[%dma_wait3A_1386, %dma_wait3A_1387] : memref<208x512xf32, #tpu.memory_space<vmem>> -> memref<40x512xf32, #tpu.memory_space<vmem>>
      %dma_wait3A_1389 = arith.constant 13824 : i32
      %dma_wait3A_1390 = tpu.memref_slice %arg3[%add3A_737, %dma_wait3A_1389] : memref<6592x16384xf32, #tpu.memory_space<hbm>> -> memref<40x512xf32, #tpu.memory_space<hbm>>
      %dma_wait3A_1391 = arith.constant 13824 : i32
      %dma_wait3A_1392 = tpu.memref_slice %arg3[%add3A_737, %dma_wait3A_1391] : memref<6592x16384xf32, #tpu.memory_space<hbm>> -> memref<40x512xf32, #tpu.memory_space<hbm>>
      %dma_wait3A_1393 = arith.constant 104 : i32
      %dma_wait3A_1394 = arith.constant 0 : i32
      %dma_wait3A_1395 = tpu.memref_slice %arg5[%dma_wait3A_1393, %dma_wait3A_1394] : memref<208x512xf32, #tpu.memory_space<vmem>> -> memref<40x512xf32, #tpu.memory_space<vmem>>
      tpu.wait_dma2 semaphore(%arg7 : memref<!tpu.dma_semaphore, #tpu.memory_space<semaphore_mem>>) src(%dma_wait3A_1395 : memref<40x512xf32, #tpu.memory_space<vmem>>) dst(%dma_wait3A_1392 : memref<40x512xf32, #tpu.memory_space<hbm>>)
      %dma_wait3A_1396 = arith.constant 104 : i32
      %dma_wait3A_1397 = arith.constant 0 : i32
      %dma_wait3A_1398 = tpu.memref_slice %arg5[%dma_wait3A_1396, %dma_wait3A_1397] : memref<208x512xf32, #tpu.memory_space<vmem>> -> memref<40x512xf32, #tpu.memory_space<vmem>>
      %dma_wait3A_1399 = arith.constant 14336 : i32
      %dma_wait3A_1400 = tpu.memref_slice %arg3[%add3A_749, %dma_wait3A_1399] : memref<6592x16384xf32, #tpu.memory_space<hbm>> -> memref<40x512xf32, #tpu.memory_space<hbm>>
      %dma_wait3A_1401 = arith.constant 14336 : i32
      %dma_wait3A_1402 = tpu.memref_slice %arg3[%add3A_749, %dma_wait3A_1401] : memref<6592x16384xf32, #tpu.memory_space<hbm>> -> memref<40x512xf32, #tpu.memory_space<hbm>>
      %dma_wait3A_1403 = arith.constant 104 : i32
      %dma_wait3A_1404 = arith.constant 0 : i32
      %dma_wait3A_1405 = tpu.memref_slice %arg5[%dma_wait3A_1403, %dma_wait3A_1404] : memref<208x512xf32, #tpu.memory_space<vmem>> -> memref<40x512xf32, #tpu.memory_space<vmem>>
      tpu.wait_dma2 semaphore(%arg7 : memref<!tpu.dma_semaphore, #tpu.memory_space<semaphore_mem>>) src(%dma_wait3A_1405 : memref<40x512xf32, #tpu.memory_space<vmem>>) dst(%dma_wait3A_1402 : memref<40x512xf32, #tpu.memory_space<hbm>>)
      %dma_wait3A_1406 = arith.constant 104 : i32
      %dma_wait3A_1407 = arith.constant 0 : i32
      %dma_wait3A_1408 = tpu.memref_slice %arg5[%dma_wait3A_1406, %dma_wait3A_1407] : memref<208x512xf32, #tpu.memory_space<vmem>> -> memref<40x512xf32, #tpu.memory_space<vmem>>
      %dma_wait3A_1409 = arith.constant 14848 : i32
      %dma_wait3A_1410 = tpu.memref_slice %arg3[%add3A_761, %dma_wait3A_1409] : memref<6592x16384xf32, #tpu.memory_space<hbm>> -> memref<40x512xf32, #tpu.memory_space<hbm>>
      %dma_wait3A_1411 = arith.constant 14848 : i32
      %dma_wait3A_1412 = tpu.memref_slice %arg3[%add3A_761, %dma_wait3A_1411] : memref<6592x16384xf32, #tpu.memory_space<hbm>> -> memref<40x512xf32, #tpu.memory_space<hbm>>
      %dma_wait3A_1413 = arith.constant 104 : i32
      %dma_wait3A_1414 = arith.constant 0 : i32
      %dma_wait3A_1415 = tpu.memref_slice %arg5[%dma_wait3A_1413, %dma_wait3A_1414] : memref<208x512xf32, #tpu.memory_space<vmem>> -> memref<40x512xf32, #tpu.memory_space<vmem>>
      tpu.wait_dma2 semaphore(%arg7 : memref<!tpu.dma_semaphore, #tpu.memory_space<semaphore_mem>>) src(%dma_wait3A_1415 : memref<40x512xf32, #tpu.memory_space<vmem>>) dst(%dma_wait3A_1412 : memref<40x512xf32, #tpu.memory_space<hbm>>)
      %dma_wait3A_1416 = arith.constant 104 : i32
      %dma_wait3A_1417 = arith.constant 0 : i32
      %dma_wait3A_1418 = tpu.memref_slice %arg5[%dma_wait3A_1416, %dma_wait3A_1417] : memref<208x512xf32, #tpu.memory_space<vmem>> -> memref<40x512xf32, #tpu.memory_space<vmem>>
      %dma_wait3A_1419 = arith.constant 15360 : i32
      %dma_wait3A_1420 = tpu.memref_slice %arg3[%add3A_773, %dma_wait3A_1419] : memref<6592x16384xf32, #tpu.memory_space<hbm>> -> memref<40x512xf32, #tpu.memory_space<hbm>>
      %dma_wait3A_1421 = arith.constant 15360 : i32
      %dma_wait3A_1422 = tpu.memref_slice %arg3[%add3A_773, %dma_wait3A_1421] : memref<6592x16384xf32, #tpu.memory_space<hbm>> -> memref<40x512xf32, #tpu.memory_space<hbm>>
      %dma_wait3A_1423 = arith.constant 104 : i32
      %dma_wait3A_1424 = arith.constant 0 : i32
      %dma_wait3A_1425 = tpu.memref_slice %arg5[%dma_wait3A_1423, %dma_wait3A_1424] : memref<208x512xf32, #tpu.memory_space<vmem>> -> memref<40x512xf32, #tpu.memory_space<vmem>>
      tpu.wait_dma2 semaphore(%arg7 : memref<!tpu.dma_semaphore, #tpu.memory_space<semaphore_mem>>) src(%dma_wait3A_1425 : memref<40x512xf32, #tpu.memory_space<vmem>>) dst(%dma_wait3A_1422 : memref<40x512xf32, #tpu.memory_space<hbm>>)
      %dma_wait3A_1426 = arith.constant 104 : i32
      %dma_wait3A_1427 = arith.constant 0 : i32
      %dma_wait3A_1428 = tpu.memref_slice %arg5[%dma_wait3A_1426, %dma_wait3A_1427] : memref<208x512xf32, #tpu.memory_space<vmem>> -> memref<40x512xf32, #tpu.memory_space<vmem>>
      %dma_wait3A_1429 = arith.constant 15872 : i32
      %dma_wait3A_1430 = tpu.memref_slice %arg3[%add3A_785, %dma_wait3A_1429] : memref<6592x16384xf32, #tpu.memory_space<hbm>> -> memref<40x512xf32, #tpu.memory_space<hbm>>
      %dma_wait3A_1431 = arith.constant 15872 : i32
      %dma_wait3A_1432 = tpu.memref_slice %arg3[%add3A_785, %dma_wait3A_1431] : memref<6592x16384xf32, #tpu.memory_space<hbm>> -> memref<40x512xf32, #tpu.memory_space<hbm>>
      %dma_wait3A_1433 = arith.constant 104 : i32
      %dma_wait3A_1434 = arith.constant 0 : i32
      %dma_wait3A_1435 = tpu.memref_slice %arg5[%dma_wait3A_1433, %dma_wait3A_1434] : memref<208x512xf32, #tpu.memory_space<vmem>> -> memref<40x512xf32, #tpu.memory_space<vmem>>
      tpu.wait_dma2 semaphore(%arg7 : memref<!tpu.dma_semaphore, #tpu.memory_space<semaphore_mem>>) src(%dma_wait3A_1435 : memref<40x512xf32, #tpu.memory_space<vmem>>) dst(%dma_wait3A_1432 : memref<40x512xf32, #tpu.memory_space<hbm>>)
    } else {
    }
    return
  }
}

</mosaic_0001>

<sc_bundles>
// kernel: kernel.3.cloned.1.call-start
scs
__scs_entry_jumppad:
0x0: {  	(pc) =	sbr.rel $0x88, $3  }
0x1: {  	(tag) =	ssettag $0x0;
	lr =	simm.s32 $0x1  }
0x2: {  	[smem:$0x3F9F] =	sst lr;
	_ =	strace $0xD0000000  }
0x3: {  	_ = 	snop  }
0x4: {  	_ = 	snop  }
0x5: {  	_ = 	snop  }
0x6: {  	_ = 	snop  }
0x7: {  	_ = 	snop  }
__scs_overlays_trampoline_lowered:
0x8: {  	[smem:$0x3FAE] =	sst s0  }
0x9: {  	[smem:$0x3FAF] =	sst s1  }
0xa: {  	[smem:$0x3FB0] =	sst s2  }
0xb: {  	[smem:$0x3FB1] =	sst s3  }
0xc: {  	[smem:$0x3FB2] =	sst s4  }
0xd: {  	[smem:$0x3FB3] =	sst s5  }
0xe: {  	[smem:$0x3FB4] =	sst s6  }
0xf: {  	[smem:$0x3FB5] =	sst s7  }
0x10: {  	[smem:$0x3FB6] =	sst s8  }
0x11: {  	[smem:$0x3FB7] =	sst s9;
	s0 =	simm.s32 @!p0 $0x0  }
0x12: {  	s1 =	sld [smem:$0x3F9D];
	s0 =	simm.s32 @p0 $0x1  }
0x13: {  	[smem:$0x3FB8] =	sst s0;
	s0 =	simm.s32 @!p1 $0x0  }
0x14: {  	s2 =	sld [smem:$0x3F9C];
	s0 =	simm.s32 @p1 $0x1  }
0x15: {  	[smem:$0x3FB9] =	sst s0;
	s0 =	simm.s32 @!p2 $0x0  }
0x16: {  	s3 =	sld [smem:$0x3FDB];
	s0 =	simm.s32 @p2 $0x1  }
0x17: {  	s4 =	simm.s32 $0x1BF5;
	[smem:$0x3FBB] =	sst s0  }
0x18: {  	s0 =	sld [smem:$0x3F9E];
	_ =	swait.ge [sflag:s4], $0x0  }
0x19: {  	s7 =	sld [smem:$0x3F9F]  }
0x1a: {  	s8 =	sadd.s32 $0xFFFFE003, lr  }
0x1b: {  	s9 =	sadd.s32 $0xFFFFFEF7, lr;
	s5 =	simm.s32 $0xFFFFFFFF;
	p2 =	slt.u32 s8, $0xFFFFF086  }
0x1c: {  	p1 =	slt.u32 s9, $0xF7A;
	s5 =	simm.s32 @!p2 $0x0  }
0x1d: {  	s5 =	simm.s32 @p1 $0x1;
	p0 =	seq.s32 s7, s2  }
0x1e: {  	s7 =	smul.u32 @!p0 $0xF7A, s2;
	p2 =	seq.s32 @!p0 s5, $0x0  }
0x1f: {  	s9 =	smul.u32 $0xF7A, s1;
	s8 =	simm.s32 @!p0 $0x1BF5;
	p2 =	por !p2, p0  }
0x20: {  	[sflag:s8] =	ssyncset.s32 @!p0 $0xFFFFF086;
	s6 =	sadd.s32 @!p0 s3, s7;
	s7 =	simm.s32 @!p0 $0x108  }
0x21: {  	s3 =	sadd.s32 s3, s9;
	s6 =	sadd.s32 @!p0 $0x88, s6;
	s7 =	simm.s32 @p2 $0x1082  }
0x22: {  	[simem:s7], [sflag:s8] =	dma.local @!p0 [hbm:s6], $0xF7A  }
0x23: {  	s9 =	sor.u32 $0xD0000000, s2;
	s6 =	simm.s32 $0x108;
	_ =	swait.ge @!p0 [sflag:s8], $0x0  }
0x24: {  	s3 =	sadd.s32 $0x88, s3;
	s6 =	simm.s32 @!p1 $0x1082;
	[sflag:s4] =	ssyncset.s32 $0xFFFFF086  }
0x25: {  	[simem:s6], [sflag:s4] =	dma.local [hbm:s3], $0xF7A  }
0x26: {  	[smem:$0x3F9F] =	sst s1;
	(tag) =	ssettag s2;
	_ =	strace s9  }
0x27: {  	s1 =	sld [smem:$0x3FAF]  }
0x28: {  	s2 =	sld [smem:$0x3FB0]  }
0x29: {  	s4 =	sld [smem:$0x3FB2]  }
0x2a: {  	p0 =	seq.s32 s5, $0x0;
	s5 =	sld [smem:$0x3FB3]  }
0x2b: {  	s6 =	sld [smem:$0x3FB4]  }
0x2c: {  	s7 =	sld [smem:$0x3FB5]  }
0x2d: {  	s3 =	simm.s32 $0x108;
	s8 =	sld [smem:$0x3FB6]  }
0x2e: {  	s3 =	simm.s32 @!p0 $0x1082;
	s9 =	sld [smem:$0x3FB7]  }
0x2f: {  	lr =	sadd.s32 s0, s3;
	s0 =	sld [smem:$0x3FAE]  }
0x30: {  	s3 =	sld [smem:$0x3FB1]  }
0x31: {  	[smem:$0x3FBA] =	sst s10  }
0x32: {  	s10 =	sld [smem:$0x3FB8];
	_ =	sdelay $0x3  }
0x33: {  	p0 =	seq.s32 s10, $0x1;
	s10 =	sld [smem:$0x3FBA];
	_ =	sdelay $0x3  }
0x34: {  	[smem:$0x3FBA] =	sst s10  }
0x35: {  	s10 =	sld [smem:$0x3FB9];
	_ =	sdelay $0x3  }
0x36: {  	p1 =	seq.s32 s10, $0x1;
	s10 =	sld [smem:$0x3FBA];
	_ =	sdelay $0x3  }
0x37: {  	[smem:$0x3FBA] =	sst s10  }
0x38: {  	s10 =	sld [smem:$0x3FBB]  }
0x39: {  	_ = 	snop;
	(pc) =	sbr.ind lr, $3  }
0x3a: {  	_ = 	snop  }
0x3b: {  	_ = 	snop  }
0x3c: {  	p2 =	seq.s32 s10, $0x1;
	s10 =	sld [smem:$0x3FBA]  }
0x3d: {  	_ =	shalt  }
0x3e: {  	_ =	shalt  }
0x3f: {  	_ =	shalt  }
0x40: {  	_ =	shalt  }
0x41: {  	_ =	shalt  }
0x42: {  	_ =	shalt  }
0x43: {  	_ =	shalt  }
0x44: {  	_ =	shalt  }
0x45: {  	_ =	shalt  }
0x46: {  	_ =	shalt  }
0x47: {  	_ =	shalt  }
0x48: {  	_ =	shalt  }
0x49: {  	_ =	shalt  }
0x4a: {  	_ =	shalt  }
0x4b: {  	_ =	shalt  }
0x4c: {  	_ =	shalt  }
0x4d: {  	_ =	shalt  }
0x4e: {  	_ =	shalt  }
0x4f: {  	_ =	shalt  }
0x50: {  	_ =	shalt  }
0x51: {  	_ =	shalt  }
0x52: {  	_ =	shalt  }
0x53: {  	_ =	shalt  }
0x54: {  	_ =	shalt  }
0x55: {  	_ =	shalt  }
0x56: {  	_ =	shalt  }
0x57: {  	_ =	shalt  }
0x58: {  	_ =	shalt  }
0x59: {  	_ =	shalt  }
0x5a: {  	_ =	shalt  }
0x5b: {  	_ =	shalt  }
0x5c: {  	_ =	shalt  }
0x5d: {  	_ =	shalt  }
0x5e: {  	_ =	shalt  }
0x5f: {  	_ =	shalt  }
0x60: {  	_ =	shalt  }
0x61: {  	_ =	shalt  }
0x62: {  	_ =	shalt  }
0x63: {  	_ =	shalt  }
0x64: {  	_ =	shalt  }
0x65: {  	_ =	shalt  }
0x66: {  	_ =	shalt  }
0x67: {  	_ =	shalt  }
0x68: {  	_ =	shalt  }
0x69: {  	_ =	shalt  }
0x6a: {  	_ =	shalt  }
0x6b: {  	_ =	shalt  }
0x6c: {  	_ =	shalt  }
0x6d: {  	_ =	shalt  }
0x6e: {  	_ =	shalt  }
0x6f: {  	_ =	shalt  }
0x70: {  	_ =	shalt  }
0x71: {  	_ =	shalt  }
0x72: {  	_ =	shalt  }
0x73: {  	_ =	shalt  }
0x74: {  	_ =	shalt  }
0x75: {  	_ =	shalt  }
0x76: {  	_ =	shalt  }
0x77: {  	_ =	shalt  }
0x78: {  	_ =	shalt  }
0x79: {  	_ =	shalt  }
0x7a: {  	_ =	shalt  }
0x7b: {  	_ =	shalt  }
0x7c: {  	_ =	shalt  }
0x7d: {  	_ =	shalt  }
0x7e: {  	_ =	shalt  }
0x7f: {  	_ =	shalt  }
0x80: {  	_ =	shalt  }
0x81: {  	_ =	shalt  }
0x82: {  	_ =	shalt  }
0x83: {  	_ =	shalt  }
0x84: {  	_ =	shalt  }
0x85: {  	_ =	shalt  }
0x86: {  	_ =	shalt  }
0x87: {  	_ =	shalt  }
.Lfunc_end0:
.L_simem_size_0:
called_computation_lowered:
.L_overlay_start_0:
0x88: {  	s2 =	sld [smem:$0x3FD9]  }
0x89: {  	s3 =	sld [smem:$0x3FFE];
	_ =	sdelay $0x1  }
0x8a: {  	s1 =	srdreg.scid  }
0x8b: {  	s0 =	sand.u32 $0x1, s1  }
0x8c: {  	s17 =	sshll.u32 s0, $0xA;
	s2 =	sadd.s32 s3, s2  }
0x8d: {  	s2 =	sadd.s32 s2, s17  }
0x8e: {  	[smem:$0x3FC6] =	sst s2  }
0x8f: {  	_ = 	snop  }
0x90: {  	s2 =	sld [smem:$0x3FD0];
	(tm) =	ssettm $0x1  }
0x91: {  	s18 =	sld [smem:$0x3FFB];
	_ =	sdelay $0x3  }
0x92: {  	_ =	strace s18  }
0x93: {  	s3 =	sld [smem:$0x3FFC];
	_ =	sdelay $0x3  }
0x94: {  	_ =	strace s3  }
0x95: {  	s3 =	sld [smem:$0x3FFD];
	_ =	sdelay $0x3  }
0x96: {  	_ =	strace s3  }
0x97: {  	_ =	strace $0x8FFFFFFF  }
0x98: {  	s19 =	sld [smem:$0x3FDB];
	_ =	sdelay $0x1  }
0x99: {  	s4 =	simm.s32 $_scs_section_size  }
0x9a: {  	s5 =	simm.s32 $_size__tile_overlayer_lowered;
	s6 =	simm.s32 $_tile_overlayer_lowered  }
0x9b: {  	s22 =	simm.s32 $0x1BFF;
	s21 =	sshll.u32 s6, $0x1;
	s3 =	sadd.s32 s4, s19  }
0x9c: {  	s7 =	simm.s32 $0x0;
	s20 =	sshll.u32 s5, $0x1;
	s5 =	sadd.s32 s21, s3  }
0x9d: {  	[timem:s7], [sflag:s22] =	dma.local [hbm:s5], s20  }
0x9e: {  	_ =	swait.ge [sflag:s22], s20  }
0x9f: {  	s4 =	ssub.s32 $0x0, s20;
	[sflag:s22] =	ssyncset.done $0x0  }
0xa0: {  	[sflag:s22] =	ssyncadd.s32 s4;
	_ =	sdelay $0x1  }
0xa1: {  	s23 =	simm.s32 $0x1B8B  }
0xa2: {  	_ =	swait.ge [sflag:s23], $0x1  }
0xa3: {  	[sflag:s23] =	ssyncset.done $0x0  }
0xa4: {  	s25 =	simm.s32 $0x1B8E;
	s24 =	sld [smem:$0x3FFE];
	[sflag:s23] =	ssyncadd.s32 $0xFFFFFFFF  }
0xa5: {  	s26 =	simm.s32 $execute0_lowered;
	[smem:$0x3FD2] =	sst s25  }
0xa6: {  	s5 =	sshll.u32 s26, $0x1;
	_ =	strace $0x80000046;
	[dreg:$0x1] =	wrdreg $0xFFFFFFFF  }
0xa7: {  	s28 =	simm.s32 $_size_execute0_lowered;
	s3 =	sadd.s32 s3, s5;
	[dreg:$0x0] =	wrdreg $0x0  }
0xa8: {  	s5 =	sshll.u32 s28, $0x1;
	[dreg:$0x2] =	wrdreg s3  }
0xa9: {  	[dreg:$0x3] =	wrdreg s5  }
0xaa: {  	[dreg:$0x4] =	wrdreg $0xC0  }
0xab: {  	_ =	task [dreg:s7], $0x5FFFF  }
0xac: {  	[dreg:$0x1] =	wrdreg $0xFFFFFFFF  }
0xad: {  	[dreg:$0x0] =	wrdreg $0x60  }
0xae: {  	[dreg:$0x2] =	wrdreg s24  }
0xaf: {  	[dreg:$0x3] =	wrdreg s2  }
0xb0: {  	[dreg:$0x4] =	wrdreg $0x9  }
0xb1: {  	_ =	task.clear_ibuf [dreg:s7], $0x5FFFF;
	_ =	strace $0x90000046  }
0xb2: {  	s29 =	simm.s32 $0x9;
	_ =	strace $0x80000048  }
0xb3: {  	_ =	swait.ge [sflag:s29], $0x1  }
0xb4: {  	[sflag:s29] =	ssyncadd.s32 $0xFFFFFFFF  }
0xb5: {  	_ =	strace $0x90000048  }
0xb6: {  	_ =	sfence  }
0xb7: {  	s30 =	sld [smem:$0x0];
	_ =	sdelay $0x2  }
0xb8: {  	s31 =	sshll.u32 s1, $0xD;
	s1 =	sshrl.u32 s1, $0x2  }
0xb9: {  	s3 =	sand.u32 $0x4000, s31;
	s1 =	sadd.s32 s1, s30  }
0xba: {  	s0 =	sor.u32 s3, s0;
	s1 =	sshll.u32 s1, $0x11  }
0xbb: {  	s0 =	sor.u32 s1, s0  }
0xbc: {  	s0 =	sadd.s32 $0x8F2B, s0  }
0xbd: {  	[sflag:s0] =	ssyncadd.remote.s32 $0x1  }
0xbe: {  	_ =	sfence.sel $0xFFFF  }
0xbf: {  	[dreg:$0x0] =	wrdreg $0xFFFFFFFF;
	(pc) =	sbr.abs _section_cstart, $3  }
0xc0: {  	[dreg:$0x1] =	wrdreg $0xFFFFFFFF  }
0xc1: {  	_ =	task.clear_ibuf [dreg:s7], $0x2FFFF;
	_ =	strace $0x9FFFFFFF  }
0xc2: {  	(tm) =	ssettm $0x7FFFFFFF  }
0xc3: {  	_ =	shalt  }
tec
execute0_lowered:
.L_overlay_start_1:
0x0: {  	(tag) =	ssettag $0x1  }
0x1: {  	s1 =	rddreg [dreg:$0x0]  }
0x2: {  	s0 =	rddreg [dreg:$0x1];
	s2 =	simm.s32 $0x0  }
0x3: {  	[smem:$0x7FF] =	sst s2;
	s6 =	sadd.s32 $0xC98000, s0  }
0x4: {  	s10 =	sadd.s32 $0xC98200, s0;
	_ =	strace $0x80000047;
	[dreg:$0x3] =	wrdreg s6  }
0x5: {  	s11 =	sadd.s32 $0xC98400, s0;
	[dreg:$0x4] =	wrdreg s10  }
0x6: {  	s12 =	sadd.s32 $0xC98600, s0;
	[dreg:$0x5] =	wrdreg s11  }
0x7: {  	s13 =	sadd.s32 $0xC98800, s0;
	[dreg:$0x6] =	wrdreg s12  }
0x8: {  	s14 =	sadd.s32 $0xC98A00, s0;
	[dreg:$0x7] =	wrdreg s13  }
0x9: {  	s15 =	sadd.s32 $0xC98C00, s0;
	[dreg:$0x8] =	wrdreg s14  }
0xa: {  	s16 =	sadd.s32 $0xC98E00, s0;
	[dreg:$0x9] =	wrdreg s15  }
0xb: {  	s17 =	sadd.s32 $0xC99200, s0;
	[dreg:$0xa] =	wrdreg s16  }
0xc: {  	s18 =	sadd.s32 $0xC99400, s0;
	[dreg:$0xb] =	wrdreg s17  }
0xd: {  	s19 =	sadd.s32 $0xC99600, s0;
	[dreg:$0xc] =	wrdreg s18  }
0xe: {  	s20 =	sadd.s32 $0xC99800, s0;
	[dreg:$0xd] =	wrdreg s19  }
0xf: {  	s21 =	sadd.s32 $0xC99A00, s0;
	[dreg:$0xe] =	wrdreg s20  }
0x10: {  	s22 =	sadd.s32 $0xC99C00, s0;
	[dreg:$0xf] =	wrdreg s21  }
0x11: {  	s23 =	sadd.s32 $0xC99E00, s0;
	[dreg:$0x10] =	wrdreg s22  }
0x12: {  	s24 =	sadd.s32 $0xC9A200, s0;
	[dreg:$0x11] =	wrdreg s23  }
0x13: {  	s3 =	srdreg.scid;
	s25 =	sadd.s32 $0xC9A400, s0;
	[dreg:$0x12] =	wrdreg s24  }
0x14: {  	s7 =	stileid.u32;
	s26 =	sadd.s32 $0xC99000, s0;
	[dreg:$0x13] =	wrdreg s25  }
0x15: {  	s4 =	sand.u32 $0x1, s3;
	s8 =	sadd.s32 $0xC9A800, s0;
	[dreg:$0x14] =	wrdreg s26  }
0x16: {  	s9 =	sshll.u32 s7, $0x1;
	s6 =	sadd.s32 $0xC9A600, s0;
	[dreg:$0x16] =	wrdreg s8  }
0x17: {  	s5 =	sor.u32 s4, s9;
	s9 =	sadd.s32 $0xC9AA00, s0;
	[dreg:$0x15] =	wrdreg s6  }
0x18: {  	s10 =	sadd.s32 $0xC9AC00, s0;
	[dreg:$0x17] =	wrdreg s9  }
0x19: {  	s11 =	sadd.s32 $0xC9AE00, s0;
	[dreg:$0x18] =	wrdreg s10  }
0x1a: {  	s12 =	sadd.s32 $0xC9A000, s0;
	[dreg:$0x19] =	wrdreg s11  }
0x1b: {  	s13 =	sadd.s32 $0xC9B000, s0;
	[dreg:$0x1a] =	wrdreg s12  }
0x1c: {  	s14 =	sadd.s32 $0xC9B200, s0;
	[dreg:$0x1b] =	wrdreg s13  }
0x1d: {  	s15 =	sadd.s32 $0xC9B400, s0;
	[dreg:$0x1c] =	wrdreg s14  }
0x1e: {  	s16 =	sadd.s32 $0xC9B600, s0;
	[dreg:$0x1d] =	wrdreg s15  }
0x1f: {  	s17 =	sadd.s32 $0xC9B800, s0;
	[dreg:$0x1e] =	wrdreg s16  }
0x20: {  	s18 =	sadd.s32 $0xC9BA00, s0;
	[dreg:$0x1f] =	wrdreg s17  }
0x21: {  	s19 =	sadd.s32 $0xC9BC00, s0;
	[smem:$0x7A8] =	sst s18  }
0x22: {  	s20 =	sadd.s32 $0xC9BE00, s0;
	[smem:$0x7A9] =	sst s19  }
0x23: {  	s21 =	sadd.s32 $0xCCC200, s0;
	[smem:$0x7AA] =	sst s20  }
0x24: {  	s22 =	sadd.s32 $0xCCC400, s0;
	[smem:$0x7AB] =	sst s21  }
0x25: {  	s23 =	sadd.s32 $0xCCC600, s0;
	[smem:$0x7AC] =	sst s22  }
0x26: {  	s24 =	sadd.s32 $0xCCC800, s0;
	[smem:$0x7AD] =	sst s23  }
0x27: {  	s25 =	sadd.s32 $0xCCCA00, s0;
	[smem:$0x7AE] =	sst s24  }
0x28: {  	s26 =	sadd.s32 $0xCCCC00, s0;
	[smem:$0x7AF] =	sst s25  }
0x29: {  	s8 =	sadd.s32 $0xCCD200, s0;
	[smem:$0x7B0] =	sst s26  }
0x2a: {  	s6 =	sadd.s32 $0xCCCE00, s0;
	[smem:$0x7B2] =	sst s8  }
0x2b: {  	s9 =	sadd.s32 $0xCCD400, s0;
	[smem:$0x7B1] =	sst s6  }
0x2c: {  	s10 =	sadd.s32 $0xCCD600, s0;
	[smem:$0x7B3] =	sst s9  }
0x2d: {  	s11 =	sadd.s32 $0xCCD800, s0;
	[smem:$0x7B4] =	sst s10  }
0x2e: {  	s12 =	sadd.s32 $0xCCDA00, s0;
	[smem:$0x7B5] =	sst s11  }
0x2f: {  	s13 =	sadd.s32 $0xCCC000, s0;
	[smem:$0x7B6] =	sst s12  }
0x30: {  	s14 =	sadd.s32 $0xCCDC00, s0;
	[smem:$0x7B7] =	sst s13  }
0x31: {  	s16 =	sadd.s32 $0xCCDE00, s0;
	[smem:$0x7B8] =	sst s14  }
0x32: {  	s17 =	sadd.s32 $0xCCE200, s0;
	[smem:$0x7B9] =	sst s16  }
0x33: {  	s8 =	sadd.s32 $0xCCE400, s0;
	[smem:$0x7BA] =	sst s17  }
0x34: {  	s19 =	sadd.s32 $0xCCE600, s0;
	[smem:$0x7BB] =	sst s8  }
0x35: {  	s20 =	sadd.s32 $0xCCE800, s0;
	[smem:$0x7BC] =	sst s19  }
0x36: {  	s21 =	sadd.s32 $0xCCEA00, s0;
	[smem:$0x7BD] =	sst s20  }
0x37: {  	s22 =	sadd.s32 $0xCCD000, s0;
	[smem:$0x7BE] =	sst s21  }
0x38: {  	s23 =	sadd.s32 $0xCCEC00, s0;
	[smem:$0x7BF] =	sst s22  }
0x39: {  	s25 =	sadd.s32 $0xCCE000, s0;
	[smem:$0x7C0] =	sst s23  }
0x3a: {  	s26 =	sadd.s32 $0xCCEE00, s0;
	[smem:$0x7C1] =	sst s25  }
0x3b: {  	[smem:$0x7C2] =	sst s26;
	s8 =	sadd.s32 $0xCCF000, s0  }
0x3c: {  	s9 =	sadd.s32 $0xCCF200, s0;
	[smem:$0x7C3] =	sst s8  }
0x3d: {  	s3 =	sadd.s32 $0x400, s1;
	s10 =	sadd.s32 $0xCCF400, s0;
	[smem:$0x7C4] =	sst s9  }
0x3e: {  	s1 =	smul.u32 $0x340000, s5;
	s11 =	sadd.s32 $0xCCF600, s0;
	[smem:$0x7C5] =	sst s10  }
0x3f: {  	s15 =	smul.u32 $0x340, s4;
	s12 =	sadd.s32 $0xCCF800, s0;
	[smem:$0x7C6] =	sst s11  }
0x40: {  	s24 =	smul.u32 $0x680, s7;
	s13 =	sadd.s32 $0xCCFA00, s0;
	[smem:$0x7C7] =	sst s12  }
0x41: {  	s14 =	sadd.s32 $0xCCFC00, s0;
	s1 =	sshrl.u32 s1, $0x3;
	[smem:$0x7C8] =	sst s13  }
0x42: {  	[smem:$0x7C9] =	sst s14;
	s7 =	sadd.s32 s0, s1;
	s0 =	sadd.s32 $0xCCFE00, s0  }
0x43: {  	s4 =	ssub.s32 $0x2, s4;
	[smem:$0x7CA] =	sst s0;
	s16 =	sadd.s32 $0x200, s7  }
0x44: {  	s18 =	sshrl.u32 s4, $0x1;
	s17 =	sadd.s32 $0x400, s7;
	[smem:$0x7CB] =	sst s16  }
0x45: {  	s4 =	ssub.s32 s4, s18;
	s18 =	sadd.s32 $0x600, s7;
	[smem:$0x7CC] =	sst s17  }
0x46: {  	s19 =	sadd.s32 $0x800, s7;
	[smem:$0x7CD] =	sst s18  }
0x47: {  	s20 =	sadd.s32 $0xA00, s7;
	[smem:$0x7CE] =	sst s19  }
0x48: {  	s21 =	sadd.s32 $0xC00, s7;
	[smem:$0x7CF] =	sst s20  }
0x49: {  	s22 =	sadd.s32 $0xE00, s7;
	[smem:$0x7D0] =	sst s21  }
0x4a: {  	p0 =	seq.s32 s5, $0x1F;
	s23 =	sadd.s32 $0x1000, s7;
	[smem:$0x7D1] =	sst s22  }
0x4b: {  	s5 =	sadd.s32 s15, s24;
	s24 =	sadd.s32 $0x1200, s7;
	[smem:$0x7D2] =	sst s23  }
0x4c: {  	s25 =	sadd.s32 $0x1400, s7;
	[smem:$0x7D3] =	sst s24  }
0x4d: {  	s26 =	sadd.s32 $0x1600, s7;
	[smem:$0x7D4] =	sst s25  }
0x4e: {  	s11 =	smax.u32 s4, $0x1;
	s1 =	sadd.s32 $0x1800, s7;
	[smem:$0x7D5] =	sst s26  }
0x4f: {  	s15 =	sadd.s32 $0x1A0, s5;
	s4 =	sadd.s32 $0x1A00, s7;
	[smem:$0x7D6] =	sst s1  }
0x50: {  	s12 =	sshrl.u32 s5, $0x2;
	s5 =	sadd.s32 $0x1C00, s7;
	[smem:$0x7D7] =	sst s4  }
0x51: {  	s6 =	sadd.s32 $0x1E00, s7;
	[smem:$0x7D8] =	sst s5  }
0x52: {  	s8 =	sadd.s32 $0x2000, s7;
	[smem:$0x7D9] =	sst s6  }
0x53: {  	s9 =	sadd.s32 $0x2200, s7;
	[smem:$0x7DA] =	sst s8  }
0x54: {  	s10 =	sadd.s32 $0x2400, s7;
	[smem:$0x7DB] =	sst s9  }
0x55: {  	s14 =	sadd.s32 $0x2600, s7;
	[smem:$0x7DC] =	sst s10  }
0x56: {  	s13 =	sshrl.u32 s15, $0x2;
	s15 =	sadd.s32 $0x2800, s7;
	[smem:$0x7DD] =	sst s14  }
0x57: {  	[smem:$0x7DE] =	sst s15;
	s16 =	sadd.s32 $0x2A00, s7  }
0x58: {  	s17 =	sadd.s32 $0x2C00, s7;
	[smem:$0x7DF] =	sst s16  }
0x59: {  	s18 =	sadd.s32 $0x2E00, s7;
	[smem:$0x7E0] =	sst s17  }
0x5a: {  	s19 =	sadd.s32 $0x3000, s7;
	[smem:$0x7E1] =	sst s18  }
0x5b: {  	s20 =	sadd.s32 $0x3200, s7;
	[smem:$0x7E2] =	sst s19  }
0x5c: {  	s21 =	sadd.s32 $0x3400, s7;
	[smem:$0x7E3] =	sst s20  }
0x5d: {  	s22 =	sadd.s32 $0x3600, s7;
	[smem:$0x7E4] =	sst s21  }
0x5e: {  	s23 =	sadd.s32 $0x3800, s7;
	[smem:$0x7E5] =	sst s22  }
0x5f: {  	s24 =	sadd.s32 $0x3A00, s7;
	[smem:$0x7E6] =	sst s23  }
0x60: {  	s25 =	sadd.s32 $0x3C00, s7;
	[smem:$0x7E7] =	sst s24  }
0x61: {  	s26 =	sadd.s32 $0x3E00, s7;
	[smem:$0x7E8] =	sst s25  }
0x62: {  	s1 =	sadd.s32 $0x34000, s7;
	[smem:$0x7E9] =	sst s26  }
0x63: {  	s4 =	sadd.s32 $0x34200, s7;
	[smem:$0x7EA] =	sst s1  }
0x64: {  	s5 =	sadd.s32 $0x34400, s7;
	[smem:$0x7EB] =	sst s4  }
0x65: {  	s6 =	sadd.s32 $0x34600, s7;
	[smem:$0x7EC] =	sst s5  }
0x66: {  	s8 =	sadd.s32 $0x34800, s7;
	[smem:$0x7ED] =	sst s6  }
0x67: {  	s9 =	sadd.s32 $0x34A00, s7;
	[smem:$0x7EE] =	sst s8  }
0x68: {  	s10 =	sadd.s32 $0x34C00, s7;
	[smem:$0x7EF] =	sst s9  }
0x69: {  	s14 =	sadd.s32 $0x34E00, s7;
	[smem:$0x7F0] =	sst s10  }
0x6a: {  	s15 =	sadd.s32 $0x35000, s7;
	[smem:$0x7F1] =	sst s14  }
0x6b: {  	[smem:$0x7F2] =	sst s15;
	s16 =	sadd.s32 $0x35200, s7  }
0x6c: {  	s17 =	sadd.s32 $0x35400, s7;
	[smem:$0x7F3] =	sst s16  }
0x6d: {  	s28 =	simm.s32 $0x1;
	s18 =	sadd.s32 $0x35600, s7;
	[smem:$0x7F4] =	sst s17  }
0x6e: {  	s29 =	simm.s32 $0x1000;
	s19 =	sadd.s32 $0x35800, s7;
	[smem:$0x7F5] =	sst s18  }
0x6f: {  	s30 =	simm.s32 $0x20000;
	s20 =	sadd.s32 $0x35A00, s7;
	[smem:$0x7F6] =	sst s19  }
0x70: {  	s31 =	simm.s32 $0x1A80;
	s21 =	sadd.s32 $0x35C00, s7;
	[smem:$0x7F7] =	sst s20  }
0x71: {  	s0 =	simm.s32 $0xEA80;
	s22 =	sadd.s32 $0x35E00, s7;
	[smem:$0x7F8] =	sst s21  }
0x72: {  	s23 =	sadd.s32 $0x36000, s7;
	s24 =	sadd.s32 $0x36200, s7;
	[smem:$0x7F9] =	sst s22  }
0x73: {  	s25 =	sadd.s32 $0x36400, s7;
	s26 =	sadd.s32 $0x36600, s7;
	[smem:$0x7FA] =	sst s23  }
0x74: {  	s15 =	sadd.s32 $0x36800, s7;
	s1 =	simm.s32 $0x2;
	[smem:$0x7FB] =	sst s24  }
.Ltmp0:
0x75: {  	s4 =	simm.s32 $0x0;
	[smem:$0x7FC] =	sst s25;
	(pc) =	sbr.rel .LBB2_1-.Ltmp0, $4  }
0x76: {  	[smem:$0x7FD] =	sst s26;
	s16 =	sadd.s32 $0x36A00, s7;
	s17 =	sadd.s32 $0x36C00, s7  }
0x77: {  	s18 =	sadd.s32 $0x36E00, s7;
	s19 =	sadd.s32 $0x37000, s7;
	s20 =	sadd.s32 $0x37200, s7  }
0x78: {  	s21 =	sadd.s32 $0x37400, s7;
	s22 =	sadd.s32 $0x37600, s7;
	s23 =	sadd.s32 $0x37800, s7  }
0x79: {  	s24 =	sadd.s32 $0x37A00, s7;
	s25 =	sadd.s32 $0x37C00, s7;
	s26 =	sadd.s32 $0x37E00, s7  }
.LBB2_6:
0x7a: {  	s5 =	sadd.s32 $0x80, s5  }
0x7b: {  	s6 =	sand.u32 $0x1F000, s8;
	s5 =	sand.u32 $0x380, s5  }
0x7c: {  	s5 =	sor.u32 s5, s6  }
0x7d: {  	[tilespmem:s5+$0x1A80] =	vst v0  }
0x7e: {  	[tilespmem:s5+$0x1A90] =	vst v0  }
0x7f: {  	[tilespmem:s5+$0x1AA0] =	vst v0  }
0x80: {  	[tilespmem:s5+$0x1AB0] =	vst v0  }
0x81: {  	[tilespmem:s5+$0x1AC0] =	vst v0  }
0x82: {  	[tilespmem:s5+$0x1AD0] =	vst v0  }
0x83: {  	[tilespmem:s5+$0x1AE0] =	vst v0  }
0x84: {  	[tilespmem:s5+$0x1AF0] =	vst v0  }
0x85: {  	[tilespmem:s5+$0x1E80] =	vst v0  }
0x86: {  	[tilespmem:s5+$0x1E90] =	vst v0  }
0x87: {  	[tilespmem:s5+$0x1EA0] =	vst v0  }
0x88: {  	[tilespmem:s5+$0x1EB0] =	vst v0  }
0x89: {  	[tilespmem:s5+$0x1EC0] =	vst v0  }
0x8a: {  	[tilespmem:s5+$0x1ED0] =	vst v0  }
0x8b: {  	[tilespmem:s5+$0x1EE0] =	vst v0  }
0x8c: {  	[tilespmem:s5+$0x1EF0] =	vst v0  }
0x8d: {  	[tilespmem:s5+$0x2280] =	vst v0  }
0x8e: {  	[tilespmem:s5+$0x2290] =	vst v0  }
0x8f: {  	[tilespmem:s5+$0x22A0] =	vst v0  }
0x90: {  	[tilespmem:s5+$0x22B0] =	vst v0  }
0x91: {  	[tilespmem:s5+$0x22C0] =	vst v0  }
0x92: {  	[tilespmem:s5+$0x22D0] =	vst v0  }
0x93: {  	[tilespmem:s5+$0x22E0] =	vst v0  }
0x94: {  	[tilespmem:s5+$0x22F0] =	vst v0  }
0x95: {  	[tilespmem:s5+$0x2680] =	vst v0  }
0x96: {  	[tilespmem:s5+$0x2690] =	vst v0  }
0x97: {  	[tilespmem:s5+$0x26A0] =	vst v0  }
0x98: {  	[tilespmem:s5+$0x26B0] =	vst v0  }
0x99: {  	[tilespmem:s5+$0x26C0] =	vst v0  }
0x9a: {  	s6 =	sld [smem:$0x7EA];
	[tilespmem:s5+$0x26D0] =	vst v0  }
0x9b: {  	[tilespmem:s5+$0x26E0] =	vst v0  }
0x9c: {  	s8 =	sld [smem:$0x7EB];
	[tilespmem:s5+$0x26F0] =	vst v0  }
0x9d: {  	[hbm4b:s6+s29] =	stream.strided.scatter [tilespmem:s0], [sflag:$0x2], $0xD000, s30, s29, $0x38;
	[tilespmem:$0x1BA80] =	vst v63  }
0x9e: {  	s9 =	sld [smem:$0x7EC]  }
0x9f: {  	[hbm4b:s8+s29] =	stream.strided.scatter [tilespmem:s0], [sflag:$0x2], $0xD000, s30, s29, $0x38;
	[tilespmem:$0x1BA80] =	vst v63  }
0xa0: {  	s10 =	sld [smem:$0x7ED]  }
0xa1: {  	[hbm4b:s9+s29] =	stream.strided.scatter [tilespmem:s0], [sflag:$0x2], $0xD000, s30, s29, $0x38;
	[tilespmem:$0x1BA80] =	vst v63  }
0xa2: {  	s14 =	sld [smem:$0x7EE]  }
0xa3: {  	[hbm4b:s10+s29] =	stream.strided.scatter [tilespmem:s0], [sflag:$0x2], $0xD000, s30, s29, $0x38;
	[tilespmem:$0x1BA80] =	vst v63  }
0xa4: {  	s6 =	sld [smem:$0x7EF]  }
0xa5: {  	[hbm4b:s14+s29] =	stream.strided.scatter [tilespmem:s0], [sflag:$0x2], $0xD000, s30, s29, $0x38;
	[tilespmem:$0x1BA80] =	vst v63  }
0xa6: {  	s8 =	sld [smem:$0x7F0]  }
0xa7: {  	[hbm4b:s6+s29] =	stream.strided.scatter [tilespmem:s0], [sflag:$0x2], $0xD000, s30, s29, $0x38;
	[tilespmem:$0x1BA80] =	vst v63  }
0xa8: {  	s9 =	sld [smem:$0x7F1]  }
0xa9: {  	[hbm4b:s8+s29] =	stream.strided.scatter [tilespmem:s0], [sflag:$0x2], $0xD000, s30, s29, $0x38;
	[tilespmem:$0x1BA80] =	vst v63  }
0xaa: {  	s10 =	sld [smem:$0x7F2]  }
0xab: {  	[hbm4b:s9+s29] =	stream.strided.scatter [tilespmem:s0], [sflag:$0x2], $0xD000, s30, s29, $0x38;
	[tilespmem:$0x1BA80] =	vst v63  }
0xac: {  	s14 =	sld [smem:$0x7F3]  }
0xad: {  	[hbm4b:s10+s29] =	stream.strided.scatter [tilespmem:s0], [sflag:$0x2], $0xD000, s30, s29, $0x38;
	[tilespmem:$0x1BA80] =	vst v63  }
0xae: {  	s6 =	sld [smem:$0x7F4]  }
0xaf: {  	[hbm4b:s14+s29] =	stream.strided.scatter [tilespmem:s0], [sflag:$0x2], $0xD000, s30, s29, $0x38;
	[tilespmem:$0x1BA80] =	vst v63  }
0xb0: {  	s8 =	sld [smem:$0x7F5]  }
0xb1: {  	[hbm4b:s6+s29] =	stream.strided.scatter [tilespmem:s0], [sflag:$0x2], $0xD000, s30, s29, $0x38;
	[tilespmem:$0x1BA80] =	vst v63  }
0xb2: {  	s9 =	sld [smem:$0x7F6]  }
0xb3: {  	[hbm4b:s8+s29] =	stream.strided.scatter [tilespmem:s0], [sflag:$0x2], $0xD000, s30, s29, $0x38;
	[tilespmem:$0x1BA80] =	vst v63  }
0xb4: {  	s10 =	sld [smem:$0x7F7]  }
0xb5: {  	[hbm4b:s9+s29] =	stream.strided.scatter [tilespmem:s0], [sflag:$0x2], $0xD000, s30, s29, $0x38;
	[tilespmem:$0x1BA80] =	vst v63  }
0xb6: {  	s14 =	sld [smem:$0x7F8]  }
0xb7: {  	[hbm4b:s10+s29] =	stream.strided.scatter [tilespmem:s0], [sflag:$0x2], $0xD000, s30, s29, $0x38;
	[tilespmem:$0x1BA80] =	vst v63  }
0xb8: {  	s6 =	sld [smem:$0x7F9]  }
0xb9: {  	[hbm4b:s14+s29] =	stream.strided.scatter [tilespmem:s0], [sflag:$0x2], $0xD000, s30, s29, $0x38;
	[tilespmem:$0x1BA80] =	vst v63  }
0xba: {  	s8 =	sld [smem:$0x7FA]  }
0xbb: {  	[hbm4b:s6+s29] =	stream.strided.scatter [tilespmem:s0], [sflag:$0x2], $0xD000, s30, s29, $0x38;
	[tilespmem:$0x1BA80] =	vst v63  }
0xbc: {  	s9 =	sld [smem:$0x7FB]  }
0xbd: {  	[hbm4b:s8+s29] =	stream.strided.scatter [tilespmem:s0], [sflag:$0x2], $0xD000, s30, s29, $0x38;
	[tilespmem:$0x1BA80] =	vst v63  }
0xbe: {  	s10 =	sld [smem:$0x7FC]  }
0xbf: {  	[hbm4b:s9+s29] =	stream.strided.scatter [tilespmem:s0], [sflag:$0x2], $0xD000, s30, s29, $0x38;
	[tilespmem:$0x1BA80] =	vst v63  }
0xc0: {  	s14 =	sld [smem:$0x7FD]  }
0xc1: {  	[hbm4b:s10+s29] =	stream.strided.scatter [tilespmem:s0], [sflag:$0x2], $0xD000, s30, s29, $0x38;
	[tilespmem:$0x1BA80] =	vst v63  }
0xc2: {  	_ = 	snop  }
0xc3: {  	[hbm4b:s14+s29] =	stream.strided.scatter [tilespmem:s0], [sflag:$0x2], $0xD000, s30, s29, $0x38;
	[tilespmem:$0x1BA80] =	vst v63  }
0xc4: {  	_ = 	snop  }
0xc5: {  	[hbm4b:s15+s29] =	stream.strided.scatter [tilespmem:s0], [sflag:$0x2], $0xD000, s30, s29, $0x38;
	[tilespmem:$0x1BA80] =	vst v63  }
0xc6: {  	_ = 	snop  }
0xc7: {  	[hbm4b:s16+s29] =	stream.strided.scatter [tilespmem:s0], [sflag:$0x2], $0xD000, s30, s29, $0x38;
	[tilespmem:$0x1BA80] =	vst v63  }
0xc8: {  	_ = 	snop  }
0xc9: {  	[hbm4b:s17+s29] =	stream.strided.scatter [tilespmem:s0], [sflag:$0x2], $0xD000, s30, s29, $0x38;
	[tilespmem:$0x1BA80] =	vst v63  }
0xca: {  	_ = 	snop  }
0xcb: {  	[hbm4b:s18+s29] =	stream.strided.scatter [tilespmem:s0], [sflag:$0x2], $0xD000, s30, s29, $0x38;
	[tilespmem:$0x1BA80] =	vst v63  }
0xcc: {  	_ = 	snop  }
0xcd: {  	[hbm4b:s19+s29] =	stream.strided.scatter [tilespmem:s0], [sflag:$0x2], $0xD000, s30, s29, $0x38;
	[tilespmem:$0x1BA80] =	vst v63  }
0xce: {  	_ = 	snop  }
0xcf: {  	[hbm4b:s20+s29] =	stream.strided.scatter [tilespmem:s0], [sflag:$0x2], $0xD000, s30, s29, $0x38;
	[tilespmem:$0x1BA80] =	vst v63  }
0xd0: {  	_ = 	snop  }
0xd1: {  	[hbm4b:s21+s29] =	stream.strided.scatter [tilespmem:s0], [sflag:$0x2], $0xD000, s30, s29, $0x38;
	[tilespmem:$0x1BA80] =	vst v63  }
0xd2: {  	_ = 	snop  }
0xd3: {  	[hbm4b:s22+s29] =	stream.strided.scatter [tilespmem:s0], [sflag:$0x2], $0xD000, s30, s29, $0x38;
	[tilespmem:$0x1BA80] =	vst v63  }
0xd4: {  	_ = 	snop  }
0xd5: {  	[hbm4b:s23+s29] =	stream.strided.scatter [tilespmem:s0], [sflag:$0x2], $0xD000, s30, s29, $0x38;
	[tilespmem:$0x1BA80] =	vst v63  }
0xd6: {  	_ = 	snop  }
0xd7: {  	[hbm4b:s24+s29] =	stream.strided.scatter [tilespmem:s0], [sflag:$0x2], $0xD000, s30, s29, $0x38;
	[tilespmem:$0x1BA80] =	vst v63  }
0xd8: {  	_ = 	snop  }
0xd9: {  	[hbm4b:s25+s29] =	stream.strided.scatter [tilespmem:s0], [sflag:$0x2], $0xD000, s30, s29, $0x38;
	[tilespmem:$0x1BA80] =	vst v63  }
0xda: {  	_ = 	snop  }
0xdb: {  	[hbm4b:s26+s29] =	stream.strided.scatter [tilespmem:s0], [sflag:$0x2], $0xD000, s30, s29, $0x38;
	[tilespmem:$0x1BA80] =	vst v63  }
0xdc: {  	_ =	swait.ge [sflag:s1], $0xD000  }
0xdd: {  	[sflag:s1] =	ssyncset.done $0x0  }
0xde: {  	[sflag:s1] =	ssyncadd.s32 $0xFFFF3000  }
0xdf: {  	_ =	swait.ge [sflag:s1], $0xD000  }
0xe0: {  	[sflag:s1] =	ssyncset.done $0x0  }
0xe1: {  	[sflag:s1] =	ssyncadd.s32 $0xFFFF3000  }
0xe2: {  	_ =	swait.ge [sflag:s1], $0xD000  }
0xe3: {  	[sflag:s1] =	ssyncset.done $0x0  }
0xe4: {  	[sflag:s1] =	ssyncadd.s32 $0xFFFF3000  }
0xe5: {  	_ =	swait.ge [sflag:s1], $0xD000  }
0xe6: {  	[sflag:s1] =	ssyncset.done $0x0  }
0xe7: {  	[sflag:s1] =	ssyncadd.s32 $0xFFFF3000  }
0xe8: {  	_ =	swait.ge [sflag:s1], $0xD000  }
0xe9: {  	[sflag:s1] =	ssyncset.done $0x0  }
0xea: {  	[sflag:s1] =	ssyncadd.s32 $0xFFFF3000  }
0xeb: {  	_ =	swait.ge [sflag:s1], $0xD000  }
0xec: {  	[sflag:s1] =	ssyncset.done $0x0  }
0xed: {  	[sflag:s1] =	ssyncadd.s32 $0xFFFF3000  }
0xee: {  	_ =	swait.ge [sflag:s1], $0xD000  }
0xef: {  	[sflag:s1] =	ssyncset.done $0x0  }
0xf0: {  	[sflag:s1] =	ssyncadd.s32 $0xFFFF3000  }
0xf1: {  	_ =	swait.ge [sflag:s1], $0xD000  }
0xf2: {  	[sflag:s1] =	ssyncset.done $0x0  }
0xf3: {  	[sflag:s1] =	ssyncadd.s32 $0xFFFF3000  }
0xf4: {  	_ =	swait.ge [sflag:s1], $0xD000  }
0xf5: {  	[sflag:s1] =	ssyncset.done $0x0  }
0xf6: {  	[sflag:s1] =	ssyncadd.s32 $0xFFFF3000  }
0xf7: {  	_ =	swait.ge [sflag:s1], $0xD000  }
0xf8: {  	[sflag:s1] =	ssyncset.done $0x0  }
0xf9: {  	[sflag:s1] =	ssyncadd.s32 $0xFFFF3000  }
0xfa: {  	_ =	swait.ge [sflag:s1], $0xD000  }
0xfb: {  	[sflag:s1] =	ssyncset.done $0x0  }
0xfc: {  	[sflag:s1] =	ssyncadd.s32 $0xFFFF3000  }
0xfd: {  	_ =	swait.ge [sflag:s1], $0xD000  }
0xfe: {  	[sflag:s1] =	ssyncset.done $0x0  }
0xff: {  	[sflag:s1] =	ssyncadd.s32 $0xFFFF3000  }
0x100: {  	_ =	swait.ge [sflag:s1], $0xD000  }
0x101: {  	[sflag:s1] =	ssyncset.done $0x0  }
0x102: {  	[sflag:s1] =	ssyncadd.s32 $0xFFFF3000  }
0x103: {  	_ =	swait.ge [sflag:s1], $0xD000  }
0x104: {  	[sflag:s1] =	ssyncset.done $0x0  }
0x105: {  	[sflag:s1] =	ssyncadd.s32 $0xFFFF3000  }
0x106: {  	_ =	swait.ge [sflag:s1], $0xD000  }
0x107: {  	[sflag:s1] =	ssyncset.done $0x0  }
0x108: {  	[sflag:s1] =	ssyncadd.s32 $0xFFFF3000  }
0x109: {  	_ =	swait.ge [sflag:s1], $0xD000  }
0x10a: {  	[sflag:s1] =	ssyncset.done $0x0  }
0x10b: {  	[sflag:s1] =	ssyncadd.s32 $0xFFFF3000  }
0x10c: {  	_ =	swait.ge [sflag:s1], $0xD000  }
0x10d: {  	[sflag:s1] =	ssyncset.done $0x0  }
0x10e: {  	[sflag:s1] =	ssyncadd.s32 $0xFFFF3000  }
0x10f: {  	_ =	swait.ge [sflag:s1], $0xD000  }
0x110: {  	[sflag:s1] =	ssyncset.done $0x0  }
0x111: {  	[sflag:s1] =	ssyncadd.s32 $0xFFFF3000  }
0x112: {  	_ =	swait.ge [sflag:s1], $0xD000  }
0x113: {  	[sflag:s1] =	ssyncset.done $0x0  }
0x114: {  	[sflag:s1] =	ssyncadd.s32 $0xFFFF3000  }
0x115: {  	_ =	swait.ge [sflag:s1], $0xD000  }
0x116: {  	[sflag:s1] =	ssyncset.done $0x0  }
0x117: {  	[sflag:s1] =	ssyncadd.s32 $0xFFFF3000  }
0x118: {  	_ =	swait.ge [sflag:s1], $0xD000  }
0x119: {  	[sflag:s1] =	ssyncset.done $0x0  }
0x11a: {  	[sflag:s1] =	ssyncadd.s32 $0xFFFF3000  }
0x11b: {  	_ =	swait.ge [sflag:s1], $0xD000  }
0x11c: {  	[sflag:s1] =	ssyncset.done $0x0  }
0x11d: {  	[sflag:s1] =	ssyncadd.s32 $0xFFFF3000  }
0x11e: {  	_ =	swait.ge [sflag:s1], $0xD000  }
0x11f: {  	[sflag:s1] =	ssyncset.done $0x0  }
0x120: {  	[sflag:s1] =	ssyncadd.s32 $0xFFFF3000  }
0x121: {  	_ =	swait.ge [sflag:s1], $0xD000  }
0x122: {  	[sflag:s1] =	ssyncset.done $0x0  }
0x123: {  	[sflag:s1] =	ssyncadd.s32 $0xFFFF3000  }
0x124: {  	_ =	swait.ge [sflag:s1], $0xD000  }
0x125: {  	[sflag:s1] =	ssyncset.done $0x0  }
0x126: {  	[sflag:s1] =	ssyncadd.s32 $0xFFFF3000  }
0x127: {  	_ =	swait.ge [sflag:s1], $0xD000  }
0x128: {  	[sflag:s1] =	ssyncset.done $0x0  }
0x129: {  	[sflag:s1] =	ssyncadd.s32 $0xFFFF3000  }
0x12a: {  	_ =	swait.ge [sflag:s1], $0xD000  }
0x12b: {  	[sflag:s1] =	ssyncset.done $0x0  }
0x12c: {  	[sflag:s1] =	ssyncadd.s32 $0xFFFF3000  }
0x12d: {  	_ =	swait.ge [sflag:s1], $0xD000  }
0x12e: {  	[sflag:s1] =	ssyncset.done $0x0  }
0x12f: {  	[sflag:s1] =	ssyncadd.s32 $0xFFFF3000  }
0x130: {  	_ =	swait.ge [sflag:s1], $0xD000  }
0x131: {  	[sflag:s1] =	ssyncset.done $0x0  }
0x132: {  	[sflag:s1] =	ssyncadd.s32 $0xFFFF3000  }
0x133: {  	_ =	swait.ge [sflag:s1], $0xD000  }
0x134: {  	[sflag:s1] =	ssyncset.done $0x0  }
0x135: {  	[sflag:s1] =	ssyncadd.s32 $0xFFFF3000  }
0x136: {  	_ =	swait.ge [sflag:s1], $0xD000  }
0x137: {  	[sflag:s1] =	ssyncset.done $0x0  }
0x138: {  	[sflag:s1] =	ssyncadd.s32 $0xFFFF3000  }
0x139: {  	_ =	swait.ge [sflag:s1], $0xD000  }
0x13a: {  	[sflag:s1] =	ssyncset.done $0x0  }
0x13b: {  	[sflag:s1] =	ssyncadd.s32 $0xFFFF3000  }
0x13c: {  	_ =	swait.ge [sflag:s1], $0xD000  }
0x13d: {  	[sflag:s1] =	ssyncset.done $0x0  }
0x13e: {  	[sflag:s1] =	ssyncadd.s32 $0xFFFF3000  }
0x13f: {  	_ =	swait.ge [sflag:s1], $0xD000  }
0x140: {  	[sflag:s1] =	ssyncset.done $0x0  }
0x141: {  	[sflag:s1] =	ssyncadd.s32 $0xFFFF3000  }
0x142: {  	_ =	swait.ge [sflag:s1], $0xD000  }
0x143: {  	[sflag:s1] =	ssyncset.done $0x0  }
0x144: {  	[sflag:s1] =	ssyncadd.s32 $0xFFFF3000  }
0x145: {  	_ =	swait.ge [sflag:s1], $0xD000  }
0x146: {  	[sflag:s1] =	ssyncset.done $0x0  }
0x147: {  	[sflag:s1] =	ssyncadd.s32 $0xFFFF3000  }
0x148: {  	_ =	swait.ge [sflag:s1], $0xD000  }
0x149: {  	[sflag:s1] =	ssyncset.done $0x0  }
0x14a: {  	[sflag:s1] =	ssyncadd.s32 $0xFFFF3000  }
0x14b: {  	_ =	swait.ge [sflag:s1], $0xD000  }
0x14c: {  	[sflag:s1] =	ssyncset.done $0x0  }
0x14d: {  	[sflag:s1] =	ssyncadd.s32 $0xFFFF3000  }
0x14e: {  	_ =	swait.ge [sflag:s1], $0xD000  }
0x14f: {  	[sflag:s1] =	ssyncset.done $0x0  }
0x150: {  	[sflag:s1] =	ssyncadd.s32 $0xFFFF3000  }
0x151: {  	_ =	swait.ge [sflag:s1], $0xD000  }
0x152: {  	[sflag:s1] =	ssyncset.done $0x0  }
0x153: {  	[sflag:s1] =	ssyncadd.s32 $0xFFFF3000  }
0x154: {  	_ =	swait.ge [sflag:s1], $0xD000  }
0x155: {  	[sflag:s1] =	ssyncset.done $0x0  }
0x156: {  	[sflag:s1] =	ssyncadd.s32 $0xFFFF3000  }
0x157: {  	_ =	swait.ge [sflag:s1], $0xD000  }
0x158: {  	[sflag:s1] =	ssyncset.done $0x0  }
0x159: {  	[sflag:s1] =	ssyncadd.s32 $0xFFFF3000  }
0x15a: {  	_ =	swait.ge [sflag:s1], $0xD000  }
0x15b: {  	[sflag:s1] =	ssyncset.done $0x0  }
0x15c: {  	[sflag:s1] =	ssyncadd.s32 $0xFFFF3000  }
0x15d: {  	_ =	swait.ge [sflag:s1], $0xD000  }
0x15e: {  	[sflag:s1] =	ssyncset.done $0x0  }
0x15f: {  	[sflag:s1] =	ssyncadd.s32 $0xFFFF3000  }
0x160: {  	_ =	swait.ge [sflag:s1], $0xD000  }
0x161: {  	[sflag:s1] =	ssyncset.done $0x0  }
0x162: {  	[sflag:s1] =	ssyncadd.s32 $0xFFFF3000  }
0x163: {  	_ =	swait.ge [sflag:s1], $0xD000  }
0x164: {  	[sflag:s1] =	ssyncset.done $0x0  }
0x165: {  	[sflag:s1] =	ssyncadd.s32 $0xFFFF3000  }
0x166: {  	_ =	swait.ge [sflag:s1], $0xD000  }
0x167: {  	[sflag:s1] =	ssyncset.done $0x0  }
0x168: {  	[sflag:s1] =	ssyncadd.s32 $0xFFFF3000  }
0x169: {  	_ =	swait.ge [sflag:s1], $0xD000  }
0x16a: {  	[sflag:s1] =	ssyncset.done $0x0  }
0x16b: {  	[sflag:s1] =	ssyncadd.s32 $0xFFFF3000  }
0x16c: {  	_ =	swait.ge [sflag:s1], $0xD000  }
0x16d: {  	[sflag:s1] =	ssyncset.done $0x0  }
0x16e: {  	[sflag:s1] =	ssyncadd.s32 $0xFFFF3000  }
0x16f: {  	_ =	swait.ge [sflag:s1], $0xD000  }
0x170: {  	[sflag:s1] =	ssyncset.done $0x0  }
0x171: {  	[sflag:s1] =	ssyncadd.s32 $0xFFFF3000  }
0x172: {  	_ =	swait.ge [sflag:s1], $0xD000  }
0x173: {  	[sflag:s1] =	ssyncset.done $0x0  }
0x174: {  	[sflag:s1] =	ssyncadd.s32 $0xFFFF3000  }
0x175: {  	_ =	swait.ge [sflag:s1], $0xD000  }
0x176: {  	[sflag:s1] =	ssyncset.done $0x0  }
0x177: {  	[sflag:s1] =	ssyncadd.s32 $0xFFFF3000  }
0x178: {  	_ =	swait.ge [sflag:s1], $0xD000  }
0x179: {  	[sflag:s1] =	ssyncset.done $0x0  }
0x17a: {  	[sflag:s1] =	ssyncadd.s32 $0xFFFF3000  }
0x17b: {  	_ =	swait.ge [sflag:s1], $0xD000  }
0x17c: {  	[sflag:s1] =	ssyncset.done $0x0  }
0x17d: {  	[sflag:s1] =	ssyncadd.s32 $0xFFFF3000  }
0x17e: {  	_ =	swait.ge [sflag:s1], $0xD000  }
0x17f: {  	[sflag:s1] =	ssyncset.done $0x0  }
0x180: {  	[sflag:s1] =	ssyncadd.s32 $0xFFFF3000  }
0x181: {  	_ =	swait.ge [sflag:s1], $0xD000  }
0x182: {  	[sflag:s1] =	ssyncset.done $0x0  }
0x183: {  	[sflag:s1] =	ssyncadd.s32 $0xFFFF3000  }
0x184: {  	_ =	swait.ge [sflag:s1], $0xD000  }
0x185: {  	[sflag:s1] =	ssyncset.done $0x0  }
0x186: {  	[sflag:s1] =	ssyncadd.s32 $0xFFFF3000  }
0x187: {  	_ =	swait.ge [sflag:s1], $0xD000  }
0x188: {  	[sflag:s1] =	ssyncset.done $0x0  }
0x189: {  	[sflag:s1] =	ssyncadd.s32 $0xFFFF3000  }
0x18a: {  	_ =	swait.ge [sflag:s1], $0xD000  }
0x18b: {  	[sflag:s1] =	ssyncset.done $0x0  }
0x18c: {  	[sflag:s1] =	ssyncadd.s32 $0xFFFF3000  }
0x18d: {  	_ =	swait.ge [sflag:s1], $0xD000  }
0x18e: {  	[sflag:s1] =	ssyncset.done $0x0  }
0x18f: {  	[sflag:s1] =	ssyncadd.s32 $0xFFFF3000  }
0x190: {  	_ =	swait.ge [sflag:s1], $0xD000  }
0x191: {  	[sflag:s1] =	ssyncset.done $0x0  }
0x192: {  	[sflag:s1] =	ssyncadd.s32 $0xFFFF3000  }
0x193: {  	_ =	swait.ge [sflag:s1], $0xD000  }
0x194: {  	[sflag:s1] =	ssyncset.done $0x0  }
0x195: {  	[sflag:s1] =	ssyncadd.s32 $0xFFFF3000  }
0x196: {  	_ =	swait.ge [sflag:s1], $0xD000  }
0x197: {  	[sflag:s1] =	ssyncset.done $0x0  }
0x198: {  	[sflag:s1] =	ssyncadd.s32 $0xFFFF3000  }
0x199: {  	_ =	swait.ge [sflag:s1], $0xD000  }
0x19a: {  	[sflag:s1] =	ssyncset.done $0x0  }
0x19b: {  	[sflag:s1] =	ssyncadd.s32 $0xFFFF3000  }
.LBB2_10:
0x19c: {  	s4 =	sadd.s32 $0x1, s4  }
0x19d: {  	p1 =	sne.s32 s4, s11  }
.Ltmp1:
0x19e: {  	_ = 	snop;
	(pc) =	sbr.rel @!p1 .LBB2_11-.Ltmp1, $1  }
0x19f: {  	_ =	sdelay $0x3  }
.LBB2_1:
0x1a0: {  	[tilespmem:s2], [sflag:$0x1] =	stream.linear.gather [hbm4b:s3+s2], $0x19C0, $0x38;
	[tilespmem:$0x1BA80] =	vst v63  }
0x1a1: {  	_ =	swait.ge [sflag:s28], $0x19C0  }
0x1a2: {  	[sflag:s28] =	ssyncset.done $0x0  }
0x1a3: {  	[sflag:s28] =	ssyncadd.s32 $0xFFFFE640  }
0x1a4: {  	v0 =	vld.msk [tilespmem:s12+$0x0 ss:$0x0], $0xffff;
	_ =	sdelay $0x2  }
0x1a5: {  	s5 =	sand.u32 $0xF000, s2;
	s6 =	sand.u32 $0x380, s2  }
0x1a6: {  	s5 =	sor.u32 s6, s5  }
0x1a7: {  	[tilespmem:s5+$0x1A80] =	vst v0  }
0x1a8: {  	[tilespmem:s5+$0x1A90] =	vst v0  }
0x1a9: {  	[tilespmem:s5+$0x1AA0] =	vst v0  }
0x1aa: {  	[tilespmem:s5+$0x1AB0] =	vst v0  }
0x1ab: {  	[tilespmem:s5+$0x1AC0] =	vst v0  }
0x1ac: {  	[tilespmem:s5+$0x1AD0] =	vst v0  }
0x1ad: {  	[tilespmem:s5+$0x1AE0] =	vst v0  }
0x1ae: {  	[tilespmem:s5+$0x1AF0] =	vst v0  }
0x1af: {  	[tilespmem:s5+$0x1E80] =	vst v0  }
0x1b0: {  	[tilespmem:s5+$0x1E90] =	vst v0  }
0x1b1: {  	[tilespmem:s5+$0x1EA0] =	vst v0  }
0x1b2: {  	[tilespmem:s5+$0x1EB0] =	vst v0  }
0x1b3: {  	[tilespmem:s5+$0x1EC0] =	vst v0  }
0x1b4: {  	[tilespmem:s5+$0x1ED0] =	vst v0  }
0x1b5: {  	[tilespmem:s5+$0x1EE0] =	vst v0  }
0x1b6: {  	[tilespmem:s5+$0x1EF0] =	vst v0  }
0x1b7: {  	[tilespmem:s5+$0x2280] =	vst v0  }
0x1b8: {  	[tilespmem:s5+$0x2290] =	vst v0  }
0x1b9: {  	[tilespmem:s5+$0x22A0] =	vst v0  }
0x1ba: {  	[tilespmem:s5+$0x22B0] =	vst v0  }
0x1bb: {  	[tilespmem:s5+$0x22C0] =	vst v0  }
0x1bc: {  	[tilespmem:s5+$0x22D0] =	vst v0  }
0x1bd: {  	[tilespmem:s5+$0x22E0] =	vst v0  }
0x1be: {  	[tilespmem:s5+$0x22F0] =	vst v0  }
0x1bf: {  	[tilespmem:s5+$0x2680] =	vst v0  }
0x1c0: {  	[tilespmem:s5+$0x2690] =	vst v0  }
0x1c1: {  	[tilespmem:s5+$0x26A0] =	vst v0  }
0x1c2: {  	[tilespmem:s5+$0x26B0] =	vst v0  }
0x1c3: {  	[tilespmem:s5+$0x26C0] =	vst v0  }
0x1c4: {  	[tilespmem:s5+$0x26D0] =	vst v0  }
0x1c5: {  	[tilespmem:s5+$0x26E0] =	vst v0  }
0x1c6: {  	[tilespmem:s5+$0x26F0] =	vst v0;
	s5 =	sadd.s32 $0x1, s12  }
0x1c7: {  	s9 =	simm.s32 $0x400;
	s8 =	simm.s32 $0x0;
	s6 =	simm.s32 $0x200;
	v0 =	vld.msk [tilespmem:s5+$0x0 ss:$0x0], $0xffff  }
.LBB2_2:
0x1c8: {  	p1 =	sne.s32 s9, $0xCE00;
	_ =	sdelay $0x1  }
0x1c9: {  	s8 =	sadd.s32 $0x80, s8  }
0x1ca: {  	s10 =	sand.u32 $0xF000, s6;
	s6 =	smov.u32 s9;
	s14 =	sand.u32 $0x380, s8  }
0x1cb: {  	s10 =	sor.u32 s14, s10  }
0x1cc: {  	[tilespmem:s10+$0x1A80] =	vst v0  }
0x1cd: {  	[tilespmem:s10+$0x1A90] =	vst v0  }
0x1ce: {  	[tilespmem:s10+$0x1AA0] =	vst v0  }
0x1cf: {  	[tilespmem:s10+$0x1AB0] =	vst v0  }
0x1d0: {  	[tilespmem:s10+$0x1AC0] =	vst v0  }
0x1d1: {  	[tilespmem:s10+$0x1AD0] =	vst v0  }
0x1d2: {  	[tilespmem:s10+$0x1AE0] =	vst v0  }
0x1d3: {  	[tilespmem:s10+$0x1AF0] =	vst v0  }
0x1d4: {  	[tilespmem:s10+$0x1E80] =	vst v0  }
0x1d5: {  	[tilespmem:s10+$0x1E90] =	vst v0  }
0x1d6: {  	[tilespmem:s10+$0x1EA0] =	vst v0  }
0x1d7: {  	[tilespmem:s10+$0x1EB0] =	vst v0  }
0x1d8: {  	[tilespmem:s10+$0x1EC0] =	vst v0  }
0x1d9: {  	[tilespmem:s10+$0x1ED0] =	vst v0  }
0x1da: {  	[tilespmem:s10+$0x1EE0] =	vst v0  }
0x1db: {  	[tilespmem:s10+$0x1EF0] =	vst v0  }
0x1dc: {  	[tilespmem:s10+$0x2280] =	vst v0  }
0x1dd: {  	[tilespmem:s10+$0x2290] =	vst v0  }
0x1de: {  	[tilespmem:s10+$0x22A0] =	vst v0  }
0x1df: {  	[tilespmem:s10+$0x22B0] =	vst v0  }
0x1e0: {  	[tilespmem:s10+$0x22C0] =	vst v0  }
0x1e1: {  	[tilespmem:s10+$0x22D0] =	vst v0  }
0x1e2: {  	[tilespmem:s10+$0x22E0] =	vst v0  }
0x1e3: {  	[tilespmem:s10+$0x22F0] =	vst v0  }
0x1e4: {  	[tilespmem:s10+$0x2680] =	vst v0  }
0x1e5: {  	[tilespmem:s10+$0x2690] =	vst v0  }
0x1e6: {  	[tilespmem:s10+$0x26A0] =	vst v0  }
0x1e7: {  	[tilespmem:s10+$0x26B0] =	vst v0  }
.Ltmp2:
0x1e8: {  	[tilespmem:s10+$0x26C0] =	vst v0;
	(pc) =	sbr.rel @p1 .LBB2_2-.Ltmp2, $4  }
0x1e9: {  	[tilespmem:s10+$0x26D0] =	vst v0  }
0x1ea: {  	[tilespmem:s10+$0x26E0] =	vst v0  }
0x1eb: {  	s5 =	sadd.s32 $0x1, s5;
	[tilespmem:s10+$0x26F0] =	vst v0  }
0x1ec: {  	s9 =	sadd.s32 $0x200, s9;
	v0 =	vld.msk [tilespmem:s5+$0x0 ss:$0x0], $0xffff  }
0x1ed: {  	_ = 	snop  }
0x1ee: {  	s5 =	sadd.s32 $0x80, s8  }
0x1ef: {  	s6 =	sand.u32 $0xF000, s6;
	s5 =	sand.u32 $0x380, s5  }
0x1f0: {  	s5 =	sor.u32 s5, s6  }
0x1f1: {  	[tilespmem:s5+$0x1A80] =	vst v0  }
0x1f2: {  	[tilespmem:s5+$0x1A90] =	vst v0  }
0x1f3: {  	[tilespmem:s5+$0x1AA0] =	vst v0  }
0x1f4: {  	[tilespmem:s5+$0x1AB0] =	vst v0  }
0x1f5: {  	[tilespmem:s5+$0x1AC0] =	vst v0  }
0x1f6: {  	[tilespmem:s5+$0x1AD0] =	vst v0  }
0x1f7: {  	[tilespmem:s5+$0x1AE0] =	vst v0  }
0x1f8: {  	[tilespmem:s5+$0x1AF0] =	vst v0  }
0x1f9: {  	[tilespmem:s5+$0x1E80] =	vst v0  }
0x1fa: {  	[tilespmem:s5+$0x1E90] =	vst v0  }
0x1fb: {  	[tilespmem:s5+$0x1EA0] =	vst v0  }
0x1fc: {  	[tilespmem:s5+$0x1EB0] =	vst v0  }
0x1fd: {  	[tilespmem:s5+$0x1EC0] =	vst v0  }
0x1fe: {  	[tilespmem:s5+$0x1ED0] =	vst v0  }
0x1ff: {  	[tilespmem:s5+$0x1EE0] =	vst v0  }
0x200: {  	[tilespmem:s5+$0x1EF0] =	vst v0  }
0x201: {  	[tilespmem:s5+$0x2280] =	vst v0  }
0x202: {  	[tilespmem:s5+$0x2290] =	vst v0  }
0x203: {  	[tilespmem:s5+$0x22A0] =	vst v0  }
0x204: {  	[tilespmem:s5+$0x22B0] =	vst v0  }
0x205: {  	[tilespmem:s5+$0x22C0] =	vst v0  }
0x206: {  	[tilespmem:s5+$0x22D0] =	vst v0  }
0x207: {  	[tilespmem:s5+$0x22E0] =	vst v0  }
0x208: {  	[tilespmem:s5+$0x22F0] =	vst v0  }
0x209: {  	[tilespmem:s5+$0x2680] =	vst v0  }
0x20a: {  	[tilespmem:s5+$0x2690] =	vst v0  }
0x20b: {  	[tilespmem:s5+$0x26A0] =	vst v0  }
.Ltmp3:
0x20c: {  	[tilespmem:s5+$0x26B0] =	vst v0;
	(pc) =	sbr.rel @!p0 .LBB2_4-.Ltmp3, $4  }
0x20d: {  	[tilespmem:s5+$0x26C0] =	vst v0  }
0x20e: {  	[tilespmem:s5+$0x26D0] =	vst v0  }
0x20f: {  	[tilespmem:s5+$0x26E0] =	vst v0  }
0x210: {  	[tilespmem:s5+$0x26F0] =	vst v0  }
0x211: {  	s5 =	rddreg [dreg:$0x3]  }
0x212: {  	s14 =	rddreg [dreg:$0x4]  }
0x213: {  	[hbm4b:s5+s29] =	stream.strided.scatter [tilespmem:s31], [sflag:$0x2], $0xD000, s30, s29, $0x38;
	[tilespmem:$0x1BA80] =	vst v63  }
0x214: {  	s6 =	rddreg [dreg:$0x5]  }
0x215: {  	[hbm4b:s14+s29] =	stream.strided.scatter [tilespmem:s31], [sflag:$0x2], $0xD000, s30, s29, $0x38;
	[tilespmem:$0x1BA80] =	vst v63  }
0x216: {  	s8 =	rddreg [dreg:$0x6]  }
0x217: {  	[hbm4b:s6+s29] =	stream.strided.scatter [tilespmem:s31], [sflag:$0x2], $0xD000, s30, s29, $0x38;
	[tilespmem:$0x1BA80] =	vst v63  }
0x218: {  	s9 =	rddreg [dreg:$0x7]  }
0x219: {  	[hbm4b:s8+s29] =	stream.strided.scatter [tilespmem:s31], [sflag:$0x2], $0xD000, s30, s29, $0x38;
	[tilespmem:$0x1BA80] =	vst v63  }
0x21a: {  	s10 =	rddreg [dreg:$0x8]  }
0x21b: {  	[hbm4b:s9+s29] =	stream.strided.scatter [tilespmem:s31], [sflag:$0x2], $0xD000, s30, s29, $0x38;
	[tilespmem:$0x1BA80] =	vst v63  }
0x21c: {  	s14 =	rddreg [dreg:$0x9]  }
0x21d: {  	[hbm4b:s10+s29] =	stream.strided.scatter [tilespmem:s31], [sflag:$0x2], $0xD000, s30, s29, $0x38;
	[tilespmem:$0x1BA80] =	vst v63  }
0x21e: {  	s6 =	rddreg [dreg:$0xa]  }
0x21f: {  	[hbm4b:s14+s29] =	stream.strided.scatter [tilespmem:s31], [sflag:$0x2], $0xD000, s30, s29, $0x38;
	[tilespmem:$0x1BA80] =	vst v63  }
0x220: {  	s8 =	rddreg [dreg:$0x14]  }
0x221: {  	[hbm4b:s6+s29] =	stream.strided.scatter [tilespmem:s31], [sflag:$0x2], $0xD000, s30, s29, $0x38;
	[tilespmem:$0x1BA80] =	vst v63  }
0x222: {  	s9 =	rddreg [dreg:$0xb]  }
0x223: {  	[hbm4b:s8+s29] =	stream.strided.scatter [tilespmem:s31], [sflag:$0x2], $0xD000, s30, s29, $0x38;
	[tilespmem:$0x1BA80] =	vst v63  }
0x224: {  	s10 =	rddreg [dreg:$0xc]  }
0x225: {  	[hbm4b:s9+s29] =	stream.strided.scatter [tilespmem:s31], [sflag:$0x2], $0xD000, s30, s29, $0x38;
	[tilespmem:$0x1BA80] =	vst v63  }
0x226: {  	s14 =	rddreg [dreg:$0xd]  }
0x227: {  	[hbm4b:s10+s29] =	stream.strided.scatter [tilespmem:s31], [sflag:$0x2], $0xD000, s30, s29, $0x38;
	[tilespmem:$0x1BA80] =	vst v63  }
0x228: {  	s6 =	rddreg [dreg:$0xe]  }
0x229: {  	[hbm4b:s14+s29] =	stream.strided.scatter [tilespmem:s31], [sflag:$0x2], $0xD000, s30, s29, $0x38;
	[tilespmem:$0x1BA80] =	vst v63  }
0x22a: {  	s8 =	rddreg [dreg:$0xf]  }
0x22b: {  	[hbm4b:s6+s29] =	stream.strided.scatter [tilespmem:s31], [sflag:$0x2], $0xD000, s30, s29, $0x38;
	[tilespmem:$0x1BA80] =	vst v63  }
0x22c: {  	s9 =	rddreg [dreg:$0x10]  }
0x22d: {  	[hbm4b:s8+s29] =	stream.strided.scatter [tilespmem:s31], [sflag:$0x2], $0xD000, s30, s29, $0x38;
	[tilespmem:$0x1BA80] =	vst v63  }
0x22e: {  	s10 =	rddreg [dreg:$0x11]  }
0x22f: {  	[hbm4b:s9+s29] =	stream.strided.scatter [tilespmem:s31], [sflag:$0x2], $0xD000, s30, s29, $0x38;
	[tilespmem:$0x1BA80] =	vst v63  }
0x230: {  	s14 =	rddreg [dreg:$0x1a]  }
0x231: {  	[hbm4b:s10+s29] =	stream.strided.scatter [tilespmem:s31], [sflag:$0x2], $0xD000, s30, s29, $0x38;
	[tilespmem:$0x1BA80] =	vst v63  }
0x232: {  	s6 =	rddreg [dreg:$0x12]  }
0x233: {  	[hbm4b:s14+s29] =	stream.strided.scatter [tilespmem:s31], [sflag:$0x2], $0xD000, s30, s29, $0x38;
	[tilespmem:$0x1BA80] =	vst v63  }
0x234: {  	s8 =	rddreg [dreg:$0x13]  }
0x235: {  	[hbm4b:s6+s29] =	stream.strided.scatter [tilespmem:s31], [sflag:$0x2], $0xD000, s30, s29, $0x38;
	[tilespmem:$0x1BA80] =	vst v63  }
0x236: {  	s9 =	rddreg [dreg:$0x15]  }
0x237: {  	[hbm4b:s8+s29] =	stream.strided.scatter [tilespmem:s31], [sflag:$0x2], $0xD000, s30, s29, $0x38;
	[tilespmem:$0x1BA80] =	vst v63  }
0x238: {  	s10 =	rddreg [dreg:$0x16]  }
0x239: {  	[hbm4b:s9+s29] =	stream.strided.scatter [tilespmem:s31], [sflag:$0x2], $0xD000, s30, s29, $0x38;
	[tilespmem:$0x1BA80] =	vst v63  }
0x23a: {  	s14 =	rddreg [dreg:$0x17]  }
0x23b: {  	[hbm4b:s10+s29] =	stream.strided.scatter [tilespmem:s31], [sflag:$0x2], $0xD000, s30, s29, $0x38;
	[tilespmem:$0x1BA80] =	vst v63  }
0x23c: {  	s6 =	rddreg [dreg:$0x18]  }
0x23d: {  	[hbm4b:s14+s29] =	stream.strided.scatter [tilespmem:s31], [sflag:$0x2], $0xD000, s30, s29, $0x38;
	[tilespmem:$0x1BA80] =	vst v63  }
0x23e: {  	s8 =	rddreg [dreg:$0x19]  }
0x23f: {  	[hbm4b:s6+s29] =	stream.strided.scatter [tilespmem:s31], [sflag:$0x2], $0xD000, s30, s29, $0x38;
	[tilespmem:$0x1BA80] =	vst v63  }
0x240: {  	s9 =	rddreg [dreg:$0x1b]  }
0x241: {  	[hbm4b:s8+s29] =	stream.strided.scatter [tilespmem:s31], [sflag:$0x2], $0xD000, s30, s29, $0x38;
	[tilespmem:$0x1BA80] =	vst v63  }
0x242: {  	s10 =	rddreg [dreg:$0x1c]  }
0x243: {  	[hbm4b:s9+s29] =	stream.strided.scatter [tilespmem:s31], [sflag:$0x2], $0xD000, s30, s29, $0x38;
	[tilespmem:$0x1BA80] =	vst v63  }
0x244: {  	s14 =	rddreg [dreg:$0x1d]  }
0x245: {  	[hbm4b:s10+s29] =	stream.strided.scatter [tilespmem:s31], [sflag:$0x2], $0xD000, s30, s29, $0x38;
	[tilespmem:$0x1BA80] =	vst v63  }
0x246: {  	s6 =	rddreg [dreg:$0x1e]  }
0x247: {  	[hbm4b:s14+s29] =	stream.strided.scatter [tilespmem:s31], [sflag:$0x2], $0xD000, s30, s29, $0x38;
	[tilespmem:$0x1BA80] =	vst v63  }
0x248: {  	s8 =	rddreg [dreg:$0x1f]  }
0x249: {  	[hbm4b:s6+s29] =	stream.strided.scatter [tilespmem:s31], [sflag:$0x2], $0xD000, s30, s29, $0x38;
	[tilespmem:$0x1BA80] =	vst v63  }
0x24a: {  	s9 =	sld [smem:$0x7A8]  }
0x24b: {  	[hbm4b:s8+s29] =	stream.strided.scatter [tilespmem:s31], [sflag:$0x2], $0xD000, s30, s29, $0x38;
	[tilespmem:$0x1BA80] =	vst v63  }
0x24c: {  	s10 =	sld [smem:$0x7A9]  }
0x24d: {  	[hbm4b:s9+s29] =	stream.strided.scatter [tilespmem:s31], [sflag:$0x2], $0xD000, s30, s29, $0x38;
	[tilespmem:$0x1BA80] =	vst v63  }
0x24e: {  	s14 =	sld [smem:$0x7AA]  }
0x24f: {  	[hbm4b:s10+s29] =	stream.strided.scatter [tilespmem:s31], [sflag:$0x2], $0xD000, s30, s29, $0x38;
	[tilespmem:$0x1BA80] =	vst v63  }
0x250: {  	_ = 	snop  }
0x251: {  	[hbm4b:s14+s29] =	stream.strided.scatter [tilespmem:s31], [sflag:$0x2], $0xD000, s30, s29, $0x38;
	[tilespmem:$0x1BA80] =	vst v63  }
0x252: {  	v0 =	vld.msk [tilespmem:s13+$0x0 ss:$0x0], $0xffff;
	_ =	sdelay $0x1  }
0x253: {  	s5 =	simm.s32 $0x3400;
	s6 =	simm.s32 $0xD000  }
0x254: {  	s6 =	sand.u32 $0x1F000, s6;
	s8 =	sand.u32 $0x380, s5  }
0x255: {  	s6 =	sor.u32 s8, s6  }
0x256: {  	[tilespmem:s6+$0x1A80] =	vst v0  }
0x257: {  	[tilespmem:s6+$0x1A90] =	vst v0  }
0x258: {  	[tilespmem:s6+$0x1AA0] =	vst v0  }
0x259: {  	[tilespmem:s6+$0x1AB0] =	vst v0  }
0x25a: {  	[tilespmem:s6+$0x1AC0] =	vst v0  }
0x25b: {  	[tilespmem:s6+$0x1AD0] =	vst v0  }
0x25c: {  	[tilespmem:s6+$0x1AE0] =	vst v0  }
0x25d: {  	[tilespmem:s6+$0x1AF0] =	vst v0  }
0x25e: {  	[tilespmem:s6+$0x1E80] =	vst v0  }
0x25f: {  	[tilespmem:s6+$0x1E90] =	vst v0  }
0x260: {  	[tilespmem:s6+$0x1EA0] =	vst v0  }
0x261: {  	[tilespmem:s6+$0x1EB0] =	vst v0  }
0x262: {  	[tilespmem:s6+$0x1EC0] =	vst v0  }
0x263: {  	[tilespmem:s6+$0x1ED0] =	vst v0  }
0x264: {  	[tilespmem:s6+$0x1EE0] =	vst v0  }
0x265: {  	[tilespmem:s6+$0x1EF0] =	vst v0  }
0x266: {  	[tilespmem:s6+$0x2280] =	vst v0  }
0x267: {  	[tilespmem:s6+$0x2290] =	vst v0  }
0x268: {  	[tilespmem:s6+$0x22A0] =	vst v0  }
0x269: {  	[tilespmem:s6+$0x22B0] =	vst v0  }
0x26a: {  	[tilespmem:s6+$0x22C0] =	vst v0  }
0x26b: {  	[tilespmem:s6+$0x22D0] =	vst v0  }
0x26c: {  	[tilespmem:s6+$0x22E0] =	vst v0  }
0x26d: {  	[tilespmem:s6+$0x22F0] =	vst v0  }
0x26e: {  	[tilespmem:s6+$0x2680] =	vst v0  }
0x26f: {  	[tilespmem:s6+$0x2690] =	vst v0  }
0x270: {  	[tilespmem:s6+$0x26A0] =	vst v0  }
0x271: {  	[tilespmem:s6+$0x26B0] =	vst v0  }
0x272: {  	[tilespmem:s6+$0x26C0] =	vst v0  }
0x273: {  	[tilespmem:s6+$0x26D0] =	vst v0  }
0x274: {  	[tilespmem:s6+$0x26E0] =	vst v0  }
0x275: {  	[tilespmem:s6+$0x26F0] =	vst v0;
	s6 =	sadd.s32 $0x1, s13  }
0x276: {  	s8 =	simm.s32 $0xD200;
	s9 =	simm.s32 $0xD400;
	v0 =	vld.msk [tilespmem:s6+$0x0 ss:$0x0], $0xffff  }
.LBB2_8:
0x277: {  	p1 =	sne.s32 s9, $0x11E00;
	_ =	sdelay $0x1  }
0x278: {  	s5 =	sadd.s32 $0x80, s5  }
0x279: {  	s10 =	sand.u32 $0x1F000, s8;
	s8 =	smov.u32 s9;
	s14 =	sand.u32 $0x380, s5  }
0x27a: {  	s10 =	sor.u32 s14, s10  }
0x27b: {  	[tilespmem:s10+$0x1A80] =	vst v0  }
0x27c: {  	[tilespmem:s10+$0x1A90] =	vst v0  }
0x27d: {  	[tilespmem:s10+$0x1AA0] =	vst v0  }
0x27e: {  	[tilespmem:s10+$0x1AB0] =	vst v0  }
0x27f: {  	[tilespmem:s10+$0x1AC0] =	vst v0  }
0x280: {  	[tilespmem:s10+$0x1AD0] =	vst v0  }
0x281: {  	[tilespmem:s10+$0x1AE0] =	vst v0  }
0x282: {  	[tilespmem:s10+$0x1AF0] =	vst v0  }
0x283: {  	[tilespmem:s10+$0x1E80] =	vst v0  }
0x284: {  	[tilespmem:s10+$0x1E90] =	vst v0  }
0x285: {  	[tilespmem:s10+$0x1EA0] =	vst v0  }
0x286: {  	[tilespmem:s10+$0x1EB0] =	vst v0  }
0x287: {  	[tilespmem:s10+$0x1EC0] =	vst v0  }
0x288: {  	[tilespmem:s10+$0x1ED0] =	vst v0  }
0x289: {  	[tilespmem:s10+$0x1EE0] =	vst v0  }
0x28a: {  	[tilespmem:s10+$0x1EF0] =	vst v0  }
0x28b: {  	[tilespmem:s10+$0x2280] =	vst v0  }
0x28c: {  	[tilespmem:s10+$0x2290] =	vst v0  }
0x28d: {  	[tilespmem:s10+$0x22A0] =	vst v0  }
0x28e: {  	[tilespmem:s10+$0x22B0] =	vst v0  }
0x28f: {  	[tilespmem:s10+$0x22C0] =	vst v0  }
0x290: {  	[tilespmem:s10+$0x22D0] =	vst v0  }
0x291: {  	[tilespmem:s10+$0x22E0] =	vst v0  }
0x292: {  	[tilespmem:s10+$0x22F0] =	vst v0  }
0x293: {  	[tilespmem:s10+$0x2680] =	vst v0  }
0x294: {  	[tilespmem:s10+$0x2690] =	vst v0  }
0x295: {  	[tilespmem:s10+$0x26A0] =	vst v0  }
0x296: {  	[tilespmem:s10+$0x26B0] =	vst v0  }
.Ltmp4:
0x297: {  	[tilespmem:s10+$0x26C0] =	vst v0;
	(pc) =	sbr.rel @p1 .LBB2_8-.Ltmp4, $4  }
0x298: {  	[tilespmem:s10+$0x26D0] =	vst v0  }
0x299: {  	[tilespmem:s10+$0x26E0] =	vst v0  }
0x29a: {  	s6 =	sadd.s32 $0x1, s6;
	[tilespmem:s10+$0x26F0] =	vst v0  }
0x29b: {  	s9 =	sadd.s32 $0x200, s9;
	v0 =	vld.msk [tilespmem:s6+$0x0 ss:$0x0], $0xffff  }
0x29c: {  	_ = 	snop  }
0x29d: {  	s5 =	sadd.s32 $0x80, s5  }
0x29e: {  	s6 =	sand.u32 $0x1F000, s8;
	s5 =	sand.u32 $0x380, s5  }
0x29f: {  	s5 =	sor.u32 s5, s6  }
0x2a0: {  	[tilespmem:s5+$0x1A80] =	vst v0  }
0x2a1: {  	[tilespmem:s5+$0x1A90] =	vst v0  }
0x2a2: {  	[tilespmem:s5+$0x1AA0] =	vst v0  }
0x2a3: {  	[tilespmem:s5+$0x1AB0] =	vst v0  }
0x2a4: {  	[tilespmem:s5+$0x1AC0] =	vst v0  }
0x2a5: {  	[tilespmem:s5+$0x1AD0] =	vst v0  }
0x2a6: {  	[tilespmem:s5+$0x1AE0] =	vst v0  }
0x2a7: {  	[tilespmem:s5+$0x1AF0] =	vst v0  }
0x2a8: {  	[tilespmem:s5+$0x1E80] =	vst v0  }
0x2a9: {  	[tilespmem:s5+$0x1E90] =	vst v0  }
0x2aa: {  	[tilespmem:s5+$0x1EA0] =	vst v0  }
0x2ab: {  	[tilespmem:s5+$0x1EB0] =	vst v0  }
0x2ac: {  	[tilespmem:s5+$0x1EC0] =	vst v0  }
0x2ad: {  	[tilespmem:s5+$0x1ED0] =	vst v0  }
0x2ae: {  	[tilespmem:s5+$0x1EE0] =	vst v0  }
0x2af: {  	[tilespmem:s5+$0x1EF0] =	vst v0  }
0x2b0: {  	[tilespmem:s5+$0x2280] =	vst v0  }
0x2b1: {  	[tilespmem:s5+$0x2290] =	vst v0  }
0x2b2: {  	[tilespmem:s5+$0x22A0] =	vst v0  }
0x2b3: {  	[tilespmem:s5+$0x22B0] =	vst v0  }
0x2b4: {  	[tilespmem:s5+$0x22C0] =	vst v0  }
0x2b5: {  	[tilespmem:s5+$0x22D0] =	vst v0  }
0x2b6: {  	[tilespmem:s5+$0x22E0] =	vst v0  }
0x2b7: {  	[tilespmem:s5+$0x22F0] =	vst v0  }
0x2b8: {  	[tilespmem:s5+$0x2680] =	vst v0  }
0x2b9: {  	[tilespmem:s5+$0x2690] =	vst v0  }
0x2ba: {  	[tilespmem:s5+$0x26A0] =	vst v0  }
0x2bb: {  	[tilespmem:s5+$0x26B0] =	vst v0  }
0x2bc: {  	[tilespmem:s5+$0x26C0] =	vst v0  }
0x2bd: {  	s10 =	sld [smem:$0x7B7];
	[tilespmem:s5+$0x26D0] =	vst v0  }
0x2be: {  	[tilespmem:s5+$0x26E0] =	vst v0  }
0x2bf: {  	s14 =	sld [smem:$0x7AB];
	[tilespmem:s5+$0x26F0] =	vst v0  }
0x2c0: {  	[hbm4b:s10+s29] =	stream.strided.scatter [tilespmem:s0], [sflag:$0x2], $0x5000, s30, s29, $0x38;
	[tilespmem:$0x1BA80] =	vst v63  }
0x2c1: {  	s6 =	sld [smem:$0x7AC]  }
0x2c2: {  	[hbm4b:s14+s29] =	stream.strided.scatter [tilespmem:s0], [sflag:$0x2], $0x5000, s30, s29, $0x38;
	[tilespmem:$0x1BA80] =	vst v63  }
0x2c3: {  	s8 =	sld [smem:$0x7AD]  }
0x2c4: {  	[hbm4b:s6+s29] =	stream.strided.scatter [tilespmem:s0], [sflag:$0x2], $0x5000, s30, s29, $0x38;
	[tilespmem:$0x1BA80] =	vst v63  }
0x2c5: {  	s9 =	sld [smem:$0x7AE]  }
0x2c6: {  	[hbm4b:s8+s29] =	stream.strided.scatter [tilespmem:s0], [sflag:$0x2], $0x5000, s30, s29, $0x38;
	[tilespmem:$0x1BA80] =	vst v63  }
0x2c7: {  	s10 =	sld [smem:$0x7AF]  }
0x2c8: {  	[hbm4b:s9+s29] =	stream.strided.scatter [tilespmem:s0], [sflag:$0x2], $0x5000, s30, s29, $0x38;
	[tilespmem:$0x1BA80] =	vst v63  }
0x2c9: {  	s14 =	sld [smem:$0x7B0]  }
0x2ca: {  	[hbm4b:s10+s29] =	stream.strided.scatter [tilespmem:s0], [sflag:$0x2], $0x5000, s30, s29, $0x38;
	[tilespmem:$0x1BA80] =	vst v63  }
0x2cb: {  	s6 =	sld [smem:$0x7B1]  }
0x2cc: {  	[hbm4b:s14+s29] =	stream.strided.scatter [tilespmem:s0], [sflag:$0x2], $0x5000, s30, s29, $0x38;
	[tilespmem:$0x1BA80] =	vst v63  }
0x2cd: {  	s8 =	sld [smem:$0x7BF]  }
0x2ce: {  	[hbm4b:s6+s29] =	stream.strided.scatter [tilespmem:s0], [sflag:$0x2], $0x5000, s30, s29, $0x38;
	[tilespmem:$0x1BA80] =	vst v63  }
0x2cf: {  	s9 =	sld [smem:$0x7B2]  }
0x2d0: {  	[hbm4b:s8+s29] =	stream.strided.scatter [tilespmem:s0], [sflag:$0x2], $0x5000, s30, s29, $0x38;
	[tilespmem:$0x1BA80] =	vst v63  }
0x2d1: {  	s10 =	sld [smem:$0x7B3]  }
0x2d2: {  	[hbm4b:s9+s29] =	stream.strided.scatter [tilespmem:s0], [sflag:$0x2], $0x5000, s30, s29, $0x38;
	[tilespmem:$0x1BA80] =	vst v63  }
0x2d3: {  	s14 =	sld [smem:$0x7B4]  }
0x2d4: {  	[hbm4b:s10+s29] =	stream.strided.scatter [tilespmem:s0], [sflag:$0x2], $0x5000, s30, s29, $0x38;
	[tilespmem:$0x1BA80] =	vst v63  }
0x2d5: {  	s6 =	sld [smem:$0x7B5]  }
0x2d6: {  	[hbm4b:s14+s29] =	stream.strided.scatter [tilespmem:s0], [sflag:$0x2], $0x5000, s30, s29, $0x38;
	[tilespmem:$0x1BA80] =	vst v63  }
0x2d7: {  	s8 =	sld [smem:$0x7B6]  }
0x2d8: {  	[hbm4b:s6+s29] =	stream.strided.scatter [tilespmem:s0], [sflag:$0x2], $0x5000, s30, s29, $0x38;
	[tilespmem:$0x1BA80] =	vst v63  }
0x2d9: {  	s9 =	sld [smem:$0x7B8]  }
0x2da: {  	[hbm4b:s8+s29] =	stream.strided.scatter [tilespmem:s0], [sflag:$0x2], $0x5000, s30, s29, $0x38;
	[tilespmem:$0x1BA80] =	vst v63  }
0x2db: {  	s10 =	sld [smem:$0x7B9]  }
0x2dc: {  	[hbm4b:s9+s29] =	stream.strided.scatter [tilespmem:s0], [sflag:$0x2], $0x5000, s30, s29, $0x38;
	[tilespmem:$0x1BA80] =	vst v63  }
0x2dd: {  	s14 =	sld [smem:$0x7C1]  }
0x2de: {  	[hbm4b:s10+s29] =	stream.strided.scatter [tilespmem:s0], [sflag:$0x2], $0x5000, s30, s29, $0x38;
	[tilespmem:$0x1BA80] =	vst v63  }
0x2df: {  	s6 =	sld [smem:$0x7BA]  }
0x2e0: {  	[hbm4b:s14+s29] =	stream.strided.scatter [tilespmem:s0], [sflag:$0x2], $0x5000, s30, s29, $0x38;
	[tilespmem:$0x1BA80] =	vst v63  }
0x2e1: {  	s8 =	sld [smem:$0x7BB]  }
0x2e2: {  	[hbm4b:s6+s29] =	stream.strided.scatter [tilespmem:s0], [sflag:$0x2], $0x5000, s30, s29, $0x38;
	[tilespmem:$0x1BA80] =	vst v63  }
0x2e3: {  	s9 =	sld [smem:$0x7BC]  }
0x2e4: {  	[hbm4b:s8+s29] =	stream.strided.scatter [tilespmem:s0], [sflag:$0x2], $0x5000, s30, s29, $0x38;
	[tilespmem:$0x1BA80] =	vst v63  }
0x2e5: {  	s10 =	sld [smem:$0x7BD]  }
0x2e6: {  	[hbm4b:s9+s29] =	stream.strided.scatter [tilespmem:s0], [sflag:$0x2], $0x5000, s30, s29, $0x38;
	[tilespmem:$0x1BA80] =	vst v63  }
0x2e7: {  	s14 =	sld [smem:$0x7BE]  }
0x2e8: {  	[hbm4b:s10+s29] =	stream.strided.scatter [tilespmem:s0], [sflag:$0x2], $0x5000, s30, s29, $0x38;
	[tilespmem:$0x1BA80] =	vst v63  }
0x2e9: {  	s6 =	sld [smem:$0x7C0]  }
0x2ea: {  	[hbm4b:s14+s29] =	stream.strided.scatter [tilespmem:s0], [sflag:$0x2], $0x5000, s30, s29, $0x38;
	[tilespmem:$0x1BA80] =	vst v63  }
0x2eb: {  	s8 =	sld [smem:$0x7C2]  }
0x2ec: {  	[hbm4b:s6+s29] =	stream.strided.scatter [tilespmem:s0], [sflag:$0x2], $0x5000, s30, s29, $0x38;
	[tilespmem:$0x1BA80] =	vst v63  }
0x2ed: {  	s9 =	sld [smem:$0x7C3]  }
0x2ee: {  	[hbm4b:s8+s29] =	stream.strided.scatter [tilespmem:s0], [sflag:$0x2], $0x5000, s30, s29, $0x38;
	[tilespmem:$0x1BA80] =	vst v63  }
0x2ef: {  	s10 =	sld [smem:$0x7C4]  }
0x2f0: {  	[hbm4b:s9+s29] =	stream.strided.scatter [tilespmem:s0], [sflag:$0x2], $0x5000, s30, s29, $0x38;
	[tilespmem:$0x1BA80] =	vst v63  }
0x2f1: {  	s14 =	sld [smem:$0x7C5]  }
0x2f2: {  	[hbm4b:s10+s29] =	stream.strided.scatter [tilespmem:s0], [sflag:$0x2], $0x5000, s30, s29, $0x38;
	[tilespmem:$0x1BA80] =	vst v63  }
0x2f3: {  	s6 =	sld [smem:$0x7C6]  }
0x2f4: {  	[hbm4b:s14+s29] =	stream.strided.scatter [tilespmem:s0], [sflag:$0x2], $0x5000, s30, s29, $0x38;
	[tilespmem:$0x1BA80] =	vst v63  }
0x2f5: {  	s8 =	sld [smem:$0x7C7]  }
0x2f6: {  	[hbm4b:s6+s29] =	stream.strided.scatter [tilespmem:s0], [sflag:$0x2], $0x5000, s30, s29, $0x38;
	[tilespmem:$0x1BA80] =	vst v63  }
0x2f7: {  	s9 =	sld [smem:$0x7C8]  }
0x2f8: {  	[hbm4b:s8+s29] =	stream.strided.scatter [tilespmem:s0], [sflag:$0x2], $0x5000, s30, s29, $0x38;
	[tilespmem:$0x1BA80] =	vst v63  }
0x2f9: {  	s10 =	sld [smem:$0x7C9]  }
0x2fa: {  	[hbm4b:s9+s29] =	stream.strided.scatter [tilespmem:s0], [sflag:$0x2], $0x5000, s30, s29, $0x38;
	[tilespmem:$0x1BA80] =	vst v63  }
0x2fb: {  	s14 =	sld [smem:$0x7CA]  }
0x2fc: {  	[hbm4b:s10+s29] =	stream.strided.scatter [tilespmem:s0], [sflag:$0x2], $0x5000, s30, s29, $0x38;
	[tilespmem:$0x1BA80] =	vst v63  }
0x2fd: {  	_ = 	snop  }
0x2fe: {  	[hbm4b:s14+s29] =	stream.strided.scatter [tilespmem:s0], [sflag:$0x2], $0x5000, s30, s29, $0x38;
	[tilespmem:$0x1BA80] =	vst v63  }
0x2ff: {  	_ =	swait.ge [sflag:s1], $0xD000  }
0x300: {  	[sflag:s1] =	ssyncset.done $0x0  }
0x301: {  	[sflag:s1] =	ssyncadd.s32 $0xFFFF3000  }
0x302: {  	_ =	swait.ge [sflag:s1], $0xD000  }
0x303: {  	[sflag:s1] =	ssyncset.done $0x0  }
0x304: {  	[sflag:s1] =	ssyncadd.s32 $0xFFFF3000  }
0x305: {  	_ =	swait.ge [sflag:s1], $0xD000  }
0x306: {  	[sflag:s1] =	ssyncset.done $0x0  }
0x307: {  	[sflag:s1] =	ssyncadd.s32 $0xFFFF3000  }
0x308: {  	_ =	swait.ge [sflag:s1], $0xD000  }
0x309: {  	[sflag:s1] =	ssyncset.done $0x0  }
0x30a: {  	[sflag:s1] =	ssyncadd.s32 $0xFFFF3000  }
0x30b: {  	_ =	swait.ge [sflag:s1], $0xD000  }
0x30c: {  	[sflag:s1] =	ssyncset.done $0x0  }
0x30d: {  	[sflag:s1] =	ssyncadd.s32 $0xFFFF3000  }
0x30e: {  	_ =	swait.ge [sflag:s1], $0xD000  }
0x30f: {  	[sflag:s1] =	ssyncset.done $0x0  }
0x310: {  	[sflag:s1] =	ssyncadd.s32 $0xFFFF3000  }
0x311: {  	_ =	swait.ge [sflag:s1], $0xD000  }
0x312: {  	[sflag:s1] =	ssyncset.done $0x0  }
0x313: {  	[sflag:s1] =	ssyncadd.s32 $0xFFFF3000  }
0x314: {  	_ =	swait.ge [sflag:s1], $0xD000  }
0x315: {  	[sflag:s1] =	ssyncset.done $0x0  }
0x316: {  	[sflag:s1] =	ssyncadd.s32 $0xFFFF3000  }
0x317: {  	_ =	swait.ge [sflag:s1], $0xD000  }
0x318: {  	[sflag:s1] =	ssyncset.done $0x0  }
0x319: {  	[sflag:s1] =	ssyncadd.s32 $0xFFFF3000  }
0x31a: {  	_ =	swait.ge [sflag:s1], $0xD000  }
0x31b: {  	[sflag:s1] =	ssyncset.done $0x0  }
0x31c: {  	[sflag:s1] =	ssyncadd.s32 $0xFFFF3000  }
0x31d: {  	_ =	swait.ge [sflag:s1], $0xD000  }
0x31e: {  	[sflag:s1] =	ssyncset.done $0x0  }
0x31f: {  	[sflag:s1] =	ssyncadd.s32 $0xFFFF3000  }
0x320: {  	_ =	swait.ge [sflag:s1], $0xD000  }
0x321: {  	[sflag:s1] =	ssyncset.done $0x0  }
0x322: {  	[sflag:s1] =	ssyncadd.s32 $0xFFFF3000  }
0x323: {  	_ =	swait.ge [sflag:s1], $0xD000  }
0x324: {  	[sflag:s1] =	ssyncset.done $0x0  }
0x325: {  	[sflag:s1] =	ssyncadd.s32 $0xFFFF3000  }
0x326: {  	_ =	swait.ge [sflag:s1], $0xD000  }
0x327: {  	[sflag:s1] =	ssyncset.done $0x0  }
0x328: {  	[sflag:s1] =	ssyncadd.s32 $0xFFFF3000  }
0x329: {  	_ =	swait.ge [sflag:s1], $0xD000  }
0x32a: {  	[sflag:s1] =	ssyncset.done $0x0  }
0x32b: {  	[sflag:s1] =	ssyncadd.s32 $0xFFFF3000  }
0x32c: {  	_ =	swait.ge [sflag:s1], $0xD000  }
0x32d: {  	[sflag:s1] =	ssyncset.done $0x0  }
0x32e: {  	[sflag:s1] =	ssyncadd.s32 $0xFFFF3000  }
0x32f: {  	_ =	swait.ge [sflag:s1], $0xD000  }
0x330: {  	[sflag:s1] =	ssyncset.done $0x0  }
0x331: {  	[sflag:s1] =	ssyncadd.s32 $0xFFFF3000  }
0x332: {  	_ =	swait.ge [sflag:s1], $0xD000  }
0x333: {  	[sflag:s1] =	ssyncset.done $0x0  }
0x334: {  	[sflag:s1] =	ssyncadd.s32 $0xFFFF3000  }
0x335: {  	_ =	swait.ge [sflag:s1], $0xD000  }
0x336: {  	[sflag:s1] =	ssyncset.done $0x0  }
0x337: {  	[sflag:s1] =	ssyncadd.s32 $0xFFFF3000  }
0x338: {  	_ =	swait.ge [sflag:s1], $0xD000  }
0x339: {  	[sflag:s1] =	ssyncset.done $0x0  }
0x33a: {  	[sflag:s1] =	ssyncadd.s32 $0xFFFF3000  }
0x33b: {  	_ =	swait.ge [sflag:s1], $0xD000  }
0x33c: {  	[sflag:s1] =	ssyncset.done $0x0  }
0x33d: {  	[sflag:s1] =	ssyncadd.s32 $0xFFFF3000  }
0x33e: {  	_ =	swait.ge [sflag:s1], $0xD000  }
0x33f: {  	[sflag:s1] =	ssyncset.done $0x0  }
0x340: {  	[sflag:s1] =	ssyncadd.s32 $0xFFFF3000  }
0x341: {  	_ =	swait.ge [sflag:s1], $0xD000  }
0x342: {  	[sflag:s1] =	ssyncset.done $0x0  }
0x343: {  	[sflag:s1] =	ssyncadd.s32 $0xFFFF3000  }
0x344: {  	_ =	swait.ge [sflag:s1], $0xD000  }
0x345: {  	[sflag:s1] =	ssyncset.done $0x0  }
0x346: {  	[sflag:s1] =	ssyncadd.s32 $0xFFFF3000  }
0x347: {  	_ =	swait.ge [sflag:s1], $0xD000  }
0x348: {  	[sflag:s1] =	ssyncset.done $0x0  }
0x349: {  	[sflag:s1] =	ssyncadd.s32 $0xFFFF3000  }
0x34a: {  	_ =	swait.ge [sflag:s1], $0xD000  }
0x34b: {  	[sflag:s1] =	ssyncset.done $0x0  }
0x34c: {  	[sflag:s1] =	ssyncadd.s32 $0xFFFF3000  }
0x34d: {  	_ =	swait.ge [sflag:s1], $0xD000  }
0x34e: {  	[sflag:s1] =	ssyncset.done $0x0  }
0x34f: {  	[sflag:s1] =	ssyncadd.s32 $0xFFFF3000  }
0x350: {  	_ =	swait.ge [sflag:s1], $0xD000  }
0x351: {  	[sflag:s1] =	ssyncset.done $0x0  }
0x352: {  	[sflag:s1] =	ssyncadd.s32 $0xFFFF3000  }
0x353: {  	_ =	swait.ge [sflag:s1], $0xD000  }
0x354: {  	[sflag:s1] =	ssyncset.done $0x0  }
0x355: {  	[sflag:s1] =	ssyncadd.s32 $0xFFFF3000  }
0x356: {  	_ =	swait.ge [sflag:s1], $0xD000  }
0x357: {  	[sflag:s1] =	ssyncset.done $0x0  }
0x358: {  	[sflag:s1] =	ssyncadd.s32 $0xFFFF3000  }
0x359: {  	_ =	swait.ge [sflag:s1], $0xD000  }
0x35a: {  	[sflag:s1] =	ssyncset.done $0x0  }
0x35b: {  	[sflag:s1] =	ssyncadd.s32 $0xFFFF3000  }
0x35c: {  	_ =	swait.ge [sflag:s1], $0xD000  }
0x35d: {  	[sflag:s1] =	ssyncset.done $0x0  }
0x35e: {  	[sflag:s1] =	ssyncadd.s32 $0xFFFF3000  }
0x35f: {  	_ =	swait.ge [sflag:s1], $0x5000  }
0x360: {  	[sflag:s1] =	ssyncset.done $0x0  }
0x361: {  	[sflag:s1] =	ssyncadd.s32 $0xFFFFB000  }
0x362: {  	_ =	swait.ge [sflag:s1], $0x5000  }
0x363: {  	[sflag:s1] =	ssyncset.done $0x0  }
0x364: {  	[sflag:s1] =	ssyncadd.s32 $0xFFFFB000  }
0x365: {  	_ =	swait.ge [sflag:s1], $0x5000  }
0x366: {  	[sflag:s1] =	ssyncset.done $0x0  }
0x367: {  	[sflag:s1] =	ssyncadd.s32 $0xFFFFB000  }
0x368: {  	_ =	swait.ge [sflag:s1], $0x5000  }
0x369: {  	[sflag:s1] =	ssyncset.done $0x0  }
0x36a: {  	[sflag:s1] =	ssyncadd.s32 $0xFFFFB000  }
0x36b: {  	_ =	swait.ge [sflag:s1], $0x5000  }
0x36c: {  	[sflag:s1] =	ssyncset.done $0x0  }
0x36d: {  	[sflag:s1] =	ssyncadd.s32 $0xFFFFB000  }
0x36e: {  	_ =	swait.ge [sflag:s1], $0x5000  }
0x36f: {  	[sflag:s1] =	ssyncset.done $0x0  }
0x370: {  	[sflag:s1] =	ssyncadd.s32 $0xFFFFB000  }
0x371: {  	_ =	swait.ge [sflag:s1], $0x5000  }
0x372: {  	[sflag:s1] =	ssyncset.done $0x0  }
0x373: {  	[sflag:s1] =	ssyncadd.s32 $0xFFFFB000  }
0x374: {  	_ =	swait.ge [sflag:s1], $0x5000  }
0x375: {  	[sflag:s1] =	ssyncset.done $0x0  }
0x376: {  	[sflag:s1] =	ssyncadd.s32 $0xFFFFB000  }
0x377: {  	_ =	swait.ge [sflag:s1], $0x5000  }
0x378: {  	[sflag:s1] =	ssyncset.done $0x0  }
0x379: {  	[sflag:s1] =	ssyncadd.s32 $0xFFFFB000  }
0x37a: {  	_ =	swait.ge [sflag:s1], $0x5000  }
0x37b: {  	[sflag:s1] =	ssyncset.done $0x0  }
0x37c: {  	[sflag:s1] =	ssyncadd.s32 $0xFFFFB000  }
0x37d: {  	_ =	swait.ge [sflag:s1], $0x5000  }
0x37e: {  	[sflag:s1] =	ssyncset.done $0x0  }
0x37f: {  	[sflag:s1] =	ssyncadd.s32 $0xFFFFB000  }
0x380: {  	_ =	swait.ge [sflag:s1], $0x5000  }
0x381: {  	[sflag:s1] =	ssyncset.done $0x0  }
0x382: {  	[sflag:s1] =	ssyncadd.s32 $0xFFFFB000  }
0x383: {  	_ =	swait.ge [sflag:s1], $0x5000  }
0x384: {  	[sflag:s1] =	ssyncset.done $0x0  }
0x385: {  	[sflag:s1] =	ssyncadd.s32 $0xFFFFB000  }
0x386: {  	_ =	swait.ge [sflag:s1], $0x5000  }
0x387: {  	[sflag:s1] =	ssyncset.done $0x0  }
0x388: {  	[sflag:s1] =	ssyncadd.s32 $0xFFFFB000  }
0x389: {  	_ =	swait.ge [sflag:s1], $0x5000  }
0x38a: {  	[sflag:s1] =	ssyncset.done $0x0  }
0x38b: {  	[sflag:s1] =	ssyncadd.s32 $0xFFFFB000  }
0x38c: {  	_ =	swait.ge [sflag:s1], $0x5000  }
0x38d: {  	[sflag:s1] =	ssyncset.done $0x0  }
0x38e: {  	[sflag:s1] =	ssyncadd.s32 $0xFFFFB000  }
0x38f: {  	_ =	swait.ge [sflag:s1], $0x5000  }
0x390: {  	[sflag:s1] =	ssyncset.done $0x0  }
0x391: {  	[sflag:s1] =	ssyncadd.s32 $0xFFFFB000  }
0x392: {  	_ =	swait.ge [sflag:s1], $0x5000  }
0x393: {  	[sflag:s1] =	ssyncset.done $0x0  }
0x394: {  	[sflag:s1] =	ssyncadd.s32 $0xFFFFB000  }
0x395: {  	_ =	swait.ge [sflag:s1], $0x5000  }
0x396: {  	[sflag:s1] =	ssyncset.done $0x0  }
0x397: {  	[sflag:s1] =	ssyncadd.s32 $0xFFFFB000  }
0x398: {  	_ =	swait.ge [sflag:s1], $0x5000  }
0x399: {  	[sflag:s1] =	ssyncset.done $0x0  }
0x39a: {  	[sflag:s1] =	ssyncadd.s32 $0xFFFFB000  }
0x39b: {  	_ =	swait.ge [sflag:s1], $0x5000  }
0x39c: {  	[sflag:s1] =	ssyncset.done $0x0  }
0x39d: {  	[sflag:s1] =	ssyncadd.s32 $0xFFFFB000  }
0x39e: {  	_ =	swait.ge [sflag:s1], $0x5000  }
0x39f: {  	[sflag:s1] =	ssyncset.done $0x0  }
0x3a0: {  	[sflag:s1] =	ssyncadd.s32 $0xFFFFB000  }
0x3a1: {  	_ =	swait.ge [sflag:s1], $0x5000  }
0x3a2: {  	[sflag:s1] =	ssyncset.done $0x0  }
0x3a3: {  	[sflag:s1] =	ssyncadd.s32 $0xFFFFB000  }
0x3a4: {  	_ =	swait.ge [sflag:s1], $0x5000  }
0x3a5: {  	[sflag:s1] =	ssyncset.done $0x0  }
0x3a6: {  	[sflag:s1] =	ssyncadd.s32 $0xFFFFB000  }
0x3a7: {  	_ =	swait.ge [sflag:s1], $0x5000  }
0x3a8: {  	[sflag:s1] =	ssyncset.done $0x0  }
0x3a9: {  	[sflag:s1] =	ssyncadd.s32 $0xFFFFB000  }
0x3aa: {  	_ =	swait.ge [sflag:s1], $0x5000  }
0x3ab: {  	[sflag:s1] =	ssyncset.done $0x0  }
0x3ac: {  	[sflag:s1] =	ssyncadd.s32 $0xFFFFB000  }
0x3ad: {  	_ =	swait.ge [sflag:s1], $0x5000  }
0x3ae: {  	[sflag:s1] =	ssyncset.done $0x0  }
0x3af: {  	[sflag:s1] =	ssyncadd.s32 $0xFFFFB000  }
0x3b0: {  	_ =	swait.ge [sflag:s1], $0x5000  }
0x3b1: {  	[sflag:s1] =	ssyncset.done $0x0  }
0x3b2: {  	[sflag:s1] =	ssyncadd.s32 $0xFFFFB000  }
0x3b3: {  	_ =	swait.ge [sflag:s1], $0x5000  }
0x3b4: {  	[sflag:s1] =	ssyncset.done $0x0  }
0x3b5: {  	[sflag:s1] =	ssyncadd.s32 $0xFFFFB000  }
0x3b6: {  	_ =	swait.ge [sflag:s1], $0x5000  }
0x3b7: {  	[sflag:s1] =	ssyncset.done $0x0  }
0x3b8: {  	[sflag:s1] =	ssyncadd.s32 $0xFFFFB000  }
0x3b9: {  	_ =	swait.ge [sflag:s1], $0x5000  }
.Ltmp5:
0x3ba: {  	[sflag:s1] =	ssyncset.done $0x0;
	(pc) =	sbr.rel .LBB2_10-.Ltmp5, $4  }
0x3bb: {  	[sflag:s1] =	ssyncadd.s32 $0xFFFFB000  }
0x3bc: {  	_ =	swait.ge [sflag:s1], $0x5000  }
0x3bd: {  	[sflag:s1] =	ssyncset.done $0x0  }
0x3be: {  	[sflag:s1] =	ssyncadd.s32 $0xFFFFB000  }
.LBB2_4:
0x3bf: {  	s5 =	sld [smem:$0x7CB]  }
0x3c0: {  	[hbm4b:s7+s29] =	stream.strided.scatter [tilespmem:s31], [sflag:$0x2], $0xD000, s30, s29, $0x38;
	[tilespmem:$0x1BA80] =	vst v63  }
0x3c1: {  	s6 =	sld [smem:$0x7CC]  }
0x3c2: {  	[hbm4b:s5+s29] =	stream.strided.scatter [tilespmem:s31], [sflag:$0x2], $0xD000, s30, s29, $0x38;
	[tilespmem:$0x1BA80] =	vst v63  }
0x3c3: {  	s8 =	sld [smem:$0x7CD]  }
0x3c4: {  	[hbm4b:s6+s29] =	stream.strided.scatter [tilespmem:s31], [sflag:$0x2], $0xD000, s30, s29, $0x38;
	[tilespmem:$0x1BA80] =	vst v63  }
0x3c5: {  	s9 =	sld [smem:$0x7CE]  }
0x3c6: {  	[hbm4b:s8+s29] =	stream.strided.scatter [tilespmem:s31], [sflag:$0x2], $0xD000, s30, s29, $0x38;
	[tilespmem:$0x1BA80] =	vst v63  }
0x3c7: {  	s10 =	sld [smem:$0x7CF]  }
0x3c8: {  	[hbm4b:s9+s29] =	stream.strided.scatter [tilespmem:s31], [sflag:$0x2], $0xD000, s30, s29, $0x38;
	[tilespmem:$0x1BA80] =	vst v63  }
0x3c9: {  	s14 =	sld [smem:$0x7D0]  }
0x3ca: {  	[hbm4b:s10+s29] =	stream.strided.scatter [tilespmem:s31], [sflag:$0x2], $0xD000, s30, s29, $0x38;
	[tilespmem:$0x1BA80] =	vst v63  }
0x3cb: {  	s6 =	sld [smem:$0x7D1]  }
0x3cc: {  	[hbm4b:s14+s29] =	stream.strided.scatter [tilespmem:s31], [sflag:$0x2], $0xD000, s30, s29, $0x38;
	[tilespmem:$0x1BA80] =	vst v63  }
0x3cd: {  	s8 =	sld [smem:$0x7D2]  }
0x3ce: {  	[hbm4b:s6+s29] =	stream.strided.scatter [tilespmem:s31], [sflag:$0x2], $0xD000, s30, s29, $0x38;
	[tilespmem:$0x1BA80] =	vst v63  }
0x3cf: {  	s9 =	sld [smem:$0x7D3]  }
0x3d0: {  	[hbm4b:s8+s29] =	stream.strided.scatter [tilespmem:s31], [sflag:$0x2], $0xD000, s30, s29, $0x38;
	[tilespmem:$0x1BA80] =	vst v63  }
0x3d1: {  	s10 =	sld [smem:$0x7D4]  }
0x3d2: {  	[hbm4b:s9+s29] =	stream.strided.scatter [tilespmem:s31], [sflag:$0x2], $0xD000, s30, s29, $0x38;
	[tilespmem:$0x1BA80] =	vst v63  }
0x3d3: {  	s14 =	sld [smem:$0x7D5]  }
0x3d4: {  	[hbm4b:s10+s29] =	stream.strided.scatter [tilespmem:s31], [sflag:$0x2], $0xD000, s30, s29, $0x38;
	[tilespmem:$0x1BA80] =	vst v63  }
0x3d5: {  	s6 =	sld [smem:$0x7D6]  }
0x3d6: {  	[hbm4b:s14+s29] =	stream.strided.scatter [tilespmem:s31], [sflag:$0x2], $0xD000, s30, s29, $0x38;
	[tilespmem:$0x1BA80] =	vst v63  }
0x3d7: {  	s8 =	sld [smem:$0x7D7]  }
0x3d8: {  	[hbm4b:s6+s29] =	stream.strided.scatter [tilespmem:s31], [sflag:$0x2], $0xD000, s30, s29, $0x38;
	[tilespmem:$0x1BA80] =	vst v63  }
0x3d9: {  	s9 =	sld [smem:$0x7D8]  }
0x3da: {  	[hbm4b:s8+s29] =	stream.strided.scatter [tilespmem:s31], [sflag:$0x2], $0xD000, s30, s29, $0x38;
	[tilespmem:$0x1BA80] =	vst v63  }
0x3db: {  	s10 =	sld [smem:$0x7D9]  }
0x3dc: {  	[hbm4b:s9+s29] =	stream.strided.scatter [tilespmem:s31], [sflag:$0x2], $0xD000, s30, s29, $0x38;
	[tilespmem:$0x1BA80] =	vst v63  }
0x3dd: {  	s14 =	sld [smem:$0x7DA]  }
0x3de: {  	[hbm4b:s10+s29] =	stream.strided.scatter [tilespmem:s31], [sflag:$0x2], $0xD000, s30, s29, $0x38;
	[tilespmem:$0x1BA80] =	vst v63  }
0x3df: {  	s6 =	sld [smem:$0x7DB]  }
0x3e0: {  	[hbm4b:s14+s29] =	stream.strided.scatter [tilespmem:s31], [sflag:$0x2], $0xD000, s30, s29, $0x38;
	[tilespmem:$0x1BA80] =	vst v63  }
0x3e1: {  	s8 =	sld [smem:$0x7DC]  }
0x3e2: {  	[hbm4b:s6+s29] =	stream.strided.scatter [tilespmem:s31], [sflag:$0x2], $0xD000, s30, s29, $0x38;
	[tilespmem:$0x1BA80] =	vst v63  }
0x3e3: {  	s9 =	sld [smem:$0x7DD]  }
0x3e4: {  	[hbm4b:s8+s29] =	stream.strided.scatter [tilespmem:s31], [sflag:$0x2], $0xD000, s30, s29, $0x38;
	[tilespmem:$0x1BA80] =	vst v63  }
0x3e5: {  	s10 =	sld [smem:$0x7DE]  }
0x3e6: {  	[hbm4b:s9+s29] =	stream.strided.scatter [tilespmem:s31], [sflag:$0x2], $0xD000, s30, s29, $0x38;
	[tilespmem:$0x1BA80] =	vst v63  }
0x3e7: {  	s14 =	sld [smem:$0x7DF]  }
0x3e8: {  	[hbm4b:s10+s29] =	stream.strided.scatter [tilespmem:s31], [sflag:$0x2], $0xD000, s30, s29, $0x38;
	[tilespmem:$0x1BA80] =	vst v63  }
0x3e9: {  	s6 =	sld [smem:$0x7E0]  }
0x3ea: {  	[hbm4b:s14+s29] =	stream.strided.scatter [tilespmem:s31], [sflag:$0x2], $0xD000, s30, s29, $0x38;
	[tilespmem:$0x1BA80] =	vst v63  }
0x3eb: {  	s8 =	sld [smem:$0x7E1]  }
0x3ec: {  	[hbm4b:s6+s29] =	stream.strided.scatter [tilespmem:s31], [sflag:$0x2], $0xD000, s30, s29, $0x38;
	[tilespmem:$0x1BA80] =	vst v63  }
0x3ed: {  	s9 =	sld [smem:$0x7E2]  }
0x3ee: {  	[hbm4b:s8+s29] =	stream.strided.scatter [tilespmem:s31], [sflag:$0x2], $0xD000, s30, s29, $0x38;
	[tilespmem:$0x1BA80] =	vst v63  }
0x3ef: {  	s10 =	sld [smem:$0x7E3]  }
0x3f0: {  	[hbm4b:s9+s29] =	stream.strided.scatter [tilespmem:s31], [sflag:$0x2], $0xD000, s30, s29, $0x38;
	[tilespmem:$0x1BA80] =	vst v63  }
0x3f1: {  	s14 =	sld [smem:$0x7E4]  }
0x3f2: {  	[hbm4b:s10+s29] =	stream.strided.scatter [tilespmem:s31], [sflag:$0x2], $0xD000, s30, s29, $0x38;
	[tilespmem:$0x1BA80] =	vst v63  }
0x3f3: {  	s6 =	sld [smem:$0x7E5]  }
0x3f4: {  	[hbm4b:s14+s29] =	stream.strided.scatter [tilespmem:s31], [sflag:$0x2], $0xD000, s30, s29, $0x38;
	[tilespmem:$0x1BA80] =	vst v63  }
0x3f5: {  	s8 =	sld [smem:$0x7E6]  }
0x3f6: {  	[hbm4b:s6+s29] =	stream.strided.scatter [tilespmem:s31], [sflag:$0x2], $0xD000, s30, s29, $0x38;
	[tilespmem:$0x1BA80] =	vst v63  }
0x3f7: {  	s9 =	sld [smem:$0x7E7]  }
0x3f8: {  	[hbm4b:s8+s29] =	stream.strided.scatter [tilespmem:s31], [sflag:$0x2], $0xD000, s30, s29, $0x38;
	[tilespmem:$0x1BA80] =	vst v63  }
0x3f9: {  	s10 =	sld [smem:$0x7E8]  }
0x3fa: {  	[hbm4b:s9+s29] =	stream.strided.scatter [tilespmem:s31], [sflag:$0x2], $0xD000, s30, s29, $0x38;
	[tilespmem:$0x1BA80] =	vst v63  }
0x3fb: {  	s14 =	sld [smem:$0x7E9]  }
0x3fc: {  	[hbm4b:s10+s29] =	stream.strided.scatter [tilespmem:s31], [sflag:$0x2], $0xD000, s30, s29, $0x38;
	[tilespmem:$0x1BA80] =	vst v63  }
0x3fd: {  	_ = 	snop  }
0x3fe: {  	[hbm4b:s14+s29] =	stream.strided.scatter [tilespmem:s31], [sflag:$0x2], $0xD000, s30, s29, $0x38;
	[tilespmem:$0x1BA80] =	vst v63  }
0x3ff: {  	v0 =	vld.msk [tilespmem:s13+$0x0 ss:$0x0], $0xffff;
	_ =	sdelay $0x1  }
0x400: {  	s5 =	simm.s32 $0x3400;
	s6 =	simm.s32 $0xD000  }
0x401: {  	s6 =	sand.u32 $0x1F000, s6;
	s8 =	sand.u32 $0x380, s5  }
0x402: {  	s6 =	sor.u32 s8, s6  }
0x403: {  	[tilespmem:s6+$0x1A80] =	vst v0  }
0x404: {  	[tilespmem:s6+$0x1A90] =	vst v0  }
0x405: {  	[tilespmem:s6+$0x1AA0] =	vst v0  }
0x406: {  	[tilespmem:s6+$0x1AB0] =	vst v0  }
0x407: {  	[tilespmem:s6+$0x1AC0] =	vst v0  }
0x408: {  	[tilespmem:s6+$0x1AD0] =	vst v0  }
0x409: {  	[tilespmem:s6+$0x1AE0] =	vst v0  }
0x40a: {  	[tilespmem:s6+$0x1AF0] =	vst v0  }
0x40b: {  	[tilespmem:s6+$0x1E80] =	vst v0  }
0x40c: {  	[tilespmem:s6+$0x1E90] =	vst v0  }
0x40d: {  	[tilespmem:s6+$0x1EA0] =	vst v0  }
0x40e: {  	[tilespmem:s6+$0x1EB0] =	vst v0  }
0x40f: {  	[tilespmem:s6+$0x1EC0] =	vst v0  }
0x410: {  	[tilespmem:s6+$0x1ED0] =	vst v0  }
0x411: {  	[tilespmem:s6+$0x1EE0] =	vst v0  }
0x412: {  	[tilespmem:s6+$0x1EF0] =	vst v0  }
0x413: {  	[tilespmem:s6+$0x2280] =	vst v0  }
0x414: {  	[tilespmem:s6+$0x2290] =	vst v0  }
0x415: {  	[tilespmem:s6+$0x22A0] =	vst v0  }
0x416: {  	[tilespmem:s6+$0x22B0] =	vst v0  }
0x417: {  	[tilespmem:s6+$0x22C0] =	vst v0  }
0x418: {  	[tilespmem:s6+$0x22D0] =	vst v0  }
0x419: {  	[tilespmem:s6+$0x22E0] =	vst v0  }
0x41a: {  	[tilespmem:s6+$0x22F0] =	vst v0  }
0x41b: {  	[tilespmem:s6+$0x2680] =	vst v0  }
0x41c: {  	[tilespmem:s6+$0x2690] =	vst v0  }
0x41d: {  	[tilespmem:s6+$0x26A0] =	vst v0  }
0x41e: {  	[tilespmem:s6+$0x26B0] =	vst v0  }
0x41f: {  	[tilespmem:s6+$0x26C0] =	vst v0  }
0x420: {  	[tilespmem:s6+$0x26D0] =	vst v0  }
0x421: {  	[tilespmem:s6+$0x26E0] =	vst v0  }
0x422: {  	[tilespmem:s6+$0x26F0] =	vst v0;
	s6 =	sadd.s32 $0x1, s13  }
0x423: {  	s8 =	simm.s32 $0xD200;
	s9 =	simm.s32 $0xD400;
	v0 =	vld.msk [tilespmem:s6+$0x0 ss:$0x0], $0xffff  }
.LBB2_5:
0x424: {  	p1 =	sne.s32 s9, $0x19E00;
	_ =	sdelay $0x1  }
0x425: {  	s5 =	sadd.s32 $0x80, s5  }
0x426: {  	s10 =	sand.u32 $0x1F000, s8;
	s8 =	smov.u32 s9;
	s14 =	sand.u32 $0x380, s5  }
0x427: {  	s10 =	sor.u32 s14, s10  }
0x428: {  	[tilespmem:s10+$0x1A80] =	vst v0  }
0x429: {  	[tilespmem:s10+$0x1A90] =	vst v0  }
0x42a: {  	[tilespmem:s10+$0x1AA0] =	vst v0  }
0x42b: {  	[tilespmem:s10+$0x1AB0] =	vst v0  }
0x42c: {  	[tilespmem:s10+$0x1AC0] =	vst v0  }
0x42d: {  	[tilespmem:s10+$0x1AD0] =	vst v0  }
0x42e: {  	[tilespmem:s10+$0x1AE0] =	vst v0  }
0x42f: {  	[tilespmem:s10+$0x1AF0] =	vst v0  }
0x430: {  	[tilespmem:s10+$0x1E80] =	vst v0  }
0x431: {  	[tilespmem:s10+$0x1E90] =	vst v0  }
0x432: {  	[tilespmem:s10+$0x1EA0] =	vst v0  }
0x433: {  	[tilespmem:s10+$0x1EB0] =	vst v0  }
0x434: {  	[tilespmem:s10+$0x1EC0] =	vst v0  }
0x435: {  	[tilespmem:s10+$0x1ED0] =	vst v0  }
0x436: {  	[tilespmem:s10+$0x1EE0] =	vst v0  }
0x437: {  	[tilespmem:s10+$0x1EF0] =	vst v0  }
0x438: {  	[tilespmem:s10+$0x2280] =	vst v0  }
0x439: {  	[tilespmem:s10+$0x2290] =	vst v0  }
0x43a: {  	[tilespmem:s10+$0x22A0] =	vst v0  }
0x43b: {  	[tilespmem:s10+$0x22B0] =	vst v0  }
0x43c: {  	[tilespmem:s10+$0x22C0] =	vst v0  }
0x43d: {  	[tilespmem:s10+$0x22D0] =	vst v0  }
0x43e: {  	[tilespmem:s10+$0x22E0] =	vst v0  }
0x43f: {  	[tilespmem:s10+$0x22F0] =	vst v0  }
0x440: {  	[tilespmem:s10+$0x2680] =	vst v0  }
0x441: {  	[tilespmem:s10+$0x2690] =	vst v0  }
0x442: {  	[tilespmem:s10+$0x26A0] =	vst v0  }
0x443: {  	[tilespmem:s10+$0x26B0] =	vst v0  }
.Ltmp6:
0x444: {  	[tilespmem:s10+$0x26C0] =	vst v0;
	(pc) =	sbr.rel @p1 .LBB2_5-.Ltmp6, $4  }
0x445: {  	[tilespmem:s10+$0x26D0] =	vst v0  }
0x446: {  	[tilespmem:s10+$0x26E0] =	vst v0  }
0x447: {  	s6 =	sadd.s32 $0x1, s6;
	[tilespmem:s10+$0x26F0] =	vst v0  }
0x448: {  	s9 =	sadd.s32 $0x200, s9;
	v0 =	vld.msk [tilespmem:s6+$0x0 ss:$0x0], $0xffff  }
.Ltmp7:
0x449: {  	_ = 	snop;
	(pc) =	sbr.rel .LBB2_6-.Ltmp7, $1  }
0x44a: {  	_ =	sdelay $0x3  }
.LBB2_11:
0x44b: {  	_ =	sfence.sel $0x180000  }
0x44c: {  	[bflag:$0x0] =	sbarrier.arrive $0xFFFF  }
0x44d: {  	_ =	strace $0x90000047  }
0x44e: {  	s0 =	stileid.u32;
	[bflag:$0x2] =	sbarrier.arrive $0xFFFF  }
0x44f: {  	p0 =	sne.s32 s0, $0x0;
	s0 =	rddreg [dreg:$0x2]  }
0x450: {  	s0 =	sadd.s32 @!p0 $0x100000, s0  }
0x451: {  	[sflag:s0] =	ssyncadd.tile.s32 @!p0 $0x1;
	_ =	shalt  }
.Lfunc_end2:
_tile_overlayer_lowered:
.L_overlay_start_2:
0x452: {  	(tag) =	ssettag $0x2  }
0x453: {  	s0 =	rddreg [dreg:$0x0];
	s2 =	stileid.u32  }
0x454: {  	s1 =	rddreg [dreg:$0x1];
	p0 =	sne.s32 s2, $0x0  }
0x455: {  	s3 =	rddreg [dreg:$0x2];
	[bflag:$0x3] =	sbarrier.arrive $0xFFFF;
	s2 =	simm.s32 @!p0 $0x1C03  }
0x456: {  	[timem:s3], [sflag:s2] =	dma.local @!p0 [hbm:s0], s1  }
0x457: {  	s0 =	simm.s32 @!p0 $0x3  }
0x458: {  	_ =	swait.ge @!p0 [sflag:s0], s1  }
0x459: {  	s1 =	ssub.s32 @!p0 $0x0, s1;
	[sflag:s0] =	ssyncset.done @!p0 $0x0  }
0x45a: {  	[sflag:s0] =	ssyncadd.s32 @!p0 s1  }
0x45b: {  	[bflag:$0x3] =	sbarrier.arrive $0xFFFF  }
0x45c: {  	_ =	shalt  }

</sc_bundles>
